<compile_context>
chip_gen: v7x
topology: tpu7x:2x2x1
jax: 0.10.2.dev20260603
libtpu: 0.0.44.dev20260713+nightly
codegen_flags: <defaults>
</compile_context>

<pallas_src>
import functools

import jax
import jax.numpy as jnp
from jax import lax
from jax.experimental import pallas as pl
from jax.experimental.pallas import tpu as pltpu
from jax.experimental.pallas import tpu_sc as plsc

_N, _E, _D, _G = 10000, 320000, 128, 256
_NC, _NS = 2, 16
_NW = _NC * _NS
_K = 128
_CH = 80
_EP = _NW * _CH * _K
_CH0 = 40
_CH1 = 120
_TOTCH = _NS * (_CH0 + _CH1)
_EPS2 = _TOTCH * _K
_C0TOT = _NS * _CH0
_NP = 10240
_RT = _NP // _NS
_RB = 2048
_RM = 1024
_EPS = 1e-5
_DW = 128

_f32 = jnp.float32
_HI = lax.Precision.HIGHEST



def _sc_mesh():
    return plsc.VectorSubcoreMesh(
        core_axis_name="c", subcore_axis_name="s",
        num_cores=_NC, num_subcores=_NS)


@functools.cache
def _build_sc_degree():
    return functools.partial(
        pl.kernel,
        out_type=jax.ShapeDtypeStruct((_NC, _NP, _DW), _f32),
        mesh=_sc_mesh(),
        scratch_types=[
            pltpu.VMEM((_CH, _K), jnp.int32),
            pltpu.VMEM((_K, _DW), _f32),
            pltpu.VMEM_SHARED((_NP, _DW), _f32),
        ],
    )(_sc_degree_body)


def _sc_degree_body(col_hbm, ones_hbm, zeros8_hbm, out_hbm, col_v, ones_v, acc):
    cid = lax.axis_index("c")
    sid = lax.axis_index("s")
    w = cid * _NS + sid
    pltpu.sync_copy(zeros8_hbm.at[pl.ds(sid * _RT, _RT)],
                    acc.at[pl.ds(sid * _RT, _RT)])
    pltpu.sync_copy(col_hbm.at[w], col_v)
    pltpu.sync_copy(ones_hbm, ones_v)
    plsc.subcore_barrier()

    def chunk(j, carry):
        pltpu.sync_copy(ones_v, acc.at[col_v.at[j]], add=True)
        return carry

    lax.fori_loop(0, _CH, chunk, 0)
    plsc.subcore_barrier()
    pltpu.sync_copy(acc.at[pl.ds(sid * _RT, _RT)],
                    out_hbm.at[cid, pl.ds(sid * _RT, _RT)])


def _sc_degree(colp, ones8, zeros8):
    return _build_sc_degree()(colp, ones8, zeros8)


@functools.cache
def _build_sc_scatter():
    return functools.partial(
        pl.kernel,
        out_type=jax.ShapeDtypeStruct((_NC, _NP, _D), _f32),
        mesh=_sc_mesh(),
        scratch_types=[
            pltpu.VMEM((2, _K), jnp.int32),
            pltpu.VMEM((_CH1, _K), jnp.int32),
            pltpu.VMEM((_K, _D), _f32),
            pltpu.VMEM((_K, _D), _f32),
            pltpu.VMEM_SHARED((_NP, _D), _f32),
            pltpu.SemaphoreType.DMA,
            pltpu.SemaphoreType.DMA,
            pltpu.SemaphoreType.DMA,
            pltpu.SemaphoreType.DMA,
        ],
    )(_sc_scatter_body)


_NSUB = 4
_KS = _K // _NSUB


def _sc_scatter_body(u_hbm, row_hbm, col_hbm, zeros_hbm, out_hbm,
                     rv, col_v, buf0, buf1, acc, sg0, sg1, sr0, sr1):
    cid = lax.axis_index("c")
    sid = lax.axis_index("s")
    base = jnp.where(cid == 0, sid * _CH0, _C0TOT + sid * _CH1)
    nch = jnp.where(cid == 0, _CH0, _CH1)
    pltpu.sync_copy(zeros_hbm.at[pl.ds(sid * _RT, _RT)],
                    acc.at[pl.ds(sid * _RT, _RT)])
    pltpu.sync_copy(col_hbm.at[pl.ds(base, _CH1)], col_v)
    bufs = (buf0, buf1)
    sgs = (sg0, sg1)
    srs = (sr0, sr1)

    def gathers(slot, buf, sg):
        for q in range(_NSUB):
            pltpu.async_copy(u_hbm.at[rv.at[slot, pl.ds(q * _KS, _KS)]],
                             buf.at[pl.ds(q * _KS, _KS)], sg)

    def drain(slot, buf, sg):
        for q in range(_NSUB):
            pltpu.make_async_copy(
                u_hbm.at[rv.at[slot, pl.ds(q * _KS, _KS)]],
                buf.at[pl.ds(q * _KS, _KS)], sg).wait()

    pltpu.sync_copy(row_hbm.at[base], rv.at[0])
    plsc.subcore_barrier()
    gathers(0, buf0, sg0)
    pltpu.async_copy(row_hbm.at[base + 1], rv.at[1], sr1)

    def step(j2, carry):
        for b in range(2):
            j = j2 * 2 + b
            drain(b, bufs[b], sgs[b])

            @pl.when(j + 1 < nch)
            def _():
                pltpu.make_async_copy(row_hbm.at[base + j + 1], rv.at[1 - b],
                                      srs[1 - b]).wait()
                gathers(1 - b, bufs[1 - b], sgs[1 - b])

            @pl.when(j + 2 < nch)
            def _():
                pltpu.async_copy(row_hbm.at[base + j + 2], rv.at[b], srs[b])

            pltpu.sync_copy(bufs[b], acc.at[col_v.at[j]], add=True)
        return carry

    lax.fori_loop(0, lax.div(nch, 2), step, 0)
    plsc.subcore_barrier()
    pltpu.sync_copy(acc.at[pl.ds(sid * _RT, _RT)],
                    out_hbm.at[cid, pl.ds(sid * _RT, _RT)])


def _sc_scatter(u, rowp, colp, zerosnd):
    return _build_sc_scatter()(u, rowp, colp, zerosnd)



def _tc_prep(deg8, x, w1):
    def body(deg8_ref, x_ref, w_ref, dis_ref, u_ref):
        d8 = deg8_ref[0] + deg8_ref[1]
        deg = d8[:, 0:1] + 1.0
        dis = 1.0 / jnp.sqrt(deg)
        dis_ref[...] = dis
        lin = jnp.dot(x_ref[...], w_ref[...],
                      preferred_element_type=_f32)
        u_ref[pl.ds(0, _N), :] = dis[:_N] * lin
        u_ref[pl.ds(_N, _NP - _N), :] = jnp.zeros((_NP - _N, _D), _f32)

    return pl.pallas_call(
        body,
        out_shape=[jax.ShapeDtypeStruct((_NP, 1), _f32),
                   jax.ShapeDtypeStruct((_NP, _D), _f32)],
    )(deg8, x, w1)


def _bn_relu(acc_ref, u_ref, dis_ref, b_ref, g_ref, be_ref):
    a = acc_ref[...]
    s = a[0, :_N] + a[1, :_N] + u_ref[pl.ds(0, _N), :]
    dis = dis_ref[...][:_N]
    pre = dis * s + b_ref[...]
    mean = jnp.mean(pre, axis=0, keepdims=True)
    xc = pre - mean
    var = jnp.mean(xc * xc, axis=0, keepdims=True)
    return jnp.maximum(xc / jnp.sqrt(var + _EPS) * g_ref[...] + be_ref[...],
                       0.0)


def _tc_post(acc, u, dis, b, g, be, wn):
    def body(acc_ref, u_ref, dis_ref, b_ref, g_ref, be_ref, w_ref, out_ref):
        h = _bn_relu(acc_ref, u_ref, dis_ref, b_ref, g_ref, be_ref)
        nxt = jnp.dot(h, w_ref[...], preferred_element_type=_f32)
        out_ref[pl.ds(0, _N), :] = dis_ref[...][:_N] * nxt
        out_ref[pl.ds(_N, _NP - _N), :] = jnp.zeros((_NP - _N, _D), _f32)

    return pl.pallas_call(
        body, out_shape=jax.ShapeDtypeStruct((_NP, _D), _f32),
    )(acc, u, dis, b, g, be, wn)


def _tc_post_last(acc, u, dis, b, g, be):
    def body(acc_ref, u_ref, dis_ref, b_ref, g_ref, be_ref, out_ref):
        h = _bn_relu(acc_ref, u_ref, dis_ref, b_ref, g_ref, be_ref)
        out_ref[pl.ds(0, _N), :] = h
        out_ref[pl.ds(_N, _NP - _N), :] = jnp.zeros((_NP - _N, _D), _f32)

    return pl.pallas_call(
        body, out_shape=jax.ShapeDtypeStruct((_NP, _D), _f32),
    )(acc, u, dis, b, g, be)


def _tc_pool_sums(h3p, batchp):
    nb = _NP // _RB

    def body(h_ref, b_ref, sums_ref, cnt_ref):
        i = pl.program_id(0)
        seg = lax.broadcasted_iota(jnp.int32, (_G, _RB), 0)
        oh = (b_ref[...] == seg).astype(_f32)
        ps = jnp.dot(oh, h_ref[...], preferred_element_type=_f32,
                     precision=_HI)
        pc = jnp.broadcast_to(jnp.sum(oh, axis=1, keepdims=True), (_G, _D))

        @pl.when(i == 0)
        def _():
            sums_ref[...] = ps
            cnt_ref[...] = pc

        @pl.when(i > 0)
        def _():
            sums_ref[...] = sums_ref[...] + ps
            cnt_ref[...] = cnt_ref[...] + pc

    return pl.pallas_call(
        body,
        grid=(nb,),
        in_specs=[pl.BlockSpec((_RB, _D), lambda i: (i, 0)),
                  pl.BlockSpec((1, _RB), lambda i: (0, i))],
        out_specs=[pl.BlockSpec((_G, _D), lambda i: (0, 0)),
                   pl.BlockSpec((_G, _D), lambda i: (0, 0))],
        out_shape=[jax.ShapeDtypeStruct((_G, _D), _f32),
                   jax.ShapeDtypeStruct((_G, _D), _f32)],
    )(h3p, batchp)


def _tc_pool_max(start, end, h3p):
    def body(start_ref, end_ref, h_ref, out_ref):
        g = pl.program_id(0)
        s = start_ref[g]
        e = end_ref[g]
        b0 = lax.div(s, _RM)
        b1 = lax.div(e + (_RM - 1), _RM)

        def blk(b, acc):
            rows = lax.broadcasted_iota(jnp.int32, (_RM, 1), 0) + b * _RM
            m = jnp.logical_and(rows >= s, rows < e)
            vals = jnp.where(m, h_ref[pl.ds(b * _RM, _RM), :], 0.0)
            return jnp.maximum(acc, jnp.max(vals, axis=0, keepdims=True))

        acc = lax.fori_loop(b0, b1, blk, jnp.zeros((1, _D), _f32))
        out_ref[...] = acc.reshape(1, 1, _D)

    return pl.pallas_call(
        body,
        grid=(_G,),
        in_specs=[pl.BlockSpec(memory_space=pltpu.SMEM),
                  pl.BlockSpec(memory_space=pltpu.SMEM),
                  pl.BlockSpec(memory_space=pltpu.VMEM)],
        out_specs=pl.BlockSpec((1, 1, _D), lambda g: (g, 0, 0)),
        out_shape=jax.ShapeDtypeStruct((_G, 1, _D), _f32),
    )(start, end, h3p)


def _tc_mlp(sums, cnt, xmax, wf1, bf1, wf2, bf2, wf3, bf3):
    def body(sums_ref, cnt_ref, xmax_ref, w1_ref, b1_ref, w2_ref, b2_ref,
             w3_ref, b3_ref, out_ref):
        counts = cnt_ref[...][:, 0:1]
        mean = sums_ref[...] / jnp.maximum(counts, 1.0)
        z = jnp.concatenate([mean, xmax_ref[...].reshape(_G, _D)], axis=1)
        z = jnp.maximum(jnp.dot(z, w1_ref[...], preferred_element_type=_f32)
                        + b1_ref[...], 0.0)
        z = jnp.maximum(jnp.dot(z, w2_ref[...], preferred_element_type=_f32)
                        + b2_ref[...], 0.0)
        out_ref[...] = jnp.dot(z, w3_ref[...], preferred_element_type=_f32) \
                       + b3_ref[...]

    return pl.pallas_call(
        body, out_shape=jax.ShapeDtypeStruct((_G, 2), _f32),
    )(sums, cnt, xmax, wf1, bf1, wf2, bf2, wf3, bf3)



def kernel(x, edge_index, batch, Wc1, bc1, g1, be1, Wc2, bc2, g2, be2,
           Wc3, bc3, g3, be3, Wf1, bf1, Wf2, bf2, Wf3, bf3):
    ei = edge_index.astype(jnp.int32)
    padi = jnp.full((_EP - _E,), _NP - 1, jnp.int32)
    colp = jnp.concatenate([ei[1], padi]).reshape(_NW, _CH, _K)
    padi2 = jnp.full((_EPS2 - _E,), _NP - 1, jnp.int32)
    rowp2 = jnp.concatenate([ei[0], padi2]).reshape(_TOTCH, _K)
    colp2 = jnp.concatenate([ei[1], padi2]).reshape(_TOTCH, _K)

    zeros8 = jnp.zeros((_NP, _DW), _f32)
    ones8 = jnp.ones((_K, _DW), _f32)
    zerosnd = jnp.zeros((_NP, _D), _f32)

    deg8 = _sc_degree(colp, ones8, zeros8)
    dis, u1 = _tc_prep(deg8, x, Wc1)

    acc1 = _sc_scatter(u1, rowp2, colp2, zerosnd)
    u2 = _tc_post(acc1, u1, dis, bc1.reshape(1, _D), g1.reshape(1, _D),
                  be1.reshape(1, _D), Wc2)
    acc2 = _sc_scatter(u2, rowp2, colp2, zerosnd)
    u3 = _tc_post(acc2, u2, dis, bc2.reshape(1, _D), g2.reshape(1, _D),
                  be2.reshape(1, _D), Wc3)
    acc3 = _sc_scatter(u3, rowp2, colp2, zerosnd)
    h3 = _tc_post_last(acc3, u3, dis, bc3.reshape(1, _D), g3.reshape(1, _D),
                       be3.reshape(1, _D))

    batchp = jnp.concatenate(
        [batch.astype(jnp.int32), jnp.full((_NP - _N,), _G, jnp.int32)]
    ).reshape(1, _NP)
    sums, cnt = _tc_pool_sums(h3, batchp)
    c = cnt[:, 0]
    end = jnp.cumsum(c).astype(jnp.int32)
    start = end - c.astype(jnp.int32)
    xmax = _tc_pool_max(start, end, h3)

    return _tc_mlp(sums, cnt, xmax, Wf1, bf1.reshape(1, _D), Wf2,
                   bf2.reshape(1, _D // 2), Wf3, bf3.reshape(1, 2))

# --- scband reference (transcript-rebuilt; emitter-appended) ---
"""Pipeline reference for scband-molecular-gnn-82016695484626 (READ-ONLY COPY).

The authoritative reference and input builder live on the scoring server;
editing this copy changes nothing except your own understanding.
"""

import jax, jax.numpy as jnp
import numpy as np

N = 10000
E = 320000
D = 128
G = 256
C = 2


def gcn_conv(x, ei, W, b):
    n = x.shape[0]
    lin = x @ W
    loops = jnp.arange(n, dtype=ei.dtype)
    row = jnp.concatenate([ei[0], loops])
    col = jnp.concatenate([ei[1], loops])
    deg = jnp.zeros((n,), x.dtype).at[col].add(1.0)
    dis = jnp.where(deg > 0, 1.0 / jnp.sqrt(deg), 0.0)
    norm = dis[row] * dis[col]
    out = jnp.zeros_like(lin).at[col].add(norm[:, None] * lin[row])
    return out + b


def batch_norm(x, gamma, beta, eps=1e-5):
    mean = x.mean(axis=0)
    var = x.var(axis=0)
    return (x - mean) / jnp.sqrt(var + eps) * gamma + beta


def setup_inputs(seed: int = 0):
    key = jax.random.key(seed)
    ks = jax.random.split(key, 16)
    inp = {}
    inp['x'] = jax.random.normal(ks[0], (N, D), dtype=jnp.float32)
    inp['edge_index'] = jax.random.randint(ks[1], (2, E), 0, N, dtype=jnp.int64 if jax.config.jax_enable_x64 else jnp.int32)
    inp['batch'] = jnp.sort(jax.random.randint(ks[2], (N,), 0, G, dtype=jnp.int64 if jax.config.jax_enable_x64 else jnp.int32))
    s = 1.0 / np.sqrt(D)
    inp['Wc1'] = jax.random.uniform(ks[3], (D, D), jnp.float32, -s, s)
    inp['bc1'] = jnp.zeros((D,), jnp.float32)
    inp['g1'] = jnp.ones((D,), jnp.float32)
    inp['be1'] = jnp.zeros((D,), jnp.float32)
    inp['Wc2'] = jax.random.uniform(ks[4], (D, D), jnp.float32, -s, s)
    inp['bc2'] = jnp.zeros((D,), jnp.float32)
    inp['g2'] = jnp.ones((D,), jnp.float32)
    inp['be2'] = jnp.zeros((D,), jnp.float32)
    inp['Wc3'] = jax.random.uniform(ks[5], (D, D), jnp.float32, -s, s)
    inp['bc3'] = jnp.zeros((D,), jnp.float32)
    inp['g3'] = jnp.ones((D,), jnp.float32)
    inp['be3'] = jnp.zeros((D,), jnp.float32)
    s1 = 1.0 / np.sqrt(2 * D)
    inp['Wf1'] = jax.random.uniform(ks[6], (2 * D, D), jnp.float32, -s1, s1)
    inp['bf1'] = jnp.zeros((D,), jnp.float32)
    s2 = 1.0 / np.sqrt(D)
    inp['Wf2'] = jax.random.uniform(ks[7], (D, D // 2), jnp.float32, -s2, s2)
    inp['bf2'] = jnp.zeros((D // 2,), jnp.float32)
    s3 = 1.0 / np.sqrt(D // 2)
    inp['Wf3'] = jax.random.uniform(ks[8], (D // 2, C), jnp.float32, -s3, s3)
    inp['bf3'] = jnp.zeros((C,), jnp.float32)
    return inp


def reference(x, edge_index, batch, Wc1, bc1, g1, be1, Wc2, bc2, g2, be2, Wc3, bc3, g3, be3, Wf1, bf1, Wf2, bf2, Wf3, bf3):
    h = jax.nn.relu(batch_norm(gcn_conv(x, edge_index, Wc1, bc1), g1, be1))
    h = jax.nn.relu(batch_norm(gcn_conv(h, edge_index, Wc2, bc2), g2, be2))
    h = jax.nn.relu(batch_norm(gcn_conv(h, edge_index, Wc3, bc3), g3, be3))
    counts = jnp.zeros((G,), h.dtype).at[batch].add(1.0)
    sums = jax.ops.segment_sum(h, batch, num_segments=G)
    x_mean = sums / jnp.maximum(counts, 1.0)[:, None]
    x_max = jax.ops.segment_max(h, batch, num_segments=G)
    x_max = jnp.where(counts[:, None] > 0, x_max, 0.0)
    z = jnp.concatenate([x_mean, x_max], axis=1)
    z = jax.nn.relu(z @ Wf1 + bf1)
    z = jax.nn.relu(z @ Wf2 + bf2)
    return z @ Wf3 + bf3

if __name__ == "__main__":
    import jax
    _d = setup_inputs()
    print(jax.jit(kernel)(*tuple(_d.values())))

</pallas_src>

<mosaic_0001>
#map = affine_map<(d0, d1) -> (0, 0, 0)>
#map1 = affine_map<(d0, d1) -> (0, 0)>
module attributes {stable_mosaic.version = 14 : i64} {
  func.func @_sc_degree_body(%arg0: i32, %arg1: i32, %arg2: memref<32x80x128xi32, #tpu.memory_space<hbm>>, %arg3: memref<128x128xf32, #tpu.memory_space<hbm>>, %arg4: memref<10240x128xf32, #tpu.memory_space<hbm>>, %arg5: memref<2x10240x128xf32, #tpu.memory_space<hbm>>, %arg6: memref<80x128xi32, #tpu.memory_space<vmem>>, %arg7: memref<128x128xf32, #tpu.memory_space<vmem>>, %arg8: memref<10240x128xf32, #tpu.memory_space<vmem_shared>>) attributes {dimension_semantics = [#tpu.dimension_semantics<core_parallel>, #tpu.dimension_semantics<subcore_parallel>], iteration_bounds = array<i64: 2, 16>, scalar_prefetch = 0 : i64, scratch_operands = 3 : i64, tpu.core_type = #tpu.core_type<sc_vector_subcore>, window_params = [{transform_indices = #map}, {transform_indices = #map1}, {transform_indices = #map1}, {transform_indices = #map}]} {
    %mul3A = arith.constant 16 : i32
    %mul3A_0 = arith.muli %arg0, %mul3A : i32
    %add3A = arith.addi %mul3A_0, %arg1 : i32
    %mul3A_1 = arith.constant 640 : i32
    %mul3A_2 = arith.muli %arg1, %mul3A_1 : i32
    %mul3A_3 = arith.constant 640 : i32
    %mul3A_4 = arith.muli %arg1, %mul3A_3 : i32
    "tpu.region"() ({
      %run_scoped3A = tpu.sem_alloc : memref<!tpu.dma_semaphore, #tpu.memory_space<semaphore_mem>>
      %dma_start3A = arith.constant 0 : i32
      %dma_start3A_15 = tpu.memref_slice %arg8[%mul3A_4, %dma_start3A] : memref<10240x128xf32, #tpu.memory_space<vmem_shared>> -> memref<640x128xf32, #tpu.memory_space<vmem_shared>>
      %dma_start3A_16 = arith.constant 0 : i32
      %dma_start3A_17 = tpu.memref_slice %arg4[%mul3A_2, %dma_start3A_16] : memref<10240x128xf32, #tpu.memory_space<hbm>> -> memref<640x128xf32, #tpu.memory_space<hbm>>
      tpu.enqueue_dma source(%dma_start3A_17 : memref<640x128xf32, #tpu.memory_space<hbm>>) target(%dma_start3A_15 : memref<640x128xf32, #tpu.memory_space<vmem_shared>>) target_semaphore(%run_scoped3A : memref<!tpu.dma_semaphore, #tpu.memory_space<semaphore_mem>>)
      %dma_wait3A = arith.constant 0 : i32
      %dma_wait3A_18 = tpu.memref_slice %arg8[%mul3A_4, %dma_wait3A] : memref<10240x128xf32, #tpu.memory_space<vmem_shared>> -> memref<640x128xf32, #tpu.memory_space<vmem_shared>>
      %dma_wait3A_19 = arith.constant 0 : i32
      %dma_wait3A_20 = tpu.memref_slice %arg4[%mul3A_2, %dma_wait3A_19] : memref<10240x128xf32, #tpu.memory_space<hbm>> -> memref<640x128xf32, #tpu.memory_space<hbm>>
      tpu.wait_dma2 semaphore(%run_scoped3A : memref<!tpu.dma_semaphore, #tpu.memory_space<semaphore_mem>>) src(%dma_wait3A_20 : memref<640x128xf32, #tpu.memory_space<hbm>>) dst(%dma_wait3A_18 : memref<640x128xf32, #tpu.memory_space<vmem_shared>>)
      tpu.yield
    }) : () -> ()
    "tpu.region"() ({
      %run_scoped3A = tpu.sem_alloc : memref<!tpu.dma_semaphore, #tpu.memory_space<semaphore_mem>>
      %dma_start3A = arith.constant 0 : i32
      %dma_start3A_15 = arith.constant 0 : i32
      %dma_start3A_16 = tpu.memref_slice %arg2[%add3A, %dma_start3A, %dma_start3A_15] : memref<32x80x128xi32, #tpu.memory_space<hbm>> -> memref<1x80x128xi32, #tpu.memory_space<hbm>>
      %dma_start3A_17 = tpu.memref_squeeze %dma_start3A_16 : memref<1x80x128xi32, #tpu.memory_space<hbm>> -> memref<80x128xi32, #tpu.memory_space<hbm>>
      %dma_start3A_18 = arith.constant 0 : i32
      %dma_start3A_19 = arith.constant 0 : i32
      %dma_start3A_20 = tpu.memref_slice %arg2[%add3A, %dma_start3A_18, %dma_start3A_19] : memref<32x80x128xi32, #tpu.memory_space<hbm>> -> memref<1x80x128xi32, #tpu.memory_space<hbm>>
      %dma_start3A_21 = tpu.memref_squeeze %dma_start3A_20 : memref<1x80x128xi32, #tpu.memory_space<hbm>> -> memref<80x128xi32, #tpu.memory_space<hbm>>
      tpu.enqueue_dma source(%dma_start3A_21 : memref<80x128xi32, #tpu.memory_space<hbm>>) target(%arg6 : memref<80x128xi32, #tpu.memory_space<vmem>>) target_semaphore(%run_scoped3A : memref<!tpu.dma_semaphore, #tpu.memory_space<semaphore_mem>>)
      %dma_wait3A = arith.constant 0 : i32
      %dma_wait3A_22 = arith.constant 0 : i32
      %dma_wait3A_23 = tpu.memref_slice %arg2[%add3A, %dma_wait3A, %dma_wait3A_22] : memref<32x80x128xi32, #tpu.memory_space<hbm>> -> memref<1x80x128xi32, #tpu.memory_space<hbm>>
      %dma_wait3A_24 = tpu.memref_squeeze %dma_wait3A_23 : memref<1x80x128xi32, #tpu.memory_space<hbm>> -> memref<80x128xi32, #tpu.memory_space<hbm>>
      %dma_wait3A_25 = arith.constant 0 : i32
      %dma_wait3A_26 = arith.constant 0 : i32
      %dma_wait3A_27 = tpu.memref_slice %arg2[%add3A, %dma_wait3A_25, %dma_wait3A_26] : memref<32x80x128xi32, #tpu.memory_space<hbm>> -> memref<1x80x128xi32, #tpu.memory_space<hbm>>
      %dma_wait3A_28 = tpu.memref_squeeze %dma_wait3A_27 : memref<1x80x128xi32, #tpu.memory_space<hbm>> -> memref<80x128xi32, #tpu.memory_space<hbm>>
      tpu.wait_dma2 semaphore(%run_scoped3A : memref<!tpu.dma_semaphore, #tpu.memory_space<semaphore_mem>>) src(%dma_wait3A_28 : memref<80x128xi32, #tpu.memory_space<hbm>>) dst(%arg6 : memref<80x128xi32, #tpu.memory_space<vmem>>)
      tpu.yield
    }) : () -> ()
    "tpu.region"() ({
      %run_scoped3A = tpu.sem_alloc : memref<!tpu.dma_semaphore, #tpu.memory_space<semaphore_mem>>
      tpu.enqueue_dma source(%arg3 : memref<128x128xf32, #tpu.memory_space<hbm>>) target(%arg7 : memref<128x128xf32, #tpu.memory_space<vmem>>) target_semaphore(%run_scoped3A : memref<!tpu.dma_semaphore, #tpu.memory_space<semaphore_mem>>)
      tpu.wait_dma2 semaphore(%run_scoped3A : memref<!tpu.dma_semaphore, #tpu.memory_space<semaphore_mem>>) src(%arg3 : memref<128x128xf32, #tpu.memory_space<hbm>>) dst(%arg7 : memref<128x128xf32, #tpu.memory_space<vmem>>)
      tpu.yield
    }) : () -> ()
    %barrier3A = arith.constant 0 : index
    tpu.barrier barrier_id(%barrier3A)
    %scan3A = arith.constant 0 : i32
    %scan3A_5 = arith.constant 0 : i32
    %scan3A_6 = arith.constant 80 : i32
    %scan3A_7 = arith.addi %scan3A_5, %scan3A_6 : i32
    %scan3A_8 = arith.constant 1 : i32
    scf.for %scan3A_15 = %scan3A_5 to %scan3A_7 step %scan3A_8  : i32 {
      "tpu.region"() ({
        %run_scoped3A = tpu.sem_alloc : memref<!tpu.dma_semaphore, #tpu.memory_space<semaphore_mem>>
        %dma_start3A = arith.constant 0 : i32
        %dma_start3A_16 = tpu.memref_slice %arg6[%scan3A_15, %dma_start3A] : memref<80x128xi32, #tpu.memory_space<vmem>> -> memref<1x128xi32, #tpu.memory_space<vmem>>
        %dma_start3A_17 = tpu.memref_squeeze %dma_start3A_16 : memref<1x128xi32, #tpu.memory_space<vmem>> -> memref<128xi32, #tpu.memory_space<vmem>>
        %dma_start3A_18 = arith.constant 0 : i32
        %dma_start3A_19 = arith.constant 0 : i32
        %dma_start3A_20 = tpu.memref_slice %arg8[%dma_start3A_18, %dma_start3A_19] : memref<10240x128xf32, #tpu.memory_space<vmem_shared>> -> memref<10240x128xf32, #tpu.memory_space<vmem_shared>>
        tpu.enqueue_indirect_dma source(%arg7 : memref<128x128xf32, #tpu.memory_space<vmem>>) target(%dma_start3A_20 : memref<10240x128xf32, #tpu.memory_space<vmem_shared>>) offsets(%dma_start3A_17 : memref<128xi32, #tpu.memory_space<vmem>>) semaphore(%run_scoped3A : memref<!tpu.dma_semaphore, #tpu.memory_space<semaphore_mem>>) {add = true}
        %dma_wait3A = arith.constant 0 : i32
        %dma_wait3A_21 = tpu.memref_slice %arg6[%scan3A_15, %dma_wait3A] : memref<80x128xi32, #tpu.memory_space<vmem>> -> memref<1x128xi32, #tpu.memory_space<vmem>>
        %dma_wait3A_22 = tpu.memref_squeeze %dma_wait3A_21 : memref<1x128xi32, #tpu.memory_space<vmem>> -> memref<128xi32, #tpu.memory_space<vmem>>
        %dma_wait3A_23 = arith.constant 0 : i32
        %dma_wait3A_24 = arith.constant 0 : i32
        %dma_wait3A_25 = tpu.memref_slice %arg8[%dma_wait3A_23, %dma_wait3A_24] : memref<10240x128xf32, #tpu.memory_space<vmem_shared>> -> memref<10240x128xf32, #tpu.memory_space<vmem_shared>>
        tpu.wait_indirect_dma semaphore(%run_scoped3A : memref<!tpu.dma_semaphore, #tpu.memory_space<semaphore_mem>>) src(%arg7 : memref<128x128xf32, #tpu.memory_space<vmem>>) dst(%dma_wait3A_25 : memref<10240x128xf32, #tpu.memory_space<vmem_shared>>)
        tpu.yield
      }) : () -> ()
    }
    %scan3A_9 = arith.constant 80 : i32
    %barrier3A_10 = arith.constant 0 : index
    tpu.barrier barrier_id(%barrier3A_10)
    %mul3A_11 = arith.constant 640 : i32
    %mul3A_12 = arith.muli %arg1, %mul3A_11 : i32
    %mul3A_13 = arith.constant 640 : i32
    %mul3A_14 = arith.muli %arg1, %mul3A_13 : i32
    "tpu.region"() ({
      %run_scoped3A = tpu.sem_alloc : memref<!tpu.dma_semaphore, #tpu.memory_space<semaphore_mem>>
      %dma_start3A = arith.constant 0 : i32
      %dma_start3A_15 = tpu.memref_slice %arg5[%arg0, %mul3A_14, %dma_start3A] : memref<2x10240x128xf32, #tpu.memory_space<hbm>> -> memref<1x640x128xf32, #tpu.memory_space<hbm>>
      %dma_start3A_16 = tpu.memref_squeeze %dma_start3A_15 : memref<1x640x128xf32, #tpu.memory_space<hbm>> -> memref<640x128xf32, #tpu.memory_space<hbm>>
      %dma_start3A_17 = arith.constant 0 : i32
      %dma_start3A_18 = tpu.memref_slice %arg8[%mul3A_12, %dma_start3A_17] : memref<10240x128xf32, #tpu.memory_space<vmem_shared>> -> memref<640x128xf32, #tpu.memory_space<vmem_shared>>
      tpu.enqueue_dma source(%dma_start3A_18 : memref<640x128xf32, #tpu.memory_space<vmem_shared>>) target(%dma_start3A_16 : memref<640x128xf32, #tpu.memory_space<hbm>>) target_semaphore(%run_scoped3A : memref<!tpu.dma_semaphore, #tpu.memory_space<semaphore_mem>>)
      %dma_wait3A = arith.constant 0 : i32
      %dma_wait3A_19 = tpu.memref_slice %arg5[%arg0, %mul3A_14, %dma_wait3A] : memref<2x10240x128xf32, #tpu.memory_space<hbm>> -> memref<1x640x128xf32, #tpu.memory_space<hbm>>
      %dma_wait3A_20 = tpu.memref_squeeze %dma_wait3A_19 : memref<1x640x128xf32, #tpu.memory_space<hbm>> -> memref<640x128xf32, #tpu.memory_space<hbm>>
      %dma_wait3A_21 = arith.constant 0 : i32
      %dma_wait3A_22 = tpu.memref_slice %arg8[%mul3A_12, %dma_wait3A_21] : memref<10240x128xf32, #tpu.memory_space<vmem_shared>> -> memref<640x128xf32, #tpu.memory_space<vmem_shared>>
      tpu.wait_dma2 semaphore(%run_scoped3A : memref<!tpu.dma_semaphore, #tpu.memory_space<semaphore_mem>>) src(%dma_wait3A_22 : memref<640x128xf32, #tpu.memory_space<vmem_shared>>) dst(%dma_wait3A_20 : memref<640x128xf32, #tpu.memory_space<hbm>>)
      tpu.yield
    }) : () -> ()
    return
  }
}

#map = affine_map<(d0, d1) -> (0, 0)>
#map1 = affine_map<(d0, d1) -> (0, 0, 0)>
module attributes {stable_mosaic.version = 14 : i64} {
  func.func @_sc_scatter_body(%arg0: i32, %arg1: i32, %arg2: memref<10240x128xf32, #tpu.memory_space<hbm>>, %arg3: memref<2560x128xi32, #tpu.memory_space<hbm>>, %arg4: memref<2560x128xi32, #tpu.memory_space<hbm>>, %arg5: memref<10240x128xf32, #tpu.memory_space<hbm>>, %arg6: memref<2x10240x128xf32, #tpu.memory_space<hbm>>, %arg7: memref<2x128xi32, #tpu.memory_space<vmem>>, %arg8: memref<120x128xi32, #tpu.memory_space<vmem>>, %arg9: memref<128x128xf32, #tpu.memory_space<vmem>>, %arg10: memref<128x128xf32, #tpu.memory_space<vmem>>, %arg11: memref<10240x128xf32, #tpu.memory_space<vmem_shared>>, %arg12: memref<!tpu.dma_semaphore, #tpu.memory_space<semaphore_mem>>, %arg13: memref<!tpu.dma_semaphore, #tpu.memory_space<semaphore_mem>>, %arg14: memref<!tpu.dma_semaphore, #tpu.memory_space<semaphore_mem>>, %arg15: memref<!tpu.dma_semaphore, #tpu.memory_space<semaphore_mem>>) attributes {dimension_semantics = [#tpu.dimension_semantics<core_parallel>, #tpu.dimension_semantics<subcore_parallel>], iteration_bounds = array<i64: 2, 16>, scalar_prefetch = 0 : i64, scratch_operands = 9 : i64, tpu.core_type = #tpu.core_type<sc_vector_subcore>, window_params = [{transform_indices = #map}, {transform_indices = #map}, {transform_indices = #map}, {transform_indices = #map}, {transform_indices = #map1}]} {
    %eq3A = arith.constant 0 : i32
    %eq3A_0 = arith.cmpi eq, %arg0, %eq3A : i32
    %mul3A = arith.constant 40 : i32
    %mul3A_1 = arith.muli %arg1, %mul3A : i32
    %mul3A_2 = arith.constant 120 : i32
    %mul3A_3 = arith.muli %arg1, %mul3A_2 : i32
    %add3A = arith.constant 640 : i32
    %add3A_4 = arith.addi %add3A, %mul3A_3 : i32
    %select_n3A = arith.select %eq3A_0, %mul3A_1, %add3A_4 : i32
    %eq3A_5 = arith.constant 0 : i32
    %eq3A_6 = arith.cmpi eq, %arg0, %eq3A_5 : i32
    %jit3A = arith.constant 40 : i32
    %jit3A_7 = arith.constant 120 : i32
    %select_n3A_8 = arith.select %eq3A_6, %jit3A, %jit3A_7 : i32
    %mul3A_9 = arith.constant 640 : i32
    %mul3A_10 = arith.muli %arg1, %mul3A_9 : i32
    %mul3A_11 = arith.constant 640 : i32
    %mul3A_12 = arith.muli %arg1, %mul3A_11 : i32
    "tpu.region"() ({
      %run_scoped3A_82 = tpu.sem_alloc : memref<!tpu.dma_semaphore, #tpu.memory_space<semaphore_mem>>
      %dma_start3A_83 = arith.constant 0 : i32
      %dma_start3A_84 = tpu.memref_slice %arg11[%mul3A_12, %dma_start3A_83] : memref<10240x128xf32, #tpu.memory_space<vmem_shared>> -> memref<640x128xf32, #tpu.memory_space<vmem_shared>>
      %dma_start3A_85 = arith.constant 0 : i32
      %dma_start3A_86 = tpu.memref_slice %arg5[%mul3A_10, %dma_start3A_85] : memref<10240x128xf32, #tpu.memory_space<hbm>> -> memref<640x128xf32, #tpu.memory_space<hbm>>
      tpu.enqueue_dma source(%dma_start3A_86 : memref<640x128xf32, #tpu.memory_space<hbm>>) target(%dma_start3A_84 : memref<640x128xf32, #tpu.memory_space<vmem_shared>>) target_semaphore(%run_scoped3A_82 : memref<!tpu.dma_semaphore, #tpu.memory_space<semaphore_mem>>)
      %dma_wait3A = arith.constant 0 : i32
      %dma_wait3A_87 = tpu.memref_slice %arg11[%mul3A_12, %dma_wait3A] : memref<10240x128xf32, #tpu.memory_space<vmem_shared>> -> memref<640x128xf32, #tpu.memory_space<vmem_shared>>
      %dma_wait3A_88 = arith.constant 0 : i32
      %dma_wait3A_89 = tpu.memref_slice %arg5[%mul3A_10, %dma_wait3A_88] : memref<10240x128xf32, #tpu.memory_space<hbm>> -> memref<640x128xf32, #tpu.memory_space<hbm>>
      tpu.wait_dma2 semaphore(%run_scoped3A_82 : memref<!tpu.dma_semaphore, #tpu.memory_space<semaphore_mem>>) src(%dma_wait3A_89 : memref<640x128xf32, #tpu.memory_space<hbm>>) dst(%dma_wait3A_87 : memref<640x128xf32, #tpu.memory_space<vmem_shared>>)
      tpu.yield
    }) : () -> ()
    "tpu.region"() ({
      %run_scoped3A_82 = tpu.sem_alloc : memref<!tpu.dma_semaphore, #tpu.memory_space<semaphore_mem>>
      %dma_start3A_83 = arith.constant 0 : i32
      %dma_start3A_84 = tpu.memref_slice %arg4[%select_n3A, %dma_start3A_83] : memref<2560x128xi32, #tpu.memory_space<hbm>> -> memref<120x128xi32, #tpu.memory_space<hbm>>
      %dma_start3A_85 = arith.constant 0 : i32
      %dma_start3A_86 = tpu.memref_slice %arg4[%select_n3A, %dma_start3A_85] : memref<2560x128xi32, #tpu.memory_space<hbm>> -> memref<120x128xi32, #tpu.memory_space<hbm>>
      tpu.enqueue_dma source(%dma_start3A_86 : memref<120x128xi32, #tpu.memory_space<hbm>>) target(%arg8 : memref<120x128xi32, #tpu.memory_space<vmem>>) target_semaphore(%run_scoped3A_82 : memref<!tpu.dma_semaphore, #tpu.memory_space<semaphore_mem>>)
      %dma_wait3A = arith.constant 0 : i32
      %dma_wait3A_87 = tpu.memref_slice %arg4[%select_n3A, %dma_wait3A] : memref<2560x128xi32, #tpu.memory_space<hbm>> -> memref<120x128xi32, #tpu.memory_space<hbm>>
      %dma_wait3A_88 = arith.constant 0 : i32
      %dma_wait3A_89 = tpu.memref_slice %arg4[%select_n3A, %dma_wait3A_88] : memref<2560x128xi32, #tpu.memory_space<hbm>> -> memref<120x128xi32, #tpu.memory_space<hbm>>
      tpu.wait_dma2 semaphore(%run_scoped3A_82 : memref<!tpu.dma_semaphore, #tpu.memory_space<semaphore_mem>>) src(%dma_wait3A_89 : memref<120x128xi32, #tpu.memory_space<hbm>>) dst(%arg8 : memref<120x128xi32, #tpu.memory_space<vmem>>)
      tpu.yield
    }) : () -> ()
    %run_scoped3A = arith.constant 0 : i32
    "tpu.region"() ({
      %run_scoped3A_82 = tpu.sem_alloc : memref<!tpu.dma_semaphore, #tpu.memory_space<semaphore_mem>>
      %dma_start3A_83 = arith.constant 0 : i32
      %dma_start3A_84 = tpu.memref_slice %arg7[%run_scoped3A, %dma_start3A_83] : memref<2x128xi32, #tpu.memory_space<vmem>> -> memref<1x128xi32, #tpu.memory_space<vmem>>
      %dma_start3A_85 = tpu.memref_squeeze %dma_start3A_84 : memref<1x128xi32, #tpu.memory_space<vmem>> -> memref<128xi32, #tpu.memory_space<vmem>>
      %dma_start3A_86 = arith.constant 0 : i32
      %dma_start3A_87 = tpu.memref_slice %arg3[%select_n3A, %dma_start3A_86] : memref<2560x128xi32, #tpu.memory_space<hbm>> -> memref<1x128xi32, #tpu.memory_space<hbm>>
      %dma_start3A_88 = tpu.memref_squeeze %dma_start3A_87 : memref<1x128xi32, #tpu.memory_space<hbm>> -> memref<128xi32, #tpu.memory_space<hbm>>
      %dma_start3A_89 = arith.constant 0 : i32
      %dma_start3A_90 = tpu.memref_slice %arg7[%run_scoped3A, %dma_start3A_89] : memref<2x128xi32, #tpu.memory_space<vmem>> -> memref<1x128xi32, #tpu.memory_space<vmem>>
      %dma_start3A_91 = tpu.memref_squeeze %dma_start3A_90 : memref<1x128xi32, #tpu.memory_space<vmem>> -> memref<128xi32, #tpu.memory_space<vmem>>
      %dma_start3A_92 = arith.constant 0 : i32
      %dma_start3A_93 = tpu.memref_slice %arg3[%select_n3A, %dma_start3A_92] : memref<2560x128xi32, #tpu.memory_space<hbm>> -> memref<1x128xi32, #tpu.memory_space<hbm>>
      %dma_start3A_94 = tpu.memref_squeeze %dma_start3A_93 : memref<1x128xi32, #tpu.memory_space<hbm>> -> memref<128xi32, #tpu.memory_space<hbm>>
      tpu.enqueue_dma source(%dma_start3A_94 : memref<128xi32, #tpu.memory_space<hbm>>) target(%dma_start3A_91 : memref<128xi32, #tpu.memory_space<vmem>>) target_semaphore(%run_scoped3A_82 : memref<!tpu.dma_semaphore, #tpu.memory_space<semaphore_mem>>)
      %dma_wait3A = arith.constant 0 : i32
      %dma_wait3A_95 = tpu.memref_slice %arg7[%run_scoped3A, %dma_wait3A] : memref<2x128xi32, #tpu.memory_space<vmem>> -> memref<1x128xi32, #tpu.memory_space<vmem>>
      %dma_wait3A_96 = tpu.memref_squeeze %dma_wait3A_95 : memref<1x128xi32, #tpu.memory_space<vmem>> -> memref<128xi32, #tpu.memory_space<vmem>>
      %dma_wait3A_97 = arith.constant 0 : i32
      %dma_wait3A_98 = tpu.memref_slice %arg3[%select_n3A, %dma_wait3A_97] : memref<2560x128xi32, #tpu.memory_space<hbm>> -> memref<1x128xi32, #tpu.memory_space<hbm>>
      %dma_wait3A_99 = tpu.memref_squeeze %dma_wait3A_98 : memref<1x128xi32, #tpu.memory_space<hbm>> -> memref<128xi32, #tpu.memory_space<hbm>>
      %dma_wait3A_100 = arith.constant 0 : i32
      %dma_wait3A_101 = tpu.memref_slice %arg7[%run_scoped3A, %dma_wait3A_100] : memref<2x128xi32, #tpu.memory_space<vmem>> -> memref<1x128xi32, #tpu.memory_space<vmem>>
      %dma_wait3A_102 = tpu.memref_squeeze %dma_wait3A_101 : memref<1x128xi32, #tpu.memory_space<vmem>> -> memref<128xi32, #tpu.memory_space<vmem>>
      %dma_wait3A_103 = arith.constant 0 : i32
      %dma_wait3A_104 = tpu.memref_slice %arg3[%select_n3A, %dma_wait3A_103] : memref<2560x128xi32, #tpu.memory_space<hbm>> -> memref<1x128xi32, #tpu.memory_space<hbm>>
      %dma_wait3A_105 = tpu.memref_squeeze %dma_wait3A_104 : memref<1x128xi32, #tpu.memory_space<hbm>> -> memref<128xi32, #tpu.memory_space<hbm>>
      tpu.wait_dma2 semaphore(%run_scoped3A_82 : memref<!tpu.dma_semaphore, #tpu.memory_space<semaphore_mem>>) src(%dma_wait3A_105 : memref<128xi32, #tpu.memory_space<hbm>>) dst(%dma_wait3A_102 : memref<128xi32, #tpu.memory_space<vmem>>)
      tpu.yield
    }) : () -> ()
    %barrier3A = arith.constant 0 : index
    tpu.barrier barrier_id(%barrier3A)
    %dma_start3A = arith.constant 0 : i32
    %dma_start3A_13 = arith.constant 0 : i32
    %dma_start3A_14 = arith.constant 0 : i32
    %dma_start3A_15 = tpu.memref_slice %arg9[%dma_start3A_13, %dma_start3A_14] : memref<128x128xf32, #tpu.memory_space<vmem>> -> memref<32x128xf32, #tpu.memory_space<vmem>>
    %dma_start3A_16 = arith.constant 0 : i32
    %dma_start3A_17 = tpu.memref_slice %arg7[%dma_start3A, %dma_start3A_16] : memref<2x128xi32, #tpu.memory_space<vmem>> -> memref<1x32xi32, #tpu.memory_space<vmem>>
    %dma_start3A_18 = tpu.memref_squeeze %dma_start3A_17 : memref<1x32xi32, #tpu.memory_space<vmem>> -> memref<32xi32, #tpu.memory_space<vmem>>
    %dma_start3A_19 = arith.constant 0 : i32
    %dma_start3A_20 = arith.constant 0 : i32
    %dma_start3A_21 = tpu.memref_slice %arg2[%dma_start3A_19, %dma_start3A_20] : memref<10240x128xf32, #tpu.memory_space<hbm>> -> memref<10240x128xf32, #tpu.memory_space<hbm>>
    tpu.enqueue_indirect_dma source(%dma_start3A_21 : memref<10240x128xf32, #tpu.memory_space<hbm>>) target(%dma_start3A_15 : memref<32x128xf32, #tpu.memory_space<vmem>>) offsets(%dma_start3A_18 : memref<32xi32, #tpu.memory_space<vmem>>) semaphore(%arg12 : memref<!tpu.dma_semaphore, #tpu.memory_space<semaphore_mem>>)
    %dma_start3A_22 = arith.constant 0 : i32
    %dma_start3A_23 = arith.constant 32 : i32
    %dma_start3A_24 = arith.constant 0 : i32
    %dma_start3A_25 = tpu.memref_slice %arg9[%dma_start3A_23, %dma_start3A_24] : memref<128x128xf32, #tpu.memory_space<vmem>> -> memref<32x128xf32, #tpu.memory_space<vmem>>
    %dma_start3A_26 = arith.constant 32 : i32
    %dma_start3A_27 = tpu.memref_slice %arg7[%dma_start3A_22, %dma_start3A_26] : memref<2x128xi32, #tpu.memory_space<vmem>> -> memref<1x32xi32, #tpu.memory_space<vmem>>
    %dma_start3A_28 = tpu.memref_squeeze %dma_start3A_27 : memref<1x32xi32, #tpu.memory_space<vmem>> -> memref<32xi32, #tpu.memory_space<vmem>>
    %dma_start3A_29 = arith.constant 0 : i32
    %dma_start3A_30 = arith.constant 0 : i32
    %dma_start3A_31 = tpu.memref_slice %arg2[%dma_start3A_29, %dma_start3A_30] : memref<10240x128xf32, #tpu.memory_space<hbm>> -> memref<10240x128xf32, #tpu.memory_space<hbm>>
    tpu.enqueue_indirect_dma source(%dma_start3A_31 : memref<10240x128xf32, #tpu.memory_space<hbm>>) target(%dma_start3A_25 : memref<32x128xf32, #tpu.memory_space<vmem>>) offsets(%dma_start3A_28 : memref<32xi32, #tpu.memory_space<vmem>>) semaphore(%arg12 : memref<!tpu.dma_semaphore, #tpu.memory_space<semaphore_mem>>)
    %dma_start3A_32 = arith.constant 0 : i32
    %dma_start3A_33 = arith.constant 64 : i32
    %dma_start3A_34 = arith.constant 0 : i32
    %dma_start3A_35 = tpu.memref_slice %arg9[%dma_start3A_33, %dma_start3A_34] : memref<128x128xf32, #tpu.memory_space<vmem>> -> memref<32x128xf32, #tpu.memory_space<vmem>>
    %dma_start3A_36 = arith.constant 64 : i32
    %dma_start3A_37 = tpu.memref_slice %arg7[%dma_start3A_32, %dma_start3A_36] : memref<2x128xi32, #tpu.memory_space<vmem>> -> memref<1x32xi32, #tpu.memory_space<vmem>>
    %dma_start3A_38 = tpu.memref_squeeze %dma_start3A_37 : memref<1x32xi32, #tpu.memory_space<vmem>> -> memref<32xi32, #tpu.memory_space<vmem>>
    %dma_start3A_39 = arith.constant 0 : i32
    %dma_start3A_40 = arith.constant 0 : i32
    %dma_start3A_41 = tpu.memref_slice %arg2[%dma_start3A_39, %dma_start3A_40] : memref<10240x128xf32, #tpu.memory_space<hbm>> -> memref<10240x128xf32, #tpu.memory_space<hbm>>
    tpu.enqueue_indirect_dma source(%dma_start3A_41 : memref<10240x128xf32, #tpu.memory_space<hbm>>) target(%dma_start3A_35 : memref<32x128xf32, #tpu.memory_space<vmem>>) offsets(%dma_start3A_38 : memref<32xi32, #tpu.memory_space<vmem>>) semaphore(%arg12 : memref<!tpu.dma_semaphore, #tpu.memory_space<semaphore_mem>>)
    %dma_start3A_42 = arith.constant 0 : i32
    %dma_start3A_43 = arith.constant 96 : i32
    %dma_start3A_44 = arith.constant 0 : i32
    %dma_start3A_45 = tpu.memref_slice %arg9[%dma_start3A_43, %dma_start3A_44] : memref<128x128xf32, #tpu.memory_space<vmem>> -> memref<32x128xf32, #tpu.memory_space<vmem>>
    %dma_start3A_46 = arith.constant 96 : i32
    %dma_start3A_47 = tpu.memref_slice %arg7[%dma_start3A_42, %dma_start3A_46] : memref<2x128xi32, #tpu.memory_space<vmem>> -> memref<1x32xi32, #tpu.memory_space<vmem>>
    %dma_start3A_48 = tpu.memref_squeeze %dma_start3A_47 : memref<1x32xi32, #tpu.memory_space<vmem>> -> memref<32xi32, #tpu.memory_space<vmem>>
    %dma_start3A_49 = arith.constant 0 : i32
    %dma_start3A_50 = arith.constant 0 : i32
    %dma_start3A_51 = tpu.memref_slice %arg2[%dma_start3A_49, %dma_start3A_50] : memref<10240x128xf32, #tpu.memory_space<hbm>> -> memref<10240x128xf32, #tpu.memory_space<hbm>>
    tpu.enqueue_indirect_dma source(%dma_start3A_51 : memref<10240x128xf32, #tpu.memory_space<hbm>>) target(%dma_start3A_45 : memref<32x128xf32, #tpu.memory_space<vmem>>) offsets(%dma_start3A_48 : memref<32xi32, #tpu.memory_space<vmem>>) semaphore(%arg12 : memref<!tpu.dma_semaphore, #tpu.memory_space<semaphore_mem>>)
    %add3A_52 = arith.constant 1 : i32
    %add3A_53 = arith.addi %select_n3A, %add3A_52 : i32
    %dma_start3A_54 = arith.constant 1 : i32
    %dma_start3A_55 = arith.constant 0 : i32
    %dma_start3A_56 = tpu.memref_slice %arg7[%dma_start3A_54, %dma_start3A_55] : memref<2x128xi32, #tpu.memory_space<vmem>> -> memref<1x128xi32, #tpu.memory_space<vmem>>
    %dma_start3A_57 = tpu.memref_squeeze %dma_start3A_56 : memref<1x128xi32, #tpu.memory_space<vmem>> -> memref<128xi32, #tpu.memory_space<vmem>>
    %dma_start3A_58 = arith.constant 0 : i32
    %dma_start3A_59 = tpu.memref_slice %arg3[%add3A_53, %dma_start3A_58] : memref<2560x128xi32, #tpu.memory_space<hbm>> -> memref<1x128xi32, #tpu.memory_space<hbm>>
    %dma_start3A_60 = tpu.memref_squeeze %dma_start3A_59 : memref<1x128xi32, #tpu.memory_space<hbm>> -> memref<128xi32, #tpu.memory_space<hbm>>
    %dma_start3A_61 = arith.constant 0 : i32
    %dma_start3A_62 = tpu.memref_slice %arg7[%dma_start3A_54, %dma_start3A_61] : memref<2x128xi32, #tpu.memory_space<vmem>> -> memref<1x128xi32, #tpu.memory_space<vmem>>
    %dma_start3A_63 = tpu.memref_squeeze %dma_start3A_62 : memref<1x128xi32, #tpu.memory_space<vmem>> -> memref<128xi32, #tpu.memory_space<vmem>>
    %dma_start3A_64 = arith.constant 0 : i32
    %dma_start3A_65 = tpu.memref_slice %arg3[%add3A_53, %dma_start3A_64] : memref<2560x128xi32, #tpu.memory_space<hbm>> -> memref<1x128xi32, #tpu.memory_space<hbm>>
    %dma_start3A_66 = tpu.memref_squeeze %dma_start3A_65 : memref<1x128xi32, #tpu.memory_space<hbm>> -> memref<128xi32, #tpu.memory_space<hbm>>
    tpu.enqueue_dma source(%dma_start3A_66 : memref<128xi32, #tpu.memory_space<hbm>>) target(%dma_start3A_63 : memref<128xi32, #tpu.memory_space<vmem>>) target_semaphore(%arg15 : memref<!tpu.dma_semaphore, #tpu.memory_space<semaphore_mem>>)
    %div3A = arith.constant 2 : i32
    %div3A_67 = arith.divsi %select_n3A_8, %div3A : i32
    %while3A = arith.constant 0 : i32
    %while3A_68 = arith.constant 0 : i32
    %while3A_69 = arith.subi %div3A_67, %while3A_68 : i32
    %while3A_70 = arith.addi %while3A_68, %while3A_69 : i32
    %while3A_71 = arith.constant 1 : i32
    %while3A_72 = arith.divsi %while3A_69, %while3A_71 : i32
    %while3A_73 = arith.muli %while3A_72, %while3A_71 : i32
    %while3A_74 = arith.addi %while3A_68, %while3A_73 : i32
    %while3A_75 = arith.constant 1 : i32
    scf.for %while3A_82 = %while3A_68 to %while3A_74 step %while3A_75  : i32 {
      %mul3A_83 = arith.constant 2 : i32
      %mul3A_84 = arith.muli %while3A_82, %mul3A_83 : i32
      %add3A_85 = arith.constant 0 : i32
      %add3A_86 = arith.addi %mul3A_84, %add3A_85 : i32
      %dma_wait3A = arith.constant 0 : i32
      %dma_wait3A_87 = arith.constant 0 : i32
      %dma_wait3A_88 = arith.constant 0 : i32
      %dma_wait3A_89 = tpu.memref_slice %arg9[%dma_wait3A_87, %dma_wait3A_88] : memref<128x128xf32, #tpu.memory_space<vmem>> -> memref<32x128xf32, #tpu.memory_space<vmem>>
      %dma_wait3A_90 = arith.constant 0 : i32
      %dma_wait3A_91 = tpu.memref_slice %arg7[%dma_wait3A, %dma_wait3A_90] : memref<2x128xi32, #tpu.memory_space<vmem>> -> memref<1x32xi32, #tpu.memory_space<vmem>>
      %dma_wait3A_92 = tpu.memref_squeeze %dma_wait3A_91 : memref<1x32xi32, #tpu.memory_space<vmem>> -> memref<32xi32, #tpu.memory_space<vmem>>
      %dma_wait3A_93 = arith.constant 0 : i32
      %dma_wait3A_94 = arith.constant 0 : i32
      %dma_wait3A_95 = tpu.memref_slice %arg2[%dma_wait3A_93, %dma_wait3A_94] : memref<10240x128xf32, #tpu.memory_space<hbm>> -> memref<10240x128xf32, #tpu.memory_space<hbm>>
      tpu.wait_indirect_dma semaphore(%arg12 : memref<!tpu.dma_semaphore, #tpu.memory_space<semaphore_mem>>) src(%dma_wait3A_95 : memref<10240x128xf32, #tpu.memory_space<hbm>>) dst(%dma_wait3A_89 : memref<32x128xf32, #tpu.memory_space<vmem>>)
      %dma_wait3A_96 = arith.constant 0 : i32
      %dma_wait3A_97 = arith.constant 32 : i32
      %dma_wait3A_98 = arith.constant 0 : i32
      %dma_wait3A_99 = tpu.memref_slice %arg9[%dma_wait3A_97, %dma_wait3A_98] : memref<128x128xf32, #tpu.memory_space<vmem>> -> memref<32x128xf32, #tpu.memory_space<vmem>>
      %dma_wait3A_100 = arith.constant 32 : i32
      %dma_wait3A_101 = tpu.memref_slice %arg7[%dma_wait3A_96, %dma_wait3A_100] : memref<2x128xi32, #tpu.memory_space<vmem>> -> memref<1x32xi32, #tpu.memory_space<vmem>>
      %dma_wait3A_102 = tpu.memref_squeeze %dma_wait3A_101 : memref<1x32xi32, #tpu.memory_space<vmem>> -> memref<32xi32, #tpu.memory_space<vmem>>
      %dma_wait3A_103 = arith.constant 0 : i32
      %dma_wait3A_104 = arith.constant 0 : i32
      %dma_wait3A_105 = tpu.memref_slice %arg2[%dma_wait3A_103, %dma_wait3A_104] : memref<10240x128xf32, #tpu.memory_space<hbm>> -> memref<10240x128xf32, #tpu.memory_space<hbm>>
      tpu.wait_indirect_dma semaphore(%arg12 : memref<!tpu.dma_semaphore, #tpu.memory_space<semaphore_mem>>) src(%dma_wait3A_105 : memref<10240x128xf32, #tpu.memory_space<hbm>>) dst(%dma_wait3A_99 : memref<32x128xf32, #tpu.memory_space<vmem>>)
      %dma_wait3A_106 = arith.constant 0 : i32
      %dma_wait3A_107 = arith.constant 64 : i32
      %dma_wait3A_108 = arith.constant 0 : i32
      %dma_wait3A_109 = tpu.memref_slice %arg9[%dma_wait3A_107, %dma_wait3A_108] : memref<128x128xf32, #tpu.memory_space<vmem>> -> memref<32x128xf32, #tpu.memory_space<vmem>>
      %dma_wait3A_110 = arith.constant 64 : i32
      %dma_wait3A_111 = tpu.memref_slice %arg7[%dma_wait3A_106, %dma_wait3A_110] : memref<2x128xi32, #tpu.memory_space<vmem>> -> memref<1x32xi32, #tpu.memory_space<vmem>>
      %dma_wait3A_112 = tpu.memref_squeeze %dma_wait3A_111 : memref<1x32xi32, #tpu.memory_space<vmem>> -> memref<32xi32, #tpu.memory_space<vmem>>
      %dma_wait3A_113 = arith.constant 0 : i32
      %dma_wait3A_114 = arith.constant 0 : i32
      %dma_wait3A_115 = tpu.memref_slice %arg2[%dma_wait3A_113, %dma_wait3A_114] : memref<10240x128xf32, #tpu.memory_space<hbm>> -> memref<10240x128xf32, #tpu.memory_space<hbm>>
      tpu.wait_indirect_dma semaphore(%arg12 : memref<!tpu.dma_semaphore, #tpu.memory_space<semaphore_mem>>) src(%dma_wait3A_115 : memref<10240x128xf32, #tpu.memory_space<hbm>>) dst(%dma_wait3A_109 : memref<32x128xf32, #tpu.memory_space<vmem>>)
      %dma_wait3A_116 = arith.constant 0 : i32
      %dma_wait3A_117 = arith.constant 96 : i32
      %dma_wait3A_118 = arith.constant 0 : i32
      %dma_wait3A_119 = tpu.memref_slice %arg9[%dma_wait3A_117, %dma_wait3A_118] : memref<128x128xf32, #tpu.memory_space<vmem>> -> memref<32x128xf32, #tpu.memory_space<vmem>>
      %dma_wait3A_120 = arith.constant 96 : i32
      %dma_wait3A_121 = tpu.memref_slice %arg7[%dma_wait3A_116, %dma_wait3A_120] : memref<2x128xi32, #tpu.memory_space<vmem>> -> memref<1x32xi32, #tpu.memory_space<vmem>>
      %dma_wait3A_122 = tpu.memref_squeeze %dma_wait3A_121 : memref<1x32xi32, #tpu.memory_space<vmem>> -> memref<32xi32, #tpu.memory_space<vmem>>
      %dma_wait3A_123 = arith.constant 0 : i32
      %dma_wait3A_124 = arith.constant 0 : i32
      %dma_wait3A_125 = tpu.memref_slice %arg2[%dma_wait3A_123, %dma_wait3A_124] : memref<10240x128xf32, #tpu.memory_space<hbm>> -> memref<10240x128xf32, #tpu.memory_space<hbm>>
      tpu.wait_indirect_dma semaphore(%arg12 : memref<!tpu.dma_semaphore, #tpu.memory_space<semaphore_mem>>) src(%dma_wait3A_125 : memref<10240x128xf32, #tpu.memory_space<hbm>>) dst(%dma_wait3A_119 : memref<32x128xf32, #tpu.memory_space<vmem>>)
      %add3A_126 = arith.constant 1 : i32
      %add3A_127 = arith.addi %add3A_86, %add3A_126 : i32
      %lt3A = arith.cmpi slt, %add3A_127, %select_n3A_8 : i32
      %convert_element_type3A = arith.extui %lt3A : i1 to i32
      %cond3A = arith.constant 0 : i32
      %cond3A_128 = arith.cmpi ne, %convert_element_type3A, %cond3A : i32
      scf.if %cond3A_128 {
        %add3A_191 = arith.addi %select_n3A, %add3A_86 : i32
        %add3A_192 = arith.constant 1 : i32
        %add3A_193 = arith.addi %add3A_191, %add3A_192 : i32
        %dma_wait3A_194 = arith.constant 1 : i32
        %dma_wait3A_195 = arith.constant 0 : i32
        %dma_wait3A_196 = tpu.memref_slice %arg7[%dma_wait3A_194, %dma_wait3A_195] : memref<2x128xi32, #tpu.memory_space<vmem>> -> memref<1x128xi32, #tpu.memory_space<vmem>>
        %dma_wait3A_197 = tpu.memref_squeeze %dma_wait3A_196 : memref<1x128xi32, #tpu.memory_space<vmem>> -> memref<128xi32, #tpu.memory_space<vmem>>
        %dma_wait3A_198 = arith.constant 0 : i32
        %dma_wait3A_199 = tpu.memref_slice %arg3[%add3A_193, %dma_wait3A_198] : memref<2560x128xi32, #tpu.memory_space<hbm>> -> memref<1x128xi32, #tpu.memory_space<hbm>>
        %dma_wait3A_200 = tpu.memref_squeeze %dma_wait3A_199 : memref<1x128xi32, #tpu.memory_space<hbm>> -> memref<128xi32, #tpu.memory_space<hbm>>
        %dma_wait3A_201 = arith.constant 0 : i32
        %dma_wait3A_202 = tpu.memref_slice %arg7[%dma_wait3A_194, %dma_wait3A_201] : memref<2x128xi32, #tpu.memory_space<vmem>> -> memref<1x128xi32, #tpu.memory_space<vmem>>
        %dma_wait3A_203 = tpu.memref_squeeze %dma_wait3A_202 : memref<1x128xi32, #tpu.memory_space<vmem>> -> memref<128xi32, #tpu.memory_space<vmem>>
        %dma_wait3A_204 = arith.constant 0 : i32
        %dma_wait3A_205 = tpu.memref_slice %arg3[%add3A_193, %dma_wait3A_204] : memref<2560x128xi32, #tpu.memory_space<hbm>> -> memref<1x128xi32, #tpu.memory_space<hbm>>
        %dma_wait3A_206 = tpu.memref_squeeze %dma_wait3A_205 : memref<1x128xi32, #tpu.memory_space<hbm>> -> memref<128xi32, #tpu.memory_space<hbm>>
        tpu.wait_dma2 semaphore(%arg15 : memref<!tpu.dma_semaphore, #tpu.memory_space<semaphore_mem>>) src(%dma_wait3A_206 : memref<128xi32, #tpu.memory_space<hbm>>) dst(%dma_wait3A_203 : memref<128xi32, #tpu.memory_space<vmem>>)
        %dma_start3A_207 = arith.constant 1 : i32
        %dma_start3A_208 = arith.constant 0 : i32
        %dma_start3A_209 = arith.constant 0 : i32
        %dma_start3A_210 = tpu.memref_slice %arg10[%dma_start3A_208, %dma_start3A_209] : memref<128x128xf32, #tpu.memory_space<vmem>> -> memref<32x128xf32, #tpu.memory_space<vmem>>
        %dma_start3A_211 = arith.constant 0 : i32
        %dma_start3A_212 = tpu.memref_slice %arg7[%dma_start3A_207, %dma_start3A_211] : memref<2x128xi32, #tpu.memory_space<vmem>> -> memref<1x32xi32, #tpu.memory_space<vmem>>
        %dma_start3A_213 = tpu.memref_squeeze %dma_start3A_212 : memref<1x32xi32, #tpu.memory_space<vmem>> -> memref<32xi32, #tpu.memory_space<vmem>>
        %dma_start3A_214 = arith.constant 0 : i32
        %dma_start3A_215 = arith.constant 0 : i32
        %dma_start3A_216 = tpu.memref_slice %arg2[%dma_start3A_214, %dma_start3A_215] : memref<10240x128xf32, #tpu.memory_space<hbm>> -> memref<10240x128xf32, #tpu.memory_space<hbm>>
        tpu.enqueue_indirect_dma source(%dma_start3A_216 : memref<10240x128xf32, #tpu.memory_space<hbm>>) target(%dma_start3A_210 : memref<32x128xf32, #tpu.memory_space<vmem>>) offsets(%dma_start3A_213 : memref<32xi32, #tpu.memory_space<vmem>>) semaphore(%arg13 : memref<!tpu.dma_semaphore, #tpu.memory_space<semaphore_mem>>)
        %dma_start3A_217 = arith.constant 1 : i32
        %dma_start3A_218 = arith.constant 32 : i32
        %dma_start3A_219 = arith.constant 0 : i32
        %dma_start3A_220 = tpu.memref_slice %arg10[%dma_start3A_218, %dma_start3A_219] : memref<128x128xf32, #tpu.memory_space<vmem>> -> memref<32x128xf32, #tpu.memory_space<vmem>>
        %dma_start3A_221 = arith.constant 32 : i32
        %dma_start3A_222 = tpu.memref_slice %arg7[%dma_start3A_217, %dma_start3A_221] : memref<2x128xi32, #tpu.memory_space<vmem>> -> memref<1x32xi32, #tpu.memory_space<vmem>>
        %dma_start3A_223 = tpu.memref_squeeze %dma_start3A_222 : memref<1x32xi32, #tpu.memory_space<vmem>> -> memref<32xi32, #tpu.memory_space<vmem>>
        %dma_start3A_224 = arith.constant 0 : i32
        %dma_start3A_225 = arith.constant 0 : i32
        %dma_start3A_226 = tpu.memref_slice %arg2[%dma_start3A_224, %dma_start3A_225] : memref<10240x128xf32, #tpu.memory_space<hbm>> -> memref<10240x128xf32, #tpu.memory_space<hbm>>
        tpu.enqueue_indirect_dma source(%dma_start3A_226 : memref<10240x128xf32, #tpu.memory_space<hbm>>) target(%dma_start3A_220 : memref<32x128xf32, #tpu.memory_space<vmem>>) offsets(%dma_start3A_223 : memref<32xi32, #tpu.memory_space<vmem>>) semaphore(%arg13 : memref<!tpu.dma_semaphore, #tpu.memory_space<semaphore_mem>>)
        %dma_start3A_227 = arith.constant 1 : i32
        %dma_start3A_228 = arith.constant 64 : i32
        %dma_start3A_229 = arith.constant 0 : i32
        %dma_start3A_230 = tpu.memref_slice %arg10[%dma_start3A_228, %dma_start3A_229] : memref<128x128xf32, #tpu.memory_space<vmem>> -> memref<32x128xf32, #tpu.memory_space<vmem>>
        %dma_start3A_231 = arith.constant 64 : i32
        %dma_start3A_232 = tpu.memref_slice %arg7[%dma_start3A_227, %dma_start3A_231] : memref<2x128xi32, #tpu.memory_space<vmem>> -> memref<1x32xi32, #tpu.memory_space<vmem>>
        %dma_start3A_233 = tpu.memref_squeeze %dma_start3A_232 : memref<1x32xi32, #tpu.memory_space<vmem>> -> memref<32xi32, #tpu.memory_space<vmem>>
        %dma_start3A_234 = arith.constant 0 : i32
        %dma_start3A_235 = arith.constant 0 : i32
        %dma_start3A_236 = tpu.memref_slice %arg2[%dma_start3A_234, %dma_start3A_235] : memref<10240x128xf32, #tpu.memory_space<hbm>> -> memref<10240x128xf32, #tpu.memory_space<hbm>>
        tpu.enqueue_indirect_dma source(%dma_start3A_236 : memref<10240x128xf32, #tpu.memory_space<hbm>>) target(%dma_start3A_230 : memref<32x128xf32, #tpu.memory_space<vmem>>) offsets(%dma_start3A_233 : memref<32xi32, #tpu.memory_space<vmem>>) semaphore(%arg13 : memref<!tpu.dma_semaphore, #tpu.memory_space<semaphore_mem>>)
        %dma_start3A_237 = arith.constant 1 : i32
        %dma_start3A_238 = arith.constant 96 : i32
        %dma_start3A_239 = arith.constant 0 : i32
        %dma_start3A_240 = tpu.memref_slice %arg10[%dma_start3A_238, %dma_start3A_239] : memref<128x128xf32, #tpu.memory_space<vmem>> -> memref<32x128xf32, #tpu.memory_space<vmem>>
        %dma_start3A_241 = arith.constant 96 : i32
        %dma_start3A_242 = tpu.memref_slice %arg7[%dma_start3A_237, %dma_start3A_241] : memref<2x128xi32, #tpu.memory_space<vmem>> -> memref<1x32xi32, #tpu.memory_space<vmem>>
        %dma_start3A_243 = tpu.memref_squeeze %dma_start3A_242 : memref<1x32xi32, #tpu.memory_space<vmem>> -> memref<32xi32, #tpu.memory_space<vmem>>
        %dma_start3A_244 = arith.constant 0 : i32
        %dma_start3A_245 = arith.constant 0 : i32
        %dma_start3A_246 = tpu.memref_slice %arg2[%dma_start3A_244, %dma_start3A_245] : memref<10240x128xf32, #tpu.memory_space<hbm>> -> memref<10240x128xf32, #tpu.memory_space<hbm>>
        tpu.enqueue_indirect_dma source(%dma_start3A_246 : memref<10240x128xf32, #tpu.memory_space<hbm>>) target(%dma_start3A_240 : memref<32x128xf32, #tpu.memory_space<vmem>>) offsets(%dma_start3A_243 : memref<32xi32, #tpu.memory_space<vmem>>) semaphore(%arg13 : memref<!tpu.dma_semaphore, #tpu.memory_space<semaphore_mem>>)
      } else {
      }
      %add3A_129 = arith.constant 2 : i32
      %add3A_130 = arith.addi %add3A_86, %add3A_129 : i32
      %lt3A_131 = arith.cmpi slt, %add3A_130, %select_n3A_8 : i32
      %convert_element_type3A_132 = arith.extui %lt3A_131 : i1 to i32
      %cond3A_133 = arith.constant 0 : i32
      %cond3A_134 = arith.cmpi ne, %convert_element_type3A_132, %cond3A_133 : i32
      scf.if %cond3A_134 {
        %add3A_191 = arith.addi %select_n3A, %add3A_86 : i32
        %add3A_192 = arith.constant 2 : i32
        %add3A_193 = arith.addi %add3A_191, %add3A_192 : i32
        %dma_start3A_194 = arith.constant 0 : i32
        %dma_start3A_195 = arith.constant 0 : i32
        %dma_start3A_196 = tpu.memref_slice %arg7[%dma_start3A_194, %dma_start3A_195] : memref<2x128xi32, #tpu.memory_space<vmem>> -> memref<1x128xi32, #tpu.memory_space<vmem>>
        %dma_start3A_197 = tpu.memref_squeeze %dma_start3A_196 : memref<1x128xi32, #tpu.memory_space<vmem>> -> memref<128xi32, #tpu.memory_space<vmem>>
        %dma_start3A_198 = arith.constant 0 : i32
        %dma_start3A_199 = tpu.memref_slice %arg3[%add3A_193, %dma_start3A_198] : memref<2560x128xi32, #tpu.memory_space<hbm>> -> memref<1x128xi32, #tpu.memory_space<hbm>>
        %dma_start3A_200 = tpu.memref_squeeze %dma_start3A_199 : memref<1x128xi32, #tpu.memory_space<hbm>> -> memref<128xi32, #tpu.memory_space<hbm>>
        %dma_start3A_201 = arith.constant 0 : i32
        %dma_start3A_202 = tpu.memref_slice %arg7[%dma_start3A_194, %dma_start3A_201] : memref<2x128xi32, #tpu.memory_space<vmem>> -> memref<1x128xi32, #tpu.memory_space<vmem>>
        %dma_start3A_203 = tpu.memref_squeeze %dma_start3A_202 : memref<1x128xi32, #tpu.memory_space<vmem>> -> memref<128xi32, #tpu.memory_space<vmem>>
        %dma_start3A_204 = arith.constant 0 : i32
        %dma_start3A_205 = tpu.memref_slice %arg3[%add3A_193, %dma_start3A_204] : memref<2560x128xi32, #tpu.memory_space<hbm>> -> memref<1x128xi32, #tpu.memory_space<hbm>>
        %dma_start3A_206 = tpu.memref_squeeze %dma_start3A_205 : memref<1x128xi32, #tpu.memory_space<hbm>> -> memref<128xi32, #tpu.memory_space<hbm>>
        tpu.enqueue_dma source(%dma_start3A_206 : memref<128xi32, #tpu.memory_space<hbm>>) target(%dma_start3A_203 : memref<128xi32, #tpu.memory_space<vmem>>) target_semaphore(%arg14 : memref<!tpu.dma_semaphore, #tpu.memory_space<semaphore_mem>>)
      } else {
      }
      "tpu.region"() ({
        %run_scoped3A_191 = tpu.sem_alloc : memref<!tpu.dma_semaphore, #tpu.memory_space<semaphore_mem>>
        %dma_start3A_192 = arith.constant 0 : i32
        %dma_start3A_193 = tpu.memref_slice %arg8[%add3A_86, %dma_start3A_192] : memref<120x128xi32, #tpu.memory_space<vmem>> -> memref<1x128xi32, #tpu.memory_space<vmem>>
        %dma_start3A_194 = tpu.memref_squeeze %dma_start3A_193 : memref<1x128xi32, #tpu.memory_space<vmem>> -> memref<128xi32, #tpu.memory_space<vmem>>
        %dma_start3A_195 = arith.constant 0 : i32
        %dma_start3A_196 = arith.constant 0 : i32
        %dma_start3A_197 = tpu.memref_slice %arg11[%dma_start3A_195, %dma_start3A_196] : memref<10240x128xf32, #tpu.memory_space<vmem_shared>> -> memref<10240x128xf32, #tpu.memory_space<vmem_shared>>
        tpu.enqueue_indirect_dma source(%arg9 : memref<128x128xf32, #tpu.memory_space<vmem>>) target(%dma_start3A_197 : memref<10240x128xf32, #tpu.memory_space<vmem_shared>>) offsets(%dma_start3A_194 : memref<128xi32, #tpu.memory_space<vmem>>) semaphore(%run_scoped3A_191 : memref<!tpu.dma_semaphore, #tpu.memory_space<semaphore_mem>>) {add = true}
        %dma_wait3A_198 = arith.constant 0 : i32
        %dma_wait3A_199 = tpu.memref_slice %arg8[%add3A_86, %dma_wait3A_198] : memref<120x128xi32, #tpu.memory_space<vmem>> -> memref<1x128xi32, #tpu.memory_space<vmem>>
        %dma_wait3A_200 = tpu.memref_squeeze %dma_wait3A_199 : memref<1x128xi32, #tpu.memory_space<vmem>> -> memref<128xi32, #tpu.memory_space<vmem>>
        %dma_wait3A_201 = arith.constant 0 : i32
        %dma_wait3A_202 = arith.constant 0 : i32
        %dma_wait3A_203 = tpu.memref_slice %arg11[%dma_wait3A_201, %dma_wait3A_202] : memref<10240x128xf32, #tpu.memory_space<vmem_shared>> -> memref<10240x128xf32, #tpu.memory_space<vmem_shared>>
        tpu.wait_indirect_dma semaphore(%run_scoped3A_191 : memref<!tpu.dma_semaphore, #tpu.memory_space<semaphore_mem>>) src(%arg9 : memref<128x128xf32, #tpu.memory_space<vmem>>) dst(%dma_wait3A_203 : memref<10240x128xf32, #tpu.memory_space<vmem_shared>>)
        tpu.yield
      }) : () -> ()
      %mul3A_135 = arith.constant 2 : i32
      %mul3A_136 = arith.muli %while3A_82, %mul3A_135 : i32
      %add3A_137 = arith.constant 1 : i32
      %add3A_138 = arith.addi %mul3A_136, %add3A_137 : i32
      %dma_wait3A_139 = arith.constant 1 : i32
      %dma_wait3A_140 = arith.constant 0 : i32
      %dma_wait3A_141 = arith.constant 0 : i32
      %dma_wait3A_142 = tpu.memref_slice %arg10[%dma_wait3A_140, %dma_wait3A_141] : memref<128x128xf32, #tpu.memory_space<vmem>> -> memref<32x128xf32, #tpu.memory_space<vmem>>
      %dma_wait3A_143 = arith.constant 0 : i32
      %dma_wait3A_144 = tpu.memref_slice %arg7[%dma_wait3A_139, %dma_wait3A_143] : memref<2x128xi32, #tpu.memory_space<vmem>> -> memref<1x32xi32, #tpu.memory_space<vmem>>
      %dma_wait3A_145 = tpu.memref_squeeze %dma_wait3A_144 : memref<1x32xi32, #tpu.memory_space<vmem>> -> memref<32xi32, #tpu.memory_space<vmem>>
      %dma_wait3A_146 = arith.constant 0 : i32
      %dma_wait3A_147 = arith.constant 0 : i32
      %dma_wait3A_148 = tpu.memref_slice %arg2[%dma_wait3A_146, %dma_wait3A_147] : memref<10240x128xf32, #tpu.memory_space<hbm>> -> memref<10240x128xf32, #tpu.memory_space<hbm>>
      tpu.wait_indirect_dma semaphore(%arg13 : memref<!tpu.dma_semaphore, #tpu.memory_space<semaphore_mem>>) src(%dma_wait3A_148 : memref<10240x128xf32, #tpu.memory_space<hbm>>) dst(%dma_wait3A_142 : memref<32x128xf32, #tpu.memory_space<vmem>>)
      %dma_wait3A_149 = arith.constant 1 : i32
      %dma_wait3A_150 = arith.constant 32 : i32
      %dma_wait3A_151 = arith.constant 0 : i32
      %dma_wait3A_152 = tpu.memref_slice %arg10[%dma_wait3A_150, %dma_wait3A_151] : memref<128x128xf32, #tpu.memory_space<vmem>> -> memref<32x128xf32, #tpu.memory_space<vmem>>
      %dma_wait3A_153 = arith.constant 32 : i32
      %dma_wait3A_154 = tpu.memref_slice %arg7[%dma_wait3A_149, %dma_wait3A_153] : memref<2x128xi32, #tpu.memory_space<vmem>> -> memref<1x32xi32, #tpu.memory_space<vmem>>
      %dma_wait3A_155 = tpu.memref_squeeze %dma_wait3A_154 : memref<1x32xi32, #tpu.memory_space<vmem>> -> memref<32xi32, #tpu.memory_space<vmem>>
      %dma_wait3A_156 = arith.constant 0 : i32
      %dma_wait3A_157 = arith.constant 0 : i32
      %dma_wait3A_158 = tpu.memref_slice %arg2[%dma_wait3A_156, %dma_wait3A_157] : memref<10240x128xf32, #tpu.memory_space<hbm>> -> memref<10240x128xf32, #tpu.memory_space<hbm>>
      tpu.wait_indirect_dma semaphore(%arg13 : memref<!tpu.dma_semaphore, #tpu.memory_space<semaphore_mem>>) src(%dma_wait3A_158 : memref<10240x128xf32, #tpu.memory_space<hbm>>) dst(%dma_wait3A_152 : memref<32x128xf32, #tpu.memory_space<vmem>>)
      %dma_wait3A_159 = arith.constant 1 : i32
      %dma_wait3A_160 = arith.constant 64 : i32
      %dma_wait3A_161 = arith.constant 0 : i32
      %dma_wait3A_162 = tpu.memref_slice %arg10[%dma_wait3A_160, %dma_wait3A_161] : memref<128x128xf32, #tpu.memory_space<vmem>> -> memref<32x128xf32, #tpu.memory_space<vmem>>
      %dma_wait3A_163 = arith.constant 64 : i32
      %dma_wait3A_164 = tpu.memref_slice %arg7[%dma_wait3A_159, %dma_wait3A_163] : memref<2x128xi32, #tpu.memory_space<vmem>> -> memref<1x32xi32, #tpu.memory_space<vmem>>
      %dma_wait3A_165 = tpu.memref_squeeze %dma_wait3A_164 : memref<1x32xi32, #tpu.memory_space<vmem>> -> memref<32xi32, #tpu.memory_space<vmem>>
      %dma_wait3A_166 = arith.constant 0 : i32
      %dma_wait3A_167 = arith.constant 0 : i32
      %dma_wait3A_168 = tpu.memref_slice %arg2[%dma_wait3A_166, %dma_wait3A_167] : memref<10240x128xf32, #tpu.memory_space<hbm>> -> memref<10240x128xf32, #tpu.memory_space<hbm>>
      tpu.wait_indirect_dma semaphore(%arg13 : memref<!tpu.dma_semaphore, #tpu.memory_space<semaphore_mem>>) src(%dma_wait3A_168 : memref<10240x128xf32, #tpu.memory_space<hbm>>) dst(%dma_wait3A_162 : memref<32x128xf32, #tpu.memory_space<vmem>>)
      %dma_wait3A_169 = arith.constant 1 : i32
      %dma_wait3A_170 = arith.constant 96 : i32
      %dma_wait3A_171 = arith.constant 0 : i32
      %dma_wait3A_172 = tpu.memref_slice %arg10[%dma_wait3A_170, %dma_wait3A_171] : memref<128x128xf32, #tpu.memory_space<vmem>> -> memref<32x128xf32, #tpu.memory_space<vmem>>
      %dma_wait3A_173 = arith.constant 96 : i32
      %dma_wait3A_174 = tpu.memref_slice %arg7[%dma_wait3A_169, %dma_wait3A_173] : memref<2x128xi32, #tpu.memory_space<vmem>> -> memref<1x32xi32, #tpu.memory_space<vmem>>
      %dma_wait3A_175 = tpu.memref_squeeze %dma_wait3A_174 : memref<1x32xi32, #tpu.memory_space<vmem>> -> memref<32xi32, #tpu.memory_space<vmem>>
      %dma_wait3A_176 = arith.constant 0 : i32
      %dma_wait3A_177 = arith.constant 0 : i32
      %dma_wait3A_178 = tpu.memref_slice %arg2[%dma_wait3A_176, %dma_wait3A_177] : memref<10240x128xf32, #tpu.memory_space<hbm>> -> memref<10240x128xf32, #tpu.memory_space<hbm>>
      tpu.wait_indirect_dma semaphore(%arg13 : memref<!tpu.dma_semaphore, #tpu.memory_space<semaphore_mem>>) src(%dma_wait3A_178 : memref<10240x128xf32, #tpu.memory_space<hbm>>) dst(%dma_wait3A_172 : memref<32x128xf32, #tpu.memory_space<vmem>>)
      %add3A_179 = arith.constant 1 : i32
      %add3A_180 = arith.addi %add3A_138, %add3A_179 : i32
      %lt3A_181 = arith.cmpi slt, %add3A_180, %select_n3A_8 : i32
      %convert_element_type3A_182 = arith.extui %lt3A_181 : i1 to i32
      %cond3A_183 = arith.constant 0 : i32
      %cond3A_184 = arith.cmpi ne, %convert_element_type3A_182, %cond3A_183 : i32
      scf.if %cond3A_184 {
        %add3A_191 = arith.addi %select_n3A, %add3A_138 : i32
        %add3A_192 = arith.constant 1 : i32
        %add3A_193 = arith.addi %add3A_191, %add3A_192 : i32
        %dma_wait3A_194 = arith.constant 0 : i32
        %dma_wait3A_195 = arith.constant 0 : i32
        %dma_wait3A_196 = tpu.memref_slice %arg7[%dma_wait3A_194, %dma_wait3A_195] : memref<2x128xi32, #tpu.memory_space<vmem>> -> memref<1x128xi32, #tpu.memory_space<vmem>>
        %dma_wait3A_197 = tpu.memref_squeeze %dma_wait3A_196 : memref<1x128xi32, #tpu.memory_space<vmem>> -> memref<128xi32, #tpu.memory_space<vmem>>
        %dma_wait3A_198 = arith.constant 0 : i32
        %dma_wait3A_199 = tpu.memref_slice %arg3[%add3A_193, %dma_wait3A_198] : memref<2560x128xi32, #tpu.memory_space<hbm>> -> memref<1x128xi32, #tpu.memory_space<hbm>>
        %dma_wait3A_200 = tpu.memref_squeeze %dma_wait3A_199 : memref<1x128xi32, #tpu.memory_space<hbm>> -> memref<128xi32, #tpu.memory_space<hbm>>
        %dma_wait3A_201 = arith.constant 0 : i32
        %dma_wait3A_202 = tpu.memref_slice %arg7[%dma_wait3A_194, %dma_wait3A_201] : memref<2x128xi32, #tpu.memory_space<vmem>> -> memref<1x128xi32, #tpu.memory_space<vmem>>
        %dma_wait3A_203 = tpu.memref_squeeze %dma_wait3A_202 : memref<1x128xi32, #tpu.memory_space<vmem>> -> memref<128xi32, #tpu.memory_space<vmem>>
        %dma_wait3A_204 = arith.constant 0 : i32
        %dma_wait3A_205 = tpu.memref_slice %arg3[%add3A_193, %dma_wait3A_204] : memref<2560x128xi32, #tpu.memory_space<hbm>> -> memref<1x128xi32, #tpu.memory_space<hbm>>
        %dma_wait3A_206 = tpu.memref_squeeze %dma_wait3A_205 : memref<1x128xi32, #tpu.memory_space<hbm>> -> memref<128xi32, #tpu.memory_space<hbm>>
        tpu.wait_dma2 semaphore(%arg14 : memref<!tpu.dma_semaphore, #tpu.memory_space<semaphore_mem>>) src(%dma_wait3A_206 : memref<128xi32, #tpu.memory_space<hbm>>) dst(%dma_wait3A_203 : memref<128xi32, #tpu.memory_space<vmem>>)
        %dma_start3A_207 = arith.constant 0 : i32
        %dma_start3A_208 = arith.constant 0 : i32
        %dma_start3A_209 = arith.constant 0 : i32
        %dma_start3A_210 = tpu.memref_slice %arg9[%dma_start3A_208, %dma_start3A_209] : memref<128x128xf32, #tpu.memory_space<vmem>> -> memref<32x128xf32, #tpu.memory_space<vmem>>
        %dma_start3A_211 = arith.constant 0 : i32
        %dma_start3A_212 = tpu.memref_slice %arg7[%dma_start3A_207, %dma_start3A_211] : memref<2x128xi32, #tpu.memory_space<vmem>> -> memref<1x32xi32, #tpu.memory_space<vmem>>
        %dma_start3A_213 = tpu.memref_squeeze %dma_start3A_212 : memref<1x32xi32, #tpu.memory_space<vmem>> -> memref<32xi32, #tpu.memory_space<vmem>>
        %dma_start3A_214 = arith.constant 0 : i32
        %dma_start3A_215 = arith.constant 0 : i32
        %dma_start3A_216 = tpu.memref_slice %arg2[%dma_start3A_214, %dma_start3A_215] : memref<10240x128xf32, #tpu.memory_space<hbm>> -> memref<10240x128xf32, #tpu.memory_space<hbm>>
        tpu.enqueue_indirect_dma source(%dma_start3A_216 : memref<10240x128xf32, #tpu.memory_space<hbm>>) target(%dma_start3A_210 : memref<32x128xf32, #tpu.memory_space<vmem>>) offsets(%dma_start3A_213 : memref<32xi32, #tpu.memory_space<vmem>>) semaphore(%arg12 : memref<!tpu.dma_semaphore, #tpu.memory_space<semaphore_mem>>)
        %dma_start3A_217 = arith.constant 0 : i32
        %dma_start3A_218 = arith.constant 32 : i32
        %dma_start3A_219 = arith.constant 0 : i32
        %dma_start3A_220 = tpu.memref_slice %arg9[%dma_start3A_218, %dma_start3A_219] : memref<128x128xf32, #tpu.memory_space<vmem>> -> memref<32x128xf32, #tpu.memory_space<vmem>>
        %dma_start3A_221 = arith.constant 32 : i32
        %dma_start3A_222 = tpu.memref_slice %arg7[%dma_start3A_217, %dma_start3A_221] : memref<2x128xi32, #tpu.memory_space<vmem>> -> memref<1x32xi32, #tpu.memory_space<vmem>>
        %dma_start3A_223 = tpu.memref_squeeze %dma_start3A_222 : memref<1x32xi32, #tpu.memory_space<vmem>> -> memref<32xi32, #tpu.memory_space<vmem>>
        %dma_start3A_224 = arith.constant 0 : i32
        %dma_start3A_225 = arith.constant 0 : i32
        %dma_start3A_226 = tpu.memref_slice %arg2[%dma_start3A_224, %dma_start3A_225] : memref<10240x128xf32, #tpu.memory_space<hbm>> -> memref<10240x128xf32, #tpu.memory_space<hbm>>
        tpu.enqueue_indirect_dma source(%dma_start3A_226 : memref<10240x128xf32, #tpu.memory_space<hbm>>) target(%dma_start3A_220 : memref<32x128xf32, #tpu.memory_space<vmem>>) offsets(%dma_start3A_223 : memref<32xi32, #tpu.memory_space<vmem>>) semaphore(%arg12 : memref<!tpu.dma_semaphore, #tpu.memory_space<semaphore_mem>>)
        %dma_start3A_227 = arith.constant 0 : i32
        %dma_start3A_228 = arith.constant 64 : i32
        %dma_start3A_229 = arith.constant 0 : i32
        %dma_start3A_230 = tpu.memref_slice %arg9[%dma_start3A_228, %dma_start3A_229] : memref<128x128xf32, #tpu.memory_space<vmem>> -> memref<32x128xf32, #tpu.memory_space<vmem>>
        %dma_start3A_231 = arith.constant 64 : i32
        %dma_start3A_232 = tpu.memref_slice %arg7[%dma_start3A_227, %dma_start3A_231] : memref<2x128xi32, #tpu.memory_space<vmem>> -> memref<1x32xi32, #tpu.memory_space<vmem>>
        %dma_start3A_233 = tpu.memref_squeeze %dma_start3A_232 : memref<1x32xi32, #tpu.memory_space<vmem>> -> memref<32xi32, #tpu.memory_space<vmem>>
        %dma_start3A_234 = arith.constant 0 : i32
        %dma_start3A_235 = arith.constant 0 : i32
        %dma_start3A_236 = tpu.memref_slice %arg2[%dma_start3A_234, %dma_start3A_235] : memref<10240x128xf32, #tpu.memory_space<hbm>> -> memref<10240x128xf32, #tpu.memory_space<hbm>>
        tpu.enqueue_indirect_dma source(%dma_start3A_236 : memref<10240x128xf32, #tpu.memory_space<hbm>>) target(%dma_start3A_230 : memref<32x128xf32, #tpu.memory_space<vmem>>) offsets(%dma_start3A_233 : memref<32xi32, #tpu.memory_space<vmem>>) semaphore(%arg12 : memref<!tpu.dma_semaphore, #tpu.memory_space<semaphore_mem>>)
        %dma_start3A_237 = arith.constant 0 : i32
        %dma_start3A_238 = arith.constant 96 : i32
        %dma_start3A_239 = arith.constant 0 : i32
        %dma_start3A_240 = tpu.memref_slice %arg9[%dma_start3A_238, %dma_start3A_239] : memref<128x128xf32, #tpu.memory_space<vmem>> -> memref<32x128xf32, #tpu.memory_space<vmem>>
        %dma_start3A_241 = arith.constant 96 : i32
        %dma_start3A_242 = tpu.memref_slice %arg7[%dma_start3A_237, %dma_start3A_241] : memref<2x128xi32, #tpu.memory_space<vmem>> -> memref<1x32xi32, #tpu.memory_space<vmem>>
        %dma_start3A_243 = tpu.memref_squeeze %dma_start3A_242 : memref<1x32xi32, #tpu.memory_space<vmem>> -> memref<32xi32, #tpu.memory_space<vmem>>
        %dma_start3A_244 = arith.constant 0 : i32
        %dma_start3A_245 = arith.constant 0 : i32
        %dma_start3A_246 = tpu.memref_slice %arg2[%dma_start3A_244, %dma_start3A_245] : memref<10240x128xf32, #tpu.memory_space<hbm>> -> memref<10240x128xf32, #tpu.memory_space<hbm>>
        tpu.enqueue_indirect_dma source(%dma_start3A_246 : memref<10240x128xf32, #tpu.memory_space<hbm>>) target(%dma_start3A_240 : memref<32x128xf32, #tpu.memory_space<vmem>>) offsets(%dma_start3A_243 : memref<32xi32, #tpu.memory_space<vmem>>) semaphore(%arg12 : memref<!tpu.dma_semaphore, #tpu.memory_space<semaphore_mem>>)
      } else {
      }
      %add3A_185 = arith.constant 2 : i32
      %add3A_186 = arith.addi %add3A_138, %add3A_185 : i32
      %lt3A_187 = arith.cmpi slt, %add3A_186, %select_n3A_8 : i32
      %convert_element_type3A_188 = arith.extui %lt3A_187 : i1 to i32
      %cond3A_189 = arith.constant 0 : i32
      %cond3A_190 = arith.cmpi ne, %convert_element_type3A_188, %cond3A_189 : i32
      scf.if %cond3A_190 {
        %add3A_191 = arith.addi %select_n3A, %add3A_138 : i32
        %add3A_192 = arith.constant 2 : i32
        %add3A_193 = arith.addi %add3A_191, %add3A_192 : i32
        %dma_start3A_194 = arith.constant 1 : i32
        %dma_start3A_195 = arith.constant 0 : i32
        %dma_start3A_196 = tpu.memref_slice %arg7[%dma_start3A_194, %dma_start3A_195] : memref<2x128xi32, #tpu.memory_space<vmem>> -> memref<1x128xi32, #tpu.memory_space<vmem>>
        %dma_start3A_197 = tpu.memref_squeeze %dma_start3A_196 : memref<1x128xi32, #tpu.memory_space<vmem>> -> memref<128xi32, #tpu.memory_space<vmem>>
        %dma_start3A_198 = arith.constant 0 : i32
        %dma_start3A_199 = tpu.memref_slice %arg3[%add3A_193, %dma_start3A_198] : memref<2560x128xi32, #tpu.memory_space<hbm>> -> memref<1x128xi32, #tpu.memory_space<hbm>>
        %dma_start3A_200 = tpu.memref_squeeze %dma_start3A_199 : memref<1x128xi32, #tpu.memory_space<hbm>> -> memref<128xi32, #tpu.memory_space<hbm>>
        %dma_start3A_201 = arith.constant 0 : i32
        %dma_start3A_202 = tpu.memref_slice %arg7[%dma_start3A_194, %dma_start3A_201] : memref<2x128xi32, #tpu.memory_space<vmem>> -> memref<1x128xi32, #tpu.memory_space<vmem>>
        %dma_start3A_203 = tpu.memref_squeeze %dma_start3A_202 : memref<1x128xi32, #tpu.memory_space<vmem>> -> memref<128xi32, #tpu.memory_space<vmem>>
        %dma_start3A_204 = arith.constant 0 : i32
        %dma_start3A_205 = tpu.memref_slice %arg3[%add3A_193, %dma_start3A_204] : memref<2560x128xi32, #tpu.memory_space<hbm>> -> memref<1x128xi32, #tpu.memory_space<hbm>>
        %dma_start3A_206 = tpu.memref_squeeze %dma_start3A_205 : memref<1x128xi32, #tpu.memory_space<hbm>> -> memref<128xi32, #tpu.memory_space<hbm>>
        tpu.enqueue_dma source(%dma_start3A_206 : memref<128xi32, #tpu.memory_space<hbm>>) target(%dma_start3A_203 : memref<128xi32, #tpu.memory_space<vmem>>) target_semaphore(%arg15 : memref<!tpu.dma_semaphore, #tpu.memory_space<semaphore_mem>>)
      } else {
      }
      "tpu.region"() ({
        %run_scoped3A_191 = tpu.sem_alloc : memref<!tpu.dma_semaphore, #tpu.memory_space<semaphore_mem>>
        %dma_start3A_192 = arith.constant 0 : i32
        %dma_start3A_193 = tpu.memref_slice %arg8[%add3A_138, %dma_start3A_192] : memref<120x128xi32, #tpu.memory_space<vmem>> -> memref<1x128xi32, #tpu.memory_space<vmem>>
        %dma_start3A_194 = tpu.memref_squeeze %dma_start3A_193 : memref<1x128xi32, #tpu.memory_space<vmem>> -> memref<128xi32, #tpu.memory_space<vmem>>
        %dma_start3A_195 = arith.constant 0 : i32
        %dma_start3A_196 = arith.constant 0 : i32
        %dma_start3A_197 = tpu.memref_slice %arg11[%dma_start3A_195, %dma_start3A_196] : memref<10240x128xf32, #tpu.memory_space<vmem_shared>> -> memref<10240x128xf32, #tpu.memory_space<vmem_shared>>
        tpu.enqueue_indirect_dma source(%arg10 : memref<128x128xf32, #tpu.memory_space<vmem>>) target(%dma_start3A_197 : memref<10240x128xf32, #tpu.memory_space<vmem_shared>>) offsets(%dma_start3A_194 : memref<128xi32, #tpu.memory_space<vmem>>) semaphore(%run_scoped3A_191 : memref<!tpu.dma_semaphore, #tpu.memory_space<semaphore_mem>>) {add = true}
        %dma_wait3A_198 = arith.constant 0 : i32
        %dma_wait3A_199 = tpu.memref_slice %arg8[%add3A_138, %dma_wait3A_198] : memref<120x128xi32, #tpu.memory_space<vmem>> -> memref<1x128xi32, #tpu.memory_space<vmem>>
        %dma_wait3A_200 = tpu.memref_squeeze %dma_wait3A_199 : memref<1x128xi32, #tpu.memory_space<vmem>> -> memref<128xi32, #tpu.memory_space<vmem>>
        %dma_wait3A_201 = arith.constant 0 : i32
        %dma_wait3A_202 = arith.constant 0 : i32
        %dma_wait3A_203 = tpu.memref_slice %arg11[%dma_wait3A_201, %dma_wait3A_202] : memref<10240x128xf32, #tpu.memory_space<vmem_shared>> -> memref<10240x128xf32, #tpu.memory_space<vmem_shared>>
        tpu.wait_indirect_dma semaphore(%run_scoped3A_191 : memref<!tpu.dma_semaphore, #tpu.memory_space<semaphore_mem>>) src(%arg10 : memref<128x128xf32, #tpu.memory_space<vmem>>) dst(%dma_wait3A_203 : memref<10240x128xf32, #tpu.memory_space<vmem_shared>>)
        tpu.yield
      }) : () -> ()
    }
    %while3A_76 = arith.constant 1 : i32
    scf.for %while3A_82 = %while3A_74 to %while3A_70 step %while3A_76  : i32 {
      %mul3A_83 = arith.constant 2 : i32
      %mul3A_84 = arith.muli %while3A_82, %mul3A_83 : i32
      %add3A_85 = arith.constant 0 : i32
      %add3A_86 = arith.addi %mul3A_84, %add3A_85 : i32
      %dma_wait3A = arith.constant 0 : i32
      %dma_wait3A_87 = arith.constant 0 : i32
      %dma_wait3A_88 = arith.constant 0 : i32
      %dma_wait3A_89 = tpu.memref_slice %arg9[%dma_wait3A_87, %dma_wait3A_88] : memref<128x128xf32, #tpu.memory_space<vmem>> -> memref<32x128xf32, #tpu.memory_space<vmem>>
      %dma_wait3A_90 = arith.constant 0 : i32
      %dma_wait3A_91 = tpu.memref_slice %arg7[%dma_wait3A, %dma_wait3A_90] : memref<2x128xi32, #tpu.memory_space<vmem>> -> memref<1x32xi32, #tpu.memory_space<vmem>>
      %dma_wait3A_92 = tpu.memref_squeeze %dma_wait3A_91 : memref<1x32xi32, #tpu.memory_space<vmem>> -> memref<32xi32, #tpu.memory_space<vmem>>
      %dma_wait3A_93 = arith.constant 0 : i32
      %dma_wait3A_94 = arith.constant 0 : i32
      %dma_wait3A_95 = tpu.memref_slice %arg2[%dma_wait3A_93, %dma_wait3A_94] : memref<10240x128xf32, #tpu.memory_space<hbm>> -> memref<10240x128xf32, #tpu.memory_space<hbm>>
      tpu.wait_indirect_dma semaphore(%arg12 : memref<!tpu.dma_semaphore, #tpu.memory_space<semaphore_mem>>) src(%dma_wait3A_95 : memref<10240x128xf32, #tpu.memory_space<hbm>>) dst(%dma_wait3A_89 : memref<32x128xf32, #tpu.memory_space<vmem>>)
      %dma_wait3A_96 = arith.constant 0 : i32
      %dma_wait3A_97 = arith.constant 32 : i32
      %dma_wait3A_98 = arith.constant 0 : i32
      %dma_wait3A_99 = tpu.memref_slice %arg9[%dma_wait3A_97, %dma_wait3A_98] : memref<128x128xf32, #tpu.memory_space<vmem>> -> memref<32x128xf32, #tpu.memory_space<vmem>>
      %dma_wait3A_100 = arith.constant 32 : i32
      %dma_wait3A_101 = tpu.memref_slice %arg7[%dma_wait3A_96, %dma_wait3A_100] : memref<2x128xi32, #tpu.memory_space<vmem>> -> memref<1x32xi32, #tpu.memory_space<vmem>>
      %dma_wait3A_102 = tpu.memref_squeeze %dma_wait3A_101 : memref<1x32xi32, #tpu.memory_space<vmem>> -> memref<32xi32, #tpu.memory_space<vmem>>
      %dma_wait3A_103 = arith.constant 0 : i32
      %dma_wait3A_104 = arith.constant 0 : i32
      %dma_wait3A_105 = tpu.memref_slice %arg2[%dma_wait3A_103, %dma_wait3A_104] : memref<10240x128xf32, #tpu.memory_space<hbm>> -> memref<10240x128xf32, #tpu.memory_space<hbm>>
      tpu.wait_indirect_dma semaphore(%arg12 : memref<!tpu.dma_semaphore, #tpu.memory_space<semaphore_mem>>) src(%dma_wait3A_105 : memref<10240x128xf32, #tpu.memory_space<hbm>>) dst(%dma_wait3A_99 : memref<32x128xf32, #tpu.memory_space<vmem>>)
      %dma_wait3A_106 = arith.constant 0 : i32
      %dma_wait3A_107 = arith.constant 64 : i32
      %dma_wait3A_108 = arith.constant 0 : i32
      %dma_wait3A_109 = tpu.memref_slice %arg9[%dma_wait3A_107, %dma_wait3A_108] : memref<128x128xf32, #tpu.memory_space<vmem>> -> memref<32x128xf32, #tpu.memory_space<vmem>>
      %dma_wait3A_110 = arith.constant 64 : i32
      %dma_wait3A_111 = tpu.memref_slice %arg7[%dma_wait3A_106, %dma_wait3A_110] : memref<2x128xi32, #tpu.memory_space<vmem>> -> memref<1x32xi32, #tpu.memory_space<vmem>>
      %dma_wait3A_112 = tpu.memref_squeeze %dma_wait3A_111 : memref<1x32xi32, #tpu.memory_space<vmem>> -> memref<32xi32, #tpu.memory_space<vmem>>
      %dma_wait3A_113 = arith.constant 0 : i32
      %dma_wait3A_114 = arith.constant 0 : i32
      %dma_wait3A_115 = tpu.memref_slice %arg2[%dma_wait3A_113, %dma_wait3A_114] : memref<10240x128xf32, #tpu.memory_space<hbm>> -> memref<10240x128xf32, #tpu.memory_space<hbm>>
      tpu.wait_indirect_dma semaphore(%arg12 : memref<!tpu.dma_semaphore, #tpu.memory_space<semaphore_mem>>) src(%dma_wait3A_115 : memref<10240x128xf32, #tpu.memory_space<hbm>>) dst(%dma_wait3A_109 : memref<32x128xf32, #tpu.memory_space<vmem>>)
      %dma_wait3A_116 = arith.constant 0 : i32
      %dma_wait3A_117 = arith.constant 96 : i32
      %dma_wait3A_118 = arith.constant 0 : i32
      %dma_wait3A_119 = tpu.memref_slice %arg9[%dma_wait3A_117, %dma_wait3A_118] : memref<128x128xf32, #tpu.memory_space<vmem>> -> memref<32x128xf32, #tpu.memory_space<vmem>>
      %dma_wait3A_120 = arith.constant 96 : i32
      %dma_wait3A_121 = tpu.memref_slice %arg7[%dma_wait3A_116, %dma_wait3A_120] : memref<2x128xi32, #tpu.memory_space<vmem>> -> memref<1x32xi32, #tpu.memory_space<vmem>>
      %dma_wait3A_122 = tpu.memref_squeeze %dma_wait3A_121 : memref<1x32xi32, #tpu.memory_space<vmem>> -> memref<32xi32, #tpu.memory_space<vmem>>
      %dma_wait3A_123 = arith.constant 0 : i32
      %dma_wait3A_124 = arith.constant 0 : i32
      %dma_wait3A_125 = tpu.memref_slice %arg2[%dma_wait3A_123, %dma_wait3A_124] : memref<10240x128xf32, #tpu.memory_space<hbm>> -> memref<10240x128xf32, #tpu.memory_space<hbm>>
      tpu.wait_indirect_dma semaphore(%arg12 : memref<!tpu.dma_semaphore, #tpu.memory_space<semaphore_mem>>) src(%dma_wait3A_125 : memref<10240x128xf32, #tpu.memory_space<hbm>>) dst(%dma_wait3A_119 : memref<32x128xf32, #tpu.memory_space<vmem>>)
      %add3A_126 = arith.constant 1 : i32
      %add3A_127 = arith.addi %add3A_86, %add3A_126 : i32
      %lt3A = arith.cmpi slt, %add3A_127, %select_n3A_8 : i32
      %convert_element_type3A = arith.extui %lt3A : i1 to i32
      %cond3A = arith.constant 0 : i32
      %cond3A_128 = arith.cmpi ne, %convert_element_type3A, %cond3A : i32
      scf.if %cond3A_128 {
        %add3A_191 = arith.addi %select_n3A, %add3A_86 : i32
        %add3A_192 = arith.constant 1 : i32
        %add3A_193 = arith.addi %add3A_191, %add3A_192 : i32
        %dma_wait3A_194 = arith.constant 1 : i32
        %dma_wait3A_195 = arith.constant 0 : i32
        %dma_wait3A_196 = tpu.memref_slice %arg7[%dma_wait3A_194, %dma_wait3A_195] : memref<2x128xi32, #tpu.memory_space<vmem>> -> memref<1x128xi32, #tpu.memory_space<vmem>>
        %dma_wait3A_197 = tpu.memref_squeeze %dma_wait3A_196 : memref<1x128xi32, #tpu.memory_space<vmem>> -> memref<128xi32, #tpu.memory_space<vmem>>
        %dma_wait3A_198 = arith.constant 0 : i32
        %dma_wait3A_199 = tpu.memref_slice %arg3[%add3A_193, %dma_wait3A_198] : memref<2560x128xi32, #tpu.memory_space<hbm>> -> memref<1x128xi32, #tpu.memory_space<hbm>>
        %dma_wait3A_200 = tpu.memref_squeeze %dma_wait3A_199 : memref<1x128xi32, #tpu.memory_space<hbm>> -> memref<128xi32, #tpu.memory_space<hbm>>
        %dma_wait3A_201 = arith.constant 0 : i32
        %dma_wait3A_202 = tpu.memref_slice %arg7[%dma_wait3A_194, %dma_wait3A_201] : memref<2x128xi32, #tpu.memory_space<vmem>> -> memref<1x128xi32, #tpu.memory_space<vmem>>
        %dma_wait3A_203 = tpu.memref_squeeze %dma_wait3A_202 : memref<1x128xi32, #tpu.memory_space<vmem>> -> memref<128xi32, #tpu.memory_space<vmem>>
        %dma_wait3A_204 = arith.constant 0 : i32
        %dma_wait3A_205 = tpu.memref_slice %arg3[%add3A_193, %dma_wait3A_204] : memref<2560x128xi32, #tpu.memory_space<hbm>> -> memref<1x128xi32, #tpu.memory_space<hbm>>
        %dma_wait3A_206 = tpu.memref_squeeze %dma_wait3A_205 : memref<1x128xi32, #tpu.memory_space<hbm>> -> memref<128xi32, #tpu.memory_space<hbm>>
        tpu.wait_dma2 semaphore(%arg15 : memref<!tpu.dma_semaphore, #tpu.memory_space<semaphore_mem>>) src(%dma_wait3A_206 : memref<128xi32, #tpu.memory_space<hbm>>) dst(%dma_wait3A_203 : memref<128xi32, #tpu.memory_space<vmem>>)
        %dma_start3A_207 = arith.constant 1 : i32
        %dma_start3A_208 = arith.constant 0 : i32
        %dma_start3A_209 = arith.constant 0 : i32
        %dma_start3A_210 = tpu.memref_slice %arg10[%dma_start3A_208, %dma_start3A_209] : memref<128x128xf32, #tpu.memory_space<vmem>> -> memref<32x128xf32, #tpu.memory_space<vmem>>
        %dma_start3A_211 = arith.constant 0 : i32
        %dma_start3A_212 = tpu.memref_slice %arg7[%dma_start3A_207, %dma_start3A_211] : memref<2x128xi32, #tpu.memory_space<vmem>> -> memref<1x32xi32, #tpu.memory_space<vmem>>
        %dma_start3A_213 = tpu.memref_squeeze %dma_start3A_212 : memref<1x32xi32, #tpu.memory_space<vmem>> -> memref<32xi32, #tpu.memory_space<vmem>>
        %dma_start3A_214 = arith.constant 0 : i32
        %dma_start3A_215 = arith.constant 0 : i32
        %dma_start3A_216 = tpu.memref_slice %arg2[%dma_start3A_214, %dma_start3A_215] : memref<10240x128xf32, #tpu.memory_space<hbm>> -> memref<10240x128xf32, #tpu.memory_space<hbm>>
        tpu.enqueue_indirect_dma source(%dma_start3A_216 : memref<10240x128xf32, #tpu.memory_space<hbm>>) target(%dma_start3A_210 : memref<32x128xf32, #tpu.memory_space<vmem>>) offsets(%dma_start3A_213 : memref<32xi32, #tpu.memory_space<vmem>>) semaphore(%arg13 : memref<!tpu.dma_semaphore, #tpu.memory_space<semaphore_mem>>)
        %dma_start3A_217 = arith.constant 1 : i32
        %dma_start3A_218 = arith.constant 32 : i32
        %dma_start3A_219 = arith.constant 0 : i32
        %dma_start3A_220 = tpu.memref_slice %arg10[%dma_start3A_218, %dma_start3A_219] : memref<128x128xf32, #tpu.memory_space<vmem>> -> memref<32x128xf32, #tpu.memory_space<vmem>>
        %dma_start3A_221 = arith.constant 32 : i32
        %dma_start3A_222 = tpu.memref_slice %arg7[%dma_start3A_217, %dma_start3A_221] : memref<2x128xi32, #tpu.memory_space<vmem>> -> memref<1x32xi32, #tpu.memory_space<vmem>>
        %dma_start3A_223 = tpu.memref_squeeze %dma_start3A_222 : memref<1x32xi32, #tpu.memory_space<vmem>> -> memref<32xi32, #tpu.memory_space<vmem>>
        %dma_start3A_224 = arith.constant 0 : i32
        %dma_start3A_225 = arith.constant 0 : i32
        %dma_start3A_226 = tpu.memref_slice %arg2[%dma_start3A_224, %dma_start3A_225] : memref<10240x128xf32, #tpu.memory_space<hbm>> -> memref<10240x128xf32, #tpu.memory_space<hbm>>
        tpu.enqueue_indirect_dma source(%dma_start3A_226 : memref<10240x128xf32, #tpu.memory_space<hbm>>) target(%dma_start3A_220 : memref<32x128xf32, #tpu.memory_space<vmem>>) offsets(%dma_start3A_223 : memref<32xi32, #tpu.memory_space<vmem>>) semaphore(%arg13 : memref<!tpu.dma_semaphore, #tpu.memory_space<semaphore_mem>>)
        %dma_start3A_227 = arith.constant 1 : i32
        %dma_start3A_228 = arith.constant 64 : i32
        %dma_start3A_229 = arith.constant 0 : i32
        %dma_start3A_230 = tpu.memref_slice %arg10[%dma_start3A_228, %dma_start3A_229] : memref<128x128xf32, #tpu.memory_space<vmem>> -> memref<32x128xf32, #tpu.memory_space<vmem>>
        %dma_start3A_231 = arith.constant 64 : i32
        %dma_start3A_232 = tpu.memref_slice %arg7[%dma_start3A_227, %dma_start3A_231] : memref<2x128xi32, #tpu.memory_space<vmem>> -> memref<1x32xi32, #tpu.memory_space<vmem>>
        %dma_start3A_233 = tpu.memref_squeeze %dma_start3A_232 : memref<1x32xi32, #tpu.memory_space<vmem>> -> memref<32xi32, #tpu.memory_space<vmem>>
        %dma_start3A_234 = arith.constant 0 : i32
        %dma_start3A_235 = arith.constant 0 : i32
        %dma_start3A_236 = tpu.memref_slice %arg2[%dma_start3A_234, %dma_start3A_235] : memref<10240x128xf32, #tpu.memory_space<hbm>> -> memref<10240x128xf32, #tpu.memory_space<hbm>>
        tpu.enqueue_indirect_dma source(%dma_start3A_236 : memref<10240x128xf32, #tpu.memory_space<hbm>>) target(%dma_start3A_230 : memref<32x128xf32, #tpu.memory_space<vmem>>) offsets(%dma_start3A_233 : memref<32xi32, #tpu.memory_space<vmem>>) semaphore(%arg13 : memref<!tpu.dma_semaphore, #tpu.memory_space<semaphore_mem>>)
        %dma_start3A_237 = arith.constant 1 : i32
        %dma_start3A_238 = arith.constant 96 : i32
        %dma_start3A_239 = arith.constant 0 : i32
        %dma_start3A_240 = tpu.memref_slice %arg10[%dma_start3A_238, %dma_start3A_239] : memref<128x128xf32, #tpu.memory_space<vmem>> -> memref<32x128xf32, #tpu.memory_space<vmem>>
        %dma_start3A_241 = arith.constant 96 : i32
        %dma_start3A_242 = tpu.memref_slice %arg7[%dma_start3A_237, %dma_start3A_241] : memref<2x128xi32, #tpu.memory_space<vmem>> -> memref<1x32xi32, #tpu.memory_space<vmem>>
        %dma_start3A_243 = tpu.memref_squeeze %dma_start3A_242 : memref<1x32xi32, #tpu.memory_space<vmem>> -> memref<32xi32, #tpu.memory_space<vmem>>
        %dma_start3A_244 = arith.constant 0 : i32
        %dma_start3A_245 = arith.constant 0 : i32
        %dma_start3A_246 = tpu.memref_slice %arg2[%dma_start3A_244, %dma_start3A_245] : memref<10240x128xf32, #tpu.memory_space<hbm>> -> memref<10240x128xf32, #tpu.memory_space<hbm>>
        tpu.enqueue_indirect_dma source(%dma_start3A_246 : memref<10240x128xf32, #tpu.memory_space<hbm>>) target(%dma_start3A_240 : memref<32x128xf32, #tpu.memory_space<vmem>>) offsets(%dma_start3A_243 : memref<32xi32, #tpu.memory_space<vmem>>) semaphore(%arg13 : memref<!tpu.dma_semaphore, #tpu.memory_space<semaphore_mem>>)
      } else {
      }
      %add3A_129 = arith.constant 2 : i32
      %add3A_130 = arith.addi %add3A_86, %add3A_129 : i32
      %lt3A_131 = arith.cmpi slt, %add3A_130, %select_n3A_8 : i32
      %convert_element_type3A_132 = arith.extui %lt3A_131 : i1 to i32
      %cond3A_133 = arith.constant 0 : i32
      %cond3A_134 = arith.cmpi ne, %convert_element_type3A_132, %cond3A_133 : i32
      scf.if %cond3A_134 {
        %add3A_191 = arith.addi %select_n3A, %add3A_86 : i32
        %add3A_192 = arith.constant 2 : i32
        %add3A_193 = arith.addi %add3A_191, %add3A_192 : i32
        %dma_start3A_194 = arith.constant 0 : i32
        %dma_start3A_195 = arith.constant 0 : i32
        %dma_start3A_196 = tpu.memref_slice %arg7[%dma_start3A_194, %dma_start3A_195] : memref<2x128xi32, #tpu.memory_space<vmem>> -> memref<1x128xi32, #tpu.memory_space<vmem>>
        %dma_start3A_197 = tpu.memref_squeeze %dma_start3A_196 : memref<1x128xi32, #tpu.memory_space<vmem>> -> memref<128xi32, #tpu.memory_space<vmem>>
        %dma_start3A_198 = arith.constant 0 : i32
        %dma_start3A_199 = tpu.memref_slice %arg3[%add3A_193, %dma_start3A_198] : memref<2560x128xi32, #tpu.memory_space<hbm>> -> memref<1x128xi32, #tpu.memory_space<hbm>>
        %dma_start3A_200 = tpu.memref_squeeze %dma_start3A_199 : memref<1x128xi32, #tpu.memory_space<hbm>> -> memref<128xi32, #tpu.memory_space<hbm>>
        %dma_start3A_201 = arith.constant 0 : i32
        %dma_start3A_202 = tpu.memref_slice %arg7[%dma_start3A_194, %dma_start3A_201] : memref<2x128xi32, #tpu.memory_space<vmem>> -> memref<1x128xi32, #tpu.memory_space<vmem>>
        %dma_start3A_203 = tpu.memref_squeeze %dma_start3A_202 : memref<1x128xi32, #tpu.memory_space<vmem>> -> memref<128xi32, #tpu.memory_space<vmem>>
        %dma_start3A_204 = arith.constant 0 : i32
        %dma_start3A_205 = tpu.memref_slice %arg3[%add3A_193, %dma_start3A_204] : memref<2560x128xi32, #tpu.memory_space<hbm>> -> memref<1x128xi32, #tpu.memory_space<hbm>>
        %dma_start3A_206 = tpu.memref_squeeze %dma_start3A_205 : memref<1x128xi32, #tpu.memory_space<hbm>> -> memref<128xi32, #tpu.memory_space<hbm>>
        tpu.enqueue_dma source(%dma_start3A_206 : memref<128xi32, #tpu.memory_space<hbm>>) target(%dma_start3A_203 : memref<128xi32, #tpu.memory_space<vmem>>) target_semaphore(%arg14 : memref<!tpu.dma_semaphore, #tpu.memory_space<semaphore_mem>>)
      } else {
      }
      "tpu.region"() ({
        %run_scoped3A_191 = tpu.sem_alloc : memref<!tpu.dma_semaphore, #tpu.memory_space<semaphore_mem>>
        %dma_start3A_192 = arith.constant 0 : i32
        %dma_start3A_193 = tpu.memref_slice %arg8[%add3A_86, %dma_start3A_192] : memref<120x128xi32, #tpu.memory_space<vmem>> -> memref<1x128xi32, #tpu.memory_space<vmem>>
        %dma_start3A_194 = tpu.memref_squeeze %dma_start3A_193 : memref<1x128xi32, #tpu.memory_space<vmem>> -> memref<128xi32, #tpu.memory_space<vmem>>
        %dma_start3A_195 = arith.constant 0 : i32
        %dma_start3A_196 = arith.constant 0 : i32
        %dma_start3A_197 = tpu.memref_slice %arg11[%dma_start3A_195, %dma_start3A_196] : memref<10240x128xf32, #tpu.memory_space<vmem_shared>> -> memref<10240x128xf32, #tpu.memory_space<vmem_shared>>
        tpu.enqueue_indirect_dma source(%arg9 : memref<128x128xf32, #tpu.memory_space<vmem>>) target(%dma_start3A_197 : memref<10240x128xf32, #tpu.memory_space<vmem_shared>>) offsets(%dma_start3A_194 : memref<128xi32, #tpu.memory_space<vmem>>) semaphore(%run_scoped3A_191 : memref<!tpu.dma_semaphore, #tpu.memory_space<semaphore_mem>>) {add = true}
        %dma_wait3A_198 = arith.constant 0 : i32
        %dma_wait3A_199 = tpu.memref_slice %arg8[%add3A_86, %dma_wait3A_198] : memref<120x128xi32, #tpu.memory_space<vmem>> -> memref<1x128xi32, #tpu.memory_space<vmem>>
        %dma_wait3A_200 = tpu.memref_squeeze %dma_wait3A_199 : memref<1x128xi32, #tpu.memory_space<vmem>> -> memref<128xi32, #tpu.memory_space<vmem>>
        %dma_wait3A_201 = arith.constant 0 : i32
        %dma_wait3A_202 = arith.constant 0 : i32
        %dma_wait3A_203 = tpu.memref_slice %arg11[%dma_wait3A_201, %dma_wait3A_202] : memref<10240x128xf32, #tpu.memory_space<vmem_shared>> -> memref<10240x128xf32, #tpu.memory_space<vmem_shared>>
        tpu.wait_indirect_dma semaphore(%run_scoped3A_191 : memref<!tpu.dma_semaphore, #tpu.memory_space<semaphore_mem>>) src(%arg9 : memref<128x128xf32, #tpu.memory_space<vmem>>) dst(%dma_wait3A_203 : memref<10240x128xf32, #tpu.memory_space<vmem_shared>>)
        tpu.yield
      }) : () -> ()
      %mul3A_135 = arith.constant 2 : i32
      %mul3A_136 = arith.muli %while3A_82, %mul3A_135 : i32
      %add3A_137 = arith.constant 1 : i32
      %add3A_138 = arith.addi %mul3A_136, %add3A_137 : i32
      %dma_wait3A_139 = arith.constant 1 : i32
      %dma_wait3A_140 = arith.constant 0 : i32
      %dma_wait3A_141 = arith.constant 0 : i32
      %dma_wait3A_142 = tpu.memref_slice %arg10[%dma_wait3A_140, %dma_wait3A_141] : memref<128x128xf32, #tpu.memory_space<vmem>> -> memref<32x128xf32, #tpu.memory_space<vmem>>
      %dma_wait3A_143 = arith.constant 0 : i32
      %dma_wait3A_144 = tpu.memref_slice %arg7[%dma_wait3A_139, %dma_wait3A_143] : memref<2x128xi32, #tpu.memory_space<vmem>> -> memref<1x32xi32, #tpu.memory_space<vmem>>
      %dma_wait3A_145 = tpu.memref_squeeze %dma_wait3A_144 : memref<1x32xi32, #tpu.memory_space<vmem>> -> memref<32xi32, #tpu.memory_space<vmem>>
      %dma_wait3A_146 = arith.constant 0 : i32
      %dma_wait3A_147 = arith.constant 0 : i32
      %dma_wait3A_148 = tpu.memref_slice %arg2[%dma_wait3A_146, %dma_wait3A_147] : memref<10240x128xf32, #tpu.memory_space<hbm>> -> memref<10240x128xf32, #tpu.memory_space<hbm>>
      tpu.wait_indirect_dma semaphore(%arg13 : memref<!tpu.dma_semaphore, #tpu.memory_space<semaphore_mem>>) src(%dma_wait3A_148 : memref<10240x128xf32, #tpu.memory_space<hbm>>) dst(%dma_wait3A_142 : memref<32x128xf32, #tpu.memory_space<vmem>>)
      %dma_wait3A_149 = arith.constant 1 : i32
      %dma_wait3A_150 = arith.constant 32 : i32
      %dma_wait3A_151 = arith.constant 0 : i32
      %dma_wait3A_152 = tpu.memref_slice %arg10[%dma_wait3A_150, %dma_wait3A_151] : memref<128x128xf32, #tpu.memory_space<vmem>> -> memref<32x128xf32, #tpu.memory_space<vmem>>
      %dma_wait3A_153 = arith.constant 32 : i32
      %dma_wait3A_154 = tpu.memref_slice %arg7[%dma_wait3A_149, %dma_wait3A_153] : memref<2x128xi32, #tpu.memory_space<vmem>> -> memref<1x32xi32, #tpu.memory_space<vmem>>
      %dma_wait3A_155 = tpu.memref_squeeze %dma_wait3A_154 : memref<1x32xi32, #tpu.memory_space<vmem>> -> memref<32xi32, #tpu.memory_space<vmem>>
      %dma_wait3A_156 = arith.constant 0 : i32
      %dma_wait3A_157 = arith.constant 0 : i32
      %dma_wait3A_158 = tpu.memref_slice %arg2[%dma_wait3A_156, %dma_wait3A_157] : memref<10240x128xf32, #tpu.memory_space<hbm>> -> memref<10240x128xf32, #tpu.memory_space<hbm>>
      tpu.wait_indirect_dma semaphore(%arg13 : memref<!tpu.dma_semaphore, #tpu.memory_space<semaphore_mem>>) src(%dma_wait3A_158 : memref<10240x128xf32, #tpu.memory_space<hbm>>) dst(%dma_wait3A_152 : memref<32x128xf32, #tpu.memory_space<vmem>>)
      %dma_wait3A_159 = arith.constant 1 : i32
      %dma_wait3A_160 = arith.constant 64 : i32
      %dma_wait3A_161 = arith.constant 0 : i32
      %dma_wait3A_162 = tpu.memref_slice %arg10[%dma_wait3A_160, %dma_wait3A_161] : memref<128x128xf32, #tpu.memory_space<vmem>> -> memref<32x128xf32, #tpu.memory_space<vmem>>
      %dma_wait3A_163 = arith.constant 64 : i32
      %dma_wait3A_164 = tpu.memref_slice %arg7[%dma_wait3A_159, %dma_wait3A_163] : memref<2x128xi32, #tpu.memory_space<vmem>> -> memref<1x32xi32, #tpu.memory_space<vmem>>
      %dma_wait3A_165 = tpu.memref_squeeze %dma_wait3A_164 : memref<1x32xi32, #tpu.memory_space<vmem>> -> memref<32xi32, #tpu.memory_space<vmem>>
      %dma_wait3A_166 = arith.constant 0 : i32
      %dma_wait3A_167 = arith.constant 0 : i32
      %dma_wait3A_168 = tpu.memref_slice %arg2[%dma_wait3A_166, %dma_wait3A_167] : memref<10240x128xf32, #tpu.memory_space<hbm>> -> memref<10240x128xf32, #tpu.memory_space<hbm>>
      tpu.wait_indirect_dma semaphore(%arg13 : memref<!tpu.dma_semaphore, #tpu.memory_space<semaphore_mem>>) src(%dma_wait3A_168 : memref<10240x128xf32, #tpu.memory_space<hbm>>) dst(%dma_wait3A_162 : memref<32x128xf32, #tpu.memory_space<vmem>>)
      %dma_wait3A_169 = arith.constant 1 : i32
      %dma_wait3A_170 = arith.constant 96 : i32
      %dma_wait3A_171 = arith.constant 0 : i32
      %dma_wait3A_172 = tpu.memref_slice %arg10[%dma_wait3A_170, %dma_wait3A_171] : memref<128x128xf32, #tpu.memory_space<vmem>> -> memref<32x128xf32, #tpu.memory_space<vmem>>
      %dma_wait3A_173 = arith.constant 96 : i32
      %dma_wait3A_174 = tpu.memref_slice %arg7[%dma_wait3A_169, %dma_wait3A_173] : memref<2x128xi32, #tpu.memory_space<vmem>> -> memref<1x32xi32, #tpu.memory_space<vmem>>
      %dma_wait3A_175 = tpu.memref_squeeze %dma_wait3A_174 : memref<1x32xi32, #tpu.memory_space<vmem>> -> memref<32xi32, #tpu.memory_space<vmem>>
      %dma_wait3A_176 = arith.constant 0 : i32
      %dma_wait3A_177 = arith.constant 0 : i32
      %dma_wait3A_178 = tpu.memref_slice %arg2[%dma_wait3A_176, %dma_wait3A_177] : memref<10240x128xf32, #tpu.memory_space<hbm>> -> memref<10240x128xf32, #tpu.memory_space<hbm>>
      tpu.wait_indirect_dma semaphore(%arg13 : memref<!tpu.dma_semaphore, #tpu.memory_space<semaphore_mem>>) src(%dma_wait3A_178 : memref<10240x128xf32, #tpu.memory_space<hbm>>) dst(%dma_wait3A_172 : memref<32x128xf32, #tpu.memory_space<vmem>>)
      %add3A_179 = arith.constant 1 : i32
      %add3A_180 = arith.addi %add3A_138, %add3A_179 : i32
      %lt3A_181 = arith.cmpi slt, %add3A_180, %select_n3A_8 : i32
      %convert_element_type3A_182 = arith.extui %lt3A_181 : i1 to i32
      %cond3A_183 = arith.constant 0 : i32
      %cond3A_184 = arith.cmpi ne, %convert_element_type3A_182, %cond3A_183 : i32
      scf.if %cond3A_184 {
        %add3A_191 = arith.addi %select_n3A, %add3A_138 : i32
        %add3A_192 = arith.constant 1 : i32
        %add3A_193 = arith.addi %add3A_191, %add3A_192 : i32
        %dma_wait3A_194 = arith.constant 0 : i32
        %dma_wait3A_195 = arith.constant 0 : i32
        %dma_wait3A_196 = tpu.memref_slice %arg7[%dma_wait3A_194, %dma_wait3A_195] : memref<2x128xi32, #tpu.memory_space<vmem>> -> memref<1x128xi32, #tpu.memory_space<vmem>>
        %dma_wait3A_197 = tpu.memref_squeeze %dma_wait3A_196 : memref<1x128xi32, #tpu.memory_space<vmem>> -> memref<128xi32, #tpu.memory_space<vmem>>
        %dma_wait3A_198 = arith.constant 0 : i32
        %dma_wait3A_199 = tpu.memref_slice %arg3[%add3A_193, %dma_wait3A_198] : memref<2560x128xi32, #tpu.memory_space<hbm>> -> memref<1x128xi32, #tpu.memory_space<hbm>>
        %dma_wait3A_200 = tpu.memref_squeeze %dma_wait3A_199 : memref<1x128xi32, #tpu.memory_space<hbm>> -> memref<128xi32, #tpu.memory_space<hbm>>
        %dma_wait3A_201 = arith.constant 0 : i32
        %dma_wait3A_202 = tpu.memref_slice %arg7[%dma_wait3A_194, %dma_wait3A_201] : memref<2x128xi32, #tpu.memory_space<vmem>> -> memref<1x128xi32, #tpu.memory_space<vmem>>
        %dma_wait3A_203 = tpu.memref_squeeze %dma_wait3A_202 : memref<1x128xi32, #tpu.memory_space<vmem>> -> memref<128xi32, #tpu.memory_space<vmem>>
        %dma_wait3A_204 = arith.constant 0 : i32
        %dma_wait3A_205 = tpu.memref_slice %arg3[%add3A_193, %dma_wait3A_204] : memref<2560x128xi32, #tpu.memory_space<hbm>> -> memref<1x128xi32, #tpu.memory_space<hbm>>
        %dma_wait3A_206 = tpu.memref_squeeze %dma_wait3A_205 : memref<1x128xi32, #tpu.memory_space<hbm>> -> memref<128xi32, #tpu.memory_space<hbm>>
        tpu.wait_dma2 semaphore(%arg14 : memref<!tpu.dma_semaphore, #tpu.memory_space<semaphore_mem>>) src(%dma_wait3A_206 : memref<128xi32, #tpu.memory_space<hbm>>) dst(%dma_wait3A_203 : memref<128xi32, #tpu.memory_space<vmem>>)
        %dma_start3A_207 = arith.constant 0 : i32
        %dma_start3A_208 = arith.constant 0 : i32
        %dma_start3A_209 = arith.constant 0 : i32
        %dma_start3A_210 = tpu.memref_slice %arg9[%dma_start3A_208, %dma_start3A_209] : memref<128x128xf32, #tpu.memory_space<vmem>> -> memref<32x128xf32, #tpu.memory_space<vmem>>
        %dma_start3A_211 = arith.constant 0 : i32
        %dma_start3A_212 = tpu.memref_slice %arg7[%dma_start3A_207, %dma_start3A_211] : memref<2x128xi32, #tpu.memory_space<vmem>> -> memref<1x32xi32, #tpu.memory_space<vmem>>
        %dma_start3A_213 = tpu.memref_squeeze %dma_start3A_212 : memref<1x32xi32, #tpu.memory_space<vmem>> -> memref<32xi32, #tpu.memory_space<vmem>>
        %dma_start3A_214 = arith.constant 0 : i32
        %dma_start3A_215 = arith.constant 0 : i32
        %dma_start3A_216 = tpu.memref_slice %arg2[%dma_start3A_214, %dma_start3A_215] : memref<10240x128xf32, #tpu.memory_space<hbm>> -> memref<10240x128xf32, #tpu.memory_space<hbm>>
        tpu.enqueue_indirect_dma source(%dma_start3A_216 : memref<10240x128xf32, #tpu.memory_space<hbm>>) target(%dma_start3A_210 : memref<32x128xf32, #tpu.memory_space<vmem>>) offsets(%dma_start3A_213 : memref<32xi32, #tpu.memory_space<vmem>>) semaphore(%arg12 : memref<!tpu.dma_semaphore, #tpu.memory_space<semaphore_mem>>)
        %dma_start3A_217 = arith.constant 0 : i32
        %dma_start3A_218 = arith.constant 32 : i32
        %dma_start3A_219 = arith.constant 0 : i32
        %dma_start3A_220 = tpu.memref_slice %arg9[%dma_start3A_218, %dma_start3A_219] : memref<128x128xf32, #tpu.memory_space<vmem>> -> memref<32x128xf32, #tpu.memory_space<vmem>>
        %dma_start3A_221 = arith.constant 32 : i32
        %dma_start3A_222 = tpu.memref_slice %arg7[%dma_start3A_217, %dma_start3A_221] : memref<2x128xi32, #tpu.memory_space<vmem>> -> memref<1x32xi32, #tpu.memory_space<vmem>>
        %dma_start3A_223 = tpu.memref_squeeze %dma_start3A_222 : memref<1x32xi32, #tpu.memory_space<vmem>> -> memref<32xi32, #tpu.memory_space<vmem>>
        %dma_start3A_224 = arith.constant 0 : i32
        %dma_start3A_225 = arith.constant 0 : i32
        %dma_start3A_226 = tpu.memref_slice %arg2[%dma_start3A_224, %dma_start3A_225] : memref<10240x128xf32, #tpu.memory_space<hbm>> -> memref<10240x128xf32, #tpu.memory_space<hbm>>
        tpu.enqueue_indirect_dma source(%dma_start3A_226 : memref<10240x128xf32, #tpu.memory_space<hbm>>) target(%dma_start3A_220 : memref<32x128xf32, #tpu.memory_space<vmem>>) offsets(%dma_start3A_223 : memref<32xi32, #tpu.memory_space<vmem>>) semaphore(%arg12 : memref<!tpu.dma_semaphore, #tpu.memory_space<semaphore_mem>>)
        %dma_start3A_227 = arith.constant 0 : i32
        %dma_start3A_228 = arith.constant 64 : i32
        %dma_start3A_229 = arith.constant 0 : i32
        %dma_start3A_230 = tpu.memref_slice %arg9[%dma_start3A_228, %dma_start3A_229] : memref<128x128xf32, #tpu.memory_space<vmem>> -> memref<32x128xf32, #tpu.memory_space<vmem>>
        %dma_start3A_231 = arith.constant 64 : i32
        %dma_start3A_232 = tpu.memref_slice %arg7[%dma_start3A_227, %dma_start3A_231] : memref<2x128xi32, #tpu.memory_space<vmem>> -> memref<1x32xi32, #tpu.memory_space<vmem>>
        %dma_start3A_233 = tpu.memref_squeeze %dma_start3A_232 : memref<1x32xi32, #tpu.memory_space<vmem>> -> memref<32xi32, #tpu.memory_space<vmem>>
        %dma_start3A_234 = arith.constant 0 : i32
        %dma_start3A_235 = arith.constant 0 : i32
        %dma_start3A_236 = tpu.memref_slice %arg2[%dma_start3A_234, %dma_start3A_235] : memref<10240x128xf32, #tpu.memory_space<hbm>> -> memref<10240x128xf32, #tpu.memory_space<hbm>>
        tpu.enqueue_indirect_dma source(%dma_start3A_236 : memref<10240x128xf32, #tpu.memory_space<hbm>>) target(%dma_start3A_230 : memref<32x128xf32, #tpu.memory_space<vmem>>) offsets(%dma_start3A_233 : memref<32xi32, #tpu.memory_space<vmem>>) semaphore(%arg12 : memref<!tpu.dma_semaphore, #tpu.memory_space<semaphore_mem>>)
        %dma_start3A_237 = arith.constant 0 : i32
        %dma_start3A_238 = arith.constant 96 : i32
        %dma_start3A_239 = arith.constant 0 : i32
        %dma_start3A_240 = tpu.memref_slice %arg9[%dma_start3A_238, %dma_start3A_239] : memref<128x128xf32, #tpu.memory_space<vmem>> -> memref<32x128xf32, #tpu.memory_space<vmem>>
        %dma_start3A_241 = arith.constant 96 : i32
        %dma_start3A_242 = tpu.memref_slice %arg7[%dma_start3A_237, %dma_start3A_241] : memref<2x128xi32, #tpu.memory_space<vmem>> -> memref<1x32xi32, #tpu.memory_space<vmem>>
        %dma_start3A_243 = tpu.memref_squeeze %dma_start3A_242 : memref<1x32xi32, #tpu.memory_space<vmem>> -> memref<32xi32, #tpu.memory_space<vmem>>
        %dma_start3A_244 = arith.constant 0 : i32
        %dma_start3A_245 = arith.constant 0 : i32
        %dma_start3A_246 = tpu.memref_slice %arg2[%dma_start3A_244, %dma_start3A_245] : memref<10240x128xf32, #tpu.memory_space<hbm>> -> memref<10240x128xf32, #tpu.memory_space<hbm>>
        tpu.enqueue_indirect_dma source(%dma_start3A_246 : memref<10240x128xf32, #tpu.memory_space<hbm>>) target(%dma_start3A_240 : memref<32x128xf32, #tpu.memory_space<vmem>>) offsets(%dma_start3A_243 : memref<32xi32, #tpu.memory_space<vmem>>) semaphore(%arg12 : memref<!tpu.dma_semaphore, #tpu.memory_space<semaphore_mem>>)
      } else {
      }
      %add3A_185 = arith.constant 2 : i32
      %add3A_186 = arith.addi %add3A_138, %add3A_185 : i32
      %lt3A_187 = arith.cmpi slt, %add3A_186, %select_n3A_8 : i32
      %convert_element_type3A_188 = arith.extui %lt3A_187 : i1 to i32
      %cond3A_189 = arith.constant 0 : i32
      %cond3A_190 = arith.cmpi ne, %convert_element_type3A_188, %cond3A_189 : i32
      scf.if %cond3A_190 {
        %add3A_191 = arith.addi %select_n3A, %add3A_138 : i32
        %add3A_192 = arith.constant 2 : i32
        %add3A_193 = arith.addi %add3A_191, %add3A_192 : i32
        %dma_start3A_194 = arith.constant 1 : i32
        %dma_start3A_195 = arith.constant 0 : i32
        %dma_start3A_196 = tpu.memref_slice %arg7[%dma_start3A_194, %dma_start3A_195] : memref<2x128xi32, #tpu.memory_space<vmem>> -> memref<1x128xi32, #tpu.memory_space<vmem>>
        %dma_start3A_197 = tpu.memref_squeeze %dma_start3A_196 : memref<1x128xi32, #tpu.memory_space<vmem>> -> memref<128xi32, #tpu.memory_space<vmem>>
        %dma_start3A_198 = arith.constant 0 : i32
        %dma_start3A_199 = tpu.memref_slice %arg3[%add3A_193, %dma_start3A_198] : memref<2560x128xi32, #tpu.memory_space<hbm>> -> memref<1x128xi32, #tpu.memory_space<hbm>>
        %dma_start3A_200 = tpu.memref_squeeze %dma_start3A_199 : memref<1x128xi32, #tpu.memory_space<hbm>> -> memref<128xi32, #tpu.memory_space<hbm>>
        %dma_start3A_201 = arith.constant 0 : i32
        %dma_start3A_202 = tpu.memref_slice %arg7[%dma_start3A_194, %dma_start3A_201] : memref<2x128xi32, #tpu.memory_space<vmem>> -> memref<1x128xi32, #tpu.memory_space<vmem>>
        %dma_start3A_203 = tpu.memref_squeeze %dma_start3A_202 : memref<1x128xi32, #tpu.memory_space<vmem>> -> memref<128xi32, #tpu.memory_space<vmem>>
        %dma_start3A_204 = arith.constant 0 : i32
        %dma_start3A_205 = tpu.memref_slice %arg3[%add3A_193, %dma_start3A_204] : memref<2560x128xi32, #tpu.memory_space<hbm>> -> memref<1x128xi32, #tpu.memory_space<hbm>>
        %dma_start3A_206 = tpu.memref_squeeze %dma_start3A_205 : memref<1x128xi32, #tpu.memory_space<hbm>> -> memref<128xi32, #tpu.memory_space<hbm>>
        tpu.enqueue_dma source(%dma_start3A_206 : memref<128xi32, #tpu.memory_space<hbm>>) target(%dma_start3A_203 : memref<128xi32, #tpu.memory_space<vmem>>) target_semaphore(%arg15 : memref<!tpu.dma_semaphore, #tpu.memory_space<semaphore_mem>>)
      } else {
      }
      "tpu.region"() ({
        %run_scoped3A_191 = tpu.sem_alloc : memref<!tpu.dma_semaphore, #tpu.memory_space<semaphore_mem>>
        %dma_start3A_192 = arith.constant 0 : i32
        %dma_start3A_193 = tpu.memref_slice %arg8[%add3A_138, %dma_start3A_192] : memref<120x128xi32, #tpu.memory_space<vmem>> -> memref<1x128xi32, #tpu.memory_space<vmem>>
        %dma_start3A_194 = tpu.memref_squeeze %dma_start3A_193 : memref<1x128xi32, #tpu.memory_space<vmem>> -> memref<128xi32, #tpu.memory_space<vmem>>
        %dma_start3A_195 = arith.constant 0 : i32
        %dma_start3A_196 = arith.constant 0 : i32
        %dma_start3A_197 = tpu.memref_slice %arg11[%dma_start3A_195, %dma_start3A_196] : memref<10240x128xf32, #tpu.memory_space<vmem_shared>> -> memref<10240x128xf32, #tpu.memory_space<vmem_shared>>
        tpu.enqueue_indirect_dma source(%arg10 : memref<128x128xf32, #tpu.memory_space<vmem>>) target(%dma_start3A_197 : memref<10240x128xf32, #tpu.memory_space<vmem_shared>>) offsets(%dma_start3A_194 : memref<128xi32, #tpu.memory_space<vmem>>) semaphore(%run_scoped3A_191 : memref<!tpu.dma_semaphore, #tpu.memory_space<semaphore_mem>>) {add = true}
        %dma_wait3A_198 = arith.constant 0 : i32
        %dma_wait3A_199 = tpu.memref_slice %arg8[%add3A_138, %dma_wait3A_198] : memref<120x128xi32, #tpu.memory_space<vmem>> -> memref<1x128xi32, #tpu.memory_space<vmem>>
        %dma_wait3A_200 = tpu.memref_squeeze %dma_wait3A_199 : memref<1x128xi32, #tpu.memory_space<vmem>> -> memref<128xi32, #tpu.memory_space<vmem>>
        %dma_wait3A_201 = arith.constant 0 : i32
        %dma_wait3A_202 = arith.constant 0 : i32
        %dma_wait3A_203 = tpu.memref_slice %arg11[%dma_wait3A_201, %dma_wait3A_202] : memref<10240x128xf32, #tpu.memory_space<vmem_shared>> -> memref<10240x128xf32, #tpu.memory_space<vmem_shared>>
        tpu.wait_indirect_dma semaphore(%run_scoped3A_191 : memref<!tpu.dma_semaphore, #tpu.memory_space<semaphore_mem>>) src(%arg10 : memref<128x128xf32, #tpu.memory_space<vmem>>) dst(%dma_wait3A_203 : memref<10240x128xf32, #tpu.memory_space<vmem_shared>>)
        tpu.yield
      }) : () -> ()
    }
    %barrier3A_77 = arith.constant 0 : index
    tpu.barrier barrier_id(%barrier3A_77)
    %mul3A_78 = arith.constant 640 : i32
    %mul3A_79 = arith.muli %arg1, %mul3A_78 : i32
    %mul3A_80 = arith.constant 640 : i32
    %mul3A_81 = arith.muli %arg1, %mul3A_80 : i32
    "tpu.region"() ({
      %run_scoped3A_82 = tpu.sem_alloc : memref<!tpu.dma_semaphore, #tpu.memory_space<semaphore_mem>>
      %dma_start3A_83 = arith.constant 0 : i32
      %dma_start3A_84 = tpu.memref_slice %arg6[%arg0, %mul3A_81, %dma_start3A_83] : memref<2x10240x128xf32, #tpu.memory_space<hbm>> -> memref<1x640x128xf32, #tpu.memory_space<hbm>>
      %dma_start3A_85 = tpu.memref_squeeze %dma_start3A_84 : memref<1x640x128xf32, #tpu.memory_space<hbm>> -> memref<640x128xf32, #tpu.memory_space<hbm>>
      %dma_start3A_86 = arith.constant 0 : i32
      %dma_start3A_87 = tpu.memref_slice %arg11[%mul3A_79, %dma_start3A_86] : memref<10240x128xf32, #tpu.memory_space<vmem_shared>> -> memref<640x128xf32, #tpu.memory_space<vmem_shared>>
      tpu.enqueue_dma source(%dma_start3A_87 : memref<640x128xf32, #tpu.memory_space<vmem_shared>>) target(%dma_start3A_85 : memref<640x128xf32, #tpu.memory_space<hbm>>) target_semaphore(%run_scoped3A_82 : memref<!tpu.dma_semaphore, #tpu.memory_space<semaphore_mem>>)
      %dma_wait3A = arith.constant 0 : i32
      %dma_wait3A_88 = tpu.memref_slice %arg6[%arg0, %mul3A_81, %dma_wait3A] : memref<2x10240x128xf32, #tpu.memory_space<hbm>> -> memref<1x640x128xf32, #tpu.memory_space<hbm>>
      %dma_wait3A_89 = tpu.memref_squeeze %dma_wait3A_88 : memref<1x640x128xf32, #tpu.memory_space<hbm>> -> memref<640x128xf32, #tpu.memory_space<hbm>>
      %dma_wait3A_90 = arith.constant 0 : i32
      %dma_wait3A_91 = tpu.memref_slice %arg11[%mul3A_79, %dma_wait3A_90] : memref<10240x128xf32, #tpu.memory_space<vmem_shared>> -> memref<640x128xf32, #tpu.memory_space<vmem_shared>>
      tpu.wait_dma2 semaphore(%run_scoped3A_82 : memref<!tpu.dma_semaphore, #tpu.memory_space<semaphore_mem>>) src(%dma_wait3A_91 : memref<640x128xf32, #tpu.memory_space<vmem_shared>>) dst(%dma_wait3A_89 : memref<640x128xf32, #tpu.memory_space<hbm>>)
      tpu.yield
    }) : () -> ()
    return
  }
}

#map = affine_map<(d0, d1) -> (0, 0)>
#map1 = affine_map<(d0, d1) -> (0, 0, 0)>
module attributes {stable_mosaic.version = 14 : i64} {
  func.func @_sc_scatter_body(%arg0: i32, %arg1: i32, %arg2: memref<10240x128xf32, #tpu.memory_space<hbm>>, %arg3: memref<2560x128xi32, #tpu.memory_space<hbm>>, %arg4: memref<2560x128xi32, #tpu.memory_space<hbm>>, %arg5: memref<10240x128xf32, #tpu.memory_space<hbm>>, %arg6: memref<2x10240x128xf32, #tpu.memory_space<hbm>>, %arg7: memref<2x128xi32, #tpu.memory_space<vmem>>, %arg8: memref<120x128xi32, #tpu.memory_space<vmem>>, %arg9: memref<128x128xf32, #tpu.memory_space<vmem>>, %arg10: memref<128x128xf32, #tpu.memory_space<vmem>>, %arg11: memref<10240x128xf32, #tpu.memory_space<vmem_shared>>, %arg12: memref<!tpu.dma_semaphore, #tpu.memory_space<semaphore_mem>>, %arg13: memref<!tpu.dma_semaphore, #tpu.memory_space<semaphore_mem>>, %arg14: memref<!tpu.dma_semaphore, #tpu.memory_space<semaphore_mem>>, %arg15: memref<!tpu.dma_semaphore, #tpu.memory_space<semaphore_mem>>) attributes {dimension_semantics = [#tpu.dimension_semantics<core_parallel>, #tpu.dimension_semantics<subcore_parallel>], iteration_bounds = array<i64: 2, 16>, scalar_prefetch = 0 : i64, scratch_operands = 9 : i64, tpu.core_type = #tpu.core_type<sc_vector_subcore>, window_params = [{transform_indices = #map}, {transform_indices = #map}, {transform_indices = #map}, {transform_indices = #map}, {transform_indices = #map1}]} {
    %eq3A = arith.constant 0 : i32
    %eq3A_0 = arith.cmpi eq, %arg0, %eq3A : i32
    %mul3A = arith.constant 40 : i32
    %mul3A_1 = arith.muli %arg1, %mul3A : i32
    %mul3A_2 = arith.constant 120 : i32
    %mul3A_3 = arith.muli %arg1, %mul3A_2 : i32
    %add3A = arith.constant 640 : i32
    %add3A_4 = arith.addi %add3A, %mul3A_3 : i32
    %select_n3A = arith.select %eq3A_0, %mul3A_1, %add3A_4 : i32
    %eq3A_5 = arith.constant 0 : i32
    %eq3A_6 = arith.cmpi eq, %arg0, %eq3A_5 : i32
    %jit3A = arith.constant 40 : i32
    %jit3A_7 = arith.constant 120 : i32
    %select_n3A_8 = arith.select %eq3A_6, %jit3A, %jit3A_7 : i32
    %mul3A_9 = arith.constant 640 : i32
    %mul3A_10 = arith.muli %arg1, %mul3A_9 : i32
    %mul3A_11 = arith.constant 640 : i32
    %mul3A_12 = arith.muli %arg1, %mul3A_11 : i32
    "tpu.region"() ({
      %run_scoped3A_82 = tpu.sem_alloc : memref<!tpu.dma_semaphore, #tpu.memory_space<semaphore_mem>>
      %dma_start3A_83 = arith.constant 0 : i32
      %dma_start3A_84 = tpu.memref_slice %arg11[%mul3A_12, %dma_start3A_83] : memref<10240x128xf32, #tpu.memory_space<vmem_shared>> -> memref<640x128xf32, #tpu.memory_space<vmem_shared>>
      %dma_start3A_85 = arith.constant 0 : i32
      %dma_start3A_86 = tpu.memref_slice %arg5[%mul3A_10, %dma_start3A_85] : memref<10240x128xf32, #tpu.memory_space<hbm>> -> memref<640x128xf32, #tpu.memory_space<hbm>>
      tpu.enqueue_dma source(%dma_start3A_86 : memref<640x128xf32, #tpu.memory_space<hbm>>) target(%dma_start3A_84 : memref<640x128xf32, #tpu.memory_space<vmem_shared>>) target_semaphore(%run_scoped3A_82 : memref<!tpu.dma_semaphore, #tpu.memory_space<semaphore_mem>>)
      %dma_wait3A = arith.constant 0 : i32
      %dma_wait3A_87 = tpu.memref_slice %arg11[%mul3A_12, %dma_wait3A] : memref<10240x128xf32, #tpu.memory_space<vmem_shared>> -> memref<640x128xf32, #tpu.memory_space<vmem_shared>>
      %dma_wait3A_88 = arith.constant 0 : i32
      %dma_wait3A_89 = tpu.memref_slice %arg5[%mul3A_10, %dma_wait3A_88] : memref<10240x128xf32, #tpu.memory_space<hbm>> -> memref<640x128xf32, #tpu.memory_space<hbm>>
      tpu.wait_dma2 semaphore(%run_scoped3A_82 : memref<!tpu.dma_semaphore, #tpu.memory_space<semaphore_mem>>) src(%dma_wait3A_89 : memref<640x128xf32, #tpu.memory_space<hbm>>) dst(%dma_wait3A_87 : memref<640x128xf32, #tpu.memory_space<vmem_shared>>)
      tpu.yield
    }) : () -> ()
    "tpu.region"() ({
      %run_scoped3A_82 = tpu.sem_alloc : memref<!tpu.dma_semaphore, #tpu.memory_space<semaphore_mem>>
      %dma_start3A_83 = arith.constant 0 : i32
      %dma_start3A_84 = tpu.memref_slice %arg4[%select_n3A, %dma_start3A_83] : memref<2560x128xi32, #tpu.memory_space<hbm>> -> memref<120x128xi32, #tpu.memory_space<hbm>>
      %dma_start3A_85 = arith.constant 0 : i32
      %dma_start3A_86 = tpu.memref_slice %arg4[%select_n3A, %dma_start3A_85] : memref<2560x128xi32, #tpu.memory_space<hbm>> -> memref<120x128xi32, #tpu.memory_space<hbm>>
      tpu.enqueue_dma source(%dma_start3A_86 : memref<120x128xi32, #tpu.memory_space<hbm>>) target(%arg8 : memref<120x128xi32, #tpu.memory_space<vmem>>) target_semaphore(%run_scoped3A_82 : memref<!tpu.dma_semaphore, #tpu.memory_space<semaphore_mem>>)
      %dma_wait3A = arith.constant 0 : i32
      %dma_wait3A_87 = tpu.memref_slice %arg4[%select_n3A, %dma_wait3A] : memref<2560x128xi32, #tpu.memory_space<hbm>> -> memref<120x128xi32, #tpu.memory_space<hbm>>
      %dma_wait3A_88 = arith.constant 0 : i32
      %dma_wait3A_89 = tpu.memref_slice %arg4[%select_n3A, %dma_wait3A_88] : memref<2560x128xi32, #tpu.memory_space<hbm>> -> memref<120x128xi32, #tpu.memory_space<hbm>>
      tpu.wait_dma2 semaphore(%run_scoped3A_82 : memref<!tpu.dma_semaphore, #tpu.memory_space<semaphore_mem>>) src(%dma_wait3A_89 : memref<120x128xi32, #tpu.memory_space<hbm>>) dst(%arg8 : memref<120x128xi32, #tpu.memory_space<vmem>>)
      tpu.yield
    }) : () -> ()
    %run_scoped3A = arith.constant 0 : i32
    "tpu.region"() ({
      %run_scoped3A_82 = tpu.sem_alloc : memref<!tpu.dma_semaphore, #tpu.memory_space<semaphore_mem>>
      %dma_start3A_83 = arith.constant 0 : i32
      %dma_start3A_84 = tpu.memref_slice %arg7[%run_scoped3A, %dma_start3A_83] : memref<2x128xi32, #tpu.memory_space<vmem>> -> memref<1x128xi32, #tpu.memory_space<vmem>>
      %dma_start3A_85 = tpu.memref_squeeze %dma_start3A_84 : memref<1x128xi32, #tpu.memory_space<vmem>> -> memref<128xi32, #tpu.memory_space<vmem>>
      %dma_start3A_86 = arith.constant 0 : i32
      %dma_start3A_87 = tpu.memref_slice %arg3[%select_n3A, %dma_start3A_86] : memref<2560x128xi32, #tpu.memory_space<hbm>> -> memref<1x128xi32, #tpu.memory_space<hbm>>
      %dma_start3A_88 = tpu.memref_squeeze %dma_start3A_87 : memref<1x128xi32, #tpu.memory_space<hbm>> -> memref<128xi32, #tpu.memory_space<hbm>>
      %dma_start3A_89 = arith.constant 0 : i32
      %dma_start3A_90 = tpu.memref_slice %arg7[%run_scoped3A, %dma_start3A_89] : memref<2x128xi32, #tpu.memory_space<vmem>> -> memref<1x128xi32, #tpu.memory_space<vmem>>
      %dma_start3A_91 = tpu.memref_squeeze %dma_start3A_90 : memref<1x128xi32, #tpu.memory_space<vmem>> -> memref<128xi32, #tpu.memory_space<vmem>>
      %dma_start3A_92 = arith.constant 0 : i32
      %dma_start3A_93 = tpu.memref_slice %arg3[%select_n3A, %dma_start3A_92] : memref<2560x128xi32, #tpu.memory_space<hbm>> -> memref<1x128xi32, #tpu.memory_space<hbm>>
      %dma_start3A_94 = tpu.memref_squeeze %dma_start3A_93 : memref<1x128xi32, #tpu.memory_space<hbm>> -> memref<128xi32, #tpu.memory_space<hbm>>
      tpu.enqueue_dma source(%dma_start3A_94 : memref<128xi32, #tpu.memory_space<hbm>>) target(%dma_start3A_91 : memref<128xi32, #tpu.memory_space<vmem>>) target_semaphore(%run_scoped3A_82 : memref<!tpu.dma_semaphore, #tpu.memory_space<semaphore_mem>>)
      %dma_wait3A = arith.constant 0 : i32
      %dma_wait3A_95 = tpu.memref_slice %arg7[%run_scoped3A, %dma_wait3A] : memref<2x128xi32, #tpu.memory_space<vmem>> -> memref<1x128xi32, #tpu.memory_space<vmem>>
      %dma_wait3A_96 = tpu.memref_squeeze %dma_wait3A_95 : memref<1x128xi32, #tpu.memory_space<vmem>> -> memref<128xi32, #tpu.memory_space<vmem>>
      %dma_wait3A_97 = arith.constant 0 : i32
      %dma_wait3A_98 = tpu.memref_slice %arg3[%select_n3A, %dma_wait3A_97] : memref<2560x128xi32, #tpu.memory_space<hbm>> -> memref<1x128xi32, #tpu.memory_space<hbm>>
      %dma_wait3A_99 = tpu.memref_squeeze %dma_wait3A_98 : memref<1x128xi32, #tpu.memory_space<hbm>> -> memref<128xi32, #tpu.memory_space<hbm>>
      %dma_wait3A_100 = arith.constant 0 : i32
      %dma_wait3A_101 = tpu.memref_slice %arg7[%run_scoped3A, %dma_wait3A_100] : memref<2x128xi32, #tpu.memory_space<vmem>> -> memref<1x128xi32, #tpu.memory_space<vmem>>
      %dma_wait3A_102 = tpu.memref_squeeze %dma_wait3A_101 : memref<1x128xi32, #tpu.memory_space<vmem>> -> memref<128xi32, #tpu.memory_space<vmem>>
      %dma_wait3A_103 = arith.constant 0 : i32
      %dma_wait3A_104 = tpu.memref_slice %arg3[%select_n3A, %dma_wait3A_103] : memref<2560x128xi32, #tpu.memory_space<hbm>> -> memref<1x128xi32, #tpu.memory_space<hbm>>
      %dma_wait3A_105 = tpu.memref_squeeze %dma_wait3A_104 : memref<1x128xi32, #tpu.memory_space<hbm>> -> memref<128xi32, #tpu.memory_space<hbm>>
      tpu.wait_dma2 semaphore(%run_scoped3A_82 : memref<!tpu.dma_semaphore, #tpu.memory_space<semaphore_mem>>) src(%dma_wait3A_105 : memref<128xi32, #tpu.memory_space<hbm>>) dst(%dma_wait3A_102 : memref<128xi32, #tpu.memory_space<vmem>>)
      tpu.yield
    }) : () -> ()
    %barrier3A = arith.constant 0 : index
    tpu.barrier barrier_id(%barrier3A)
    %dma_start3A = arith.constant 0 : i32
    %dma_start3A_13 = arith.constant 0 : i32
    %dma_start3A_14 = arith.constant 0 : i32
    %dma_start3A_15 = tpu.memref_slice %arg9[%dma_start3A_13, %dma_start3A_14] : memref<128x128xf32, #tpu.memory_space<vmem>> -> memref<32x128xf32, #tpu.memory_space<vmem>>
    %dma_start3A_16 = arith.constant 0 : i32
    %dma_start3A_17 = tpu.memref_slice %arg7[%dma_start3A, %dma_start3A_16] : memref<2x128xi32, #tpu.memory_space<vmem>> -> memref<1x32xi32, #tpu.memory_space<vmem>>
    %dma_start3A_18 = tpu.memref_squeeze %dma_start3A_17 : memref<1x32xi32, #tpu.memory_space<vmem>> -> memref<32xi32, #tpu.memory_space<vmem>>
    %dma_start3A_19 = arith.constant 0 : i32
    %dma_start3A_20 = arith.constant 0 : i32
    %dma_start3A_21 = tpu.memref_slice %arg2[%dma_start3A_19, %dma_start3A_20] : memref<10240x128xf32, #tpu.memory_space<hbm>> -> memref<10240x128xf32, #tpu.memory_space<hbm>>
    tpu.enqueue_indirect_dma source(%dma_start3A_21 : memref<10240x128xf32, #tpu.memory_space<hbm>>) target(%dma_start3A_15 : memref<32x128xf32, #tpu.memory_space<vmem>>) offsets(%dma_start3A_18 : memref<32xi32, #tpu.memory_space<vmem>>) semaphore(%arg12 : memref<!tpu.dma_semaphore, #tpu.memory_space<semaphore_mem>>)
    %dma_start3A_22 = arith.constant 0 : i32
    %dma_start3A_23 = arith.constant 32 : i32
    %dma_start3A_24 = arith.constant 0 : i32
    %dma_start3A_25 = tpu.memref_slice %arg9[%dma_start3A_23, %dma_start3A_24] : memref<128x128xf32, #tpu.memory_space<vmem>> -> memref<32x128xf32, #tpu.memory_space<vmem>>
    %dma_start3A_26 = arith.constant 32 : i32
    %dma_start3A_27 = tpu.memref_slice %arg7[%dma_start3A_22, %dma_start3A_26] : memref<2x128xi32, #tpu.memory_space<vmem>> -> memref<1x32xi32, #tpu.memory_space<vmem>>
    %dma_start3A_28 = tpu.memref_squeeze %dma_start3A_27 : memref<1x32xi32, #tpu.memory_space<vmem>> -> memref<32xi32, #tpu.memory_space<vmem>>
    %dma_start3A_29 = arith.constant 0 : i32
    %dma_start3A_30 = arith.constant 0 : i32
    %dma_start3A_31 = tpu.memref_slice %arg2[%dma_start3A_29, %dma_start3A_30] : memref<10240x128xf32, #tpu.memory_space<hbm>> -> memref<10240x128xf32, #tpu.memory_space<hbm>>
    tpu.enqueue_indirect_dma source(%dma_start3A_31 : memref<10240x128xf32, #tpu.memory_space<hbm>>) target(%dma_start3A_25 : memref<32x128xf32, #tpu.memory_space<vmem>>) offsets(%dma_start3A_28 : memref<32xi32, #tpu.memory_space<vmem>>) semaphore(%arg12 : memref<!tpu.dma_semaphore, #tpu.memory_space<semaphore_mem>>)
    %dma_start3A_32 = arith.constant 0 : i32
    %dma_start3A_33 = arith.constant 64 : i32
    %dma_start3A_34 = arith.constant 0 : i32
    %dma_start3A_35 = tpu.memref_slice %arg9[%dma_start3A_33, %dma_start3A_34] : memref<128x128xf32, #tpu.memory_space<vmem>> -> memref<32x128xf32, #tpu.memory_space<vmem>>
    %dma_start3A_36 = arith.constant 64 : i32
    %dma_start3A_37 = tpu.memref_slice %arg7[%dma_start3A_32, %dma_start3A_36] : memref<2x128xi32, #tpu.memory_space<vmem>> -> memref<1x32xi32, #tpu.memory_space<vmem>>
    %dma_start3A_38 = tpu.memref_squeeze %dma_start3A_37 : memref<1x32xi32, #tpu.memory_space<vmem>> -> memref<32xi32, #tpu.memory_space<vmem>>
    %dma_start3A_39 = arith.constant 0 : i32
    %dma_start3A_40 = arith.constant 0 : i32
    %dma_start3A_41 = tpu.memref_slice %arg2[%dma_start3A_39, %dma_start3A_40] : memref<10240x128xf32, #tpu.memory_space<hbm>> -> memref<10240x128xf32, #tpu.memory_space<hbm>>
    tpu.enqueue_indirect_dma source(%dma_start3A_41 : memref<10240x128xf32, #tpu.memory_space<hbm>>) target(%dma_start3A_35 : memref<32x128xf32, #tpu.memory_space<vmem>>) offsets(%dma_start3A_38 : memref<32xi32, #tpu.memory_space<vmem>>) semaphore(%arg12 : memref<!tpu.dma_semaphore, #tpu.memory_space<semaphore_mem>>)
    %dma_start3A_42 = arith.constant 0 : i32
    %dma_start3A_43 = arith.constant 96 : i32
    %dma_start3A_44 = arith.constant 0 : i32
    %dma_start3A_45 = tpu.memref_slice %arg9[%dma_start3A_43, %dma_start3A_44] : memref<128x128xf32, #tpu.memory_space<vmem>> -> memref<32x128xf32, #tpu.memory_space<vmem>>
    %dma_start3A_46 = arith.constant 96 : i32
    %dma_start3A_47 = tpu.memref_slice %arg7[%dma_start3A_42, %dma_start3A_46] : memref<2x128xi32, #tpu.memory_space<vmem>> -> memref<1x32xi32, #tpu.memory_space<vmem>>
    %dma_start3A_48 = tpu.memref_squeeze %dma_start3A_47 : memref<1x32xi32, #tpu.memory_space<vmem>> -> memref<32xi32, #tpu.memory_space<vmem>>
    %dma_start3A_49 = arith.constant 0 : i32
    %dma_start3A_50 = arith.constant 0 : i32
    %dma_start3A_51 = tpu.memref_slice %arg2[%dma_start3A_49, %dma_start3A_50] : memref<10240x128xf32, #tpu.memory_space<hbm>> -> memref<10240x128xf32, #tpu.memory_space<hbm>>
    tpu.enqueue_indirect_dma source(%dma_start3A_51 : memref<10240x128xf32, #tpu.memory_space<hbm>>) target(%dma_start3A_45 : memref<32x128xf32, #tpu.memory_space<vmem>>) offsets(%dma_start3A_48 : memref<32xi32, #tpu.memory_space<vmem>>) semaphore(%arg12 : memref<!tpu.dma_semaphore, #tpu.memory_space<semaphore_mem>>)
    %add3A_52 = arith.constant 1 : i32
    %add3A_53 = arith.addi %select_n3A, %add3A_52 : i32
    %dma_start3A_54 = arith.constant 1 : i32
    %dma_start3A_55 = arith.constant 0 : i32
    %dma_start3A_56 = tpu.memref_slice %arg7[%dma_start3A_54, %dma_start3A_55] : memref<2x128xi32, #tpu.memory_space<vmem>> -> memref<1x128xi32, #tpu.memory_space<vmem>>
    %dma_start3A_57 = tpu.memref_squeeze %dma_start3A_56 : memref<1x128xi32, #tpu.memory_space<vmem>> -> memref<128xi32, #tpu.memory_space<vmem>>
    %dma_start3A_58 = arith.constant 0 : i32
    %dma_start3A_59 = tpu.memref_slice %arg3[%add3A_53, %dma_start3A_58] : memref<2560x128xi32, #tpu.memory_space<hbm>> -> memref<1x128xi32, #tpu.memory_space<hbm>>
    %dma_start3A_60 = tpu.memref_squeeze %dma_start3A_59 : memref<1x128xi32, #tpu.memory_space<hbm>> -> memref<128xi32, #tpu.memory_space<hbm>>
    %dma_start3A_61 = arith.constant 0 : i32
    %dma_start3A_62 = tpu.memref_slice %arg7[%dma_start3A_54, %dma_start3A_61] : memref<2x128xi32, #tpu.memory_space<vmem>> -> memref<1x128xi32, #tpu.memory_space<vmem>>
    %dma_start3A_63 = tpu.memref_squeeze %dma_start3A_62 : memref<1x128xi32, #tpu.memory_space<vmem>> -> memref<128xi32, #tpu.memory_space<vmem>>
    %dma_start3A_64 = arith.constant 0 : i32
    %dma_start3A_65 = tpu.memref_slice %arg3[%add3A_53, %dma_start3A_64] : memref<2560x128xi32, #tpu.memory_space<hbm>> -> memref<1x128xi32, #tpu.memory_space<hbm>>
    %dma_start3A_66 = tpu.memref_squeeze %dma_start3A_65 : memref<1x128xi32, #tpu.memory_space<hbm>> -> memref<128xi32, #tpu.memory_space<hbm>>
    tpu.enqueue_dma source(%dma_start3A_66 : memref<128xi32, #tpu.memory_space<hbm>>) target(%dma_start3A_63 : memref<128xi32, #tpu.memory_space<vmem>>) target_semaphore(%arg15 : memref<!tpu.dma_semaphore, #tpu.memory_space<semaphore_mem>>)
    %div3A = arith.constant 2 : i32
    %div3A_67 = arith.divsi %select_n3A_8, %div3A : i32
    %while3A = arith.constant 0 : i32
    %while3A_68 = arith.constant 0 : i32
    %while3A_69 = arith.subi %div3A_67, %while3A_68 : i32
    %while3A_70 = arith.addi %while3A_68, %while3A_69 : i32
    %while3A_71 = arith.constant 1 : i32
    %while3A_72 = arith.divsi %while3A_69, %while3A_71 : i32
    %while3A_73 = arith.muli %while3A_72, %while3A_71 : i32
    %while3A_74 = arith.addi %while3A_68, %while3A_73 : i32
    %while3A_75 = arith.constant 1 : i32
    scf.for %while3A_82 = %while3A_68 to %while3A_74 step %while3A_75  : i32 {
      %mul3A_83 = arith.constant 2 : i32
      %mul3A_84 = arith.muli %while3A_82, %mul3A_83 : i32
      %add3A_85 = arith.constant 0 : i32
      %add3A_86 = arith.addi %mul3A_84, %add3A_85 : i32
      %dma_wait3A = arith.constant 0 : i32
      %dma_wait3A_87 = arith.constant 0 : i32
      %dma_wait3A_88 = arith.constant 0 : i32
      %dma_wait3A_89 = tpu.memref_slice %arg9[%dma_wait3A_87, %dma_wait3A_88] : memref<128x128xf32, #tpu.memory_space<vmem>> -> memref<32x128xf32, #tpu.memory_space<vmem>>
      %dma_wait3A_90 = arith.constant 0 : i32
      %dma_wait3A_91 = tpu.memref_slice %arg7[%dma_wait3A, %dma_wait3A_90] : memref<2x128xi32, #tpu.memory_space<vmem>> -> memref<1x32xi32, #tpu.memory_space<vmem>>
      %dma_wait3A_92 = tpu.memref_squeeze %dma_wait3A_91 : memref<1x32xi32, #tpu.memory_space<vmem>> -> memref<32xi32, #tpu.memory_space<vmem>>
      %dma_wait3A_93 = arith.constant 0 : i32
      %dma_wait3A_94 = arith.constant 0 : i32
      %dma_wait3A_95 = tpu.memref_slice %arg2[%dma_wait3A_93, %dma_wait3A_94] : memref<10240x128xf32, #tpu.memory_space<hbm>> -> memref<10240x128xf32, #tpu.memory_space<hbm>>
      tpu.wait_indirect_dma semaphore(%arg12 : memref<!tpu.dma_semaphore, #tpu.memory_space<semaphore_mem>>) src(%dma_wait3A_95 : memref<10240x128xf32, #tpu.memory_space<hbm>>) dst(%dma_wait3A_89 : memref<32x128xf32, #tpu.memory_space<vmem>>)
      %dma_wait3A_96 = arith.constant 0 : i32
      %dma_wait3A_97 = arith.constant 32 : i32
      %dma_wait3A_98 = arith.constant 0 : i32
      %dma_wait3A_99 = tpu.memref_slice %arg9[%dma_wait3A_97, %dma_wait3A_98] : memref<128x128xf32, #tpu.memory_space<vmem>> -> memref<32x128xf32, #tpu.memory_space<vmem>>
      %dma_wait3A_100 = arith.constant 32 : i32
      %dma_wait3A_101 = tpu.memref_slice %arg7[%dma_wait3A_96, %dma_wait3A_100] : memref<2x128xi32, #tpu.memory_space<vmem>> -> memref<1x32xi32, #tpu.memory_space<vmem>>
      %dma_wait3A_102 = tpu.memref_squeeze %dma_wait3A_101 : memref<1x32xi32, #tpu.memory_space<vmem>> -> memref<32xi32, #tpu.memory_space<vmem>>
      %dma_wait3A_103 = arith.constant 0 : i32
      %dma_wait3A_104 = arith.constant 0 : i32
      %dma_wait3A_105 = tpu.memref_slice %arg2[%dma_wait3A_103, %dma_wait3A_104] : memref<10240x128xf32, #tpu.memory_space<hbm>> -> memref<10240x128xf32, #tpu.memory_space<hbm>>
      tpu.wait_indirect_dma semaphore(%arg12 : memref<!tpu.dma_semaphore, #tpu.memory_space<semaphore_mem>>) src(%dma_wait3A_105 : memref<10240x128xf32, #tpu.memory_space<hbm>>) dst(%dma_wait3A_99 : memref<32x128xf32, #tpu.memory_space<vmem>>)
      %dma_wait3A_106 = arith.constant 0 : i32
      %dma_wait3A_107 = arith.constant 64 : i32
      %dma_wait3A_108 = arith.constant 0 : i32
      %dma_wait3A_109 = tpu.memref_slice %arg9[%dma_wait3A_107, %dma_wait3A_108] : memref<128x128xf32, #tpu.memory_space<vmem>> -> memref<32x128xf32, #tpu.memory_space<vmem>>
      %dma_wait3A_110 = arith.constant 64 : i32
      %dma_wait3A_111 = tpu.memref_slice %arg7[%dma_wait3A_106, %dma_wait3A_110] : memref<2x128xi32, #tpu.memory_space<vmem>> -> memref<1x32xi32, #tpu.memory_space<vmem>>
      %dma_wait3A_112 = tpu.memref_squeeze %dma_wait3A_111 : memref<1x32xi32, #tpu.memory_space<vmem>> -> memref<32xi32, #tpu.memory_space<vmem>>
      %dma_wait3A_113 = arith.constant 0 : i32
      %dma_wait3A_114 = arith.constant 0 : i32
      %dma_wait3A_115 = tpu.memref_slice %arg2[%dma_wait3A_113, %dma_wait3A_114] : memref<10240x128xf32, #tpu.memory_space<hbm>> -> memref<10240x128xf32, #tpu.memory_space<hbm>>
      tpu.wait_indirect_dma semaphore(%arg12 : memref<!tpu.dma_semaphore, #tpu.memory_space<semaphore_mem>>) src(%dma_wait3A_115 : memref<10240x128xf32, #tpu.memory_space<hbm>>) dst(%dma_wait3A_109 : memref<32x128xf32, #tpu.memory_space<vmem>>)
      %dma_wait3A_116 = arith.constant 0 : i32
      %dma_wait3A_117 = arith.constant 96 : i32
      %dma_wait3A_118 = arith.constant 0 : i32
      %dma_wait3A_119 = tpu.memref_slice %arg9[%dma_wait3A_117, %dma_wait3A_118] : memref<128x128xf32, #tpu.memory_space<vmem>> -> memref<32x128xf32, #tpu.memory_space<vmem>>
      %dma_wait3A_120 = arith.constant 96 : i32
      %dma_wait3A_121 = tpu.memref_slice %arg7[%dma_wait3A_116, %dma_wait3A_120] : memref<2x128xi32, #tpu.memory_space<vmem>> -> memref<1x32xi32, #tpu.memory_space<vmem>>
      %dma_wait3A_122 = tpu.memref_squeeze %dma_wait3A_121 : memref<1x32xi32, #tpu.memory_space<vmem>> -> memref<32xi32, #tpu.memory_space<vmem>>
      %dma_wait3A_123 = arith.constant 0 : i32
      %dma_wait3A_124 = arith.constant 0 : i32
      %dma_wait3A_125 = tpu.memref_slice %arg2[%dma_wait3A_123, %dma_wait3A_124] : memref<10240x128xf32, #tpu.memory_space<hbm>> -> memref<10240x128xf32, #tpu.memory_space<hbm>>
      tpu.wait_indirect_dma semaphore(%arg12 : memref<!tpu.dma_semaphore, #tpu.memory_space<semaphore_mem>>) src(%dma_wait3A_125 : memref<10240x128xf32, #tpu.memory_space<hbm>>) dst(%dma_wait3A_119 : memref<32x128xf32, #tpu.memory_space<vmem>>)
      %add3A_126 = arith.constant 1 : i32
      %add3A_127 = arith.addi %add3A_86, %add3A_126 : i32
      %lt3A = arith.cmpi slt, %add3A_127, %select_n3A_8 : i32
      %convert_element_type3A = arith.extui %lt3A : i1 to i32
      %cond3A = arith.constant 0 : i32
      %cond3A_128 = arith.cmpi ne, %convert_element_type3A, %cond3A : i32
      scf.if %cond3A_128 {
        %add3A_191 = arith.addi %select_n3A, %add3A_86 : i32
        %add3A_192 = arith.constant 1 : i32
        %add3A_193 = arith.addi %add3A_191, %add3A_192 : i32
        %dma_wait3A_194 = arith.constant 1 : i32
        %dma_wait3A_195 = arith.constant 0 : i32
        %dma_wait3A_196 = tpu.memref_slice %arg7[%dma_wait3A_194, %dma_wait3A_195] : memref<2x128xi32, #tpu.memory_space<vmem>> -> memref<1x128xi32, #tpu.memory_space<vmem>>
        %dma_wait3A_197 = tpu.memref_squeeze %dma_wait3A_196 : memref<1x128xi32, #tpu.memory_space<vmem>> -> memref<128xi32, #tpu.memory_space<vmem>>
        %dma_wait3A_198 = arith.constant 0 : i32
        %dma_wait3A_199 = tpu.memref_slice %arg3[%add3A_193, %dma_wait3A_198] : memref<2560x128xi32, #tpu.memory_space<hbm>> -> memref<1x128xi32, #tpu.memory_space<hbm>>
        %dma_wait3A_200 = tpu.memref_squeeze %dma_wait3A_199 : memref<1x128xi32, #tpu.memory_space<hbm>> -> memref<128xi32, #tpu.memory_space<hbm>>
        %dma_wait3A_201 = arith.constant 0 : i32
        %dma_wait3A_202 = tpu.memref_slice %arg7[%dma_wait3A_194, %dma_wait3A_201] : memref<2x128xi32, #tpu.memory_space<vmem>> -> memref<1x128xi32, #tpu.memory_space<vmem>>
        %dma_wait3A_203 = tpu.memref_squeeze %dma_wait3A_202 : memref<1x128xi32, #tpu.memory_space<vmem>> -> memref<128xi32, #tpu.memory_space<vmem>>
        %dma_wait3A_204 = arith.constant 0 : i32
        %dma_wait3A_205 = tpu.memref_slice %arg3[%add3A_193, %dma_wait3A_204] : memref<2560x128xi32, #tpu.memory_space<hbm>> -> memref<1x128xi32, #tpu.memory_space<hbm>>
        %dma_wait3A_206 = tpu.memref_squeeze %dma_wait3A_205 : memref<1x128xi32, #tpu.memory_space<hbm>> -> memref<128xi32, #tpu.memory_space<hbm>>
        tpu.wait_dma2 semaphore(%arg15 : memref<!tpu.dma_semaphore, #tpu.memory_space<semaphore_mem>>) src(%dma_wait3A_206 : memref<128xi32, #tpu.memory_space<hbm>>) dst(%dma_wait3A_203 : memref<128xi32, #tpu.memory_space<vmem>>)
        %dma_start3A_207 = arith.constant 1 : i32
        %dma_start3A_208 = arith.constant 0 : i32
        %dma_start3A_209 = arith.constant 0 : i32
        %dma_start3A_210 = tpu.memref_slice %arg10[%dma_start3A_208, %dma_start3A_209] : memref<128x128xf32, #tpu.memory_space<vmem>> -> memref<32x128xf32, #tpu.memory_space<vmem>>
        %dma_start3A_211 = arith.constant 0 : i32
        %dma_start3A_212 = tpu.memref_slice %arg7[%dma_start3A_207, %dma_start3A_211] : memref<2x128xi32, #tpu.memory_space<vmem>> -> memref<1x32xi32, #tpu.memory_space<vmem>>
        %dma_start3A_213 = tpu.memref_squeeze %dma_start3A_212 : memref<1x32xi32, #tpu.memory_space<vmem>> -> memref<32xi32, #tpu.memory_space<vmem>>
        %dma_start3A_214 = arith.constant 0 : i32
        %dma_start3A_215 = arith.constant 0 : i32
        %dma_start3A_216 = tpu.memref_slice %arg2[%dma_start3A_214, %dma_start3A_215] : memref<10240x128xf32, #tpu.memory_space<hbm>> -> memref<10240x128xf32, #tpu.memory_space<hbm>>
        tpu.enqueue_indirect_dma source(%dma_start3A_216 : memref<10240x128xf32, #tpu.memory_space<hbm>>) target(%dma_start3A_210 : memref<32x128xf32, #tpu.memory_space<vmem>>) offsets(%dma_start3A_213 : memref<32xi32, #tpu.memory_space<vmem>>) semaphore(%arg13 : memref<!tpu.dma_semaphore, #tpu.memory_space<semaphore_mem>>)
        %dma_start3A_217 = arith.constant 1 : i32
        %dma_start3A_218 = arith.constant 32 : i32
        %dma_start3A_219 = arith.constant 0 : i32
        %dma_start3A_220 = tpu.memref_slice %arg10[%dma_start3A_218, %dma_start3A_219] : memref<128x128xf32, #tpu.memory_space<vmem>> -> memref<32x128xf32, #tpu.memory_space<vmem>>
        %dma_start3A_221 = arith.constant 32 : i32
        %dma_start3A_222 = tpu.memref_slice %arg7[%dma_start3A_217, %dma_start3A_221] : memref<2x128xi32, #tpu.memory_space<vmem>> -> memref<1x32xi32, #tpu.memory_space<vmem>>
        %dma_start3A_223 = tpu.memref_squeeze %dma_start3A_222 : memref<1x32xi32, #tpu.memory_space<vmem>> -> memref<32xi32, #tpu.memory_space<vmem>>
        %dma_start3A_224 = arith.constant 0 : i32
        %dma_start3A_225 = arith.constant 0 : i32
        %dma_start3A_226 = tpu.memref_slice %arg2[%dma_start3A_224, %dma_start3A_225] : memref<10240x128xf32, #tpu.memory_space<hbm>> -> memref<10240x128xf32, #tpu.memory_space<hbm>>
        tpu.enqueue_indirect_dma source(%dma_start3A_226 : memref<10240x128xf32, #tpu.memory_space<hbm>>) target(%dma_start3A_220 : memref<32x128xf32, #tpu.memory_space<vmem>>) offsets(%dma_start3A_223 : memref<32xi32, #tpu.memory_space<vmem>>) semaphore(%arg13 : memref<!tpu.dma_semaphore, #tpu.memory_space<semaphore_mem>>)
        %dma_start3A_227 = arith.constant 1 : i32
        %dma_start3A_228 = arith.constant 64 : i32
        %dma_start3A_229 = arith.constant 0 : i32
        %dma_start3A_230 = tpu.memref_slice %arg10[%dma_start3A_228, %dma_start3A_229] : memref<128x128xf32, #tpu.memory_space<vmem>> -> memref<32x128xf32, #tpu.memory_space<vmem>>
        %dma_start3A_231 = arith.constant 64 : i32
        %dma_start3A_232 = tpu.memref_slice %arg7[%dma_start3A_227, %dma_start3A_231] : memref<2x128xi32, #tpu.memory_space<vmem>> -> memref<1x32xi32, #tpu.memory_space<vmem>>
        %dma_start3A_233 = tpu.memref_squeeze %dma_start3A_232 : memref<1x32xi32, #tpu.memory_space<vmem>> -> memref<32xi32, #tpu.memory_space<vmem>>
        %dma_start3A_234 = arith.constant 0 : i32
        %dma_start3A_235 = arith.constant 0 : i32
        %dma_start3A_236 = tpu.memref_slice %arg2[%dma_start3A_234, %dma_start3A_235] : memref<10240x128xf32, #tpu.memory_space<hbm>> -> memref<10240x128xf32, #tpu.memory_space<hbm>>
        tpu.enqueue_indirect_dma source(%dma_start3A_236 : memref<10240x128xf32, #tpu.memory_space<hbm>>) target(%dma_start3A_230 : memref<32x128xf32, #tpu.memory_space<vmem>>) offsets(%dma_start3A_233 : memref<32xi32, #tpu.memory_space<vmem>>) semaphore(%arg13 : memref<!tpu.dma_semaphore, #tpu.memory_space<semaphore_mem>>)
        %dma_start3A_237 = arith.constant 1 : i32
        %dma_start3A_238 = arith.constant 96 : i32
        %dma_start3A_239 = arith.constant 0 : i32
        %dma_start3A_240 = tpu.memref_slice %arg10[%dma_start3A_238, %dma_start3A_239] : memref<128x128xf32, #tpu.memory_space<vmem>> -> memref<32x128xf32, #tpu.memory_space<vmem>>
        %dma_start3A_241 = arith.constant 96 : i32
        %dma_start3A_242 = tpu.memref_slice %arg7[%dma_start3A_237, %dma_start3A_241] : memref<2x128xi32, #tpu.memory_space<vmem>> -> memref<1x32xi32, #tpu.memory_space<vmem>>
        %dma_start3A_243 = tpu.memref_squeeze %dma_start3A_242 : memref<1x32xi32, #tpu.memory_space<vmem>> -> memref<32xi32, #tpu.memory_space<vmem>>
        %dma_start3A_244 = arith.constant 0 : i32
        %dma_start3A_245 = arith.constant 0 : i32
        %dma_start3A_246 = tpu.memref_slice %arg2[%dma_start3A_244, %dma_start3A_245] : memref<10240x128xf32, #tpu.memory_space<hbm>> -> memref<10240x128xf32, #tpu.memory_space<hbm>>
        tpu.enqueue_indirect_dma source(%dma_start3A_246 : memref<10240x128xf32, #tpu.memory_space<hbm>>) target(%dma_start3A_240 : memref<32x128xf32, #tpu.memory_space<vmem>>) offsets(%dma_start3A_243 : memref<32xi32, #tpu.memory_space<vmem>>) semaphore(%arg13 : memref<!tpu.dma_semaphore, #tpu.memory_space<semaphore_mem>>)
      } else {
      }
      %add3A_129 = arith.constant 2 : i32
      %add3A_130 = arith.addi %add3A_86, %add3A_129 : i32
      %lt3A_131 = arith.cmpi slt, %add3A_130, %select_n3A_8 : i32
      %convert_element_type3A_132 = arith.extui %lt3A_131 : i1 to i32
      %cond3A_133 = arith.constant 0 : i32
      %cond3A_134 = arith.cmpi ne, %convert_element_type3A_132, %cond3A_133 : i32
      scf.if %cond3A_134 {
        %add3A_191 = arith.addi %select_n3A, %add3A_86 : i32
        %add3A_192 = arith.constant 2 : i32
        %add3A_193 = arith.addi %add3A_191, %add3A_192 : i32
        %dma_start3A_194 = arith.constant 0 : i32
        %dma_start3A_195 = arith.constant 0 : i32
        %dma_start3A_196 = tpu.memref_slice %arg7[%dma_start3A_194, %dma_start3A_195] : memref<2x128xi32, #tpu.memory_space<vmem>> -> memref<1x128xi32, #tpu.memory_space<vmem>>
        %dma_start3A_197 = tpu.memref_squeeze %dma_start3A_196 : memref<1x128xi32, #tpu.memory_space<vmem>> -> memref<128xi32, #tpu.memory_space<vmem>>
        %dma_start3A_198 = arith.constant 0 : i32
        %dma_start3A_199 = tpu.memref_slice %arg3[%add3A_193, %dma_start3A_198] : memref<2560x128xi32, #tpu.memory_space<hbm>> -> memref<1x128xi32, #tpu.memory_space<hbm>>
        %dma_start3A_200 = tpu.memref_squeeze %dma_start3A_199 : memref<1x128xi32, #tpu.memory_space<hbm>> -> memref<128xi32, #tpu.memory_space<hbm>>
        %dma_start3A_201 = arith.constant 0 : i32
        %dma_start3A_202 = tpu.memref_slice %arg7[%dma_start3A_194, %dma_start3A_201] : memref<2x128xi32, #tpu.memory_space<vmem>> -> memref<1x128xi32, #tpu.memory_space<vmem>>
        %dma_start3A_203 = tpu.memref_squeeze %dma_start3A_202 : memref<1x128xi32, #tpu.memory_space<vmem>> -> memref<128xi32, #tpu.memory_space<vmem>>
        %dma_start3A_204 = arith.constant 0 : i32
        %dma_start3A_205 = tpu.memref_slice %arg3[%add3A_193, %dma_start3A_204] : memref<2560x128xi32, #tpu.memory_space<hbm>> -> memref<1x128xi32, #tpu.memory_space<hbm>>
        %dma_start3A_206 = tpu.memref_squeeze %dma_start3A_205 : memref<1x128xi32, #tpu.memory_space<hbm>> -> memref<128xi32, #tpu.memory_space<hbm>>
        tpu.enqueue_dma source(%dma_start3A_206 : memref<128xi32, #tpu.memory_space<hbm>>) target(%dma_start3A_203 : memref<128xi32, #tpu.memory_space<vmem>>) target_semaphore(%arg14 : memref<!tpu.dma_semaphore, #tpu.memory_space<semaphore_mem>>)
      } else {
      }
      "tpu.region"() ({
        %run_scoped3A_191 = tpu.sem_alloc : memref<!tpu.dma_semaphore, #tpu.memory_space<semaphore_mem>>
        %dma_start3A_192 = arith.constant 0 : i32
        %dma_start3A_193 = tpu.memref_slice %arg8[%add3A_86, %dma_start3A_192] : memref<120x128xi32, #tpu.memory_space<vmem>> -> memref<1x128xi32, #tpu.memory_space<vmem>>
        %dma_start3A_194 = tpu.memref_squeeze %dma_start3A_193 : memref<1x128xi32, #tpu.memory_space<vmem>> -> memref<128xi32, #tpu.memory_space<vmem>>
        %dma_start3A_195 = arith.constant 0 : i32
        %dma_start3A_196 = arith.constant 0 : i32
        %dma_start3A_197 = tpu.memref_slice %arg11[%dma_start3A_195, %dma_start3A_196] : memref<10240x128xf32, #tpu.memory_space<vmem_shared>> -> memref<10240x128xf32, #tpu.memory_space<vmem_shared>>
        tpu.enqueue_indirect_dma source(%arg9 : memref<128x128xf32, #tpu.memory_space<vmem>>) target(%dma_start3A_197 : memref<10240x128xf32, #tpu.memory_space<vmem_shared>>) offsets(%dma_start3A_194 : memref<128xi32, #tpu.memory_space<vmem>>) semaphore(%run_scoped3A_191 : memref<!tpu.dma_semaphore, #tpu.memory_space<semaphore_mem>>) {add = true}
        %dma_wait3A_198 = arith.constant 0 : i32
        %dma_wait3A_199 = tpu.memref_slice %arg8[%add3A_86, %dma_wait3A_198] : memref<120x128xi32, #tpu.memory_space<vmem>> -> memref<1x128xi32, #tpu.memory_space<vmem>>
        %dma_wait3A_200 = tpu.memref_squeeze %dma_wait3A_199 : memref<1x128xi32, #tpu.memory_space<vmem>> -> memref<128xi32, #tpu.memory_space<vmem>>
        %dma_wait3A_201 = arith.constant 0 : i32
        %dma_wait3A_202 = arith.constant 0 : i32
        %dma_wait3A_203 = tpu.memref_slice %arg11[%dma_wait3A_201, %dma_wait3A_202] : memref<10240x128xf32, #tpu.memory_space<vmem_shared>> -> memref<10240x128xf32, #tpu.memory_space<vmem_shared>>
        tpu.wait_indirect_dma semaphore(%run_scoped3A_191 : memref<!tpu.dma_semaphore, #tpu.memory_space<semaphore_mem>>) src(%arg9 : memref<128x128xf32, #tpu.memory_space<vmem>>) dst(%dma_wait3A_203 : memref<10240x128xf32, #tpu.memory_space<vmem_shared>>)
        tpu.yield
      }) : () -> ()
      %mul3A_135 = arith.constant 2 : i32
      %mul3A_136 = arith.muli %while3A_82, %mul3A_135 : i32
      %add3A_137 = arith.constant 1 : i32
      %add3A_138 = arith.addi %mul3A_136, %add3A_137 : i32
      %dma_wait3A_139 = arith.constant 1 : i32
      %dma_wait3A_140 = arith.constant 0 : i32
      %dma_wait3A_141 = arith.constant 0 : i32
      %dma_wait3A_142 = tpu.memref_slice %arg10[%dma_wait3A_140, %dma_wait3A_141] : memref<128x128xf32, #tpu.memory_space<vmem>> -> memref<32x128xf32, #tpu.memory_space<vmem>>
      %dma_wait3A_143 = arith.constant 0 : i32
      %dma_wait3A_144 = tpu.memref_slice %arg7[%dma_wait3A_139, %dma_wait3A_143] : memref<2x128xi32, #tpu.memory_space<vmem>> -> memref<1x32xi32, #tpu.memory_space<vmem>>
      %dma_wait3A_145 = tpu.memref_squeeze %dma_wait3A_144 : memref<1x32xi32, #tpu.memory_space<vmem>> -> memref<32xi32, #tpu.memory_space<vmem>>
      %dma_wait3A_146 = arith.constant 0 : i32
      %dma_wait3A_147 = arith.constant 0 : i32
      %dma_wait3A_148 = tpu.memref_slice %arg2[%dma_wait3A_146, %dma_wait3A_147] : memref<10240x128xf32, #tpu.memory_space<hbm>> -> memref<10240x128xf32, #tpu.memory_space<hbm>>
      tpu.wait_indirect_dma semaphore(%arg13 : memref<!tpu.dma_semaphore, #tpu.memory_space<semaphore_mem>>) src(%dma_wait3A_148 : memref<10240x128xf32, #tpu.memory_space<hbm>>) dst(%dma_wait3A_142 : memref<32x128xf32, #tpu.memory_space<vmem>>)
      %dma_wait3A_149 = arith.constant 1 : i32
      %dma_wait3A_150 = arith.constant 32 : i32
      %dma_wait3A_151 = arith.constant 0 : i32
      %dma_wait3A_152 = tpu.memref_slice %arg10[%dma_wait3A_150, %dma_wait3A_151] : memref<128x128xf32, #tpu.memory_space<vmem>> -> memref<32x128xf32, #tpu.memory_space<vmem>>
      %dma_wait3A_153 = arith.constant 32 : i32
      %dma_wait3A_154 = tpu.memref_slice %arg7[%dma_wait3A_149, %dma_wait3A_153] : memref<2x128xi32, #tpu.memory_space<vmem>> -> memref<1x32xi32, #tpu.memory_space<vmem>>
      %dma_wait3A_155 = tpu.memref_squeeze %dma_wait3A_154 : memref<1x32xi32, #tpu.memory_space<vmem>> -> memref<32xi32, #tpu.memory_space<vmem>>
      %dma_wait3A_156 = arith.constant 0 : i32
      %dma_wait3A_157 = arith.constant 0 : i32
      %dma_wait3A_158 = tpu.memref_slice %arg2[%dma_wait3A_156, %dma_wait3A_157] : memref<10240x128xf32, #tpu.memory_space<hbm>> -> memref<10240x128xf32, #tpu.memory_space<hbm>>
      tpu.wait_indirect_dma semaphore(%arg13 : memref<!tpu.dma_semaphore, #tpu.memory_space<semaphore_mem>>) src(%dma_wait3A_158 : memref<10240x128xf32, #tpu.memory_space<hbm>>) dst(%dma_wait3A_152 : memref<32x128xf32, #tpu.memory_space<vmem>>)
      %dma_wait3A_159 = arith.constant 1 : i32
      %dma_wait3A_160 = arith.constant 64 : i32
      %dma_wait3A_161 = arith.constant 0 : i32
      %dma_wait3A_162 = tpu.memref_slice %arg10[%dma_wait3A_160, %dma_wait3A_161] : memref<128x128xf32, #tpu.memory_space<vmem>> -> memref<32x128xf32, #tpu.memory_space<vmem>>
      %dma_wait3A_163 = arith.constant 64 : i32
      %dma_wait3A_164 = tpu.memref_slice %arg7[%dma_wait3A_159, %dma_wait3A_163] : memref<2x128xi32, #tpu.memory_space<vmem>> -> memref<1x32xi32, #tpu.memory_space<vmem>>
      %dma_wait3A_165 = tpu.memref_squeeze %dma_wait3A_164 : memref<1x32xi32, #tpu.memory_space<vmem>> -> memref<32xi32, #tpu.memory_space<vmem>>
      %dma_wait3A_166 = arith.constant 0 : i32
      %dma_wait3A_167 = arith.constant 0 : i32
      %dma_wait3A_168 = tpu.memref_slice %arg2[%dma_wait3A_166, %dma_wait3A_167] : memref<10240x128xf32, #tpu.memory_space<hbm>> -> memref<10240x128xf32, #tpu.memory_space<hbm>>
      tpu.wait_indirect_dma semaphore(%arg13 : memref<!tpu.dma_semaphore, #tpu.memory_space<semaphore_mem>>) src(%dma_wait3A_168 : memref<10240x128xf32, #tpu.memory_space<hbm>>) dst(%dma_wait3A_162 : memref<32x128xf32, #tpu.memory_space<vmem>>)
      %dma_wait3A_169 = arith.constant 1 : i32
      %dma_wait3A_170 = arith.constant 96 : i32
      %dma_wait3A_171 = arith.constant 0 : i32
      %dma_wait3A_172 = tpu.memref_slice %arg10[%dma_wait3A_170, %dma_wait3A_171] : memref<128x128xf32, #tpu.memory_space<vmem>> -> memref<32x128xf32, #tpu.memory_space<vmem>>
      %dma_wait3A_173 = arith.constant 96 : i32
      %dma_wait3A_174 = tpu.memref_slice %arg7[%dma_wait3A_169, %dma_wait3A_173] : memref<2x128xi32, #tpu.memory_space<vmem>> -> memref<1x32xi32, #tpu.memory_space<vmem>>
      %dma_wait3A_175 = tpu.memref_squeeze %dma_wait3A_174 : memref<1x32xi32, #tpu.memory_space<vmem>> -> memref<32xi32, #tpu.memory_space<vmem>>
      %dma_wait3A_176 = arith.constant 0 : i32
      %dma_wait3A_177 = arith.constant 0 : i32
      %dma_wait3A_178 = tpu.memref_slice %arg2[%dma_wait3A_176, %dma_wait3A_177] : memref<10240x128xf32, #tpu.memory_space<hbm>> -> memref<10240x128xf32, #tpu.memory_space<hbm>>
      tpu.wait_indirect_dma semaphore(%arg13 : memref<!tpu.dma_semaphore, #tpu.memory_space<semaphore_mem>>) src(%dma_wait3A_178 : memref<10240x128xf32, #tpu.memory_space<hbm>>) dst(%dma_wait3A_172 : memref<32x128xf32, #tpu.memory_space<vmem>>)
      %add3A_179 = arith.constant 1 : i32
      %add3A_180 = arith.addi %add3A_138, %add3A_179 : i32
      %lt3A_181 = arith.cmpi slt, %add3A_180, %select_n3A_8 : i32
      %convert_element_type3A_182 = arith.extui %lt3A_181 : i1 to i32
      %cond3A_183 = arith.constant 0 : i32
      %cond3A_184 = arith.cmpi ne, %convert_element_type3A_182, %cond3A_183 : i32
      scf.if %cond3A_184 {
        %add3A_191 = arith.addi %select_n3A, %add3A_138 : i32
        %add3A_192 = arith.constant 1 : i32
        %add3A_193 = arith.addi %add3A_191, %add3A_192 : i32
        %dma_wait3A_194 = arith.constant 0 : i32
        %dma_wait3A_195 = arith.constant 0 : i32
        %dma_wait3A_196 = tpu.memref_slice %arg7[%dma_wait3A_194, %dma_wait3A_195] : memref<2x128xi32, #tpu.memory_space<vmem>> -> memref<1x128xi32, #tpu.memory_space<vmem>>
        %dma_wait3A_197 = tpu.memref_squeeze %dma_wait3A_196 : memref<1x128xi32, #tpu.memory_space<vmem>> -> memref<128xi32, #tpu.memory_space<vmem>>
        %dma_wait3A_198 = arith.constant 0 : i32
        %dma_wait3A_199 = tpu.memref_slice %arg3[%add3A_193, %dma_wait3A_198] : memref<2560x128xi32, #tpu.memory_space<hbm>> -> memref<1x128xi32, #tpu.memory_space<hbm>>
        %dma_wait3A_200 = tpu.memref_squeeze %dma_wait3A_199 : memref<1x128xi32, #tpu.memory_space<hbm>> -> memref<128xi32, #tpu.memory_space<hbm>>
        %dma_wait3A_201 = arith.constant 0 : i32
        %dma_wait3A_202 = tpu.memref_slice %arg7[%dma_wait3A_194, %dma_wait3A_201] : memref<2x128xi32, #tpu.memory_space<vmem>> -> memref<1x128xi32, #tpu.memory_space<vmem>>
        %dma_wait3A_203 = tpu.memref_squeeze %dma_wait3A_202 : memref<1x128xi32, #tpu.memory_space<vmem>> -> memref<128xi32, #tpu.memory_space<vmem>>
        %dma_wait3A_204 = arith.constant 0 : i32
        %dma_wait3A_205 = tpu.memref_slice %arg3[%add3A_193, %dma_wait3A_204] : memref<2560x128xi32, #tpu.memory_space<hbm>> -> memref<1x128xi32, #tpu.memory_space<hbm>>
        %dma_wait3A_206 = tpu.memref_squeeze %dma_wait3A_205 : memref<1x128xi32, #tpu.memory_space<hbm>> -> memref<128xi32, #tpu.memory_space<hbm>>
        tpu.wait_dma2 semaphore(%arg14 : memref<!tpu.dma_semaphore, #tpu.memory_space<semaphore_mem>>) src(%dma_wait3A_206 : memref<128xi32, #tpu.memory_space<hbm>>) dst(%dma_wait3A_203 : memref<128xi32, #tpu.memory_space<vmem>>)
        %dma_start3A_207 = arith.constant 0 : i32
        %dma_start3A_208 = arith.constant 0 : i32
        %dma_start3A_209 = arith.constant 0 : i32
        %dma_start3A_210 = tpu.memref_slice %arg9[%dma_start3A_208, %dma_start3A_209] : memref<128x128xf32, #tpu.memory_space<vmem>> -> memref<32x128xf32, #tpu.memory_space<vmem>>
        %dma_start3A_211 = arith.constant 0 : i32
        %dma_start3A_212 = tpu.memref_slice %arg7[%dma_start3A_207, %dma_start3A_211] : memref<2x128xi32, #tpu.memory_space<vmem>> -> memref<1x32xi32, #tpu.memory_space<vmem>>
        %dma_start3A_213 = tpu.memref_squeeze %dma_start3A_212 : memref<1x32xi32, #tpu.memory_space<vmem>> -> memref<32xi32, #tpu.memory_space<vmem>>
        %dma_start3A_214 = arith.constant 0 : i32
        %dma_start3A_215 = arith.constant 0 : i32
        %dma_start3A_216 = tpu.memref_slice %arg2[%dma_start3A_214, %dma_start3A_215] : memref<10240x128xf32, #tpu.memory_space<hbm>> -> memref<10240x128xf32, #tpu.memory_space<hbm>>
        tpu.enqueue_indirect_dma source(%dma_start3A_216 : memref<10240x128xf32, #tpu.memory_space<hbm>>) target(%dma_start3A_210 : memref<32x128xf32, #tpu.memory_space<vmem>>) offsets(%dma_start3A_213 : memref<32xi32, #tpu.memory_space<vmem>>) semaphore(%arg12 : memref<!tpu.dma_semaphore, #tpu.memory_space<semaphore_mem>>)
        %dma_start3A_217 = arith.constant 0 : i32
        %dma_start3A_218 = arith.constant 32 : i32
        %dma_start3A_219 = arith.constant 0 : i32
        %dma_start3A_220 = tpu.memref_slice %arg9[%dma_start3A_218, %dma_start3A_219] : memref<128x128xf32, #tpu.memory_space<vmem>> -> memref<32x128xf32, #tpu.memory_space<vmem>>
        %dma_start3A_221 = arith.constant 32 : i32
        %dma_start3A_222 = tpu.memref_slice %arg7[%dma_start3A_217, %dma_start3A_221] : memref<2x128xi32, #tpu.memory_space<vmem>> -> memref<1x32xi32, #tpu.memory_space<vmem>>
        %dma_start3A_223 = tpu.memref_squeeze %dma_start3A_222 : memref<1x32xi32, #tpu.memory_space<vmem>> -> memref<32xi32, #tpu.memory_space<vmem>>
        %dma_start3A_224 = arith.constant 0 : i32
        %dma_start3A_225 = arith.constant 0 : i32
        %dma_start3A_226 = tpu.memref_slice %arg2[%dma_start3A_224, %dma_start3A_225] : memref<10240x128xf32, #tpu.memory_space<hbm>> -> memref<10240x128xf32, #tpu.memory_space<hbm>>
        tpu.enqueue_indirect_dma source(%dma_start3A_226 : memref<10240x128xf32, #tpu.memory_space<hbm>>) target(%dma_start3A_220 : memref<32x128xf32, #tpu.memory_space<vmem>>) offsets(%dma_start3A_223 : memref<32xi32, #tpu.memory_space<vmem>>) semaphore(%arg12 : memref<!tpu.dma_semaphore, #tpu.memory_space<semaphore_mem>>)
        %dma_start3A_227 = arith.constant 0 : i32
        %dma_start3A_228 = arith.constant 64 : i32
        %dma_start3A_229 = arith.constant 0 : i32
        %dma_start3A_230 = tpu.memref_slice %arg9[%dma_start3A_228, %dma_start3A_229] : memref<128x128xf32, #tpu.memory_space<vmem>> -> memref<32x128xf32, #tpu.memory_space<vmem>>
        %dma_start3A_231 = arith.constant 64 : i32
        %dma_start3A_232 = tpu.memref_slice %arg7[%dma_start3A_227, %dma_start3A_231] : memref<2x128xi32, #tpu.memory_space<vmem>> -> memref<1x32xi32, #tpu.memory_space<vmem>>
        %dma_start3A_233 = tpu.memref_squeeze %dma_start3A_232 : memref<1x32xi32, #tpu.memory_space<vmem>> -> memref<32xi32, #tpu.memory_space<vmem>>
        %dma_start3A_234 = arith.constant 0 : i32
        %dma_start3A_235 = arith.constant 0 : i32
        %dma_start3A_236 = tpu.memref_slice %arg2[%dma_start3A_234, %dma_start3A_235] : memref<10240x128xf32, #tpu.memory_space<hbm>> -> memref<10240x128xf32, #tpu.memory_space<hbm>>
        tpu.enqueue_indirect_dma source(%dma_start3A_236 : memref<10240x128xf32, #tpu.memory_space<hbm>>) target(%dma_start3A_230 : memref<32x128xf32, #tpu.memory_space<vmem>>) offsets(%dma_start3A_233 : memref<32xi32, #tpu.memory_space<vmem>>) semaphore(%arg12 : memref<!tpu.dma_semaphore, #tpu.memory_space<semaphore_mem>>)
        %dma_start3A_237 = arith.constant 0 : i32
        %dma_start3A_238 = arith.constant 96 : i32
        %dma_start3A_239 = arith.constant 0 : i32
        %dma_start3A_240 = tpu.memref_slice %arg9[%dma_start3A_238, %dma_start3A_239] : memref<128x128xf32, #tpu.memory_space<vmem>> -> memref<32x128xf32, #tpu.memory_space<vmem>>
        %dma_start3A_241 = arith.constant 96 : i32
        %dma_start3A_242 = tpu.memref_slice %arg7[%dma_start3A_237, %dma_start3A_241] : memref<2x128xi32, #tpu.memory_space<vmem>> -> memref<1x32xi32, #tpu.memory_space<vmem>>
        %dma_start3A_243 = tpu.memref_squeeze %dma_start3A_242 : memref<1x32xi32, #tpu.memory_space<vmem>> -> memref<32xi32, #tpu.memory_space<vmem>>
        %dma_start3A_244 = arith.constant 0 : i32
        %dma_start3A_245 = arith.constant 0 : i32
        %dma_start3A_246 = tpu.memref_slice %arg2[%dma_start3A_244, %dma_start3A_245] : memref<10240x128xf32, #tpu.memory_space<hbm>> -> memref<10240x128xf32, #tpu.memory_space<hbm>>
        tpu.enqueue_indirect_dma source(%dma_start3A_246 : memref<10240x128xf32, #tpu.memory_space<hbm>>) target(%dma_start3A_240 : memref<32x128xf32, #tpu.memory_space<vmem>>) offsets(%dma_start3A_243 : memref<32xi32, #tpu.memory_space<vmem>>) semaphore(%arg12 : memref<!tpu.dma_semaphore, #tpu.memory_space<semaphore_mem>>)
      } else {
      }
      %add3A_185 = arith.constant 2 : i32
      %add3A_186 = arith.addi %add3A_138, %add3A_185 : i32
      %lt3A_187 = arith.cmpi slt, %add3A_186, %select_n3A_8 : i32
      %convert_element_type3A_188 = arith.extui %lt3A_187 : i1 to i32
      %cond3A_189 = arith.constant 0 : i32
      %cond3A_190 = arith.cmpi ne, %convert_element_type3A_188, %cond3A_189 : i32
      scf.if %cond3A_190 {
        %add3A_191 = arith.addi %select_n3A, %add3A_138 : i32
        %add3A_192 = arith.constant 2 : i32
        %add3A_193 = arith.addi %add3A_191, %add3A_192 : i32
        %dma_start3A_194 = arith.constant 1 : i32
        %dma_start3A_195 = arith.constant 0 : i32
        %dma_start3A_196 = tpu.memref_slice %arg7[%dma_start3A_194, %dma_start3A_195] : memref<2x128xi32, #tpu.memory_space<vmem>> -> memref<1x128xi32, #tpu.memory_space<vmem>>
        %dma_start3A_197 = tpu.memref_squeeze %dma_start3A_196 : memref<1x128xi32, #tpu.memory_space<vmem>> -> memref<128xi32, #tpu.memory_space<vmem>>
        %dma_start3A_198 = arith.constant 0 : i32
        %dma_start3A_199 = tpu.memref_slice %arg3[%add3A_193, %dma_start3A_198] : memref<2560x128xi32, #tpu.memory_space<hbm>> -> memref<1x128xi32, #tpu.memory_space<hbm>>
        %dma_start3A_200 = tpu.memref_squeeze %dma_start3A_199 : memref<1x128xi32, #tpu.memory_space<hbm>> -> memref<128xi32, #tpu.memory_space<hbm>>
        %dma_start3A_201 = arith.constant 0 : i32
        %dma_start3A_202 = tpu.memref_slice %arg7[%dma_start3A_194, %dma_start3A_201] : memref<2x128xi32, #tpu.memory_space<vmem>> -> memref<1x128xi32, #tpu.memory_space<vmem>>
        %dma_start3A_203 = tpu.memref_squeeze %dma_start3A_202 : memref<1x128xi32, #tpu.memory_space<vmem>> -> memref<128xi32, #tpu.memory_space<vmem>>
        %dma_start3A_204 = arith.constant 0 : i32
        %dma_start3A_205 = tpu.memref_slice %arg3[%add3A_193, %dma_start3A_204] : memref<2560x128xi32, #tpu.memory_space<hbm>> -> memref<1x128xi32, #tpu.memory_space<hbm>>
        %dma_start3A_206 = tpu.memref_squeeze %dma_start3A_205 : memref<1x128xi32, #tpu.memory_space<hbm>> -> memref<128xi32, #tpu.memory_space<hbm>>
        tpu.enqueue_dma source(%dma_start3A_206 : memref<128xi32, #tpu.memory_space<hbm>>) target(%dma_start3A_203 : memref<128xi32, #tpu.memory_space<vmem>>) target_semaphore(%arg15 : memref<!tpu.dma_semaphore, #tpu.memory_space<semaphore_mem>>)
      } else {
      }
      "tpu.region"() ({
        %run_scoped3A_191 = tpu.sem_alloc : memref<!tpu.dma_semaphore, #tpu.memory_space<semaphore_mem>>
        %dma_start3A_192 = arith.constant 0 : i32
        %dma_start3A_193 = tpu.memref_slice %arg8[%add3A_138, %dma_start3A_192] : memref<120x128xi32, #tpu.memory_space<vmem>> -> memref<1x128xi32, #tpu.memory_space<vmem>>
        %dma_start3A_194 = tpu.memref_squeeze %dma_start3A_193 : memref<1x128xi32, #tpu.memory_space<vmem>> -> memref<128xi32, #tpu.memory_space<vmem>>
        %dma_start3A_195 = arith.constant 0 : i32
        %dma_start3A_196 = arith.constant 0 : i32
        %dma_start3A_197 = tpu.memref_slice %arg11[%dma_start3A_195, %dma_start3A_196] : memref<10240x128xf32, #tpu.memory_space<vmem_shared>> -> memref<10240x128xf32, #tpu.memory_space<vmem_shared>>
        tpu.enqueue_indirect_dma source(%arg10 : memref<128x128xf32, #tpu.memory_space<vmem>>) target(%dma_start3A_197 : memref<10240x128xf32, #tpu.memory_space<vmem_shared>>) offsets(%dma_start3A_194 : memref<128xi32, #tpu.memory_space<vmem>>) semaphore(%run_scoped3A_191 : memref<!tpu.dma_semaphore, #tpu.memory_space<semaphore_mem>>) {add = true}
        %dma_wait3A_198 = arith.constant 0 : i32
        %dma_wait3A_199 = tpu.memref_slice %arg8[%add3A_138, %dma_wait3A_198] : memref<120x128xi32, #tpu.memory_space<vmem>> -> memref<1x128xi32, #tpu.memory_space<vmem>>
        %dma_wait3A_200 = tpu.memref_squeeze %dma_wait3A_199 : memref<1x128xi32, #tpu.memory_space<vmem>> -> memref<128xi32, #tpu.memory_space<vmem>>
        %dma_wait3A_201 = arith.constant 0 : i32
        %dma_wait3A_202 = arith.constant 0 : i32
        %dma_wait3A_203 = tpu.memref_slice %arg11[%dma_wait3A_201, %dma_wait3A_202] : memref<10240x128xf32, #tpu.memory_space<vmem_shared>> -> memref<10240x128xf32, #tpu.memory_space<vmem_shared>>
        tpu.wait_indirect_dma semaphore(%run_scoped3A_191 : memref<!tpu.dma_semaphore, #tpu.memory_space<semaphore_mem>>) src(%arg10 : memref<128x128xf32, #tpu.memory_space<vmem>>) dst(%dma_wait3A_203 : memref<10240x128xf32, #tpu.memory_space<vmem_shared>>)
        tpu.yield
      }) : () -> ()
    }
    %while3A_76 = arith.constant 1 : i32
    scf.for %while3A_82 = %while3A_74 to %while3A_70 step %while3A_76  : i32 {
      %mul3A_83 = arith.constant 2 : i32
      %mul3A_84 = arith.muli %while3A_82, %mul3A_83 : i32
      %add3A_85 = arith.constant 0 : i32
      %add3A_86 = arith.addi %mul3A_84, %add3A_85 : i32
      %dma_wait3A = arith.constant 0 : i32
      %dma_wait3A_87 = arith.constant 0 : i32
      %dma_wait3A_88 = arith.constant 0 : i32
      %dma_wait3A_89 = tpu.memref_slice %arg9[%dma_wait3A_87, %dma_wait3A_88] : memref<128x128xf32, #tpu.memory_space<vmem>> -> memref<32x128xf32, #tpu.memory_space<vmem>>
      %dma_wait3A_90 = arith.constant 0 : i32
      %dma_wait3A_91 = tpu.memref_slice %arg7[%dma_wait3A, %dma_wait3A_90] : memref<2x128xi32, #tpu.memory_space<vmem>> -> memref<1x32xi32, #tpu.memory_space<vmem>>
      %dma_wait3A_92 = tpu.memref_squeeze %dma_wait3A_91 : memref<1x32xi32, #tpu.memory_space<vmem>> -> memref<32xi32, #tpu.memory_space<vmem>>
      %dma_wait3A_93 = arith.constant 0 : i32
      %dma_wait3A_94 = arith.constant 0 : i32
      %dma_wait3A_95 = tpu.memref_slice %arg2[%dma_wait3A_93, %dma_wait3A_94] : memref<10240x128xf32, #tpu.memory_space<hbm>> -> memref<10240x128xf32, #tpu.memory_space<hbm>>
      tpu.wait_indirect_dma semaphore(%arg12 : memref<!tpu.dma_semaphore, #tpu.memory_space<semaphore_mem>>) src(%dma_wait3A_95 : memref<10240x128xf32, #tpu.memory_space<hbm>>) dst(%dma_wait3A_89 : memref<32x128xf32, #tpu.memory_space<vmem>>)
      %dma_wait3A_96 = arith.constant 0 : i32
      %dma_wait3A_97 = arith.constant 32 : i32
      %dma_wait3A_98 = arith.constant 0 : i32
      %dma_wait3A_99 = tpu.memref_slice %arg9[%dma_wait3A_97, %dma_wait3A_98] : memref<128x128xf32, #tpu.memory_space<vmem>> -> memref<32x128xf32, #tpu.memory_space<vmem>>
      %dma_wait3A_100 = arith.constant 32 : i32
      %dma_wait3A_101 = tpu.memref_slice %arg7[%dma_wait3A_96, %dma_wait3A_100] : memref<2x128xi32, #tpu.memory_space<vmem>> -> memref<1x32xi32, #tpu.memory_space<vmem>>
      %dma_wait3A_102 = tpu.memref_squeeze %dma_wait3A_101 : memref<1x32xi32, #tpu.memory_space<vmem>> -> memref<32xi32, #tpu.memory_space<vmem>>
      %dma_wait3A_103 = arith.constant 0 : i32
      %dma_wait3A_104 = arith.constant 0 : i32
      %dma_wait3A_105 = tpu.memref_slice %arg2[%dma_wait3A_103, %dma_wait3A_104] : memref<10240x128xf32, #tpu.memory_space<hbm>> -> memref<10240x128xf32, #tpu.memory_space<hbm>>
      tpu.wait_indirect_dma semaphore(%arg12 : memref<!tpu.dma_semaphore, #tpu.memory_space<semaphore_mem>>) src(%dma_wait3A_105 : memref<10240x128xf32, #tpu.memory_space<hbm>>) dst(%dma_wait3A_99 : memref<32x128xf32, #tpu.memory_space<vmem>>)
      %dma_wait3A_106 = arith.constant 0 : i32
      %dma_wait3A_107 = arith.constant 64 : i32
      %dma_wait3A_108 = arith.constant 0 : i32
      %dma_wait3A_109 = tpu.memref_slice %arg9[%dma_wait3A_107, %dma_wait3A_108] : memref<128x128xf32, #tpu.memory_space<vmem>> -> memref<32x128xf32, #tpu.memory_space<vmem>>
      %dma_wait3A_110 = arith.constant 64 : i32
      %dma_wait3A_111 = tpu.memref_slice %arg7[%dma_wait3A_106, %dma_wait3A_110] : memref<2x128xi32, #tpu.memory_space<vmem>> -> memref<1x32xi32, #tpu.memory_space<vmem>>
      %dma_wait3A_112 = tpu.memref_squeeze %dma_wait3A_111 : memref<1x32xi32, #tpu.memory_space<vmem>> -> memref<32xi32, #tpu.memory_space<vmem>>
      %dma_wait3A_113 = arith.constant 0 : i32
      %dma_wait3A_114 = arith.constant 0 : i32
      %dma_wait3A_115 = tpu.memref_slice %arg2[%dma_wait3A_113, %dma_wait3A_114] : memref<10240x128xf32, #tpu.memory_space<hbm>> -> memref<10240x128xf32, #tpu.memory_space<hbm>>
      tpu.wait_indirect_dma semaphore(%arg12 : memref<!tpu.dma_semaphore, #tpu.memory_space<semaphore_mem>>) src(%dma_wait3A_115 : memref<10240x128xf32, #tpu.memory_space<hbm>>) dst(%dma_wait3A_109 : memref<32x128xf32, #tpu.memory_space<vmem>>)
      %dma_wait3A_116 = arith.constant 0 : i32
      %dma_wait3A_117 = arith.constant 96 : i32
      %dma_wait3A_118 = arith.constant 0 : i32
      %dma_wait3A_119 = tpu.memref_slice %arg9[%dma_wait3A_117, %dma_wait3A_118] : memref<128x128xf32, #tpu.memory_space<vmem>> -> memref<32x128xf32, #tpu.memory_space<vmem>>
      %dma_wait3A_120 = arith.constant 96 : i32
      %dma_wait3A_121 = tpu.memref_slice %arg7[%dma_wait3A_116, %dma_wait3A_120] : memref<2x128xi32, #tpu.memory_space<vmem>> -> memref<1x32xi32, #tpu.memory_space<vmem>>
      %dma_wait3A_122 = tpu.memref_squeeze %dma_wait3A_121 : memref<1x32xi32, #tpu.memory_space<vmem>> -> memref<32xi32, #tpu.memory_space<vmem>>
      %dma_wait3A_123 = arith.constant 0 : i32
      %dma_wait3A_124 = arith.constant 0 : i32
      %dma_wait3A_125 = tpu.memref_slice %arg2[%dma_wait3A_123, %dma_wait3A_124] : memref<10240x128xf32, #tpu.memory_space<hbm>> -> memref<10240x128xf32, #tpu.memory_space<hbm>>
      tpu.wait_indirect_dma semaphore(%arg12 : memref<!tpu.dma_semaphore, #tpu.memory_space<semaphore_mem>>) src(%dma_wait3A_125 : memref<10240x128xf32, #tpu.memory_space<hbm>>) dst(%dma_wait3A_119 : memref<32x128xf32, #tpu.memory_space<vmem>>)
      %add3A_126 = arith.constant 1 : i32
      %add3A_127 = arith.addi %add3A_86, %add3A_126 : i32
      %lt3A = arith.cmpi slt, %add3A_127, %select_n3A_8 : i32
      %convert_element_type3A = arith.extui %lt3A : i1 to i32
      %cond3A = arith.constant 0 : i32
      %cond3A_128 = arith.cmpi ne, %convert_element_type3A, %cond3A : i32
      scf.if %cond3A_128 {
        %add3A_191 = arith.addi %select_n3A, %add3A_86 : i32
        %add3A_192 = arith.constant 1 : i32
        %add3A_193 = arith.addi %add3A_191, %add3A_192 : i32
        %dma_wait3A_194 = arith.constant 1 : i32
        %dma_wait3A_195 = arith.constant 0 : i32
        %dma_wait3A_196 = tpu.memref_slice %arg7[%dma_wait3A_194, %dma_wait3A_195] : memref<2x128xi32, #tpu.memory_space<vmem>> -> memref<1x128xi32, #tpu.memory_space<vmem>>
        %dma_wait3A_197 = tpu.memref_squeeze %dma_wait3A_196 : memref<1x128xi32, #tpu.memory_space<vmem>> -> memref<128xi32, #tpu.memory_space<vmem>>
        %dma_wait3A_198 = arith.constant 0 : i32
        %dma_wait3A_199 = tpu.memref_slice %arg3[%add3A_193, %dma_wait3A_198] : memref<2560x128xi32, #tpu.memory_space<hbm>> -> memref<1x128xi32, #tpu.memory_space<hbm>>
        %dma_wait3A_200 = tpu.memref_squeeze %dma_wait3A_199 : memref<1x128xi32, #tpu.memory_space<hbm>> -> memref<128xi32, #tpu.memory_space<hbm>>
        %dma_wait3A_201 = arith.constant 0 : i32
        %dma_wait3A_202 = tpu.memref_slice %arg7[%dma_wait3A_194, %dma_wait3A_201] : memref<2x128xi32, #tpu.memory_space<vmem>> -> memref<1x128xi32, #tpu.memory_space<vmem>>
        %dma_wait3A_203 = tpu.memref_squeeze %dma_wait3A_202 : memref<1x128xi32, #tpu.memory_space<vmem>> -> memref<128xi32, #tpu.memory_space<vmem>>
        %dma_wait3A_204 = arith.constant 0 : i32
        %dma_wait3A_205 = tpu.memref_slice %arg3[%add3A_193, %dma_wait3A_204] : memref<2560x128xi32, #tpu.memory_space<hbm>> -> memref<1x128xi32, #tpu.memory_space<hbm>>
        %dma_wait3A_206 = tpu.memref_squeeze %dma_wait3A_205 : memref<1x128xi32, #tpu.memory_space<hbm>> -> memref<128xi32, #tpu.memory_space<hbm>>
        tpu.wait_dma2 semaphore(%arg15 : memref<!tpu.dma_semaphore, #tpu.memory_space<semaphore_mem>>) src(%dma_wait3A_206 : memref<128xi32, #tpu.memory_space<hbm>>) dst(%dma_wait3A_203 : memref<128xi32, #tpu.memory_space<vmem>>)
        %dma_start3A_207 = arith.constant 1 : i32
        %dma_start3A_208 = arith.constant 0 : i32
        %dma_start3A_209 = arith.constant 0 : i32
        %dma_start3A_210 = tpu.memref_slice %arg10[%dma_start3A_208, %dma_start3A_209] : memref<128x128xf32, #tpu.memory_space<vmem>> -> memref<32x128xf32, #tpu.memory_space<vmem>>
        %dma_start3A_211 = arith.constant 0 : i32
        %dma_start3A_212 = tpu.memref_slice %arg7[%dma_start3A_207, %dma_start3A_211] : memref<2x128xi32, #tpu.memory_space<vmem>> -> memref<1x32xi32, #tpu.memory_space<vmem>>
        %dma_start3A_213 = tpu.memref_squeeze %dma_start3A_212 : memref<1x32xi32, #tpu.memory_space<vmem>> -> memref<32xi32, #tpu.memory_space<vmem>>
        %dma_start3A_214 = arith.constant 0 : i32
        %dma_start3A_215 = arith.constant 0 : i32
        %dma_start3A_216 = tpu.memref_slice %arg2[%dma_start3A_214, %dma_start3A_215] : memref<10240x128xf32, #tpu.memory_space<hbm>> -> memref<10240x128xf32, #tpu.memory_space<hbm>>
        tpu.enqueue_indirect_dma source(%dma_start3A_216 : memref<10240x128xf32, #tpu.memory_space<hbm>>) target(%dma_start3A_210 : memref<32x128xf32, #tpu.memory_space<vmem>>) offsets(%dma_start3A_213 : memref<32xi32, #tpu.memory_space<vmem>>) semaphore(%arg13 : memref<!tpu.dma_semaphore, #tpu.memory_space<semaphore_mem>>)
        %dma_start3A_217 = arith.constant 1 : i32
        %dma_start3A_218 = arith.constant 32 : i32
        %dma_start3A_219 = arith.constant 0 : i32
        %dma_start3A_220 = tpu.memref_slice %arg10[%dma_start3A_218, %dma_start3A_219] : memref<128x128xf32, #tpu.memory_space<vmem>> -> memref<32x128xf32, #tpu.memory_space<vmem>>
        %dma_start3A_221 = arith.constant 32 : i32
        %dma_start3A_222 = tpu.memref_slice %arg7[%dma_start3A_217, %dma_start3A_221] : memref<2x128xi32, #tpu.memory_space<vmem>> -> memref<1x32xi32, #tpu.memory_space<vmem>>
        %dma_start3A_223 = tpu.memref_squeeze %dma_start3A_222 : memref<1x32xi32, #tpu.memory_space<vmem>> -> memref<32xi32, #tpu.memory_space<vmem>>
        %dma_start3A_224 = arith.constant 0 : i32
        %dma_start3A_225 = arith.constant 0 : i32
        %dma_start3A_226 = tpu.memref_slice %arg2[%dma_start3A_224, %dma_start3A_225] : memref<10240x128xf32, #tpu.memory_space<hbm>> -> memref<10240x128xf32, #tpu.memory_space<hbm>>
        tpu.enqueue_indirect_dma source(%dma_start3A_226 : memref<10240x128xf32, #tpu.memory_space<hbm>>) target(%dma_start3A_220 : memref<32x128xf32, #tpu.memory_space<vmem>>) offsets(%dma_start3A_223 : memref<32xi32, #tpu.memory_space<vmem>>) semaphore(%arg13 : memref<!tpu.dma_semaphore, #tpu.memory_space<semaphore_mem>>)
        %dma_start3A_227 = arith.constant 1 : i32
        %dma_start3A_228 = arith.constant 64 : i32
        %dma_start3A_229 = arith.constant 0 : i32
        %dma_start3A_230 = tpu.memref_slice %arg10[%dma_start3A_228, %dma_start3A_229] : memref<128x128xf32, #tpu.memory_space<vmem>> -> memref<32x128xf32, #tpu.memory_space<vmem>>
        %dma_start3A_231 = arith.constant 64 : i32
        %dma_start3A_232 = tpu.memref_slice %arg7[%dma_start3A_227, %dma_start3A_231] : memref<2x128xi32, #tpu.memory_space<vmem>> -> memref<1x32xi32, #tpu.memory_space<vmem>>
        %dma_start3A_233 = tpu.memref_squeeze %dma_start3A_232 : memref<1x32xi32, #tpu.memory_space<vmem>> -> memref<32xi32, #tpu.memory_space<vmem>>
        %dma_start3A_234 = arith.constant 0 : i32
        %dma_start3A_235 = arith.constant 0 : i32
        %dma_start3A_236 = tpu.memref_slice %arg2[%dma_start3A_234, %dma_start3A_235] : memref<10240x128xf32, #tpu.memory_space<hbm>> -> memref<10240x128xf32, #tpu.memory_space<hbm>>
        tpu.enqueue_indirect_dma source(%dma_start3A_236 : memref<10240x128xf32, #tpu.memory_space<hbm>>) target(%dma_start3A_230 : memref<32x128xf32, #tpu.memory_space<vmem>>) offsets(%dma_start3A_233 : memref<32xi32, #tpu.memory_space<vmem>>) semaphore(%arg13 : memref<!tpu.dma_semaphore, #tpu.memory_space<semaphore_mem>>)
        %dma_start3A_237 = arith.constant 1 : i32
        %dma_start3A_238 = arith.constant 96 : i32
        %dma_start3A_239 = arith.constant 0 : i32
        %dma_start3A_240 = tpu.memref_slice %arg10[%dma_start3A_238, %dma_start3A_239] : memref<128x128xf32, #tpu.memory_space<vmem>> -> memref<32x128xf32, #tpu.memory_space<vmem>>
        %dma_start3A_241 = arith.constant 96 : i32
        %dma_start3A_242 = tpu.memref_slice %arg7[%dma_start3A_237, %dma_start3A_241] : memref<2x128xi32, #tpu.memory_space<vmem>> -> memref<1x32xi32, #tpu.memory_space<vmem>>
        %dma_start3A_243 = tpu.memref_squeeze %dma_start3A_242 : memref<1x32xi32, #tpu.memory_space<vmem>> -> memref<32xi32, #tpu.memory_space<vmem>>
        %dma_start3A_244 = arith.constant 0 : i32
        %dma_start3A_245 = arith.constant 0 : i32
        %dma_start3A_246 = tpu.memref_slice %arg2[%dma_start3A_244, %dma_start3A_245] : memref<10240x128xf32, #tpu.memory_space<hbm>> -> memref<10240x128xf32, #tpu.memory_space<hbm>>
        tpu.enqueue_indirect_dma source(%dma_start3A_246 : memref<10240x128xf32, #tpu.memory_space<hbm>>) target(%dma_start3A_240 : memref<32x128xf32, #tpu.memory_space<vmem>>) offsets(%dma_start3A_243 : memref<32xi32, #tpu.memory_space<vmem>>) semaphore(%arg13 : memref<!tpu.dma_semaphore, #tpu.memory_space<semaphore_mem>>)
      } else {
      }
      %add3A_129 = arith.constant 2 : i32
      %add3A_130 = arith.addi %add3A_86, %add3A_129 : i32
      %lt3A_131 = arith.cmpi slt, %add3A_130, %select_n3A_8 : i32
      %convert_element_type3A_132 = arith.extui %lt3A_131 : i1 to i32
      %cond3A_133 = arith.constant 0 : i32
      %cond3A_134 = arith.cmpi ne, %convert_element_type3A_132, %cond3A_133 : i32
      scf.if %cond3A_134 {
        %add3A_191 = arith.addi %select_n3A, %add3A_86 : i32
        %add3A_192 = arith.constant 2 : i32
        %add3A_193 = arith.addi %add3A_191, %add3A_192 : i32
        %dma_start3A_194 = arith.constant 0 : i32
        %dma_start3A_195 = arith.constant 0 : i32
        %dma_start3A_196 = tpu.memref_slice %arg7[%dma_start3A_194, %dma_start3A_195] : memref<2x128xi32, #tpu.memory_space<vmem>> -> memref<1x128xi32, #tpu.memory_space<vmem>>
        %dma_start3A_197 = tpu.memref_squeeze %dma_start3A_196 : memref<1x128xi32, #tpu.memory_space<vmem>> -> memref<128xi32, #tpu.memory_space<vmem>>
        %dma_start3A_198 = arith.constant 0 : i32
        %dma_start3A_199 = tpu.memref_slice %arg3[%add3A_193, %dma_start3A_198] : memref<2560x128xi32, #tpu.memory_space<hbm>> -> memref<1x128xi32, #tpu.memory_space<hbm>>
        %dma_start3A_200 = tpu.memref_squeeze %dma_start3A_199 : memref<1x128xi32, #tpu.memory_space<hbm>> -> memref<128xi32, #tpu.memory_space<hbm>>
        %dma_start3A_201 = arith.constant 0 : i32
        %dma_start3A_202 = tpu.memref_slice %arg7[%dma_start3A_194, %dma_start3A_201] : memref<2x128xi32, #tpu.memory_space<vmem>> -> memref<1x128xi32, #tpu.memory_space<vmem>>
        %dma_start3A_203 = tpu.memref_squeeze %dma_start3A_202 : memref<1x128xi32, #tpu.memory_space<vmem>> -> memref<128xi32, #tpu.memory_space<vmem>>
        %dma_start3A_204 = arith.constant 0 : i32
        %dma_start3A_205 = tpu.memref_slice %arg3[%add3A_193, %dma_start3A_204] : memref<2560x128xi32, #tpu.memory_space<hbm>> -> memref<1x128xi32, #tpu.memory_space<hbm>>
        %dma_start3A_206 = tpu.memref_squeeze %dma_start3A_205 : memref<1x128xi32, #tpu.memory_space<hbm>> -> memref<128xi32, #tpu.memory_space<hbm>>
        tpu.enqueue_dma source(%dma_start3A_206 : memref<128xi32, #tpu.memory_space<hbm>>) target(%dma_start3A_203 : memref<128xi32, #tpu.memory_space<vmem>>) target_semaphore(%arg14 : memref<!tpu.dma_semaphore, #tpu.memory_space<semaphore_mem>>)
      } else {
      }
      "tpu.region"() ({
        %run_scoped3A_191 = tpu.sem_alloc : memref<!tpu.dma_semaphore, #tpu.memory_space<semaphore_mem>>
        %dma_start3A_192 = arith.constant 0 : i32
        %dma_start3A_193 = tpu.memref_slice %arg8[%add3A_86, %dma_start3A_192] : memref<120x128xi32, #tpu.memory_space<vmem>> -> memref<1x128xi32, #tpu.memory_space<vmem>>
        %dma_start3A_194 = tpu.memref_squeeze %dma_start3A_193 : memref<1x128xi32, #tpu.memory_space<vmem>> -> memref<128xi32, #tpu.memory_space<vmem>>
        %dma_start3A_195 = arith.constant 0 : i32
        %dma_start3A_196 = arith.constant 0 : i32
        %dma_start3A_197 = tpu.memref_slice %arg11[%dma_start3A_195, %dma_start3A_196] : memref<10240x128xf32, #tpu.memory_space<vmem_shared>> -> memref<10240x128xf32, #tpu.memory_space<vmem_shared>>
        tpu.enqueue_indirect_dma source(%arg9 : memref<128x128xf32, #tpu.memory_space<vmem>>) target(%dma_start3A_197 : memref<10240x128xf32, #tpu.memory_space<vmem_shared>>) offsets(%dma_start3A_194 : memref<128xi32, #tpu.memory_space<vmem>>) semaphore(%run_scoped3A_191 : memref<!tpu.dma_semaphore, #tpu.memory_space<semaphore_mem>>) {add = true}
        %dma_wait3A_198 = arith.constant 0 : i32
        %dma_wait3A_199 = tpu.memref_slice %arg8[%add3A_86, %dma_wait3A_198] : memref<120x128xi32, #tpu.memory_space<vmem>> -> memref<1x128xi32, #tpu.memory_space<vmem>>
        %dma_wait3A_200 = tpu.memref_squeeze %dma_wait3A_199 : memref<1x128xi32, #tpu.memory_space<vmem>> -> memref<128xi32, #tpu.memory_space<vmem>>
        %dma_wait3A_201 = arith.constant 0 : i32
        %dma_wait3A_202 = arith.constant 0 : i32
        %dma_wait3A_203 = tpu.memref_slice %arg11[%dma_wait3A_201, %dma_wait3A_202] : memref<10240x128xf32, #tpu.memory_space<vmem_shared>> -> memref<10240x128xf32, #tpu.memory_space<vmem_shared>>
        tpu.wait_indirect_dma semaphore(%run_scoped3A_191 : memref<!tpu.dma_semaphore, #tpu.memory_space<semaphore_mem>>) src(%arg9 : memref<128x128xf32, #tpu.memory_space<vmem>>) dst(%dma_wait3A_203 : memref<10240x128xf32, #tpu.memory_space<vmem_shared>>)
        tpu.yield
      }) : () -> ()
      %mul3A_135 = arith.constant 2 : i32
      %mul3A_136 = arith.muli %while3A_82, %mul3A_135 : i32
      %add3A_137 = arith.constant 1 : i32
      %add3A_138 = arith.addi %mul3A_136, %add3A_137 : i32
      %dma_wait3A_139 = arith.constant 1 : i32
      %dma_wait3A_140 = arith.constant 0 : i32
      %dma_wait3A_141 = arith.constant 0 : i32
      %dma_wait3A_142 = tpu.memref_slice %arg10[%dma_wait3A_140, %dma_wait3A_141] : memref<128x128xf32, #tpu.memory_space<vmem>> -> memref<32x128xf32, #tpu.memory_space<vmem>>
      %dma_wait3A_143 = arith.constant 0 : i32
      %dma_wait3A_144 = tpu.memref_slice %arg7[%dma_wait3A_139, %dma_wait3A_143] : memref<2x128xi32, #tpu.memory_space<vmem>> -> memref<1x32xi32, #tpu.memory_space<vmem>>
      %dma_wait3A_145 = tpu.memref_squeeze %dma_wait3A_144 : memref<1x32xi32, #tpu.memory_space<vmem>> -> memref<32xi32, #tpu.memory_space<vmem>>
      %dma_wait3A_146 = arith.constant 0 : i32
      %dma_wait3A_147 = arith.constant 0 : i32
      %dma_wait3A_148 = tpu.memref_slice %arg2[%dma_wait3A_146, %dma_wait3A_147] : memref<10240x128xf32, #tpu.memory_space<hbm>> -> memref<10240x128xf32, #tpu.memory_space<hbm>>
      tpu.wait_indirect_dma semaphore(%arg13 : memref<!tpu.dma_semaphore, #tpu.memory_space<semaphore_mem>>) src(%dma_wait3A_148 : memref<10240x128xf32, #tpu.memory_space<hbm>>) dst(%dma_wait3A_142 : memref<32x128xf32, #tpu.memory_space<vmem>>)
      %dma_wait3A_149 = arith.constant 1 : i32
      %dma_wait3A_150 = arith.constant 32 : i32
      %dma_wait3A_151 = arith.constant 0 : i32
      %dma_wait3A_152 = tpu.memref_slice %arg10[%dma_wait3A_150, %dma_wait3A_151] : memref<128x128xf32, #tpu.memory_space<vmem>> -> memref<32x128xf32, #tpu.memory_space<vmem>>
      %dma_wait3A_153 = arith.constant 32 : i32
      %dma_wait3A_154 = tpu.memref_slice %arg7[%dma_wait3A_149, %dma_wait3A_153] : memref<2x128xi32, #tpu.memory_space<vmem>> -> memref<1x32xi32, #tpu.memory_space<vmem>>
      %dma_wait3A_155 = tpu.memref_squeeze %dma_wait3A_154 : memref<1x32xi32, #tpu.memory_space<vmem>> -> memref<32xi32, #tpu.memory_space<vmem>>
      %dma_wait3A_156 = arith.constant 0 : i32
      %dma_wait3A_157 = arith.constant 0 : i32
      %dma_wait3A_158 = tpu.memref_slice %arg2[%dma_wait3A_156, %dma_wait3A_157] : memref<10240x128xf32, #tpu.memory_space<hbm>> -> memref<10240x128xf32, #tpu.memory_space<hbm>>
      tpu.wait_indirect_dma semaphore(%arg13 : memref<!tpu.dma_semaphore, #tpu.memory_space<semaphore_mem>>) src(%dma_wait3A_158 : memref<10240x128xf32, #tpu.memory_space<hbm>>) dst(%dma_wait3A_152 : memref<32x128xf32, #tpu.memory_space<vmem>>)
      %dma_wait3A_159 = arith.constant 1 : i32
      %dma_wait3A_160 = arith.constant 64 : i32
      %dma_wait3A_161 = arith.constant 0 : i32
      %dma_wait3A_162 = tpu.memref_slice %arg10[%dma_wait3A_160, %dma_wait3A_161] : memref<128x128xf32, #tpu.memory_space<vmem>> -> memref<32x128xf32, #tpu.memory_space<vmem>>
      %dma_wait3A_163 = arith.constant 64 : i32
      %dma_wait3A_164 = tpu.memref_slice %arg7[%dma_wait3A_159, %dma_wait3A_163] : memref<2x128xi32, #tpu.memory_space<vmem>> -> memref<1x32xi32, #tpu.memory_space<vmem>>
      %dma_wait3A_165 = tpu.memref_squeeze %dma_wait3A_164 : memref<1x32xi32, #tpu.memory_space<vmem>> -> memref<32xi32, #tpu.memory_space<vmem>>
      %dma_wait3A_166 = arith.constant 0 : i32
      %dma_wait3A_167 = arith.constant 0 : i32
      %dma_wait3A_168 = tpu.memref_slice %arg2[%dma_wait3A_166, %dma_wait3A_167] : memref<10240x128xf32, #tpu.memory_space<hbm>> -> memref<10240x128xf32, #tpu.memory_space<hbm>>
      tpu.wait_indirect_dma semaphore(%arg13 : memref<!tpu.dma_semaphore, #tpu.memory_space<semaphore_mem>>) src(%dma_wait3A_168 : memref<10240x128xf32, #tpu.memory_space<hbm>>) dst(%dma_wait3A_162 : memref<32x128xf32, #tpu.memory_space<vmem>>)
      %dma_wait3A_169 = arith.constant 1 : i32
      %dma_wait3A_170 = arith.constant 96 : i32
      %dma_wait3A_171 = arith.constant 0 : i32
      %dma_wait3A_172 = tpu.memref_slice %arg10[%dma_wait3A_170, %dma_wait3A_171] : memref<128x128xf32, #tpu.memory_space<vmem>> -> memref<32x128xf32, #tpu.memory_space<vmem>>
      %dma_wait3A_173 = arith.constant 96 : i32
      %dma_wait3A_174 = tpu.memref_slice %arg7[%dma_wait3A_169, %dma_wait3A_173] : memref<2x128xi32, #tpu.memory_space<vmem>> -> memref<1x32xi32, #tpu.memory_space<vmem>>
      %dma_wait3A_175 = tpu.memref_squeeze %dma_wait3A_174 : memref<1x32xi32, #tpu.memory_space<vmem>> -> memref<32xi32, #tpu.memory_space<vmem>>
      %dma_wait3A_176 = arith.constant 0 : i32
      %dma_wait3A_177 = arith.constant 0 : i32
      %dma_wait3A_178 = tpu.memref_slice %arg2[%dma_wait3A_176, %dma_wait3A_177] : memref<10240x128xf32, #tpu.memory_space<hbm>> -> memref<10240x128xf32, #tpu.memory_space<hbm>>
      tpu.wait_indirect_dma semaphore(%arg13 : memref<!tpu.dma_semaphore, #tpu.memory_space<semaphore_mem>>) src(%dma_wait3A_178 : memref<10240x128xf32, #tpu.memory_space<hbm>>) dst(%dma_wait3A_172 : memref<32x128xf32, #tpu.memory_space<vmem>>)
      %add3A_179 = arith.constant 1 : i32
      %add3A_180 = arith.addi %add3A_138, %add3A_179 : i32
      %lt3A_181 = arith.cmpi slt, %add3A_180, %select_n3A_8 : i32
      %convert_element_type3A_182 = arith.extui %lt3A_181 : i1 to i32
      %cond3A_183 = arith.constant 0 : i32
      %cond3A_184 = arith.cmpi ne, %convert_element_type3A_182, %cond3A_183 : i32
      scf.if %cond3A_184 {
        %add3A_191 = arith.addi %select_n3A, %add3A_138 : i32
        %add3A_192 = arith.constant 1 : i32
        %add3A_193 = arith.addi %add3A_191, %add3A_192 : i32
        %dma_wait3A_194 = arith.constant 0 : i32
        %dma_wait3A_195 = arith.constant 0 : i32
        %dma_wait3A_196 = tpu.memref_slice %arg7[%dma_wait3A_194, %dma_wait3A_195] : memref<2x128xi32, #tpu.memory_space<vmem>> -> memref<1x128xi32, #tpu.memory_space<vmem>>
        %dma_wait3A_197 = tpu.memref_squeeze %dma_wait3A_196 : memref<1x128xi32, #tpu.memory_space<vmem>> -> memref<128xi32, #tpu.memory_space<vmem>>
        %dma_wait3A_198 = arith.constant 0 : i32
        %dma_wait3A_199 = tpu.memref_slice %arg3[%add3A_193, %dma_wait3A_198] : memref<2560x128xi32, #tpu.memory_space<hbm>> -> memref<1x128xi32, #tpu.memory_space<hbm>>
        %dma_wait3A_200 = tpu.memref_squeeze %dma_wait3A_199 : memref<1x128xi32, #tpu.memory_space<hbm>> -> memref<128xi32, #tpu.memory_space<hbm>>
        %dma_wait3A_201 = arith.constant 0 : i32
        %dma_wait3A_202 = tpu.memref_slice %arg7[%dma_wait3A_194, %dma_wait3A_201] : memref<2x128xi32, #tpu.memory_space<vmem>> -> memref<1x128xi32, #tpu.memory_space<vmem>>
        %dma_wait3A_203 = tpu.memref_squeeze %dma_wait3A_202 : memref<1x128xi32, #tpu.memory_space<vmem>> -> memref<128xi32, #tpu.memory_space<vmem>>
        %dma_wait3A_204 = arith.constant 0 : i32
        %dma_wait3A_205 = tpu.memref_slice %arg3[%add3A_193, %dma_wait3A_204] : memref<2560x128xi32, #tpu.memory_space<hbm>> -> memref<1x128xi32, #tpu.memory_space<hbm>>
        %dma_wait3A_206 = tpu.memref_squeeze %dma_wait3A_205 : memref<1x128xi32, #tpu.memory_space<hbm>> -> memref<128xi32, #tpu.memory_space<hbm>>
        tpu.wait_dma2 semaphore(%arg14 : memref<!tpu.dma_semaphore, #tpu.memory_space<semaphore_mem>>) src(%dma_wait3A_206 : memref<128xi32, #tpu.memory_space<hbm>>) dst(%dma_wait3A_203 : memref<128xi32, #tpu.memory_space<vmem>>)
        %dma_start3A_207 = arith.constant 0 : i32
        %dma_start3A_208 = arith.constant 0 : i32
        %dma_start3A_209 = arith.constant 0 : i32
        %dma_start3A_210 = tpu.memref_slice %arg9[%dma_start3A_208, %dma_start3A_209] : memref<128x128xf32, #tpu.memory_space<vmem>> -> memref<32x128xf32, #tpu.memory_space<vmem>>
        %dma_start3A_211 = arith.constant 0 : i32
        %dma_start3A_212 = tpu.memref_slice %arg7[%dma_start3A_207, %dma_start3A_211] : memref<2x128xi32, #tpu.memory_space<vmem>> -> memref<1x32xi32, #tpu.memory_space<vmem>>
        %dma_start3A_213 = tpu.memref_squeeze %dma_start3A_212 : memref<1x32xi32, #tpu.memory_space<vmem>> -> memref<32xi32, #tpu.memory_space<vmem>>
        %dma_start3A_214 = arith.constant 0 : i32
        %dma_start3A_215 = arith.constant 0 : i32
        %dma_start3A_216 = tpu.memref_slice %arg2[%dma_start3A_214, %dma_start3A_215] : memref<10240x128xf32, #tpu.memory_space<hbm>> -> memref<10240x128xf32, #tpu.memory_space<hbm>>
        tpu.enqueue_indirect_dma source(%dma_start3A_216 : memref<10240x128xf32, #tpu.memory_space<hbm>>) target(%dma_start3A_210 : memref<32x128xf32, #tpu.memory_space<vmem>>) offsets(%dma_start3A_213 : memref<32xi32, #tpu.memory_space<vmem>>) semaphore(%arg12 : memref<!tpu.dma_semaphore, #tpu.memory_space<semaphore_mem>>)
        %dma_start3A_217 = arith.constant 0 : i32
        %dma_start3A_218 = arith.constant 32 : i32
        %dma_start3A_219 = arith.constant 0 : i32
        %dma_start3A_220 = tpu.memref_slice %arg9[%dma_start3A_218, %dma_start3A_219] : memref<128x128xf32, #tpu.memory_space<vmem>> -> memref<32x128xf32, #tpu.memory_space<vmem>>
        %dma_start3A_221 = arith.constant 32 : i32
        %dma_start3A_222 = tpu.memref_slice %arg7[%dma_start3A_217, %dma_start3A_221] : memref<2x128xi32, #tpu.memory_space<vmem>> -> memref<1x32xi32, #tpu.memory_space<vmem>>
        %dma_start3A_223 = tpu.memref_squeeze %dma_start3A_222 : memref<1x32xi32, #tpu.memory_space<vmem>> -> memref<32xi32, #tpu.memory_space<vmem>>
        %dma_start3A_224 = arith.constant 0 : i32
        %dma_start3A_225 = arith.constant 0 : i32
        %dma_start3A_226 = tpu.memref_slice %arg2[%dma_start3A_224, %dma_start3A_225] : memref<10240x128xf32, #tpu.memory_space<hbm>> -> memref<10240x128xf32, #tpu.memory_space<hbm>>
        tpu.enqueue_indirect_dma source(%dma_start3A_226 : memref<10240x128xf32, #tpu.memory_space<hbm>>) target(%dma_start3A_220 : memref<32x128xf32, #tpu.memory_space<vmem>>) offsets(%dma_start3A_223 : memref<32xi32, #tpu.memory_space<vmem>>) semaphore(%arg12 : memref<!tpu.dma_semaphore, #tpu.memory_space<semaphore_mem>>)
        %dma_start3A_227 = arith.constant 0 : i32
        %dma_start3A_228 = arith.constant 64 : i32
        %dma_start3A_229 = arith.constant 0 : i32
        %dma_start3A_230 = tpu.memref_slice %arg9[%dma_start3A_228, %dma_start3A_229] : memref<128x128xf32, #tpu.memory_space<vmem>> -> memref<32x128xf32, #tpu.memory_space<vmem>>
        %dma_start3A_231 = arith.constant 64 : i32
        %dma_start3A_232 = tpu.memref_slice %arg7[%dma_start3A_227, %dma_start3A_231] : memref<2x128xi32, #tpu.memory_space<vmem>> -> memref<1x32xi32, #tpu.memory_space<vmem>>
        %dma_start3A_233 = tpu.memref_squeeze %dma_start3A_232 : memref<1x32xi32, #tpu.memory_space<vmem>> -> memref<32xi32, #tpu.memory_space<vmem>>
        %dma_start3A_234 = arith.constant 0 : i32
        %dma_start3A_235 = arith.constant 0 : i32
        %dma_start3A_236 = tpu.memref_slice %arg2[%dma_start3A_234, %dma_start3A_235] : memref<10240x128xf32, #tpu.memory_space<hbm>> -> memref<10240x128xf32, #tpu.memory_space<hbm>>
        tpu.enqueue_indirect_dma source(%dma_start3A_236 : memref<10240x128xf32, #tpu.memory_space<hbm>>) target(%dma_start3A_230 : memref<32x128xf32, #tpu.memory_space<vmem>>) offsets(%dma_start3A_233 : memref<32xi32, #tpu.memory_space<vmem>>) semaphore(%arg12 : memref<!tpu.dma_semaphore, #tpu.memory_space<semaphore_mem>>)
        %dma_start3A_237 = arith.constant 0 : i32
        %dma_start3A_238 = arith.constant 96 : i32
        %dma_start3A_239 = arith.constant 0 : i32
        %dma_start3A_240 = tpu.memref_slice %arg9[%dma_start3A_238, %dma_start3A_239] : memref<128x128xf32, #tpu.memory_space<vmem>> -> memref<32x128xf32, #tpu.memory_space<vmem>>
        %dma_start3A_241 = arith.constant 96 : i32
        %dma_start3A_242 = tpu.memref_slice %arg7[%dma_start3A_237, %dma_start3A_241] : memref<2x128xi32, #tpu.memory_space<vmem>> -> memref<1x32xi32, #tpu.memory_space<vmem>>
        %dma_start3A_243 = tpu.memref_squeeze %dma_start3A_242 : memref<1x32xi32, #tpu.memory_space<vmem>> -> memref<32xi32, #tpu.memory_space<vmem>>
        %dma_start3A_244 = arith.constant 0 : i32
        %dma_start3A_245 = arith.constant 0 : i32
        %dma_start3A_246 = tpu.memref_slice %arg2[%dma_start3A_244, %dma_start3A_245] : memref<10240x128xf32, #tpu.memory_space<hbm>> -> memref<10240x128xf32, #tpu.memory_space<hbm>>
        tpu.enqueue_indirect_dma source(%dma_start3A_246 : memref<10240x128xf32, #tpu.memory_space<hbm>>) target(%dma_start3A_240 : memref<32x128xf32, #tpu.memory_space<vmem>>) offsets(%dma_start3A_243 : memref<32xi32, #tpu.memory_space<vmem>>) semaphore(%arg12 : memref<!tpu.dma_semaphore, #tpu.memory_space<semaphore_mem>>)
      } else {
      }
      %add3A_185 = arith.constant 2 : i32
      %add3A_186 = arith.addi %add3A_138, %add3A_185 : i32
      %lt3A_187 = arith.cmpi slt, %add3A_186, %select_n3A_8 : i32
      %convert_element_type3A_188 = arith.extui %lt3A_187 : i1 to i32
      %cond3A_189 = arith.constant 0 : i32
      %cond3A_190 = arith.cmpi ne, %convert_element_type3A_188, %cond3A_189 : i32
      scf.if %cond3A_190 {
        %add3A_191 = arith.addi %select_n3A, %add3A_138 : i32
        %add3A_192 = arith.constant 2 : i32
        %add3A_193 = arith.addi %add3A_191, %add3A_192 : i32
        %dma_start3A_194 = arith.constant 1 : i32
        %dma_start3A_195 = arith.constant 0 : i32
        %dma_start3A_196 = tpu.memref_slice %arg7[%dma_start3A_194, %dma_start3A_195] : memref<2x128xi32, #tpu.memory_space<vmem>> -> memref<1x128xi32, #tpu.memory_space<vmem>>
        %dma_start3A_197 = tpu.memref_squeeze %dma_start3A_196 : memref<1x128xi32, #tpu.memory_space<vmem>> -> memref<128xi32, #tpu.memory_space<vmem>>
        %dma_start3A_198 = arith.constant 0 : i32
        %dma_start3A_199 = tpu.memref_slice %arg3[%add3A_193, %dma_start3A_198] : memref<2560x128xi32, #tpu.memory_space<hbm>> -> memref<1x128xi32, #tpu.memory_space<hbm>>
        %dma_start3A_200 = tpu.memref_squeeze %dma_start3A_199 : memref<1x128xi32, #tpu.memory_space<hbm>> -> memref<128xi32, #tpu.memory_space<hbm>>
        %dma_start3A_201 = arith.constant 0 : i32
        %dma_start3A_202 = tpu.memref_slice %arg7[%dma_start3A_194, %dma_start3A_201] : memref<2x128xi32, #tpu.memory_space<vmem>> -> memref<1x128xi32, #tpu.memory_space<vmem>>
        %dma_start3A_203 = tpu.memref_squeeze %dma_start3A_202 : memref<1x128xi32, #tpu.memory_space<vmem>> -> memref<128xi32, #tpu.memory_space<vmem>>
        %dma_start3A_204 = arith.constant 0 : i32
        %dma_start3A_205 = tpu.memref_slice %arg3[%add3A_193, %dma_start3A_204] : memref<2560x128xi32, #tpu.memory_space<hbm>> -> memref<1x128xi32, #tpu.memory_space<hbm>>
        %dma_start3A_206 = tpu.memref_squeeze %dma_start3A_205 : memref<1x128xi32, #tpu.memory_space<hbm>> -> memref<128xi32, #tpu.memory_space<hbm>>
        tpu.enqueue_dma source(%dma_start3A_206 : memref<128xi32, #tpu.memory_space<hbm>>) target(%dma_start3A_203 : memref<128xi32, #tpu.memory_space<vmem>>) target_semaphore(%arg15 : memref<!tpu.dma_semaphore, #tpu.memory_space<semaphore_mem>>)
      } else {
      }
      "tpu.region"() ({
        %run_scoped3A_191 = tpu.sem_alloc : memref<!tpu.dma_semaphore, #tpu.memory_space<semaphore_mem>>
        %dma_start3A_192 = arith.constant 0 : i32
        %dma_start3A_193 = tpu.memref_slice %arg8[%add3A_138, %dma_start3A_192] : memref<120x128xi32, #tpu.memory_space<vmem>> -> memref<1x128xi32, #tpu.memory_space<vmem>>
        %dma_start3A_194 = tpu.memref_squeeze %dma_start3A_193 : memref<1x128xi32, #tpu.memory_space<vmem>> -> memref<128xi32, #tpu.memory_space<vmem>>
        %dma_start3A_195 = arith.constant 0 : i32
        %dma_start3A_196 = arith.constant 0 : i32
        %dma_start3A_197 = tpu.memref_slice %arg11[%dma_start3A_195, %dma_start3A_196] : memref<10240x128xf32, #tpu.memory_space<vmem_shared>> -> memref<10240x128xf32, #tpu.memory_space<vmem_shared>>
        tpu.enqueue_indirect_dma source(%arg10 : memref<128x128xf32, #tpu.memory_space<vmem>>) target(%dma_start3A_197 : memref<10240x128xf32, #tpu.memory_space<vmem_shared>>) offsets(%dma_start3A_194 : memref<128xi32, #tpu.memory_space<vmem>>) semaphore(%run_scoped3A_191 : memref<!tpu.dma_semaphore, #tpu.memory_space<semaphore_mem>>) {add = true}
        %dma_wait3A_198 = arith.constant 0 : i32
        %dma_wait3A_199 = tpu.memref_slice %arg8[%add3A_138, %dma_wait3A_198] : memref<120x128xi32, #tpu.memory_space<vmem>> -> memref<1x128xi32, #tpu.memory_space<vmem>>
        %dma_wait3A_200 = tpu.memref_squeeze %dma_wait3A_199 : memref<1x128xi32, #tpu.memory_space<vmem>> -> memref<128xi32, #tpu.memory_space<vmem>>
        %dma_wait3A_201 = arith.constant 0 : i32
        %dma_wait3A_202 = arith.constant 0 : i32
        %dma_wait3A_203 = tpu.memref_slice %arg11[%dma_wait3A_201, %dma_wait3A_202] : memref<10240x128xf32, #tpu.memory_space<vmem_shared>> -> memref<10240x128xf32, #tpu.memory_space<vmem_shared>>
        tpu.wait_indirect_dma semaphore(%run_scoped3A_191 : memref<!tpu.dma_semaphore, #tpu.memory_space<semaphore_mem>>) src(%arg10 : memref<128x128xf32, #tpu.memory_space<vmem>>) dst(%dma_wait3A_203 : memref<10240x128xf32, #tpu.memory_space<vmem_shared>>)
        tpu.yield
      }) : () -> ()
    }
    %barrier3A_77 = arith.constant 0 : index
    tpu.barrier barrier_id(%barrier3A_77)
    %mul3A_78 = arith.constant 640 : i32
    %mul3A_79 = arith.muli %arg1, %mul3A_78 : i32
    %mul3A_80 = arith.constant 640 : i32
    %mul3A_81 = arith.muli %arg1, %mul3A_80 : i32
    "tpu.region"() ({
      %run_scoped3A_82 = tpu.sem_alloc : memref<!tpu.dma_semaphore, #tpu.memory_space<semaphore_mem>>
      %dma_start3A_83 = arith.constant 0 : i32
      %dma_start3A_84 = tpu.memref_slice %arg6[%arg0, %mul3A_81, %dma_start3A_83] : memref<2x10240x128xf32, #tpu.memory_space<hbm>> -> memref<1x640x128xf32, #tpu.memory_space<hbm>>
      %dma_start3A_85 = tpu.memref_squeeze %dma_start3A_84 : memref<1x640x128xf32, #tpu.memory_space<hbm>> -> memref<640x128xf32, #tpu.memory_space<hbm>>
      %dma_start3A_86 = arith.constant 0 : i32
      %dma_start3A_87 = tpu.memref_slice %arg11[%mul3A_79, %dma_start3A_86] : memref<10240x128xf32, #tpu.memory_space<vmem_shared>> -> memref<640x128xf32, #tpu.memory_space<vmem_shared>>
      tpu.enqueue_dma source(%dma_start3A_87 : memref<640x128xf32, #tpu.memory_space<vmem_shared>>) target(%dma_start3A_85 : memref<640x128xf32, #tpu.memory_space<hbm>>) target_semaphore(%run_scoped3A_82 : memref<!tpu.dma_semaphore, #tpu.memory_space<semaphore_mem>>)
      %dma_wait3A = arith.constant 0 : i32
      %dma_wait3A_88 = tpu.memref_slice %arg6[%arg0, %mul3A_81, %dma_wait3A] : memref<2x10240x128xf32, #tpu.memory_space<hbm>> -> memref<1x640x128xf32, #tpu.memory_space<hbm>>
      %dma_wait3A_89 = tpu.memref_squeeze %dma_wait3A_88 : memref<1x640x128xf32, #tpu.memory_space<hbm>> -> memref<640x128xf32, #tpu.memory_space<hbm>>
      %dma_wait3A_90 = arith.constant 0 : i32
      %dma_wait3A_91 = tpu.memref_slice %arg11[%mul3A_79, %dma_wait3A_90] : memref<10240x128xf32, #tpu.memory_space<vmem_shared>> -> memref<640x128xf32, #tpu.memory_space<vmem_shared>>
      tpu.wait_dma2 semaphore(%run_scoped3A_82 : memref<!tpu.dma_semaphore, #tpu.memory_space<semaphore_mem>>) src(%dma_wait3A_91 : memref<640x128xf32, #tpu.memory_space<vmem_shared>>) dst(%dma_wait3A_89 : memref<640x128xf32, #tpu.memory_space<hbm>>)
      tpu.yield
    }) : () -> ()
    return
  }
}

#map = affine_map<(d0, d1) -> (0, 0)>
#map1 = affine_map<(d0, d1) -> (0, 0, 0)>
module attributes {stable_mosaic.version = 14 : i64} {
  func.func @_sc_scatter_body(%arg0: i32, %arg1: i32, %arg2: memref<10240x128xf32, #tpu.memory_space<hbm>>, %arg3: memref<2560x128xi32, #tpu.memory_space<hbm>>, %arg4: memref<2560x128xi32, #tpu.memory_space<hbm>>, %arg5: memref<10240x128xf32, #tpu.memory_space<hbm>>, %arg6: memref<2x10240x128xf32, #tpu.memory_space<hbm>>, %arg7: memref<2x128xi32, #tpu.memory_space<vmem>>, %arg8: memref<120x128xi32, #tpu.memory_space<vmem>>, %arg9: memref<128x128xf32, #tpu.memory_space<vmem>>, %arg10: memref<128x128xf32, #tpu.memory_space<vmem>>, %arg11: memref<10240x128xf32, #tpu.memory_space<vmem_shared>>, %arg12: memref<!tpu.dma_semaphore, #tpu.memory_space<semaphore_mem>>, %arg13: memref<!tpu.dma_semaphore, #tpu.memory_space<semaphore_mem>>, %arg14: memref<!tpu.dma_semaphore, #tpu.memory_space<semaphore_mem>>, %arg15: memref<!tpu.dma_semaphore, #tpu.memory_space<semaphore_mem>>) attributes {dimension_semantics = [#tpu.dimension_semantics<core_parallel>, #tpu.dimension_semantics<subcore_parallel>], iteration_bounds = array<i64: 2, 16>, scalar_prefetch = 0 : i64, scratch_operands = 9 : i64, tpu.core_type = #tpu.core_type<sc_vector_subcore>, window_params = [{transform_indices = #map}, {transform_indices = #map}, {transform_indices = #map}, {transform_indices = #map}, {transform_indices = #map1}]} {
    %eq3A = arith.constant 0 : i32
    %eq3A_0 = arith.cmpi eq, %arg0, %eq3A : i32
    %mul3A = arith.constant 40 : i32
    %mul3A_1 = arith.muli %arg1, %mul3A : i32
    %mul3A_2 = arith.constant 120 : i32
    %mul3A_3 = arith.muli %arg1, %mul3A_2 : i32
    %add3A = arith.constant 640 : i32
    %add3A_4 = arith.addi %add3A, %mul3A_3 : i32
    %select_n3A = arith.select %eq3A_0, %mul3A_1, %add3A_4 : i32
    %eq3A_5 = arith.constant 0 : i32
    %eq3A_6 = arith.cmpi eq, %arg0, %eq3A_5 : i32
    %jit3A = arith.constant 40 : i32
    %jit3A_7 = arith.constant 120 : i32
    %select_n3A_8 = arith.select %eq3A_6, %jit3A, %jit3A_7 : i32
    %mul3A_9 = arith.constant 640 : i32
    %mul3A_10 = arith.muli %arg1, %mul3A_9 : i32
    %mul3A_11 = arith.constant 640 : i32
    %mul3A_12 = arith.muli %arg1, %mul3A_11 : i32
    "tpu.region"() ({
      %run_scoped3A_82 = tpu.sem_alloc : memref<!tpu.dma_semaphore, #tpu.memory_space<semaphore_mem>>
      %dma_start3A_83 = arith.constant 0 : i32
      %dma_start3A_84 = tpu.memref_slice %arg11[%mul3A_12, %dma_start3A_83] : memref<10240x128xf32, #tpu.memory_space<vmem_shared>> -> memref<640x128xf32, #tpu.memory_space<vmem_shared>>
      %dma_start3A_85 = arith.constant 0 : i32
      %dma_start3A_86 = tpu.memref_slice %arg5[%mul3A_10, %dma_start3A_85] : memref<10240x128xf32, #tpu.memory_space<hbm>> -> memref<640x128xf32, #tpu.memory_space<hbm>>
      tpu.enqueue_dma source(%dma_start3A_86 : memref<640x128xf32, #tpu.memory_space<hbm>>) target(%dma_start3A_84 : memref<640x128xf32, #tpu.memory_space<vmem_shared>>) target_semaphore(%run_scoped3A_82 : memref<!tpu.dma_semaphore, #tpu.memory_space<semaphore_mem>>)
      %dma_wait3A = arith.constant 0 : i32
      %dma_wait3A_87 = tpu.memref_slice %arg11[%mul3A_12, %dma_wait3A] : memref<10240x128xf32, #tpu.memory_space<vmem_shared>> -> memref<640x128xf32, #tpu.memory_space<vmem_shared>>
      %dma_wait3A_88 = arith.constant 0 : i32
      %dma_wait3A_89 = tpu.memref_slice %arg5[%mul3A_10, %dma_wait3A_88] : memref<10240x128xf32, #tpu.memory_space<hbm>> -> memref<640x128xf32, #tpu.memory_space<hbm>>
      tpu.wait_dma2 semaphore(%run_scoped3A_82 : memref<!tpu.dma_semaphore, #tpu.memory_space<semaphore_mem>>) src(%dma_wait3A_89 : memref<640x128xf32, #tpu.memory_space<hbm>>) dst(%dma_wait3A_87 : memref<640x128xf32, #tpu.memory_space<vmem_shared>>)
      tpu.yield
    }) : () -> ()
    "tpu.region"() ({
      %run_scoped3A_82 = tpu.sem_alloc : memref<!tpu.dma_semaphore, #tpu.memory_space<semaphore_mem>>
      %dma_start3A_83 = arith.constant 0 : i32
      %dma_start3A_84 = tpu.memref_slice %arg4[%select_n3A, %dma_start3A_83] : memref<2560x128xi32, #tpu.memory_space<hbm>> -> memref<120x128xi32, #tpu.memory_space<hbm>>
      %dma_start3A_85 = arith.constant 0 : i32
      %dma_start3A_86 = tpu.memref_slice %arg4[%select_n3A, %dma_start3A_85] : memref<2560x128xi32, #tpu.memory_space<hbm>> -> memref<120x128xi32, #tpu.memory_space<hbm>>
      tpu.enqueue_dma source(%dma_start3A_86 : memref<120x128xi32, #tpu.memory_space<hbm>>) target(%arg8 : memref<120x128xi32, #tpu.memory_space<vmem>>) target_semaphore(%run_scoped3A_82 : memref<!tpu.dma_semaphore, #tpu.memory_space<semaphore_mem>>)
      %dma_wait3A = arith.constant 0 : i32
      %dma_wait3A_87 = tpu.memref_slice %arg4[%select_n3A, %dma_wait3A] : memref<2560x128xi32, #tpu.memory_space<hbm>> -> memref<120x128xi32, #tpu.memory_space<hbm>>
      %dma_wait3A_88 = arith.constant 0 : i32
      %dma_wait3A_89 = tpu.memref_slice %arg4[%select_n3A, %dma_wait3A_88] : memref<2560x128xi32, #tpu.memory_space<hbm>> -> memref<120x128xi32, #tpu.memory_space<hbm>>
      tpu.wait_dma2 semaphore(%run_scoped3A_82 : memref<!tpu.dma_semaphore, #tpu.memory_space<semaphore_mem>>) src(%dma_wait3A_89 : memref<120x128xi32, #tpu.memory_space<hbm>>) dst(%arg8 : memref<120x128xi32, #tpu.memory_space<vmem>>)
      tpu.yield
    }) : () -> ()
    %run_scoped3A = arith.constant 0 : i32
    "tpu.region"() ({
      %run_scoped3A_82 = tpu.sem_alloc : memref<!tpu.dma_semaphore, #tpu.memory_space<semaphore_mem>>
      %dma_start3A_83 = arith.constant 0 : i32
      %dma_start3A_84 = tpu.memref_slice %arg7[%run_scoped3A, %dma_start3A_83] : memref<2x128xi32, #tpu.memory_space<vmem>> -> memref<1x128xi32, #tpu.memory_space<vmem>>
      %dma_start3A_85 = tpu.memref_squeeze %dma_start3A_84 : memref<1x128xi32, #tpu.memory_space<vmem>> -> memref<128xi32, #tpu.memory_space<vmem>>
      %dma_start3A_86 = arith.constant 0 : i32
      %dma_start3A_87 = tpu.memref_slice %arg3[%select_n3A, %dma_start3A_86] : memref<2560x128xi32, #tpu.memory_space<hbm>> -> memref<1x128xi32, #tpu.memory_space<hbm>>
      %dma_start3A_88 = tpu.memref_squeeze %dma_start3A_87 : memref<1x128xi32, #tpu.memory_space<hbm>> -> memref<128xi32, #tpu.memory_space<hbm>>
      %dma_start3A_89 = arith.constant 0 : i32
      %dma_start3A_90 = tpu.memref_slice %arg7[%run_scoped3A, %dma_start3A_89] : memref<2x128xi32, #tpu.memory_space<vmem>> -> memref<1x128xi32, #tpu.memory_space<vmem>>
      %dma_start3A_91 = tpu.memref_squeeze %dma_start3A_90 : memref<1x128xi32, #tpu.memory_space<vmem>> -> memref<128xi32, #tpu.memory_space<vmem>>
      %dma_start3A_92 = arith.constant 0 : i32
      %dma_start3A_93 = tpu.memref_slice %arg3[%select_n3A, %dma_start3A_92] : memref<2560x128xi32, #tpu.memory_space<hbm>> -> memref<1x128xi32, #tpu.memory_space<hbm>>
      %dma_start3A_94 = tpu.memref_squeeze %dma_start3A_93 : memref<1x128xi32, #tpu.memory_space<hbm>> -> memref<128xi32, #tpu.memory_space<hbm>>
      tpu.enqueue_dma source(%dma_start3A_94 : memref<128xi32, #tpu.memory_space<hbm>>) target(%dma_start3A_91 : memref<128xi32, #tpu.memory_space<vmem>>) target_semaphore(%run_scoped3A_82 : memref<!tpu.dma_semaphore, #tpu.memory_space<semaphore_mem>>)
      %dma_wait3A = arith.constant 0 : i32
      %dma_wait3A_95 = tpu.memref_slice %arg7[%run_scoped3A, %dma_wait3A] : memref<2x128xi32, #tpu.memory_space<vmem>> -> memref<1x128xi32, #tpu.memory_space<vmem>>
      %dma_wait3A_96 = tpu.memref_squeeze %dma_wait3A_95 : memref<1x128xi32, #tpu.memory_space<vmem>> -> memref<128xi32, #tpu.memory_space<vmem>>
      %dma_wait3A_97 = arith.constant 0 : i32
      %dma_wait3A_98 = tpu.memref_slice %arg3[%select_n3A, %dma_wait3A_97] : memref<2560x128xi32, #tpu.memory_space<hbm>> -> memref<1x128xi32, #tpu.memory_space<hbm>>
      %dma_wait3A_99 = tpu.memref_squeeze %dma_wait3A_98 : memref<1x128xi32, #tpu.memory_space<hbm>> -> memref<128xi32, #tpu.memory_space<hbm>>
      %dma_wait3A_100 = arith.constant 0 : i32
      %dma_wait3A_101 = tpu.memref_slice %arg7[%run_scoped3A, %dma_wait3A_100] : memref<2x128xi32, #tpu.memory_space<vmem>> -> memref<1x128xi32, #tpu.memory_space<vmem>>
      %dma_wait3A_102 = tpu.memref_squeeze %dma_wait3A_101 : memref<1x128xi32, #tpu.memory_space<vmem>> -> memref<128xi32, #tpu.memory_space<vmem>>
      %dma_wait3A_103 = arith.constant 0 : i32
      %dma_wait3A_104 = tpu.memref_slice %arg3[%select_n3A, %dma_wait3A_103] : memref<2560x128xi32, #tpu.memory_space<hbm>> -> memref<1x128xi32, #tpu.memory_space<hbm>>
      %dma_wait3A_105 = tpu.memref_squeeze %dma_wait3A_104 : memref<1x128xi32, #tpu.memory_space<hbm>> -> memref<128xi32, #tpu.memory_space<hbm>>
      tpu.wait_dma2 semaphore(%run_scoped3A_82 : memref<!tpu.dma_semaphore, #tpu.memory_space<semaphore_mem>>) src(%dma_wait3A_105 : memref<128xi32, #tpu.memory_space<hbm>>) dst(%dma_wait3A_102 : memref<128xi32, #tpu.memory_space<vmem>>)
      tpu.yield
    }) : () -> ()
    %barrier3A = arith.constant 0 : index
    tpu.barrier barrier_id(%barrier3A)
    %dma_start3A = arith.constant 0 : i32
    %dma_start3A_13 = arith.constant 0 : i32
    %dma_start3A_14 = arith.constant 0 : i32
    %dma_start3A_15 = tpu.memref_slice %arg9[%dma_start3A_13, %dma_start3A_14] : memref<128x128xf32, #tpu.memory_space<vmem>> -> memref<32x128xf32, #tpu.memory_space<vmem>>
    %dma_start3A_16 = arith.constant 0 : i32
    %dma_start3A_17 = tpu.memref_slice %arg7[%dma_start3A, %dma_start3A_16] : memref<2x128xi32, #tpu.memory_space<vmem>> -> memref<1x32xi32, #tpu.memory_space<vmem>>
    %dma_start3A_18 = tpu.memref_squeeze %dma_start3A_17 : memref<1x32xi32, #tpu.memory_space<vmem>> -> memref<32xi32, #tpu.memory_space<vmem>>
    %dma_start3A_19 = arith.constant 0 : i32
    %dma_start3A_20 = arith.constant 0 : i32
    %dma_start3A_21 = tpu.memref_slice %arg2[%dma_start3A_19, %dma_start3A_20] : memref<10240x128xf32, #tpu.memory_space<hbm>> -> memref<10240x128xf32, #tpu.memory_space<hbm>>
    tpu.enqueue_indirect_dma source(%dma_start3A_21 : memref<10240x128xf32, #tpu.memory_space<hbm>>) target(%dma_start3A_15 : memref<32x128xf32, #tpu.memory_space<vmem>>) offsets(%dma_start3A_18 : memref<32xi32, #tpu.memory_space<vmem>>) semaphore(%arg12 : memref<!tpu.dma_semaphore, #tpu.memory_space<semaphore_mem>>)
    %dma_start3A_22 = arith.constant 0 : i32
    %dma_start3A_23 = arith.constant 32 : i32
    %dma_start3A_24 = arith.constant 0 : i32
    %dma_start3A_25 = tpu.memref_slice %arg9[%dma_start3A_23, %dma_start3A_24] : memref<128x128xf32, #tpu.memory_space<vmem>> -> memref<32x128xf32, #tpu.memory_space<vmem>>
    %dma_start3A_26 = arith.constant 32 : i32
    %dma_start3A_27 = tpu.memref_slice %arg7[%dma_start3A_22, %dma_start3A_26] : memref<2x128xi32, #tpu.memory_space<vmem>> -> memref<1x32xi32, #tpu.memory_space<vmem>>
    %dma_start3A_28 = tpu.memref_squeeze %dma_start3A_27 : memref<1x32xi32, #tpu.memory_space<vmem>> -> memref<32xi32, #tpu.memory_space<vmem>>
    %dma_start3A_29 = arith.constant 0 : i32
    %dma_start3A_30 = arith.constant 0 : i32
    %dma_start3A_31 = tpu.memref_slice %arg2[%dma_start3A_29, %dma_start3A_30] : memref<10240x128xf32, #tpu.memory_space<hbm>> -> memref<10240x128xf32, #tpu.memory_space<hbm>>
    tpu.enqueue_indirect_dma source(%dma_start3A_31 : memref<10240x128xf32, #tpu.memory_space<hbm>>) target(%dma_start3A_25 : memref<32x128xf32, #tpu.memory_space<vmem>>) offsets(%dma_start3A_28 : memref<32xi32, #tpu.memory_space<vmem>>) semaphore(%arg12 : memref<!tpu.dma_semaphore, #tpu.memory_space<semaphore_mem>>)
    %dma_start3A_32 = arith.constant 0 : i32
    %dma_start3A_33 = arith.constant 64 : i32
    %dma_start3A_34 = arith.constant 0 : i32
    %dma_start3A_35 = tpu.memref_slice %arg9[%dma_start3A_33, %dma_start3A_34] : memref<128x128xf32, #tpu.memory_space<vmem>> -> memref<32x128xf32, #tpu.memory_space<vmem>>
    %dma_start3A_36 = arith.constant 64 : i32
    %dma_start3A_37 = tpu.memref_slice %arg7[%dma_start3A_32, %dma_start3A_36] : memref<2x128xi32, #tpu.memory_space<vmem>> -> memref<1x32xi32, #tpu.memory_space<vmem>>
    %dma_start3A_38 = tpu.memref_squeeze %dma_start3A_37 : memref<1x32xi32, #tpu.memory_space<vmem>> -> memref<32xi32, #tpu.memory_space<vmem>>
    %dma_start3A_39 = arith.constant 0 : i32
    %dma_start3A_40 = arith.constant 0 : i32
    %dma_start3A_41 = tpu.memref_slice %arg2[%dma_start3A_39, %dma_start3A_40] : memref<10240x128xf32, #tpu.memory_space<hbm>> -> memref<10240x128xf32, #tpu.memory_space<hbm>>
    tpu.enqueue_indirect_dma source(%dma_start3A_41 : memref<10240x128xf32, #tpu.memory_space<hbm>>) target(%dma_start3A_35 : memref<32x128xf32, #tpu.memory_space<vmem>>) offsets(%dma_start3A_38 : memref<32xi32, #tpu.memory_space<vmem>>) semaphore(%arg12 : memref<!tpu.dma_semaphore, #tpu.memory_space<semaphore_mem>>)
    %dma_start3A_42 = arith.constant 0 : i32
    %dma_start3A_43 = arith.constant 96 : i32
    %dma_start3A_44 = arith.constant 0 : i32
    %dma_start3A_45 = tpu.memref_slice %arg9[%dma_start3A_43, %dma_start3A_44] : memref<128x128xf32, #tpu.memory_space<vmem>> -> memref<32x128xf32, #tpu.memory_space<vmem>>
    %dma_start3A_46 = arith.constant 96 : i32
    %dma_start3A_47 = tpu.memref_slice %arg7[%dma_start3A_42, %dma_start3A_46] : memref<2x128xi32, #tpu.memory_space<vmem>> -> memref<1x32xi32, #tpu.memory_space<vmem>>
    %dma_start3A_48 = tpu.memref_squeeze %dma_start3A_47 : memref<1x32xi32, #tpu.memory_space<vmem>> -> memref<32xi32, #tpu.memory_space<vmem>>
    %dma_start3A_49 = arith.constant 0 : i32
    %dma_start3A_50 = arith.constant 0 : i32
    %dma_start3A_51 = tpu.memref_slice %arg2[%dma_start3A_49, %dma_start3A_50] : memref<10240x128xf32, #tpu.memory_space<hbm>> -> memref<10240x128xf32, #tpu.memory_space<hbm>>
    tpu.enqueue_indirect_dma source(%dma_start3A_51 : memref<10240x128xf32, #tpu.memory_space<hbm>>) target(%dma_start3A_45 : memref<32x128xf32, #tpu.memory_space<vmem>>) offsets(%dma_start3A_48 : memref<32xi32, #tpu.memory_space<vmem>>) semaphore(%arg12 : memref<!tpu.dma_semaphore, #tpu.memory_space<semaphore_mem>>)
    %add3A_52 = arith.constant 1 : i32
    %add3A_53 = arith.addi %select_n3A, %add3A_52 : i32
    %dma_start3A_54 = arith.constant 1 : i32
    %dma_start3A_55 = arith.constant 0 : i32
    %dma_start3A_56 = tpu.memref_slice %arg7[%dma_start3A_54, %dma_start3A_55] : memref<2x128xi32, #tpu.memory_space<vmem>> -> memref<1x128xi32, #tpu.memory_space<vmem>>
    %dma_start3A_57 = tpu.memref_squeeze %dma_start3A_56 : memref<1x128xi32, #tpu.memory_space<vmem>> -> memref<128xi32, #tpu.memory_space<vmem>>
    %dma_start3A_58 = arith.constant 0 : i32
    %dma_start3A_59 = tpu.memref_slice %arg3[%add3A_53, %dma_start3A_58] : memref<2560x128xi32, #tpu.memory_space<hbm>> -> memref<1x128xi32, #tpu.memory_space<hbm>>
    %dma_start3A_60 = tpu.memref_squeeze %dma_start3A_59 : memref<1x128xi32, #tpu.memory_space<hbm>> -> memref<128xi32, #tpu.memory_space<hbm>>
    %dma_start3A_61 = arith.constant 0 : i32
    %dma_start3A_62 = tpu.memref_slice %arg7[%dma_start3A_54, %dma_start3A_61] : memref<2x128xi32, #tpu.memory_space<vmem>> -> memref<1x128xi32, #tpu.memory_space<vmem>>
    %dma_start3A_63 = tpu.memref_squeeze %dma_start3A_62 : memref<1x128xi32, #tpu.memory_space<vmem>> -> memref<128xi32, #tpu.memory_space<vmem>>
    %dma_start3A_64 = arith.constant 0 : i32
    %dma_start3A_65 = tpu.memref_slice %arg3[%add3A_53, %dma_start3A_64] : memref<2560x128xi32, #tpu.memory_space<hbm>> -> memref<1x128xi32, #tpu.memory_space<hbm>>
    %dma_start3A_66 = tpu.memref_squeeze %dma_start3A_65 : memref<1x128xi32, #tpu.memory_space<hbm>> -> memref<128xi32, #tpu.memory_space<hbm>>
    tpu.enqueue_dma source(%dma_start3A_66 : memref<128xi32, #tpu.memory_space<hbm>>) target(%dma_start3A_63 : memref<128xi32, #tpu.memory_space<vmem>>) target_semaphore(%arg15 : memref<!tpu.dma_semaphore, #tpu.memory_space<semaphore_mem>>)
    %div3A = arith.constant 2 : i32
    %div3A_67 = arith.divsi %select_n3A_8, %div3A : i32
    %while3A = arith.constant 0 : i32
    %while3A_68 = arith.constant 0 : i32
    %while3A_69 = arith.subi %div3A_67, %while3A_68 : i32
    %while3A_70 = arith.addi %while3A_68, %while3A_69 : i32
    %while3A_71 = arith.constant 1 : i32
    %while3A_72 = arith.divsi %while3A_69, %while3A_71 : i32
    %while3A_73 = arith.muli %while3A_72, %while3A_71 : i32
    %while3A_74 = arith.addi %while3A_68, %while3A_73 : i32
    %while3A_75 = arith.constant 1 : i32
    scf.for %while3A_82 = %while3A_68 to %while3A_74 step %while3A_75  : i32 {
      %mul3A_83 = arith.constant 2 : i32
      %mul3A_84 = arith.muli %while3A_82, %mul3A_83 : i32
      %add3A_85 = arith.constant 0 : i32
      %add3A_86 = arith.addi %mul3A_84, %add3A_85 : i32
      %dma_wait3A = arith.constant 0 : i32
      %dma_wait3A_87 = arith.constant 0 : i32
      %dma_wait3A_88 = arith.constant 0 : i32
      %dma_wait3A_89 = tpu.memref_slice %arg9[%dma_wait3A_87, %dma_wait3A_88] : memref<128x128xf32, #tpu.memory_space<vmem>> -> memref<32x128xf32, #tpu.memory_space<vmem>>
      %dma_wait3A_90 = arith.constant 0 : i32
      %dma_wait3A_91 = tpu.memref_slice %arg7[%dma_wait3A, %dma_wait3A_90] : memref<2x128xi32, #tpu.memory_space<vmem>> -> memref<1x32xi32, #tpu.memory_space<vmem>>
      %dma_wait3A_92 = tpu.memref_squeeze %dma_wait3A_91 : memref<1x32xi32, #tpu.memory_space<vmem>> -> memref<32xi32, #tpu.memory_space<vmem>>
      %dma_wait3A_93 = arith.constant 0 : i32
      %dma_wait3A_94 = arith.constant 0 : i32
      %dma_wait3A_95 = tpu.memref_slice %arg2[%dma_wait3A_93, %dma_wait3A_94] : memref<10240x128xf32, #tpu.memory_space<hbm>> -> memref<10240x128xf32, #tpu.memory_space<hbm>>
      tpu.wait_indirect_dma semaphore(%arg12 : memref<!tpu.dma_semaphore, #tpu.memory_space<semaphore_mem>>) src(%dma_wait3A_95 : memref<10240x128xf32, #tpu.memory_space<hbm>>) dst(%dma_wait3A_89 : memref<32x128xf32, #tpu.memory_space<vmem>>)
      %dma_wait3A_96 = arith.constant 0 : i32
      %dma_wait3A_97 = arith.constant 32 : i32
      %dma_wait3A_98 = arith.constant 0 : i32
      %dma_wait3A_99 = tpu.memref_slice %arg9[%dma_wait3A_97, %dma_wait3A_98] : memref<128x128xf32, #tpu.memory_space<vmem>> -> memref<32x128xf32, #tpu.memory_space<vmem>>
      %dma_wait3A_100 = arith.constant 32 : i32
      %dma_wait3A_101 = tpu.memref_slice %arg7[%dma_wait3A_96, %dma_wait3A_100] : memref<2x128xi32, #tpu.memory_space<vmem>> -> memref<1x32xi32, #tpu.memory_space<vmem>>
      %dma_wait3A_102 = tpu.memref_squeeze %dma_wait3A_101 : memref<1x32xi32, #tpu.memory_space<vmem>> -> memref<32xi32, #tpu.memory_space<vmem>>
      %dma_wait3A_103 = arith.constant 0 : i32
      %dma_wait3A_104 = arith.constant 0 : i32
      %dma_wait3A_105 = tpu.memref_slice %arg2[%dma_wait3A_103, %dma_wait3A_104] : memref<10240x128xf32, #tpu.memory_space<hbm>> -> memref<10240x128xf32, #tpu.memory_space<hbm>>
      tpu.wait_indirect_dma semaphore(%arg12 : memref<!tpu.dma_semaphore, #tpu.memory_space<semaphore_mem>>) src(%dma_wait3A_105 : memref<10240x128xf32, #tpu.memory_space<hbm>>) dst(%dma_wait3A_99 : memref<32x128xf32, #tpu.memory_space<vmem>>)
      %dma_wait3A_106 = arith.constant 0 : i32
      %dma_wait3A_107 = arith.constant 64 : i32
      %dma_wait3A_108 = arith.constant 0 : i32
      %dma_wait3A_109 = tpu.memref_slice %arg9[%dma_wait3A_107, %dma_wait3A_108] : memref<128x128xf32, #tpu.memory_space<vmem>> -> memref<32x128xf32, #tpu.memory_space<vmem>>
      %dma_wait3A_110 = arith.constant 64 : i32
      %dma_wait3A_111 = tpu.memref_slice %arg7[%dma_wait3A_106, %dma_wait3A_110] : memref<2x128xi32, #tpu.memory_space<vmem>> -> memref<1x32xi32, #tpu.memory_space<vmem>>
      %dma_wait3A_112 = tpu.memref_squeeze %dma_wait3A_111 : memref<1x32xi32, #tpu.memory_space<vmem>> -> memref<32xi32, #tpu.memory_space<vmem>>
      %dma_wait3A_113 = arith.constant 0 : i32
      %dma_wait3A_114 = arith.constant 0 : i32
      %dma_wait3A_115 = tpu.memref_slice %arg2[%dma_wait3A_113, %dma_wait3A_114] : memref<10240x128xf32, #tpu.memory_space<hbm>> -> memref<10240x128xf32, #tpu.memory_space<hbm>>
      tpu.wait_indirect_dma semaphore(%arg12 : memref<!tpu.dma_semaphore, #tpu.memory_space<semaphore_mem>>) src(%dma_wait3A_115 : memref<10240x128xf32, #tpu.memory_space<hbm>>) dst(%dma_wait3A_109 : memref<32x128xf32, #tpu.memory_space<vmem>>)
      %dma_wait3A_116 = arith.constant 0 : i32
      %dma_wait3A_117 = arith.constant 96 : i32
      %dma_wait3A_118 = arith.constant 0 : i32
      %dma_wait3A_119 = tpu.memref_slice %arg9[%dma_wait3A_117, %dma_wait3A_118] : memref<128x128xf32, #tpu.memory_space<vmem>> -> memref<32x128xf32, #tpu.memory_space<vmem>>
      %dma_wait3A_120 = arith.constant 96 : i32
      %dma_wait3A_121 = tpu.memref_slice %arg7[%dma_wait3A_116, %dma_wait3A_120] : memref<2x128xi32, #tpu.memory_space<vmem>> -> memref<1x32xi32, #tpu.memory_space<vmem>>
      %dma_wait3A_122 = tpu.memref_squeeze %dma_wait3A_121 : memref<1x32xi32, #tpu.memory_space<vmem>> -> memref<32xi32, #tpu.memory_space<vmem>>
      %dma_wait3A_123 = arith.constant 0 : i32
      %dma_wait3A_124 = arith.constant 0 : i32
      %dma_wait3A_125 = tpu.memref_slice %arg2[%dma_wait3A_123, %dma_wait3A_124] : memref<10240x128xf32, #tpu.memory_space<hbm>> -> memref<10240x128xf32, #tpu.memory_space<hbm>>
      tpu.wait_indirect_dma semaphore(%arg12 : memref<!tpu.dma_semaphore, #tpu.memory_space<semaphore_mem>>) src(%dma_wait3A_125 : memref<10240x128xf32, #tpu.memory_space<hbm>>) dst(%dma_wait3A_119 : memref<32x128xf32, #tpu.memory_space<vmem>>)
      %add3A_126 = arith.constant 1 : i32
      %add3A_127 = arith.addi %add3A_86, %add3A_126 : i32
      %lt3A = arith.cmpi slt, %add3A_127, %select_n3A_8 : i32
      %convert_element_type3A = arith.extui %lt3A : i1 to i32
      %cond3A = arith.constant 0 : i32
      %cond3A_128 = arith.cmpi ne, %convert_element_type3A, %cond3A : i32
      scf.if %cond3A_128 {
        %add3A_191 = arith.addi %select_n3A, %add3A_86 : i32
        %add3A_192 = arith.constant 1 : i32
        %add3A_193 = arith.addi %add3A_191, %add3A_192 : i32
        %dma_wait3A_194 = arith.constant 1 : i32
        %dma_wait3A_195 = arith.constant 0 : i32
        %dma_wait3A_196 = tpu.memref_slice %arg7[%dma_wait3A_194, %dma_wait3A_195] : memref<2x128xi32, #tpu.memory_space<vmem>> -> memref<1x128xi32, #tpu.memory_space<vmem>>
        %dma_wait3A_197 = tpu.memref_squeeze %dma_wait3A_196 : memref<1x128xi32, #tpu.memory_space<vmem>> -> memref<128xi32, #tpu.memory_space<vmem>>
        %dma_wait3A_198 = arith.constant 0 : i32
        %dma_wait3A_199 = tpu.memref_slice %arg3[%add3A_193, %dma_wait3A_198] : memref<2560x128xi32, #tpu.memory_space<hbm>> -> memref<1x128xi32, #tpu.memory_space<hbm>>
        %dma_wait3A_200 = tpu.memref_squeeze %dma_wait3A_199 : memref<1x128xi32, #tpu.memory_space<hbm>> -> memref<128xi32, #tpu.memory_space<hbm>>
        %dma_wait3A_201 = arith.constant 0 : i32
        %dma_wait3A_202 = tpu.memref_slice %arg7[%dma_wait3A_194, %dma_wait3A_201] : memref<2x128xi32, #tpu.memory_space<vmem>> -> memref<1x128xi32, #tpu.memory_space<vmem>>
        %dma_wait3A_203 = tpu.memref_squeeze %dma_wait3A_202 : memref<1x128xi32, #tpu.memory_space<vmem>> -> memref<128xi32, #tpu.memory_space<vmem>>
        %dma_wait3A_204 = arith.constant 0 : i32
        %dma_wait3A_205 = tpu.memref_slice %arg3[%add3A_193, %dma_wait3A_204] : memref<2560x128xi32, #tpu.memory_space<hbm>> -> memref<1x128xi32, #tpu.memory_space<hbm>>
        %dma_wait3A_206 = tpu.memref_squeeze %dma_wait3A_205 : memref<1x128xi32, #tpu.memory_space<hbm>> -> memref<128xi32, #tpu.memory_space<hbm>>
        tpu.wait_dma2 semaphore(%arg15 : memref<!tpu.dma_semaphore, #tpu.memory_space<semaphore_mem>>) src(%dma_wait3A_206 : memref<128xi32, #tpu.memory_space<hbm>>) dst(%dma_wait3A_203 : memref<128xi32, #tpu.memory_space<vmem>>)
        %dma_start3A_207 = arith.constant 1 : i32
        %dma_start3A_208 = arith.constant 0 : i32
        %dma_start3A_209 = arith.constant 0 : i32
        %dma_start3A_210 = tpu.memref_slice %arg10[%dma_start3A_208, %dma_start3A_209] : memref<128x128xf32, #tpu.memory_space<vmem>> -> memref<32x128xf32, #tpu.memory_space<vmem>>
        %dma_start3A_211 = arith.constant 0 : i32
        %dma_start3A_212 = tpu.memref_slice %arg7[%dma_start3A_207, %dma_start3A_211] : memref<2x128xi32, #tpu.memory_space<vmem>> -> memref<1x32xi32, #tpu.memory_space<vmem>>
        %dma_start3A_213 = tpu.memref_squeeze %dma_start3A_212 : memref<1x32xi32, #tpu.memory_space<vmem>> -> memref<32xi32, #tpu.memory_space<vmem>>
        %dma_start3A_214 = arith.constant 0 : i32
        %dma_start3A_215 = arith.constant 0 : i32
        %dma_start3A_216 = tpu.memref_slice %arg2[%dma_start3A_214, %dma_start3A_215] : memref<10240x128xf32, #tpu.memory_space<hbm>> -> memref<10240x128xf32, #tpu.memory_space<hbm>>
        tpu.enqueue_indirect_dma source(%dma_start3A_216 : memref<10240x128xf32, #tpu.memory_space<hbm>>) target(%dma_start3A_210 : memref<32x128xf32, #tpu.memory_space<vmem>>) offsets(%dma_start3A_213 : memref<32xi32, #tpu.memory_space<vmem>>) semaphore(%arg13 : memref<!tpu.dma_semaphore, #tpu.memory_space<semaphore_mem>>)
        %dma_start3A_217 = arith.constant 1 : i32
        %dma_start3A_218 = arith.constant 32 : i32
        %dma_start3A_219 = arith.constant 0 : i32
        %dma_start3A_220 = tpu.memref_slice %arg10[%dma_start3A_218, %dma_start3A_219] : memref<128x128xf32, #tpu.memory_space<vmem>> -> memref<32x128xf32, #tpu.memory_space<vmem>>
        %dma_start3A_221 = arith.constant 32 : i32
        %dma_start3A_222 = tpu.memref_slice %arg7[%dma_start3A_217, %dma_start3A_221] : memref<2x128xi32, #tpu.memory_space<vmem>> -> memref<1x32xi32, #tpu.memory_space<vmem>>
        %dma_start3A_223 = tpu.memref_squeeze %dma_start3A_222 : memref<1x32xi32, #tpu.memory_space<vmem>> -> memref<32xi32, #tpu.memory_space<vmem>>
        %dma_start3A_224 = arith.constant 0 : i32
        %dma_start3A_225 = arith.constant 0 : i32
        %dma_start3A_226 = tpu.memref_slice %arg2[%dma_start3A_224, %dma_start3A_225] : memref<10240x128xf32, #tpu.memory_space<hbm>> -> memref<10240x128xf32, #tpu.memory_space<hbm>>
        tpu.enqueue_indirect_dma source(%dma_start3A_226 : memref<10240x128xf32, #tpu.memory_space<hbm>>) target(%dma_start3A_220 : memref<32x128xf32, #tpu.memory_space<vmem>>) offsets(%dma_start3A_223 : memref<32xi32, #tpu.memory_space<vmem>>) semaphore(%arg13 : memref<!tpu.dma_semaphore, #tpu.memory_space<semaphore_mem>>)
        %dma_start3A_227 = arith.constant 1 : i32
        %dma_start3A_228 = arith.constant 64 : i32
        %dma_start3A_229 = arith.constant 0 : i32
        %dma_start3A_230 = tpu.memref_slice %arg10[%dma_start3A_228, %dma_start3A_229] : memref<128x128xf32, #tpu.memory_space<vmem>> -> memref<32x128xf32, #tpu.memory_space<vmem>>
        %dma_start3A_231 = arith.constant 64 : i32
        %dma_start3A_232 = tpu.memref_slice %arg7[%dma_start3A_227, %dma_start3A_231] : memref<2x128xi32, #tpu.memory_space<vmem>> -> memref<1x32xi32, #tpu.memory_space<vmem>>
        %dma_start3A_233 = tpu.memref_squeeze %dma_start3A_232 : memref<1x32xi32, #tpu.memory_space<vmem>> -> memref<32xi32, #tpu.memory_space<vmem>>
        %dma_start3A_234 = arith.constant 0 : i32
        %dma_start3A_235 = arith.constant 0 : i32
        %dma_start3A_236 = tpu.memref_slice %arg2[%dma_start3A_234, %dma_start3A_235] : memref<10240x128xf32, #tpu.memory_space<hbm>> -> memref<10240x128xf32, #tpu.memory_space<hbm>>
        tpu.enqueue_indirect_dma source(%dma_start3A_236 : memref<10240x128xf32, #tpu.memory_space<hbm>>) target(%dma_start3A_230 : memref<32x128xf32, #tpu.memory_space<vmem>>) offsets(%dma_start3A_233 : memref<32xi32, #tpu.memory_space<vmem>>) semaphore(%arg13 : memref<!tpu.dma_semaphore, #tpu.memory_space<semaphore_mem>>)
        %dma_start3A_237 = arith.constant 1 : i32
        %dma_start3A_238 = arith.constant 96 : i32
        %dma_start3A_239 = arith.constant 0 : i32
        %dma_start3A_240 = tpu.memref_slice %arg10[%dma_start3A_238, %dma_start3A_239] : memref<128x128xf32, #tpu.memory_space<vmem>> -> memref<32x128xf32, #tpu.memory_space<vmem>>
        %dma_start3A_241 = arith.constant 96 : i32
        %dma_start3A_242 = tpu.memref_slice %arg7[%dma_start3A_237, %dma_start3A_241] : memref<2x128xi32, #tpu.memory_space<vmem>> -> memref<1x32xi32, #tpu.memory_space<vmem>>
        %dma_start3A_243 = tpu.memref_squeeze %dma_start3A_242 : memref<1x32xi32, #tpu.memory_space<vmem>> -> memref<32xi32, #tpu.memory_space<vmem>>
        %dma_start3A_244 = arith.constant 0 : i32
        %dma_start3A_245 = arith.constant 0 : i32
        %dma_start3A_246 = tpu.memref_slice %arg2[%dma_start3A_244, %dma_start3A_245] : memref<10240x128xf32, #tpu.memory_space<hbm>> -> memref<10240x128xf32, #tpu.memory_space<hbm>>
        tpu.enqueue_indirect_dma source(%dma_start3A_246 : memref<10240x128xf32, #tpu.memory_space<hbm>>) target(%dma_start3A_240 : memref<32x128xf32, #tpu.memory_space<vmem>>) offsets(%dma_start3A_243 : memref<32xi32, #tpu.memory_space<vmem>>) semaphore(%arg13 : memref<!tpu.dma_semaphore, #tpu.memory_space<semaphore_mem>>)
      } else {
      }
      %add3A_129 = arith.constant 2 : i32
      %add3A_130 = arith.addi %add3A_86, %add3A_129 : i32
      %lt3A_131 = arith.cmpi slt, %add3A_130, %select_n3A_8 : i32
      %convert_element_type3A_132 = arith.extui %lt3A_131 : i1 to i32
      %cond3A_133 = arith.constant 0 : i32
      %cond3A_134 = arith.cmpi ne, %convert_element_type3A_132, %cond3A_133 : i32
      scf.if %cond3A_134 {
        %add3A_191 = arith.addi %select_n3A, %add3A_86 : i32
        %add3A_192 = arith.constant 2 : i32
        %add3A_193 = arith.addi %add3A_191, %add3A_192 : i32
        %dma_start3A_194 = arith.constant 0 : i32
        %dma_start3A_195 = arith.constant 0 : i32
        %dma_start3A_196 = tpu.memref_slice %arg7[%dma_start3A_194, %dma_start3A_195] : memref<2x128xi32, #tpu.memory_space<vmem>> -> memref<1x128xi32, #tpu.memory_space<vmem>>
        %dma_start3A_197 = tpu.memref_squeeze %dma_start3A_196 : memref<1x128xi32, #tpu.memory_space<vmem>> -> memref<128xi32, #tpu.memory_space<vmem>>
        %dma_start3A_198 = arith.constant 0 : i32
        %dma_start3A_199 = tpu.memref_slice %arg3[%add3A_193, %dma_start3A_198] : memref<2560x128xi32, #tpu.memory_space<hbm>> -> memref<1x128xi32, #tpu.memory_space<hbm>>
        %dma_start3A_200 = tpu.memref_squeeze %dma_start3A_199 : memref<1x128xi32, #tpu.memory_space<hbm>> -> memref<128xi32, #tpu.memory_space<hbm>>
        %dma_start3A_201 = arith.constant 0 : i32
        %dma_start3A_202 = tpu.memref_slice %arg7[%dma_start3A_194, %dma_start3A_201] : memref<2x128xi32, #tpu.memory_space<vmem>> -> memref<1x128xi32, #tpu.memory_space<vmem>>
        %dma_start3A_203 = tpu.memref_squeeze %dma_start3A_202 : memref<1x128xi32, #tpu.memory_space<vmem>> -> memref<128xi32, #tpu.memory_space<vmem>>
        %dma_start3A_204 = arith.constant 0 : i32
        %dma_start3A_205 = tpu.memref_slice %arg3[%add3A_193, %dma_start3A_204] : memref<2560x128xi32, #tpu.memory_space<hbm>> -> memref<1x128xi32, #tpu.memory_space<hbm>>
        %dma_start3A_206 = tpu.memref_squeeze %dma_start3A_205 : memref<1x128xi32, #tpu.memory_space<hbm>> -> memref<128xi32, #tpu.memory_space<hbm>>
        tpu.enqueue_dma source(%dma_start3A_206 : memref<128xi32, #tpu.memory_space<hbm>>) target(%dma_start3A_203 : memref<128xi32, #tpu.memory_space<vmem>>) target_semaphore(%arg14 : memref<!tpu.dma_semaphore, #tpu.memory_space<semaphore_mem>>)
      } else {
      }
      "tpu.region"() ({
        %run_scoped3A_191 = tpu.sem_alloc : memref<!tpu.dma_semaphore, #tpu.memory_space<semaphore_mem>>
        %dma_start3A_192 = arith.constant 0 : i32
        %dma_start3A_193 = tpu.memref_slice %arg8[%add3A_86, %dma_start3A_192] : memref<120x128xi32, #tpu.memory_space<vmem>> -> memref<1x128xi32, #tpu.memory_space<vmem>>
        %dma_start3A_194 = tpu.memref_squeeze %dma_start3A_193 : memref<1x128xi32, #tpu.memory_space<vmem>> -> memref<128xi32, #tpu.memory_space<vmem>>
        %dma_start3A_195 = arith.constant 0 : i32
        %dma_start3A_196 = arith.constant 0 : i32
        %dma_start3A_197 = tpu.memref_slice %arg11[%dma_start3A_195, %dma_start3A_196] : memref<10240x128xf32, #tpu.memory_space<vmem_shared>> -> memref<10240x128xf32, #tpu.memory_space<vmem_shared>>
        tpu.enqueue_indirect_dma source(%arg9 : memref<128x128xf32, #tpu.memory_space<vmem>>) target(%dma_start3A_197 : memref<10240x128xf32, #tpu.memory_space<vmem_shared>>) offsets(%dma_start3A_194 : memref<128xi32, #tpu.memory_space<vmem>>) semaphore(%run_scoped3A_191 : memref<!tpu.dma_semaphore, #tpu.memory_space<semaphore_mem>>) {add = true}
        %dma_wait3A_198 = arith.constant 0 : i32
        %dma_wait3A_199 = tpu.memref_slice %arg8[%add3A_86, %dma_wait3A_198] : memref<120x128xi32, #tpu.memory_space<vmem>> -> memref<1x128xi32, #tpu.memory_space<vmem>>
        %dma_wait3A_200 = tpu.memref_squeeze %dma_wait3A_199 : memref<1x128xi32, #tpu.memory_space<vmem>> -> memref<128xi32, #tpu.memory_space<vmem>>
        %dma_wait3A_201 = arith.constant 0 : i32
        %dma_wait3A_202 = arith.constant 0 : i32
        %dma_wait3A_203 = tpu.memref_slice %arg11[%dma_wait3A_201, %dma_wait3A_202] : memref<10240x128xf32, #tpu.memory_space<vmem_shared>> -> memref<10240x128xf32, #tpu.memory_space<vmem_shared>>
        tpu.wait_indirect_dma semaphore(%run_scoped3A_191 : memref<!tpu.dma_semaphore, #tpu.memory_space<semaphore_mem>>) src(%arg9 : memref<128x128xf32, #tpu.memory_space<vmem>>) dst(%dma_wait3A_203 : memref<10240x128xf32, #tpu.memory_space<vmem_shared>>)
        tpu.yield
      }) : () -> ()
      %mul3A_135 = arith.constant 2 : i32
      %mul3A_136 = arith.muli %while3A_82, %mul3A_135 : i32
      %add3A_137 = arith.constant 1 : i32
      %add3A_138 = arith.addi %mul3A_136, %add3A_137 : i32
      %dma_wait3A_139 = arith.constant 1 : i32
      %dma_wait3A_140 = arith.constant 0 : i32
      %dma_wait3A_141 = arith.constant 0 : i32
      %dma_wait3A_142 = tpu.memref_slice %arg10[%dma_wait3A_140, %dma_wait3A_141] : memref<128x128xf32, #tpu.memory_space<vmem>> -> memref<32x128xf32, #tpu.memory_space<vmem>>
      %dma_wait3A_143 = arith.constant 0 : i32
      %dma_wait3A_144 = tpu.memref_slice %arg7[%dma_wait3A_139, %dma_wait3A_143] : memref<2x128xi32, #tpu.memory_space<vmem>> -> memref<1x32xi32, #tpu.memory_space<vmem>>
      %dma_wait3A_145 = tpu.memref_squeeze %dma_wait3A_144 : memref<1x32xi32, #tpu.memory_space<vmem>> -> memref<32xi32, #tpu.memory_space<vmem>>
      %dma_wait3A_146 = arith.constant 0 : i32
      %dma_wait3A_147 = arith.constant 0 : i32
      %dma_wait3A_148 = tpu.memref_slice %arg2[%dma_wait3A_146, %dma_wait3A_147] : memref<10240x128xf32, #tpu.memory_space<hbm>> -> memref<10240x128xf32, #tpu.memory_space<hbm>>
      tpu.wait_indirect_dma semaphore(%arg13 : memref<!tpu.dma_semaphore, #tpu.memory_space<semaphore_mem>>) src(%dma_wait3A_148 : memref<10240x128xf32, #tpu.memory_space<hbm>>) dst(%dma_wait3A_142 : memref<32x128xf32, #tpu.memory_space<vmem>>)
      %dma_wait3A_149 = arith.constant 1 : i32
      %dma_wait3A_150 = arith.constant 32 : i32
      %dma_wait3A_151 = arith.constant 0 : i32
      %dma_wait3A_152 = tpu.memref_slice %arg10[%dma_wait3A_150, %dma_wait3A_151] : memref<128x128xf32, #tpu.memory_space<vmem>> -> memref<32x128xf32, #tpu.memory_space<vmem>>
      %dma_wait3A_153 = arith.constant 32 : i32
      %dma_wait3A_154 = tpu.memref_slice %arg7[%dma_wait3A_149, %dma_wait3A_153] : memref<2x128xi32, #tpu.memory_space<vmem>> -> memref<1x32xi32, #tpu.memory_space<vmem>>
      %dma_wait3A_155 = tpu.memref_squeeze %dma_wait3A_154 : memref<1x32xi32, #tpu.memory_space<vmem>> -> memref<32xi32, #tpu.memory_space<vmem>>
      %dma_wait3A_156 = arith.constant 0 : i32
      %dma_wait3A_157 = arith.constant 0 : i32
      %dma_wait3A_158 = tpu.memref_slice %arg2[%dma_wait3A_156, %dma_wait3A_157] : memref<10240x128xf32, #tpu.memory_space<hbm>> -> memref<10240x128xf32, #tpu.memory_space<hbm>>
      tpu.wait_indirect_dma semaphore(%arg13 : memref<!tpu.dma_semaphore, #tpu.memory_space<semaphore_mem>>) src(%dma_wait3A_158 : memref<10240x128xf32, #tpu.memory_space<hbm>>) dst(%dma_wait3A_152 : memref<32x128xf32, #tpu.memory_space<vmem>>)
      %dma_wait3A_159 = arith.constant 1 : i32
      %dma_wait3A_160 = arith.constant 64 : i32
      %dma_wait3A_161 = arith.constant 0 : i32
      %dma_wait3A_162 = tpu.memref_slice %arg10[%dma_wait3A_160, %dma_wait3A_161] : memref<128x128xf32, #tpu.memory_space<vmem>> -> memref<32x128xf32, #tpu.memory_space<vmem>>
      %dma_wait3A_163 = arith.constant 64 : i32
      %dma_wait3A_164 = tpu.memref_slice %arg7[%dma_wait3A_159, %dma_wait3A_163] : memref<2x128xi32, #tpu.memory_space<vmem>> -> memref<1x32xi32, #tpu.memory_space<vmem>>
      %dma_wait3A_165 = tpu.memref_squeeze %dma_wait3A_164 : memref<1x32xi32, #tpu.memory_space<vmem>> -> memref<32xi32, #tpu.memory_space<vmem>>
      %dma_wait3A_166 = arith.constant 0 : i32
      %dma_wait3A_167 = arith.constant 0 : i32
      %dma_wait3A_168 = tpu.memref_slice %arg2[%dma_wait3A_166, %dma_wait3A_167] : memref<10240x128xf32, #tpu.memory_space<hbm>> -> memref<10240x128xf32, #tpu.memory_space<hbm>>
      tpu.wait_indirect_dma semaphore(%arg13 : memref<!tpu.dma_semaphore, #tpu.memory_space<semaphore_mem>>) src(%dma_wait3A_168 : memref<10240x128xf32, #tpu.memory_space<hbm>>) dst(%dma_wait3A_162 : memref<32x128xf32, #tpu.memory_space<vmem>>)
      %dma_wait3A_169 = arith.constant 1 : i32
      %dma_wait3A_170 = arith.constant 96 : i32
      %dma_wait3A_171 = arith.constant 0 : i32
      %dma_wait3A_172 = tpu.memref_slice %arg10[%dma_wait3A_170, %dma_wait3A_171] : memref<128x128xf32, #tpu.memory_space<vmem>> -> memref<32x128xf32, #tpu.memory_space<vmem>>
      %dma_wait3A_173 = arith.constant 96 : i32
      %dma_wait3A_174 = tpu.memref_slice %arg7[%dma_wait3A_169, %dma_wait3A_173] : memref<2x128xi32, #tpu.memory_space<vmem>> -> memref<1x32xi32, #tpu.memory_space<vmem>>
      %dma_wait3A_175 = tpu.memref_squeeze %dma_wait3A_174 : memref<1x32xi32, #tpu.memory_space<vmem>> -> memref<32xi32, #tpu.memory_space<vmem>>
      %dma_wait3A_176 = arith.constant 0 : i32
      %dma_wait3A_177 = arith.constant 0 : i32
      %dma_wait3A_178 = tpu.memref_slice %arg2[%dma_wait3A_176, %dma_wait3A_177] : memref<10240x128xf32, #tpu.memory_space<hbm>> -> memref<10240x128xf32, #tpu.memory_space<hbm>>
      tpu.wait_indirect_dma semaphore(%arg13 : memref<!tpu.dma_semaphore, #tpu.memory_space<semaphore_mem>>) src(%dma_wait3A_178 : memref<10240x128xf32, #tpu.memory_space<hbm>>) dst(%dma_wait3A_172 : memref<32x128xf32, #tpu.memory_space<vmem>>)
      %add3A_179 = arith.constant 1 : i32
      %add3A_180 = arith.addi %add3A_138, %add3A_179 : i32
      %lt3A_181 = arith.cmpi slt, %add3A_180, %select_n3A_8 : i32
      %convert_element_type3A_182 = arith.extui %lt3A_181 : i1 to i32
      %cond3A_183 = arith.constant 0 : i32
      %cond3A_184 = arith.cmpi ne, %convert_element_type3A_182, %cond3A_183 : i32
      scf.if %cond3A_184 {
        %add3A_191 = arith.addi %select_n3A, %add3A_138 : i32
        %add3A_192 = arith.constant 1 : i32
        %add3A_193 = arith.addi %add3A_191, %add3A_192 : i32
        %dma_wait3A_194 = arith.constant 0 : i32
        %dma_wait3A_195 = arith.constant 0 : i32
        %dma_wait3A_196 = tpu.memref_slice %arg7[%dma_wait3A_194, %dma_wait3A_195] : memref<2x128xi32, #tpu.memory_space<vmem>> -> memref<1x128xi32, #tpu.memory_space<vmem>>
        %dma_wait3A_197 = tpu.memref_squeeze %dma_wait3A_196 : memref<1x128xi32, #tpu.memory_space<vmem>> -> memref<128xi32, #tpu.memory_space<vmem>>
        %dma_wait3A_198 = arith.constant 0 : i32
        %dma_wait3A_199 = tpu.memref_slice %arg3[%add3A_193, %dma_wait3A_198] : memref<2560x128xi32, #tpu.memory_space<hbm>> -> memref<1x128xi32, #tpu.memory_space<hbm>>
        %dma_wait3A_200 = tpu.memref_squeeze %dma_wait3A_199 : memref<1x128xi32, #tpu.memory_space<hbm>> -> memref<128xi32, #tpu.memory_space<hbm>>
        %dma_wait3A_201 = arith.constant 0 : i32
        %dma_wait3A_202 = tpu.memref_slice %arg7[%dma_wait3A_194, %dma_wait3A_201] : memref<2x128xi32, #tpu.memory_space<vmem>> -> memref<1x128xi32, #tpu.memory_space<vmem>>
        %dma_wait3A_203 = tpu.memref_squeeze %dma_wait3A_202 : memref<1x128xi32, #tpu.memory_space<vmem>> -> memref<128xi32, #tpu.memory_space<vmem>>
        %dma_wait3A_204 = arith.constant 0 : i32
        %dma_wait3A_205 = tpu.memref_slice %arg3[%add3A_193, %dma_wait3A_204] : memref<2560x128xi32, #tpu.memory_space<hbm>> -> memref<1x128xi32, #tpu.memory_space<hbm>>
        %dma_wait3A_206 = tpu.memref_squeeze %dma_wait3A_205 : memref<1x128xi32, #tpu.memory_space<hbm>> -> memref<128xi32, #tpu.memory_space<hbm>>
        tpu.wait_dma2 semaphore(%arg14 : memref<!tpu.dma_semaphore, #tpu.memory_space<semaphore_mem>>) src(%dma_wait3A_206 : memref<128xi32, #tpu.memory_space<hbm>>) dst(%dma_wait3A_203 : memref<128xi32, #tpu.memory_space<vmem>>)
        %dma_start3A_207 = arith.constant 0 : i32
        %dma_start3A_208 = arith.constant 0 : i32
        %dma_start3A_209 = arith.constant 0 : i32
        %dma_start3A_210 = tpu.memref_slice %arg9[%dma_start3A_208, %dma_start3A_209] : memref<128x128xf32, #tpu.memory_space<vmem>> -> memref<32x128xf32, #tpu.memory_space<vmem>>
        %dma_start3A_211 = arith.constant 0 : i32
        %dma_start3A_212 = tpu.memref_slice %arg7[%dma_start3A_207, %dma_start3A_211] : memref<2x128xi32, #tpu.memory_space<vmem>> -> memref<1x32xi32, #tpu.memory_space<vmem>>
        %dma_start3A_213 = tpu.memref_squeeze %dma_start3A_212 : memref<1x32xi32, #tpu.memory_space<vmem>> -> memref<32xi32, #tpu.memory_space<vmem>>
        %dma_start3A_214 = arith.constant 0 : i32
        %dma_start3A_215 = arith.constant 0 : i32
        %dma_start3A_216 = tpu.memref_slice %arg2[%dma_start3A_214, %dma_start3A_215] : memref<10240x128xf32, #tpu.memory_space<hbm>> -> memref<10240x128xf32, #tpu.memory_space<hbm>>
        tpu.enqueue_indirect_dma source(%dma_start3A_216 : memref<10240x128xf32, #tpu.memory_space<hbm>>) target(%dma_start3A_210 : memref<32x128xf32, #tpu.memory_space<vmem>>) offsets(%dma_start3A_213 : memref<32xi32, #tpu.memory_space<vmem>>) semaphore(%arg12 : memref<!tpu.dma_semaphore, #tpu.memory_space<semaphore_mem>>)
        %dma_start3A_217 = arith.constant 0 : i32
        %dma_start3A_218 = arith.constant 32 : i32
        %dma_start3A_219 = arith.constant 0 : i32
        %dma_start3A_220 = tpu.memref_slice %arg9[%dma_start3A_218, %dma_start3A_219] : memref<128x128xf32, #tpu.memory_space<vmem>> -> memref<32x128xf32, #tpu.memory_space<vmem>>
        %dma_start3A_221 = arith.constant 32 : i32
        %dma_start3A_222 = tpu.memref_slice %arg7[%dma_start3A_217, %dma_start3A_221] : memref<2x128xi32, #tpu.memory_space<vmem>> -> memref<1x32xi32, #tpu.memory_space<vmem>>
        %dma_start3A_223 = tpu.memref_squeeze %dma_start3A_222 : memref<1x32xi32, #tpu.memory_space<vmem>> -> memref<32xi32, #tpu.memory_space<vmem>>
        %dma_start3A_224 = arith.constant 0 : i32
        %dma_start3A_225 = arith.constant 0 : i32
        %dma_start3A_226 = tpu.memref_slice %arg2[%dma_start3A_224, %dma_start3A_225] : memref<10240x128xf32, #tpu.memory_space<hbm>> -> memref<10240x128xf32, #tpu.memory_space<hbm>>
        tpu.enqueue_indirect_dma source(%dma_start3A_226 : memref<10240x128xf32, #tpu.memory_space<hbm>>) target(%dma_start3A_220 : memref<32x128xf32, #tpu.memory_space<vmem>>) offsets(%dma_start3A_223 : memref<32xi32, #tpu.memory_space<vmem>>) semaphore(%arg12 : memref<!tpu.dma_semaphore, #tpu.memory_space<semaphore_mem>>)
        %dma_start3A_227 = arith.constant 0 : i32
        %dma_start3A_228 = arith.constant 64 : i32
        %dma_start3A_229 = arith.constant 0 : i32
        %dma_start3A_230 = tpu.memref_slice %arg9[%dma_start3A_228, %dma_start3A_229] : memref<128x128xf32, #tpu.memory_space<vmem>> -> memref<32x128xf32, #tpu.memory_space<vmem>>
        %dma_start3A_231 = arith.constant 64 : i32
        %dma_start3A_232 = tpu.memref_slice %arg7[%dma_start3A_227, %dma_start3A_231] : memref<2x128xi32, #tpu.memory_space<vmem>> -> memref<1x32xi32, #tpu.memory_space<vmem>>
        %dma_start3A_233 = tpu.memref_squeeze %dma_start3A_232 : memref<1x32xi32, #tpu.memory_space<vmem>> -> memref<32xi32, #tpu.memory_space<vmem>>
        %dma_start3A_234 = arith.constant 0 : i32
        %dma_start3A_235 = arith.constant 0 : i32
        %dma_start3A_236 = tpu.memref_slice %arg2[%dma_start3A_234, %dma_start3A_235] : memref<10240x128xf32, #tpu.memory_space<hbm>> -> memref<10240x128xf32, #tpu.memory_space<hbm>>
        tpu.enqueue_indirect_dma source(%dma_start3A_236 : memref<10240x128xf32, #tpu.memory_space<hbm>>) target(%dma_start3A_230 : memref<32x128xf32, #tpu.memory_space<vmem>>) offsets(%dma_start3A_233 : memref<32xi32, #tpu.memory_space<vmem>>) semaphore(%arg12 : memref<!tpu.dma_semaphore, #tpu.memory_space<semaphore_mem>>)
        %dma_start3A_237 = arith.constant 0 : i32
        %dma_start3A_238 = arith.constant 96 : i32
        %dma_start3A_239 = arith.constant 0 : i32
        %dma_start3A_240 = tpu.memref_slice %arg9[%dma_start3A_238, %dma_start3A_239] : memref<128x128xf32, #tpu.memory_space<vmem>> -> memref<32x128xf32, #tpu.memory_space<vmem>>
        %dma_start3A_241 = arith.constant 96 : i32
        %dma_start3A_242 = tpu.memref_slice %arg7[%dma_start3A_237, %dma_start3A_241] : memref<2x128xi32, #tpu.memory_space<vmem>> -> memref<1x32xi32, #tpu.memory_space<vmem>>
        %dma_start3A_243 = tpu.memref_squeeze %dma_start3A_242 : memref<1x32xi32, #tpu.memory_space<vmem>> -> memref<32xi32, #tpu.memory_space<vmem>>
        %dma_start3A_244 = arith.constant 0 : i32
        %dma_start3A_245 = arith.constant 0 : i32
        %dma_start3A_246 = tpu.memref_slice %arg2[%dma_start3A_244, %dma_start3A_245] : memref<10240x128xf32, #tpu.memory_space<hbm>> -> memref<10240x128xf32, #tpu.memory_space<hbm>>
        tpu.enqueue_indirect_dma source(%dma_start3A_246 : memref<10240x128xf32, #tpu.memory_space<hbm>>) target(%dma_start3A_240 : memref<32x128xf32, #tpu.memory_space<vmem>>) offsets(%dma_start3A_243 : memref<32xi32, #tpu.memory_space<vmem>>) semaphore(%arg12 : memref<!tpu.dma_semaphore, #tpu.memory_space<semaphore_mem>>)
      } else {
      }
      %add3A_185 = arith.constant 2 : i32
      %add3A_186 = arith.addi %add3A_138, %add3A_185 : i32
      %lt3A_187 = arith.cmpi slt, %add3A_186, %select_n3A_8 : i32
      %convert_element_type3A_188 = arith.extui %lt3A_187 : i1 to i32
      %cond3A_189 = arith.constant 0 : i32
      %cond3A_190 = arith.cmpi ne, %convert_element_type3A_188, %cond3A_189 : i32
      scf.if %cond3A_190 {
        %add3A_191 = arith.addi %select_n3A, %add3A_138 : i32
        %add3A_192 = arith.constant 2 : i32
        %add3A_193 = arith.addi %add3A_191, %add3A_192 : i32
        %dma_start3A_194 = arith.constant 1 : i32
        %dma_start3A_195 = arith.constant 0 : i32
        %dma_start3A_196 = tpu.memref_slice %arg7[%dma_start3A_194, %dma_start3A_195] : memref<2x128xi32, #tpu.memory_space<vmem>> -> memref<1x128xi32, #tpu.memory_space<vmem>>
        %dma_start3A_197 = tpu.memref_squeeze %dma_start3A_196 : memref<1x128xi32, #tpu.memory_space<vmem>> -> memref<128xi32, #tpu.memory_space<vmem>>
        %dma_start3A_198 = arith.constant 0 : i32
        %dma_start3A_199 = tpu.memref_slice %arg3[%add3A_193, %dma_start3A_198] : memref<2560x128xi32, #tpu.memory_space<hbm>> -> memref<1x128xi32, #tpu.memory_space<hbm>>
        %dma_start3A_200 = tpu.memref_squeeze %dma_start3A_199 : memref<1x128xi32, #tpu.memory_space<hbm>> -> memref<128xi32, #tpu.memory_space<hbm>>
        %dma_start3A_201 = arith.constant 0 : i32
        %dma_start3A_202 = tpu.memref_slice %arg7[%dma_start3A_194, %dma_start3A_201] : memref<2x128xi32, #tpu.memory_space<vmem>> -> memref<1x128xi32, #tpu.memory_space<vmem>>
        %dma_start3A_203 = tpu.memref_squeeze %dma_start3A_202 : memref<1x128xi32, #tpu.memory_space<vmem>> -> memref<128xi32, #tpu.memory_space<vmem>>
        %dma_start3A_204 = arith.constant 0 : i32
        %dma_start3A_205 = tpu.memref_slice %arg3[%add3A_193, %dma_start3A_204] : memref<2560x128xi32, #tpu.memory_space<hbm>> -> memref<1x128xi32, #tpu.memory_space<hbm>>
        %dma_start3A_206 = tpu.memref_squeeze %dma_start3A_205 : memref<1x128xi32, #tpu.memory_space<hbm>> -> memref<128xi32, #tpu.memory_space<hbm>>
        tpu.enqueue_dma source(%dma_start3A_206 : memref<128xi32, #tpu.memory_space<hbm>>) target(%dma_start3A_203 : memref<128xi32, #tpu.memory_space<vmem>>) target_semaphore(%arg15 : memref<!tpu.dma_semaphore, #tpu.memory_space<semaphore_mem>>)
      } else {
      }
      "tpu.region"() ({
        %run_scoped3A_191 = tpu.sem_alloc : memref<!tpu.dma_semaphore, #tpu.memory_space<semaphore_mem>>
        %dma_start3A_192 = arith.constant 0 : i32
        %dma_start3A_193 = tpu.memref_slice %arg8[%add3A_138, %dma_start3A_192] : memref<120x128xi32, #tpu.memory_space<vmem>> -> memref<1x128xi32, #tpu.memory_space<vmem>>
        %dma_start3A_194 = tpu.memref_squeeze %dma_start3A_193 : memref<1x128xi32, #tpu.memory_space<vmem>> -> memref<128xi32, #tpu.memory_space<vmem>>
        %dma_start3A_195 = arith.constant 0 : i32
        %dma_start3A_196 = arith.constant 0 : i32
        %dma_start3A_197 = tpu.memref_slice %arg11[%dma_start3A_195, %dma_start3A_196] : memref<10240x128xf32, #tpu.memory_space<vmem_shared>> -> memref<10240x128xf32, #tpu.memory_space<vmem_shared>>
        tpu.enqueue_indirect_dma source(%arg10 : memref<128x128xf32, #tpu.memory_space<vmem>>) target(%dma_start3A_197 : memref<10240x128xf32, #tpu.memory_space<vmem_shared>>) offsets(%dma_start3A_194 : memref<128xi32, #tpu.memory_space<vmem>>) semaphore(%run_scoped3A_191 : memref<!tpu.dma_semaphore, #tpu.memory_space<semaphore_mem>>) {add = true}
        %dma_wait3A_198 = arith.constant 0 : i32
        %dma_wait3A_199 = tpu.memref_slice %arg8[%add3A_138, %dma_wait3A_198] : memref<120x128xi32, #tpu.memory_space<vmem>> -> memref<1x128xi32, #tpu.memory_space<vmem>>
        %dma_wait3A_200 = tpu.memref_squeeze %dma_wait3A_199 : memref<1x128xi32, #tpu.memory_space<vmem>> -> memref<128xi32, #tpu.memory_space<vmem>>
        %dma_wait3A_201 = arith.constant 0 : i32
        %dma_wait3A_202 = arith.constant 0 : i32
        %dma_wait3A_203 = tpu.memref_slice %arg11[%dma_wait3A_201, %dma_wait3A_202] : memref<10240x128xf32, #tpu.memory_space<vmem_shared>> -> memref<10240x128xf32, #tpu.memory_space<vmem_shared>>
        tpu.wait_indirect_dma semaphore(%run_scoped3A_191 : memref<!tpu.dma_semaphore, #tpu.memory_space<semaphore_mem>>) src(%arg10 : memref<128x128xf32, #tpu.memory_space<vmem>>) dst(%dma_wait3A_203 : memref<10240x128xf32, #tpu.memory_space<vmem_shared>>)
        tpu.yield
      }) : () -> ()
    }
    %while3A_76 = arith.constant 1 : i32
    scf.for %while3A_82 = %while3A_74 to %while3A_70 step %while3A_76  : i32 {
      %mul3A_83 = arith.constant 2 : i32
      %mul3A_84 = arith.muli %while3A_82, %mul3A_83 : i32
      %add3A_85 = arith.constant 0 : i32
      %add3A_86 = arith.addi %mul3A_84, %add3A_85 : i32
      %dma_wait3A = arith.constant 0 : i32
      %dma_wait3A_87 = arith.constant 0 : i32
      %dma_wait3A_88 = arith.constant 0 : i32
      %dma_wait3A_89 = tpu.memref_slice %arg9[%dma_wait3A_87, %dma_wait3A_88] : memref<128x128xf32, #tpu.memory_space<vmem>> -> memref<32x128xf32, #tpu.memory_space<vmem>>
      %dma_wait3A_90 = arith.constant 0 : i32
      %dma_wait3A_91 = tpu.memref_slice %arg7[%dma_wait3A, %dma_wait3A_90] : memref<2x128xi32, #tpu.memory_space<vmem>> -> memref<1x32xi32, #tpu.memory_space<vmem>>
      %dma_wait3A_92 = tpu.memref_squeeze %dma_wait3A_91 : memref<1x32xi32, #tpu.memory_space<vmem>> -> memref<32xi32, #tpu.memory_space<vmem>>
      %dma_wait3A_93 = arith.constant 0 : i32
      %dma_wait3A_94 = arith.constant 0 : i32
      %dma_wait3A_95 = tpu.memref_slice %arg2[%dma_wait3A_93, %dma_wait3A_94] : memref<10240x128xf32, #tpu.memory_space<hbm>> -> memref<10240x128xf32, #tpu.memory_space<hbm>>
      tpu.wait_indirect_dma semaphore(%arg12 : memref<!tpu.dma_semaphore, #tpu.memory_space<semaphore_mem>>) src(%dma_wait3A_95 : memref<10240x128xf32, #tpu.memory_space<hbm>>) dst(%dma_wait3A_89 : memref<32x128xf32, #tpu.memory_space<vmem>>)
      %dma_wait3A_96 = arith.constant 0 : i32
      %dma_wait3A_97 = arith.constant 32 : i32
      %dma_wait3A_98 = arith.constant 0 : i32
      %dma_wait3A_99 = tpu.memref_slice %arg9[%dma_wait3A_97, %dma_wait3A_98] : memref<128x128xf32, #tpu.memory_space<vmem>> -> memref<32x128xf32, #tpu.memory_space<vmem>>
      %dma_wait3A_100 = arith.constant 32 : i32
      %dma_wait3A_101 = tpu.memref_slice %arg7[%dma_wait3A_96, %dma_wait3A_100] : memref<2x128xi32, #tpu.memory_space<vmem>> -> memref<1x32xi32, #tpu.memory_space<vmem>>
      %dma_wait3A_102 = tpu.memref_squeeze %dma_wait3A_101 : memref<1x32xi32, #tpu.memory_space<vmem>> -> memref<32xi32, #tpu.memory_space<vmem>>
      %dma_wait3A_103 = arith.constant 0 : i32
      %dma_wait3A_104 = arith.constant 0 : i32
      %dma_wait3A_105 = tpu.memref_slice %arg2[%dma_wait3A_103, %dma_wait3A_104] : memref<10240x128xf32, #tpu.memory_space<hbm>> -> memref<10240x128xf32, #tpu.memory_space<hbm>>
      tpu.wait_indirect_dma semaphore(%arg12 : memref<!tpu.dma_semaphore, #tpu.memory_space<semaphore_mem>>) src(%dma_wait3A_105 : memref<10240x128xf32, #tpu.memory_space<hbm>>) dst(%dma_wait3A_99 : memref<32x128xf32, #tpu.memory_space<vmem>>)
      %dma_wait3A_106 = arith.constant 0 : i32
      %dma_wait3A_107 = arith.constant 64 : i32
      %dma_wait3A_108 = arith.constant 0 : i32
      %dma_wait3A_109 = tpu.memref_slice %arg9[%dma_wait3A_107, %dma_wait3A_108] : memref<128x128xf32, #tpu.memory_space<vmem>> -> memref<32x128xf32, #tpu.memory_space<vmem>>
      %dma_wait3A_110 = arith.constant 64 : i32
      %dma_wait3A_111 = tpu.memref_slice %arg7[%dma_wait3A_106, %dma_wait3A_110] : memref<2x128xi32, #tpu.memory_space<vmem>> -> memref<1x32xi32, #tpu.memory_space<vmem>>
      %dma_wait3A_112 = tpu.memref_squeeze %dma_wait3A_111 : memref<1x32xi32, #tpu.memory_space<vmem>> -> memref<32xi32, #tpu.memory_space<vmem>>
      %dma_wait3A_113 = arith.constant 0 : i32
      %dma_wait3A_114 = arith.constant 0 : i32
      %dma_wait3A_115 = tpu.memref_slice %arg2[%dma_wait3A_113, %dma_wait3A_114] : memref<10240x128xf32, #tpu.memory_space<hbm>> -> memref<10240x128xf32, #tpu.memory_space<hbm>>
      tpu.wait_indirect_dma semaphore(%arg12 : memref<!tpu.dma_semaphore, #tpu.memory_space<semaphore_mem>>) src(%dma_wait3A_115 : memref<10240x128xf32, #tpu.memory_space<hbm>>) dst(%dma_wait3A_109 : memref<32x128xf32, #tpu.memory_space<vmem>>)
      %dma_wait3A_116 = arith.constant 0 : i32
      %dma_wait3A_117 = arith.constant 96 : i32
      %dma_wait3A_118 = arith.constant 0 : i32
      %dma_wait3A_119 = tpu.memref_slice %arg9[%dma_wait3A_117, %dma_wait3A_118] : memref<128x128xf32, #tpu.memory_space<vmem>> -> memref<32x128xf32, #tpu.memory_space<vmem>>
      %dma_wait3A_120 = arith.constant 96 : i32
      %dma_wait3A_121 = tpu.memref_slice %arg7[%dma_wait3A_116, %dma_wait3A_120] : memref<2x128xi32, #tpu.memory_space<vmem>> -> memref<1x32xi32, #tpu.memory_space<vmem>>
      %dma_wait3A_122 = tpu.memref_squeeze %dma_wait3A_121 : memref<1x32xi32, #tpu.memory_space<vmem>> -> memref<32xi32, #tpu.memory_space<vmem>>
      %dma_wait3A_123 = arith.constant 0 : i32
      %dma_wait3A_124 = arith.constant 0 : i32
      %dma_wait3A_125 = tpu.memref_slice %arg2[%dma_wait3A_123, %dma_wait3A_124] : memref<10240x128xf32, #tpu.memory_space<hbm>> -> memref<10240x128xf32, #tpu.memory_space<hbm>>
      tpu.wait_indirect_dma semaphore(%arg12 : memref<!tpu.dma_semaphore, #tpu.memory_space<semaphore_mem>>) src(%dma_wait3A_125 : memref<10240x128xf32, #tpu.memory_space<hbm>>) dst(%dma_wait3A_119 : memref<32x128xf32, #tpu.memory_space<vmem>>)
      %add3A_126 = arith.constant 1 : i32
      %add3A_127 = arith.addi %add3A_86, %add3A_126 : i32
      %lt3A = arith.cmpi slt, %add3A_127, %select_n3A_8 : i32
      %convert_element_type3A = arith.extui %lt3A : i1 to i32
      %cond3A = arith.constant 0 : i32
      %cond3A_128 = arith.cmpi ne, %convert_element_type3A, %cond3A : i32
      scf.if %cond3A_128 {
        %add3A_191 = arith.addi %select_n3A, %add3A_86 : i32
        %add3A_192 = arith.constant 1 : i32
        %add3A_193 = arith.addi %add3A_191, %add3A_192 : i32
        %dma_wait3A_194 = arith.constant 1 : i32
        %dma_wait3A_195 = arith.constant 0 : i32
        %dma_wait3A_196 = tpu.memref_slice %arg7[%dma_wait3A_194, %dma_wait3A_195] : memref<2x128xi32, #tpu.memory_space<vmem>> -> memref<1x128xi32, #tpu.memory_space<vmem>>
        %dma_wait3A_197 = tpu.memref_squeeze %dma_wait3A_196 : memref<1x128xi32, #tpu.memory_space<vmem>> -> memref<128xi32, #tpu.memory_space<vmem>>
        %dma_wait3A_198 = arith.constant 0 : i32
        %dma_wait3A_199 = tpu.memref_slice %arg3[%add3A_193, %dma_wait3A_198] : memref<2560x128xi32, #tpu.memory_space<hbm>> -> memref<1x128xi32, #tpu.memory_space<hbm>>
        %dma_wait3A_200 = tpu.memref_squeeze %dma_wait3A_199 : memref<1x128xi32, #tpu.memory_space<hbm>> -> memref<128xi32, #tpu.memory_space<hbm>>
        %dma_wait3A_201 = arith.constant 0 : i32
        %dma_wait3A_202 = tpu.memref_slice %arg7[%dma_wait3A_194, %dma_wait3A_201] : memref<2x128xi32, #tpu.memory_space<vmem>> -> memref<1x128xi32, #tpu.memory_space<vmem>>
        %dma_wait3A_203 = tpu.memref_squeeze %dma_wait3A_202 : memref<1x128xi32, #tpu.memory_space<vmem>> -> memref<128xi32, #tpu.memory_space<vmem>>
        %dma_wait3A_204 = arith.constant 0 : i32
        %dma_wait3A_205 = tpu.memref_slice %arg3[%add3A_193, %dma_wait3A_204] : memref<2560x128xi32, #tpu.memory_space<hbm>> -> memref<1x128xi32, #tpu.memory_space<hbm>>
        %dma_wait3A_206 = tpu.memref_squeeze %dma_wait3A_205 : memref<1x128xi32, #tpu.memory_space<hbm>> -> memref<128xi32, #tpu.memory_space<hbm>>
        tpu.wait_dma2 semaphore(%arg15 : memref<!tpu.dma_semaphore, #tpu.memory_space<semaphore_mem>>) src(%dma_wait3A_206 : memref<128xi32, #tpu.memory_space<hbm>>) dst(%dma_wait3A_203 : memref<128xi32, #tpu.memory_space<vmem>>)
        %dma_start3A_207 = arith.constant 1 : i32
        %dma_start3A_208 = arith.constant 0 : i32
        %dma_start3A_209 = arith.constant 0 : i32
        %dma_start3A_210 = tpu.memref_slice %arg10[%dma_start3A_208, %dma_start3A_209] : memref<128x128xf32, #tpu.memory_space<vmem>> -> memref<32x128xf32, #tpu.memory_space<vmem>>
        %dma_start3A_211 = arith.constant 0 : i32
        %dma_start3A_212 = tpu.memref_slice %arg7[%dma_start3A_207, %dma_start3A_211] : memref<2x128xi32, #tpu.memory_space<vmem>> -> memref<1x32xi32, #tpu.memory_space<vmem>>
        %dma_start3A_213 = tpu.memref_squeeze %dma_start3A_212 : memref<1x32xi32, #tpu.memory_space<vmem>> -> memref<32xi32, #tpu.memory_space<vmem>>
        %dma_start3A_214 = arith.constant 0 : i32
        %dma_start3A_215 = arith.constant 0 : i32
        %dma_start3A_216 = tpu.memref_slice %arg2[%dma_start3A_214, %dma_start3A_215] : memref<10240x128xf32, #tpu.memory_space<hbm>> -> memref<10240x128xf32, #tpu.memory_space<hbm>>
        tpu.enqueue_indirect_dma source(%dma_start3A_216 : memref<10240x128xf32, #tpu.memory_space<hbm>>) target(%dma_start3A_210 : memref<32x128xf32, #tpu.memory_space<vmem>>) offsets(%dma_start3A_213 : memref<32xi32, #tpu.memory_space<vmem>>) semaphore(%arg13 : memref<!tpu.dma_semaphore, #tpu.memory_space<semaphore_mem>>)
        %dma_start3A_217 = arith.constant 1 : i32
        %dma_start3A_218 = arith.constant 32 : i32
        %dma_start3A_219 = arith.constant 0 : i32
        %dma_start3A_220 = tpu.memref_slice %arg10[%dma_start3A_218, %dma_start3A_219] : memref<128x128xf32, #tpu.memory_space<vmem>> -> memref<32x128xf32, #tpu.memory_space<vmem>>
        %dma_start3A_221 = arith.constant 32 : i32
        %dma_start3A_222 = tpu.memref_slice %arg7[%dma_start3A_217, %dma_start3A_221] : memref<2x128xi32, #tpu.memory_space<vmem>> -> memref<1x32xi32, #tpu.memory_space<vmem>>
        %dma_start3A_223 = tpu.memref_squeeze %dma_start3A_222 : memref<1x32xi32, #tpu.memory_space<vmem>> -> memref<32xi32, #tpu.memory_space<vmem>>
        %dma_start3A_224 = arith.constant 0 : i32
        %dma_start3A_225 = arith.constant 0 : i32
        %dma_start3A_226 = tpu.memref_slice %arg2[%dma_start3A_224, %dma_start3A_225] : memref<10240x128xf32, #tpu.memory_space<hbm>> -> memref<10240x128xf32, #tpu.memory_space<hbm>>
        tpu.enqueue_indirect_dma source(%dma_start3A_226 : memref<10240x128xf32, #tpu.memory_space<hbm>>) target(%dma_start3A_220 : memref<32x128xf32, #tpu.memory_space<vmem>>) offsets(%dma_start3A_223 : memref<32xi32, #tpu.memory_space<vmem>>) semaphore(%arg13 : memref<!tpu.dma_semaphore, #tpu.memory_space<semaphore_mem>>)
        %dma_start3A_227 = arith.constant 1 : i32
        %dma_start3A_228 = arith.constant 64 : i32
        %dma_start3A_229 = arith.constant 0 : i32
        %dma_start3A_230 = tpu.memref_slice %arg10[%dma_start3A_228, %dma_start3A_229] : memref<128x128xf32, #tpu.memory_space<vmem>> -> memref<32x128xf32, #tpu.memory_space<vmem>>
        %dma_start3A_231 = arith.constant 64 : i32
        %dma_start3A_232 = tpu.memref_slice %arg7[%dma_start3A_227, %dma_start3A_231] : memref<2x128xi32, #tpu.memory_space<vmem>> -> memref<1x32xi32, #tpu.memory_space<vmem>>
        %dma_start3A_233 = tpu.memref_squeeze %dma_start3A_232 : memref<1x32xi32, #tpu.memory_space<vmem>> -> memref<32xi32, #tpu.memory_space<vmem>>
        %dma_start3A_234 = arith.constant 0 : i32
        %dma_start3A_235 = arith.constant 0 : i32
        %dma_start3A_236 = tpu.memref_slice %arg2[%dma_start3A_234, %dma_start3A_235] : memref<10240x128xf32, #tpu.memory_space<hbm>> -> memref<10240x128xf32, #tpu.memory_space<hbm>>
        tpu.enqueue_indirect_dma source(%dma_start3A_236 : memref<10240x128xf32, #tpu.memory_space<hbm>>) target(%dma_start3A_230 : memref<32x128xf32, #tpu.memory_space<vmem>>) offsets(%dma_start3A_233 : memref<32xi32, #tpu.memory_space<vmem>>) semaphore(%arg13 : memref<!tpu.dma_semaphore, #tpu.memory_space<semaphore_mem>>)
        %dma_start3A_237 = arith.constant 1 : i32
        %dma_start3A_238 = arith.constant 96 : i32
        %dma_start3A_239 = arith.constant 0 : i32
        %dma_start3A_240 = tpu.memref_slice %arg10[%dma_start3A_238, %dma_start3A_239] : memref<128x128xf32, #tpu.memory_space<vmem>> -> memref<32x128xf32, #tpu.memory_space<vmem>>
        %dma_start3A_241 = arith.constant 96 : i32
        %dma_start3A_242 = tpu.memref_slice %arg7[%dma_start3A_237, %dma_start3A_241] : memref<2x128xi32, #tpu.memory_space<vmem>> -> memref<1x32xi32, #tpu.memory_space<vmem>>
        %dma_start3A_243 = tpu.memref_squeeze %dma_start3A_242 : memref<1x32xi32, #tpu.memory_space<vmem>> -> memref<32xi32, #tpu.memory_space<vmem>>
        %dma_start3A_244 = arith.constant 0 : i32
        %dma_start3A_245 = arith.constant 0 : i32
        %dma_start3A_246 = tpu.memref_slice %arg2[%dma_start3A_244, %dma_start3A_245] : memref<10240x128xf32, #tpu.memory_space<hbm>> -> memref<10240x128xf32, #tpu.memory_space<hbm>>
        tpu.enqueue_indirect_dma source(%dma_start3A_246 : memref<10240x128xf32, #tpu.memory_space<hbm>>) target(%dma_start3A_240 : memref<32x128xf32, #tpu.memory_space<vmem>>) offsets(%dma_start3A_243 : memref<32xi32, #tpu.memory_space<vmem>>) semaphore(%arg13 : memref<!tpu.dma_semaphore, #tpu.memory_space<semaphore_mem>>)
      } else {
      }
      %add3A_129 = arith.constant 2 : i32
      %add3A_130 = arith.addi %add3A_86, %add3A_129 : i32
      %lt3A_131 = arith.cmpi slt, %add3A_130, %select_n3A_8 : i32
      %convert_element_type3A_132 = arith.extui %lt3A_131 : i1 to i32
      %cond3A_133 = arith.constant 0 : i32
      %cond3A_134 = arith.cmpi ne, %convert_element_type3A_132, %cond3A_133 : i32
      scf.if %cond3A_134 {
        %add3A_191 = arith.addi %select_n3A, %add3A_86 : i32
        %add3A_192 = arith.constant 2 : i32
        %add3A_193 = arith.addi %add3A_191, %add3A_192 : i32
        %dma_start3A_194 = arith.constant 0 : i32
        %dma_start3A_195 = arith.constant 0 : i32
        %dma_start3A_196 = tpu.memref_slice %arg7[%dma_start3A_194, %dma_start3A_195] : memref<2x128xi32, #tpu.memory_space<vmem>> -> memref<1x128xi32, #tpu.memory_space<vmem>>
        %dma_start3A_197 = tpu.memref_squeeze %dma_start3A_196 : memref<1x128xi32, #tpu.memory_space<vmem>> -> memref<128xi32, #tpu.memory_space<vmem>>
        %dma_start3A_198 = arith.constant 0 : i32
        %dma_start3A_199 = tpu.memref_slice %arg3[%add3A_193, %dma_start3A_198] : memref<2560x128xi32, #tpu.memory_space<hbm>> -> memref<1x128xi32, #tpu.memory_space<hbm>>
        %dma_start3A_200 = tpu.memref_squeeze %dma_start3A_199 : memref<1x128xi32, #tpu.memory_space<hbm>> -> memref<128xi32, #tpu.memory_space<hbm>>
        %dma_start3A_201 = arith.constant 0 : i32
        %dma_start3A_202 = tpu.memref_slice %arg7[%dma_start3A_194, %dma_start3A_201] : memref<2x128xi32, #tpu.memory_space<vmem>> -> memref<1x128xi32, #tpu.memory_space<vmem>>
        %dma_start3A_203 = tpu.memref_squeeze %dma_start3A_202 : memref<1x128xi32, #tpu.memory_space<vmem>> -> memref<128xi32, #tpu.memory_space<vmem>>
        %dma_start3A_204 = arith.constant 0 : i32
        %dma_start3A_205 = tpu.memref_slice %arg3[%add3A_193, %dma_start3A_204] : memref<2560x128xi32, #tpu.memory_space<hbm>> -> memref<1x128xi32, #tpu.memory_space<hbm>>
        %dma_start3A_206 = tpu.memref_squeeze %dma_start3A_205 : memref<1x128xi32, #tpu.memory_space<hbm>> -> memref<128xi32, #tpu.memory_space<hbm>>
        tpu.enqueue_dma source(%dma_start3A_206 : memref<128xi32, #tpu.memory_space<hbm>>) target(%dma_start3A_203 : memref<128xi32, #tpu.memory_space<vmem>>) target_semaphore(%arg14 : memref<!tpu.dma_semaphore, #tpu.memory_space<semaphore_mem>>)
      } else {
      }
      "tpu.region"() ({
        %run_scoped3A_191 = tpu.sem_alloc : memref<!tpu.dma_semaphore, #tpu.memory_space<semaphore_mem>>
        %dma_start3A_192 = arith.constant 0 : i32
        %dma_start3A_193 = tpu.memref_slice %arg8[%add3A_86, %dma_start3A_192] : memref<120x128xi32, #tpu.memory_space<vmem>> -> memref<1x128xi32, #tpu.memory_space<vmem>>
        %dma_start3A_194 = tpu.memref_squeeze %dma_start3A_193 : memref<1x128xi32, #tpu.memory_space<vmem>> -> memref<128xi32, #tpu.memory_space<vmem>>
        %dma_start3A_195 = arith.constant 0 : i32
        %dma_start3A_196 = arith.constant 0 : i32
        %dma_start3A_197 = tpu.memref_slice %arg11[%dma_start3A_195, %dma_start3A_196] : memref<10240x128xf32, #tpu.memory_space<vmem_shared>> -> memref<10240x128xf32, #tpu.memory_space<vmem_shared>>
        tpu.enqueue_indirect_dma source(%arg9 : memref<128x128xf32, #tpu.memory_space<vmem>>) target(%dma_start3A_197 : memref<10240x128xf32, #tpu.memory_space<vmem_shared>>) offsets(%dma_start3A_194 : memref<128xi32, #tpu.memory_space<vmem>>) semaphore(%run_scoped3A_191 : memref<!tpu.dma_semaphore, #tpu.memory_space<semaphore_mem>>) {add = true}
        %dma_wait3A_198 = arith.constant 0 : i32
        %dma_wait3A_199 = tpu.memref_slice %arg8[%add3A_86, %dma_wait3A_198] : memref<120x128xi32, #tpu.memory_space<vmem>> -> memref<1x128xi32, #tpu.memory_space<vmem>>
        %dma_wait3A_200 = tpu.memref_squeeze %dma_wait3A_199 : memref<1x128xi32, #tpu.memory_space<vmem>> -> memref<128xi32, #tpu.memory_space<vmem>>
        %dma_wait3A_201 = arith.constant 0 : i32
        %dma_wait3A_202 = arith.constant 0 : i32
        %dma_wait3A_203 = tpu.memref_slice %arg11[%dma_wait3A_201, %dma_wait3A_202] : memref<10240x128xf32, #tpu.memory_space<vmem_shared>> -> memref<10240x128xf32, #tpu.memory_space<vmem_shared>>
        tpu.wait_indirect_dma semaphore(%run_scoped3A_191 : memref<!tpu.dma_semaphore, #tpu.memory_space<semaphore_mem>>) src(%arg9 : memref<128x128xf32, #tpu.memory_space<vmem>>) dst(%dma_wait3A_203 : memref<10240x128xf32, #tpu.memory_space<vmem_shared>>)
        tpu.yield
      }) : () -> ()
      %mul3A_135 = arith.constant 2 : i32
      %mul3A_136 = arith.muli %while3A_82, %mul3A_135 : i32
      %add3A_137 = arith.constant 1 : i32
      %add3A_138 = arith.addi %mul3A_136, %add3A_137 : i32
      %dma_wait3A_139 = arith.constant 1 : i32
      %dma_wait3A_140 = arith.constant 0 : i32
      %dma_wait3A_141 = arith.constant 0 : i32
      %dma_wait3A_142 = tpu.memref_slice %arg10[%dma_wait3A_140, %dma_wait3A_141] : memref<128x128xf32, #tpu.memory_space<vmem>> -> memref<32x128xf32, #tpu.memory_space<vmem>>
      %dma_wait3A_143 = arith.constant 0 : i32
      %dma_wait3A_144 = tpu.memref_slice %arg7[%dma_wait3A_139, %dma_wait3A_143] : memref<2x128xi32, #tpu.memory_space<vmem>> -> memref<1x32xi32, #tpu.memory_space<vmem>>
      %dma_wait3A_145 = tpu.memref_squeeze %dma_wait3A_144 : memref<1x32xi32, #tpu.memory_space<vmem>> -> memref<32xi32, #tpu.memory_space<vmem>>
      %dma_wait3A_146 = arith.constant 0 : i32
      %dma_wait3A_147 = arith.constant 0 : i32
      %dma_wait3A_148 = tpu.memref_slice %arg2[%dma_wait3A_146, %dma_wait3A_147] : memref<10240x128xf32, #tpu.memory_space<hbm>> -> memref<10240x128xf32, #tpu.memory_space<hbm>>
      tpu.wait_indirect_dma semaphore(%arg13 : memref<!tpu.dma_semaphore, #tpu.memory_space<semaphore_mem>>) src(%dma_wait3A_148 : memref<10240x128xf32, #tpu.memory_space<hbm>>) dst(%dma_wait3A_142 : memref<32x128xf32, #tpu.memory_space<vmem>>)
      %dma_wait3A_149 = arith.constant 1 : i32
      %dma_wait3A_150 = arith.constant 32 : i32
      %dma_wait3A_151 = arith.constant 0 : i32
      %dma_wait3A_152 = tpu.memref_slice %arg10[%dma_wait3A_150, %dma_wait3A_151] : memref<128x128xf32, #tpu.memory_space<vmem>> -> memref<32x128xf32, #tpu.memory_space<vmem>>
      %dma_wait3A_153 = arith.constant 32 : i32
      %dma_wait3A_154 = tpu.memref_slice %arg7[%dma_wait3A_149, %dma_wait3A_153] : memref<2x128xi32, #tpu.memory_space<vmem>> -> memref<1x32xi32, #tpu.memory_space<vmem>>
      %dma_wait3A_155 = tpu.memref_squeeze %dma_wait3A_154 : memref<1x32xi32, #tpu.memory_space<vmem>> -> memref<32xi32, #tpu.memory_space<vmem>>
      %dma_wait3A_156 = arith.constant 0 : i32
      %dma_wait3A_157 = arith.constant 0 : i32
      %dma_wait3A_158 = tpu.memref_slice %arg2[%dma_wait3A_156, %dma_wait3A_157] : memref<10240x128xf32, #tpu.memory_space<hbm>> -> memref<10240x128xf32, #tpu.memory_space<hbm>>
      tpu.wait_indirect_dma semaphore(%arg13 : memref<!tpu.dma_semaphore, #tpu.memory_space<semaphore_mem>>) src(%dma_wait3A_158 : memref<10240x128xf32, #tpu.memory_space<hbm>>) dst(%dma_wait3A_152 : memref<32x128xf32, #tpu.memory_space<vmem>>)
      %dma_wait3A_159 = arith.constant 1 : i32
      %dma_wait3A_160 = arith.constant 64 : i32
      %dma_wait3A_161 = arith.constant 0 : i32
      %dma_wait3A_162 = tpu.memref_slice %arg10[%dma_wait3A_160, %dma_wait3A_161] : memref<128x128xf32, #tpu.memory_space<vmem>> -> memref<32x128xf32, #tpu.memory_space<vmem>>
      %dma_wait3A_163 = arith.constant 64 : i32
      %dma_wait3A_164 = tpu.memref_slice %arg7[%dma_wait3A_159, %dma_wait3A_163] : memref<2x128xi32, #tpu.memory_space<vmem>> -> memref<1x32xi32, #tpu.memory_space<vmem>>
      %dma_wait3A_165 = tpu.memref_squeeze %dma_wait3A_164 : memref<1x32xi32, #tpu.memory_space<vmem>> -> memref<32xi32, #tpu.memory_space<vmem>>
      %dma_wait3A_166 = arith.constant 0 : i32
      %dma_wait3A_167 = arith.constant 0 : i32
      %dma_wait3A_168 = tpu.memref_slice %arg2[%dma_wait3A_166, %dma_wait3A_167] : memref<10240x128xf32, #tpu.memory_space<hbm>> -> memref<10240x128xf32, #tpu.memory_space<hbm>>
      tpu.wait_indirect_dma semaphore(%arg13 : memref<!tpu.dma_semaphore, #tpu.memory_space<semaphore_mem>>) src(%dma_wait3A_168 : memref<10240x128xf32, #tpu.memory_space<hbm>>) dst(%dma_wait3A_162 : memref<32x128xf32, #tpu.memory_space<vmem>>)
      %dma_wait3A_169 = arith.constant 1 : i32
      %dma_wait3A_170 = arith.constant 96 : i32
      %dma_wait3A_171 = arith.constant 0 : i32
      %dma_wait3A_172 = tpu.memref_slice %arg10[%dma_wait3A_170, %dma_wait3A_171] : memref<128x128xf32, #tpu.memory_space<vmem>> -> memref<32x128xf32, #tpu.memory_space<vmem>>
      %dma_wait3A_173 = arith.constant 96 : i32
      %dma_wait3A_174 = tpu.memref_slice %arg7[%dma_wait3A_169, %dma_wait3A_173] : memref<2x128xi32, #tpu.memory_space<vmem>> -> memref<1x32xi32, #tpu.memory_space<vmem>>
      %dma_wait3A_175 = tpu.memref_squeeze %dma_wait3A_174 : memref<1x32xi32, #tpu.memory_space<vmem>> -> memref<32xi32, #tpu.memory_space<vmem>>
      %dma_wait3A_176 = arith.constant 0 : i32
      %dma_wait3A_177 = arith.constant 0 : i32
      %dma_wait3A_178 = tpu.memref_slice %arg2[%dma_wait3A_176, %dma_wait3A_177] : memref<10240x128xf32, #tpu.memory_space<hbm>> -> memref<10240x128xf32, #tpu.memory_space<hbm>>
      tpu.wait_indirect_dma semaphore(%arg13 : memref<!tpu.dma_semaphore, #tpu.memory_space<semaphore_mem>>) src(%dma_wait3A_178 : memref<10240x128xf32, #tpu.memory_space<hbm>>) dst(%dma_wait3A_172 : memref<32x128xf32, #tpu.memory_space<vmem>>)
      %add3A_179 = arith.constant 1 : i32
      %add3A_180 = arith.addi %add3A_138, %add3A_179 : i32
      %lt3A_181 = arith.cmpi slt, %add3A_180, %select_n3A_8 : i32
      %convert_element_type3A_182 = arith.extui %lt3A_181 : i1 to i32
      %cond3A_183 = arith.constant 0 : i32
      %cond3A_184 = arith.cmpi ne, %convert_element_type3A_182, %cond3A_183 : i32
      scf.if %cond3A_184 {
        %add3A_191 = arith.addi %select_n3A, %add3A_138 : i32
        %add3A_192 = arith.constant 1 : i32
        %add3A_193 = arith.addi %add3A_191, %add3A_192 : i32
        %dma_wait3A_194 = arith.constant 0 : i32
        %dma_wait3A_195 = arith.constant 0 : i32
        %dma_wait3A_196 = tpu.memref_slice %arg7[%dma_wait3A_194, %dma_wait3A_195] : memref<2x128xi32, #tpu.memory_space<vmem>> -> memref<1x128xi32, #tpu.memory_space<vmem>>
        %dma_wait3A_197 = tpu.memref_squeeze %dma_wait3A_196 : memref<1x128xi32, #tpu.memory_space<vmem>> -> memref<128xi32, #tpu.memory_space<vmem>>
        %dma_wait3A_198 = arith.constant 0 : i32
        %dma_wait3A_199 = tpu.memref_slice %arg3[%add3A_193, %dma_wait3A_198] : memref<2560x128xi32, #tpu.memory_space<hbm>> -> memref<1x128xi32, #tpu.memory_space<hbm>>
        %dma_wait3A_200 = tpu.memref_squeeze %dma_wait3A_199 : memref<1x128xi32, #tpu.memory_space<hbm>> -> memref<128xi32, #tpu.memory_space<hbm>>
        %dma_wait3A_201 = arith.constant 0 : i32
        %dma_wait3A_202 = tpu.memref_slice %arg7[%dma_wait3A_194, %dma_wait3A_201] : memref<2x128xi32, #tpu.memory_space<vmem>> -> memref<1x128xi32, #tpu.memory_space<vmem>>
        %dma_wait3A_203 = tpu.memref_squeeze %dma_wait3A_202 : memref<1x128xi32, #tpu.memory_space<vmem>> -> memref<128xi32, #tpu.memory_space<vmem>>
        %dma_wait3A_204 = arith.constant 0 : i32
        %dma_wait3A_205 = tpu.memref_slice %arg3[%add3A_193, %dma_wait3A_204] : memref<2560x128xi32, #tpu.memory_space<hbm>> -> memref<1x128xi32, #tpu.memory_space<hbm>>
        %dma_wait3A_206 = tpu.memref_squeeze %dma_wait3A_205 : memref<1x128xi32, #tpu.memory_space<hbm>> -> memref<128xi32, #tpu.memory_space<hbm>>
        tpu.wait_dma2 semaphore(%arg14 : memref<!tpu.dma_semaphore, #tpu.memory_space<semaphore_mem>>) src(%dma_wait3A_206 : memref<128xi32, #tpu.memory_space<hbm>>) dst(%dma_wait3A_203 : memref<128xi32, #tpu.memory_space<vmem>>)
        %dma_start3A_207 = arith.constant 0 : i32
        %dma_start3A_208 = arith.constant 0 : i32
        %dma_start3A_209 = arith.constant 0 : i32
        %dma_start3A_210 = tpu.memref_slice %arg9[%dma_start3A_208, %dma_start3A_209] : memref<128x128xf32, #tpu.memory_space<vmem>> -> memref<32x128xf32, #tpu.memory_space<vmem>>
        %dma_start3A_211 = arith.constant 0 : i32
        %dma_start3A_212 = tpu.memref_slice %arg7[%dma_start3A_207, %dma_start3A_211] : memref<2x128xi32, #tpu.memory_space<vmem>> -> memref<1x32xi32, #tpu.memory_space<vmem>>
        %dma_start3A_213 = tpu.memref_squeeze %dma_start3A_212 : memref<1x32xi32, #tpu.memory_space<vmem>> -> memref<32xi32, #tpu.memory_space<vmem>>
        %dma_start3A_214 = arith.constant 0 : i32
        %dma_start3A_215 = arith.constant 0 : i32
        %dma_start3A_216 = tpu.memref_slice %arg2[%dma_start3A_214, %dma_start3A_215] : memref<10240x128xf32, #tpu.memory_space<hbm>> -> memref<10240x128xf32, #tpu.memory_space<hbm>>
        tpu.enqueue_indirect_dma source(%dma_start3A_216 : memref<10240x128xf32, #tpu.memory_space<hbm>>) target(%dma_start3A_210 : memref<32x128xf32, #tpu.memory_space<vmem>>) offsets(%dma_start3A_213 : memref<32xi32, #tpu.memory_space<vmem>>) semaphore(%arg12 : memref<!tpu.dma_semaphore, #tpu.memory_space<semaphore_mem>>)
        %dma_start3A_217 = arith.constant 0 : i32
        %dma_start3A_218 = arith.constant 32 : i32
        %dma_start3A_219 = arith.constant 0 : i32
        %dma_start3A_220 = tpu.memref_slice %arg9[%dma_start3A_218, %dma_start3A_219] : memref<128x128xf32, #tpu.memory_space<vmem>> -> memref<32x128xf32, #tpu.memory_space<vmem>>
        %dma_start3A_221 = arith.constant 32 : i32
        %dma_start3A_222 = tpu.memref_slice %arg7[%dma_start3A_217, %dma_start3A_221] : memref<2x128xi32, #tpu.memory_space<vmem>> -> memref<1x32xi32, #tpu.memory_space<vmem>>
        %dma_start3A_223 = tpu.memref_squeeze %dma_start3A_222 : memref<1x32xi32, #tpu.memory_space<vmem>> -> memref<32xi32, #tpu.memory_space<vmem>>
        %dma_start3A_224 = arith.constant 0 : i32
        %dma_start3A_225 = arith.constant 0 : i32
        %dma_start3A_226 = tpu.memref_slice %arg2[%dma_start3A_224, %dma_start3A_225] : memref<10240x128xf32, #tpu.memory_space<hbm>> -> memref<10240x128xf32, #tpu.memory_space<hbm>>
        tpu.enqueue_indirect_dma source(%dma_start3A_226 : memref<10240x128xf32, #tpu.memory_space<hbm>>) target(%dma_start3A_220 : memref<32x128xf32, #tpu.memory_space<vmem>>) offsets(%dma_start3A_223 : memref<32xi32, #tpu.memory_space<vmem>>) semaphore(%arg12 : memref<!tpu.dma_semaphore, #tpu.memory_space<semaphore_mem>>)
        %dma_start3A_227 = arith.constant 0 : i32
        %dma_start3A_228 = arith.constant 64 : i32
        %dma_start3A_229 = arith.constant 0 : i32
        %dma_start3A_230 = tpu.memref_slice %arg9[%dma_start3A_228, %dma_start3A_229] : memref<128x128xf32, #tpu.memory_space<vmem>> -> memref<32x128xf32, #tpu.memory_space<vmem>>
        %dma_start3A_231 = arith.constant 64 : i32
        %dma_start3A_232 = tpu.memref_slice %arg7[%dma_start3A_227, %dma_start3A_231] : memref<2x128xi32, #tpu.memory_space<vmem>> -> memref<1x32xi32, #tpu.memory_space<vmem>>
        %dma_start3A_233 = tpu.memref_squeeze %dma_start3A_232 : memref<1x32xi32, #tpu.memory_space<vmem>> -> memref<32xi32, #tpu.memory_space<vmem>>
        %dma_start3A_234 = arith.constant 0 : i32
        %dma_start3A_235 = arith.constant 0 : i32
        %dma_start3A_236 = tpu.memref_slice %arg2[%dma_start3A_234, %dma_start3A_235] : memref<10240x128xf32, #tpu.memory_space<hbm>> -> memref<10240x128xf32, #tpu.memory_space<hbm>>
        tpu.enqueue_indirect_dma source(%dma_start3A_236 : memref<10240x128xf32, #tpu.memory_space<hbm>>) target(%dma_start3A_230 : memref<32x128xf32, #tpu.memory_space<vmem>>) offsets(%dma_start3A_233 : memref<32xi32, #tpu.memory_space<vmem>>) semaphore(%arg12 : memref<!tpu.dma_semaphore, #tpu.memory_space<semaphore_mem>>)
        %dma_start3A_237 = arith.constant 0 : i32
        %dma_start3A_238 = arith.constant 96 : i32
        %dma_start3A_239 = arith.constant 0 : i32
        %dma_start3A_240 = tpu.memref_slice %arg9[%dma_start3A_238, %dma_start3A_239] : memref<128x128xf32, #tpu.memory_space<vmem>> -> memref<32x128xf32, #tpu.memory_space<vmem>>
        %dma_start3A_241 = arith.constant 96 : i32
        %dma_start3A_242 = tpu.memref_slice %arg7[%dma_start3A_237, %dma_start3A_241] : memref<2x128xi32, #tpu.memory_space<vmem>> -> memref<1x32xi32, #tpu.memory_space<vmem>>
        %dma_start3A_243 = tpu.memref_squeeze %dma_start3A_242 : memref<1x32xi32, #tpu.memory_space<vmem>> -> memref<32xi32, #tpu.memory_space<vmem>>
        %dma_start3A_244 = arith.constant 0 : i32
        %dma_start3A_245 = arith.constant 0 : i32
        %dma_start3A_246 = tpu.memref_slice %arg2[%dma_start3A_244, %dma_start3A_245] : memref<10240x128xf32, #tpu.memory_space<hbm>> -> memref<10240x128xf32, #tpu.memory_space<hbm>>
        tpu.enqueue_indirect_dma source(%dma_start3A_246 : memref<10240x128xf32, #tpu.memory_space<hbm>>) target(%dma_start3A_240 : memref<32x128xf32, #tpu.memory_space<vmem>>) offsets(%dma_start3A_243 : memref<32xi32, #tpu.memory_space<vmem>>) semaphore(%arg12 : memref<!tpu.dma_semaphore, #tpu.memory_space<semaphore_mem>>)
      } else {
      }
      %add3A_185 = arith.constant 2 : i32
      %add3A_186 = arith.addi %add3A_138, %add3A_185 : i32
      %lt3A_187 = arith.cmpi slt, %add3A_186, %select_n3A_8 : i32
      %convert_element_type3A_188 = arith.extui %lt3A_187 : i1 to i32
      %cond3A_189 = arith.constant 0 : i32
      %cond3A_190 = arith.cmpi ne, %convert_element_type3A_188, %cond3A_189 : i32
      scf.if %cond3A_190 {
        %add3A_191 = arith.addi %select_n3A, %add3A_138 : i32
        %add3A_192 = arith.constant 2 : i32
        %add3A_193 = arith.addi %add3A_191, %add3A_192 : i32
        %dma_start3A_194 = arith.constant 1 : i32
        %dma_start3A_195 = arith.constant 0 : i32
        %dma_start3A_196 = tpu.memref_slice %arg7[%dma_start3A_194, %dma_start3A_195] : memref<2x128xi32, #tpu.memory_space<vmem>> -> memref<1x128xi32, #tpu.memory_space<vmem>>
        %dma_start3A_197 = tpu.memref_squeeze %dma_start3A_196 : memref<1x128xi32, #tpu.memory_space<vmem>> -> memref<128xi32, #tpu.memory_space<vmem>>
        %dma_start3A_198 = arith.constant 0 : i32
        %dma_start3A_199 = tpu.memref_slice %arg3[%add3A_193, %dma_start3A_198] : memref<2560x128xi32, #tpu.memory_space<hbm>> -> memref<1x128xi32, #tpu.memory_space<hbm>>
        %dma_start3A_200 = tpu.memref_squeeze %dma_start3A_199 : memref<1x128xi32, #tpu.memory_space<hbm>> -> memref<128xi32, #tpu.memory_space<hbm>>
        %dma_start3A_201 = arith.constant 0 : i32
        %dma_start3A_202 = tpu.memref_slice %arg7[%dma_start3A_194, %dma_start3A_201] : memref<2x128xi32, #tpu.memory_space<vmem>> -> memref<1x128xi32, #tpu.memory_space<vmem>>
        %dma_start3A_203 = tpu.memref_squeeze %dma_start3A_202 : memref<1x128xi32, #tpu.memory_space<vmem>> -> memref<128xi32, #tpu.memory_space<vmem>>
        %dma_start3A_204 = arith.constant 0 : i32
        %dma_start3A_205 = tpu.memref_slice %arg3[%add3A_193, %dma_start3A_204] : memref<2560x128xi32, #tpu.memory_space<hbm>> -> memref<1x128xi32, #tpu.memory_space<hbm>>
        %dma_start3A_206 = tpu.memref_squeeze %dma_start3A_205 : memref<1x128xi32, #tpu.memory_space<hbm>> -> memref<128xi32, #tpu.memory_space<hbm>>
        tpu.enqueue_dma source(%dma_start3A_206 : memref<128xi32, #tpu.memory_space<hbm>>) target(%dma_start3A_203 : memref<128xi32, #tpu.memory_space<vmem>>) target_semaphore(%arg15 : memref<!tpu.dma_semaphore, #tpu.memory_space<semaphore_mem>>)
      } else {
      }
      "tpu.region"() ({
        %run_scoped3A_191 = tpu.sem_alloc : memref<!tpu.dma_semaphore, #tpu.memory_space<semaphore_mem>>
        %dma_start3A_192 = arith.constant 0 : i32
        %dma_start3A_193 = tpu.memref_slice %arg8[%add3A_138, %dma_start3A_192] : memref<120x128xi32, #tpu.memory_space<vmem>> -> memref<1x128xi32, #tpu.memory_space<vmem>>
        %dma_start3A_194 = tpu.memref_squeeze %dma_start3A_193 : memref<1x128xi32, #tpu.memory_space<vmem>> -> memref<128xi32, #tpu.memory_space<vmem>>
        %dma_start3A_195 = arith.constant 0 : i32
        %dma_start3A_196 = arith.constant 0 : i32
        %dma_start3A_197 = tpu.memref_slice %arg11[%dma_start3A_195, %dma_start3A_196] : memref<10240x128xf32, #tpu.memory_space<vmem_shared>> -> memref<10240x128xf32, #tpu.memory_space<vmem_shared>>
        tpu.enqueue_indirect_dma source(%arg10 : memref<128x128xf32, #tpu.memory_space<vmem>>) target(%dma_start3A_197 : memref<10240x128xf32, #tpu.memory_space<vmem_shared>>) offsets(%dma_start3A_194 : memref<128xi32, #tpu.memory_space<vmem>>) semaphore(%run_scoped3A_191 : memref<!tpu.dma_semaphore, #tpu.memory_space<semaphore_mem>>) {add = true}
        %dma_wait3A_198 = arith.constant 0 : i32
        %dma_wait3A_199 = tpu.memref_slice %arg8[%add3A_138, %dma_wait3A_198] : memref<120x128xi32, #tpu.memory_space<vmem>> -> memref<1x128xi32, #tpu.memory_space<vmem>>
        %dma_wait3A_200 = tpu.memref_squeeze %dma_wait3A_199 : memref<1x128xi32, #tpu.memory_space<vmem>> -> memref<128xi32, #tpu.memory_space<vmem>>
        %dma_wait3A_201 = arith.constant 0 : i32
        %dma_wait3A_202 = arith.constant 0 : i32
        %dma_wait3A_203 = tpu.memref_slice %arg11[%dma_wait3A_201, %dma_wait3A_202] : memref<10240x128xf32, #tpu.memory_space<vmem_shared>> -> memref<10240x128xf32, #tpu.memory_space<vmem_shared>>
        tpu.wait_indirect_dma semaphore(%run_scoped3A_191 : memref<!tpu.dma_semaphore, #tpu.memory_space<semaphore_mem>>) src(%arg10 : memref<128x128xf32, #tpu.memory_space<vmem>>) dst(%dma_wait3A_203 : memref<10240x128xf32, #tpu.memory_space<vmem_shared>>)
        tpu.yield
      }) : () -> ()
    }
    %barrier3A_77 = arith.constant 0 : index
    tpu.barrier barrier_id(%barrier3A_77)
    %mul3A_78 = arith.constant 640 : i32
    %mul3A_79 = arith.muli %arg1, %mul3A_78 : i32
    %mul3A_80 = arith.constant 640 : i32
    %mul3A_81 = arith.muli %arg1, %mul3A_80 : i32
    "tpu.region"() ({
      %run_scoped3A_82 = tpu.sem_alloc : memref<!tpu.dma_semaphore, #tpu.memory_space<semaphore_mem>>
      %dma_start3A_83 = arith.constant 0 : i32
      %dma_start3A_84 = tpu.memref_slice %arg6[%arg0, %mul3A_81, %dma_start3A_83] : memref<2x10240x128xf32, #tpu.memory_space<hbm>> -> memref<1x640x128xf32, #tpu.memory_space<hbm>>
      %dma_start3A_85 = tpu.memref_squeeze %dma_start3A_84 : memref<1x640x128xf32, #tpu.memory_space<hbm>> -> memref<640x128xf32, #tpu.memory_space<hbm>>
      %dma_start3A_86 = arith.constant 0 : i32
      %dma_start3A_87 = tpu.memref_slice %arg11[%mul3A_79, %dma_start3A_86] : memref<10240x128xf32, #tpu.memory_space<vmem_shared>> -> memref<640x128xf32, #tpu.memory_space<vmem_shared>>
      tpu.enqueue_dma source(%dma_start3A_87 : memref<640x128xf32, #tpu.memory_space<vmem_shared>>) target(%dma_start3A_85 : memref<640x128xf32, #tpu.memory_space<hbm>>) target_semaphore(%run_scoped3A_82 : memref<!tpu.dma_semaphore, #tpu.memory_space<semaphore_mem>>)
      %dma_wait3A = arith.constant 0 : i32
      %dma_wait3A_88 = tpu.memref_slice %arg6[%arg0, %mul3A_81, %dma_wait3A] : memref<2x10240x128xf32, #tpu.memory_space<hbm>> -> memref<1x640x128xf32, #tpu.memory_space<hbm>>
      %dma_wait3A_89 = tpu.memref_squeeze %dma_wait3A_88 : memref<1x640x128xf32, #tpu.memory_space<hbm>> -> memref<640x128xf32, #tpu.memory_space<hbm>>
      %dma_wait3A_90 = arith.constant 0 : i32
      %dma_wait3A_91 = tpu.memref_slice %arg11[%mul3A_79, %dma_wait3A_90] : memref<10240x128xf32, #tpu.memory_space<vmem_shared>> -> memref<640x128xf32, #tpu.memory_space<vmem_shared>>
      tpu.wait_dma2 semaphore(%run_scoped3A_82 : memref<!tpu.dma_semaphore, #tpu.memory_space<semaphore_mem>>) src(%dma_wait3A_91 : memref<640x128xf32, #tpu.memory_space<vmem_shared>>) dst(%dma_wait3A_89 : memref<640x128xf32, #tpu.memory_space<hbm>>)
      tpu.yield
    }) : () -> ()
    return
  }
}

module attributes {stable_mosaic.version = 14 : i64} {
  func.func @body(%arg0: memref<2x10240x128xf32, #tpu.memory_space<vmem>>, %arg1: memref<10240x128xf32, #tpu.memory_space<vmem>>, %arg2: memref<10240x1xf32, #tpu.memory_space<vmem>>, %arg3: memref<1x128xf32, #tpu.memory_space<vmem>>, %arg4: memref<1x128xf32, #tpu.memory_space<vmem>>, %arg5: memref<1x128xf32, #tpu.memory_space<vmem>>, %arg6: memref<128x128xf32, #tpu.memory_space<vmem>>, %arg7: memref<10240x128xf32, #tpu.memory_space<vmem>>) attributes {dimension_semantics = [], scalar_prefetch = 0 : i64, scratch_operands = 0 : i64, tpu.core_type = #tpu.core_type<tc>} {
    %get3A = arith.constant 0 : index
    %get3A_0 = arith.constant 0 : index
    %get3A_1 = arith.constant 0 : index
    %get3A_2 = vector.load %arg0[%get3A, %get3A_0, %get3A_1] : memref<2x10240x128xf32, #tpu.memory_space<vmem>>, vector<2x10240x128xf32>
    %slice3A = vector.extract_strided_slice %get3A_2 {offsets = [0, 0, 0], sizes = [1, 10000, 128], strides = [1, 1, 1]} : vector<2x10240x128xf32> to vector<1x10000x128xf32>
    %squeeze3A = vector.shape_cast %slice3A : vector<1x10000x128xf32> to vector<10000x128xf32>
    %slice3A_3 = vector.extract_strided_slice %get3A_2 {offsets = [1, 0, 0], sizes = [1, 10000, 128], strides = [1, 1, 1]} : vector<2x10240x128xf32> to vector<1x10000x128xf32>
    %squeeze3A_4 = vector.shape_cast %slice3A_3 : vector<1x10000x128xf32> to vector<10000x128xf32>
    %add3A = arith.addf %squeeze3A, %squeeze3A_4 : vector<10000x128xf32>
    %get3A_5 = arith.constant 0 : index
    %get3A_6 = arith.constant 0 : index
    %get3A_7 = vector.load %arg1[%get3A_5, %get3A_6] : memref<10240x128xf32, #tpu.memory_space<vmem>>, vector<10000x128xf32>
    %add3A_8 = arith.addf %add3A, %get3A_7 : vector<10000x128xf32>
    %get3A_9 = arith.constant 0 : index
    %get3A_10 = arith.constant 0 : index
    %get3A_11 = vector.load %arg2[%get3A_9, %get3A_10] : memref<10240x1xf32, #tpu.memory_space<vmem>>, vector<10240x1xf32>
    %slice3A_12 = vector.extract_strided_slice %get3A_11 {offsets = [0, 0], sizes = [10000, 1], strides = [1, 1]} : vector<10240x1xf32> to vector<10000x1xf32>
    %mul3A = vector.broadcast %slice3A_12 : vector<10000x1xf32> to vector<10000x128xf32>
    %mul3A_13 = arith.mulf %mul3A, %add3A_8 : vector<10000x128xf32>
    %get3A_14 = arith.constant 0 : index
    %get3A_15 = arith.constant 0 : index
    %get3A_16 = vector.load %arg3[%get3A_14, %get3A_15] : memref<1x128xf32, #tpu.memory_space<vmem>>, vector<1x128xf32>
    %add3A_17 = vector.broadcast %get3A_16 : vector<1x128xf32> to vector<10000x128xf32>
    %add3A_18 = arith.addf %mul3A_13, %add3A_17 : vector<10000x128xf32>
    %reduce_sum3A = arith.constant dense<0.000000e+00> : vector<128xf32>
    %reduce_sum3A_19 = vector.multi_reduction <add>, %add3A_18, %reduce_sum3A [0] : vector<10000x128xf32> to vector<128xf32>
    %broadcast_in_dim3A = vector.shape_cast %reduce_sum3A_19 : vector<128xf32> to vector<1x128xf32>
    %div3A = arith.constant 1.000000e+04 : f32
    %div3A_20 = vector.broadcast %div3A : f32 to vector<1x128xf32>
    %div3A_21 = arith.divf %broadcast_in_dim3A, %div3A_20 : vector<1x128xf32>
    %sub3A = vector.broadcast %div3A_21 : vector<1x128xf32> to vector<10000x128xf32>
    %sub3A_22 = arith.subf %add3A_18, %sub3A : vector<10000x128xf32>
    %mul3A_23 = arith.mulf %sub3A_22, %sub3A_22 : vector<10000x128xf32>
    %reduce_sum3A_24 = arith.constant dense<0.000000e+00> : vector<128xf32>
    %reduce_sum3A_25 = vector.multi_reduction <add>, %mul3A_23, %reduce_sum3A_24 [0] : vector<10000x128xf32> to vector<128xf32>
    %broadcast_in_dim3A_26 = vector.shape_cast %reduce_sum3A_25 : vector<128xf32> to vector<1x128xf32>
    %div3A_27 = arith.constant 1.000000e+04 : f32
    %div3A_28 = vector.broadcast %div3A_27 : f32 to vector<1x128xf32>
    %div3A_29 = arith.divf %broadcast_in_dim3A_26, %div3A_28 : vector<1x128xf32>
    %add3A_30 = arith.constant 9.99999974E-6 : f32
    %add3A_31 = vector.broadcast %add3A_30 : f32 to vector<1x128xf32>
    %add3A_32 = arith.addf %div3A_29, %add3A_31 : vector<1x128xf32>
    %sqrt3A = math.sqrt %add3A_32 : vector<1x128xf32>
    %div3A_33 = vector.broadcast %sqrt3A : vector<1x128xf32> to vector<10000x128xf32>
    %div3A_34 = arith.divf %sub3A_22, %div3A_33 : vector<10000x128xf32>
    %get3A_35 = arith.constant 0 : index
    %get3A_36 = arith.constant 0 : index
    %get3A_37 = vector.load %arg4[%get3A_35, %get3A_36] : memref<1x128xf32, #tpu.memory_space<vmem>>, vector<1x128xf32>
    %mul3A_38 = vector.broadcast %get3A_37 : vector<1x128xf32> to vector<10000x128xf32>
    %mul3A_39 = arith.mulf %div3A_34, %mul3A_38 : vector<10000x128xf32>
    %get3A_40 = arith.constant 0 : index
    %get3A_41 = arith.constant 0 : index
    %get3A_42 = vector.load %arg5[%get3A_40, %get3A_41] : memref<1x128xf32, #tpu.memory_space<vmem>>, vector<1x128xf32>
    %add3A_43 = vector.broadcast %get3A_42 : vector<1x128xf32> to vector<10000x128xf32>
    %add3A_44 = arith.addf %mul3A_39, %add3A_43 : vector<10000x128xf32>
    %max3A = arith.constant 0.000000e+00 : f32
    %max3A_45 = vector.broadcast %max3A : f32 to vector<10000x128xf32>
    %max3A_46 = arith.maximumf %add3A_44, %max3A_45 : vector<10000x128xf32>
    %get3A_47 = arith.constant 0 : index
    %get3A_48 = arith.constant 0 : index
    %get3A_49 = vector.load %arg6[%get3A_47, %get3A_48] : memref<128x128xf32, #tpu.memory_space<vmem>>, vector<128x128xf32>
    %dot_general3A = arith.constant dense<0.000000e+00> : vector<10000x128xf32>
    %dot_general3A_50 = tpu.matmul %max3A_46, %get3A_49, %dot_general3A {dimension_numbers = #tpu.dot_dimension_numbers<[1], [0], [0], [1], [0, 0, 1, 1], [], []>, transpose_lhs_hint = false} : vector<10000x128xf32>, vector<128x128xf32>, vector<10000x128xf32> -> vector<10000x128xf32>
    %get3A_51 = arith.constant 0 : index
    %get3A_52 = arith.constant 0 : index
    %get3A_53 = vector.load %arg2[%get3A_51, %get3A_52] : memref<10240x1xf32, #tpu.memory_space<vmem>>, vector<10240x1xf32>
    %slice3A_54 = vector.extract_strided_slice %get3A_53 {offsets = [0, 0], sizes = [10000, 1], strides = [1, 1]} : vector<10240x1xf32> to vector<10000x1xf32>
    %mul3A_55 = vector.broadcast %slice3A_54 : vector<10000x1xf32> to vector<10000x128xf32>
    %mul3A_56 = arith.mulf %mul3A_55, %dot_general3A_50 : vector<10000x128xf32>
    %swap3A = arith.constant 0 : index
    %swap3A_57 = arith.constant 0 : index
    %swap3A_58 = vector.load %arg7[%swap3A, %swap3A_57] : memref<10240x128xf32, #tpu.memory_space<vmem>>, vector<10000x128xf32>
    tpu.vector_store %arg7[%swap3A, %swap3A_57], %mul3A_56 {strides = array<i32>} : memref<10240x128xf32, #tpu.memory_space<vmem>>, vector<10000x128xf32>,
    %broadcast_in_dim3A_59 = arith.constant 0.000000e+00 : f32
    %broadcast_in_dim3A_60 = vector.broadcast %broadcast_in_dim3A_59 : f32 to vector<240x128xf32>
    %swap3A_61 = arith.constant 10000 : index
    %swap3A_62 = arith.constant 0 : index
    %swap3A_63 = vector.load %arg7[%swap3A_61, %swap3A_62] : memref<10240x128xf32, #tpu.memory_space<vmem>>, vector<240x128xf32>
    tpu.vector_store %arg7[%swap3A_61, %swap3A_62], %broadcast_in_dim3A_60 {strides = array<i32>} : memref<10240x128xf32, #tpu.memory_space<vmem>>, vector<240x128xf32>,
    return
  }
}

module attributes {stable_mosaic.version = 14 : i64} {
  func.func @body(%arg0: memref<2x10240x128xf32, #tpu.memory_space<vmem>>, %arg1: memref<10000x128xf32, #tpu.memory_space<vmem>>, %arg2: memref<128x128xf32, #tpu.memory_space<vmem>>, %arg3: memref<10240x1xf32, #tpu.memory_space<vmem>>, %arg4: memref<10240x128xf32, #tpu.memory_space<vmem>>) attributes {dimension_semantics = [], scalar_prefetch = 0 : i64, scratch_operands = 0 : i64, tpu.core_type = #tpu.core_type<tc>} {
    %get3A = arith.constant 0 : index
    %get3A_0 = arith.constant 0 : index
    %get3A_1 = arith.constant 0 : index
    %get3A_2 = vector.load %arg0[%get3A, %get3A_0, %get3A_1] : memref<2x10240x128xf32, #tpu.memory_space<vmem>>, vector<1x10240x128xf32>
    %get3A_3 = vector.shape_cast %get3A_2 : vector<1x10240x128xf32> to vector<10240x128xf32>
    %get3A_4 = arith.constant 1 : index
    %get3A_5 = arith.constant 0 : index
    %get3A_6 = arith.constant 0 : index
    %get3A_7 = vector.load %arg0[%get3A_4, %get3A_5, %get3A_6] : memref<2x10240x128xf32, #tpu.memory_space<vmem>>, vector<1x10240x128xf32>
    %get3A_8 = vector.shape_cast %get3A_7 : vector<1x10240x128xf32> to vector<10240x128xf32>
    %add3A = arith.addf %get3A_3, %get3A_8 : vector<10240x128xf32>
    %slice3A = vector.extract_strided_slice %add3A {offsets = [0, 0], sizes = [10240, 1], strides = [1, 1]} : vector<10240x128xf32> to vector<10240x1xf32>
    %add3A_9 = arith.constant 1.000000e+00 : f32
    %add3A_10 = vector.broadcast %add3A_9 : f32 to vector<10240x1xf32>
    %add3A_11 = arith.addf %slice3A, %add3A_10 : vector<10240x1xf32>
    %sqrt3A = math.sqrt %add3A_11 : vector<10240x1xf32>
    %div3A = arith.constant 1.000000e+00 : f32
    %div3A_12 = vector.broadcast %div3A : f32 to vector<10240x1xf32>
    %div3A_13 = arith.divf %div3A_12, %sqrt3A : vector<10240x1xf32>
    %swap3A = arith.constant 0 : index
    %swap3A_14 = arith.constant 0 : index
    %swap3A_15 = vector.load %arg3[%swap3A, %swap3A_14] : memref<10240x1xf32, #tpu.memory_space<vmem>>, vector<10240x1xf32>
    tpu.vector_store %arg3[%swap3A, %swap3A_14], %div3A_13 {strides = array<i32>} : memref<10240x1xf32, #tpu.memory_space<vmem>>, vector<10240x1xf32>,
    %get3A_16 = arith.constant 0 : index
    %get3A_17 = arith.constant 0 : index
    %get3A_18 = vector.load %arg1[%get3A_16, %get3A_17] : memref<10000x128xf32, #tpu.memory_space<vmem>>, vector<10000x128xf32>
    %get3A_19 = arith.constant 0 : index
    %get3A_20 = arith.constant 0 : index
    %get3A_21 = vector.load %arg2[%get3A_19, %get3A_20] : memref<128x128xf32, #tpu.memory_space<vmem>>, vector<128x128xf32>
    %dot_general3A = arith.constant dense<0.000000e+00> : vector<10000x128xf32>
    %dot_general3A_22 = tpu.matmul %get3A_18, %get3A_21, %dot_general3A {dimension_numbers = #tpu.dot_dimension_numbers<[1], [0], [0], [1], [0, 0, 1, 1], [], []>, transpose_lhs_hint = false} : vector<10000x128xf32>, vector<128x128xf32>, vector<10000x128xf32> -> vector<10000x128xf32>
    %slice3A_23 = vector.extract_strided_slice %div3A_13 {offsets = [0, 0], sizes = [10000, 1], strides = [1, 1]} : vector<10240x1xf32> to vector<10000x1xf32>
    %mul3A = vector.broadcast %slice3A_23 : vector<10000x1xf32> to vector<10000x128xf32>
    %mul3A_24 = arith.mulf %mul3A, %dot_general3A_22 : vector<10000x128xf32>
    %swap3A_25 = arith.constant 0 : index
    %swap3A_26 = arith.constant 0 : index
    %swap3A_27 = vector.load %arg4[%swap3A_25, %swap3A_26] : memref<10240x128xf32, #tpu.memory_space<vmem>>, vector<10000x128xf32>
    tpu.vector_store %arg4[%swap3A_25, %swap3A_26], %mul3A_24 {strides = array<i32>} : memref<10240x128xf32, #tpu.memory_space<vmem>>, vector<10000x128xf32>,
    %broadcast_in_dim3A = arith.constant 0.000000e+00 : f32
    %broadcast_in_dim3A_28 = vector.broadcast %broadcast_in_dim3A : f32 to vector<240x128xf32>
    %swap3A_29 = arith.constant 10000 : index
    %swap3A_30 = arith.constant 0 : index
    %swap3A_31 = vector.load %arg4[%swap3A_29, %swap3A_30] : memref<10240x128xf32, #tpu.memory_space<vmem>>, vector<240x128xf32>
    tpu.vector_store %arg4[%swap3A_29, %swap3A_30], %broadcast_in_dim3A_28 {strides = array<i32>} : memref<10240x128xf32, #tpu.memory_space<vmem>>, vector<240x128xf32>,
    return
  }
}

module attributes {stable_mosaic.version = 14 : i64} {
  func.func @body(%arg0: memref<2x10240x128xf32, #tpu.memory_space<vmem>>, %arg1: memref<10240x128xf32, #tpu.memory_space<vmem>>, %arg2: memref<10240x1xf32, #tpu.memory_space<vmem>>, %arg3: memref<1x128xf32, #tpu.memory_space<vmem>>, %arg4: memref<1x128xf32, #tpu.memory_space<vmem>>, %arg5: memref<1x128xf32, #tpu.memory_space<vmem>>, %arg6: memref<10240x128xf32, #tpu.memory_space<vmem>>) attributes {dimension_semantics = [], scalar_prefetch = 0 : i64, scratch_operands = 0 : i64, tpu.core_type = #tpu.core_type<tc>} {
    %get3A = arith.constant 0 : index
    %get3A_0 = arith.constant 0 : index
    %get3A_1 = arith.constant 0 : index
    %get3A_2 = vector.load %arg0[%get3A, %get3A_0, %get3A_1] : memref<2x10240x128xf32, #tpu.memory_space<vmem>>, vector<2x10240x128xf32>
    %slice3A = vector.extract_strided_slice %get3A_2 {offsets = [0, 0, 0], sizes = [1, 10000, 128], strides = [1, 1, 1]} : vector<2x10240x128xf32> to vector<1x10000x128xf32>
    %squeeze3A = vector.shape_cast %slice3A : vector<1x10000x128xf32> to vector<10000x128xf32>
    %slice3A_3 = vector.extract_strided_slice %get3A_2 {offsets = [1, 0, 0], sizes = [1, 10000, 128], strides = [1, 1, 1]} : vector<2x10240x128xf32> to vector<1x10000x128xf32>
    %squeeze3A_4 = vector.shape_cast %slice3A_3 : vector<1x10000x128xf32> to vector<10000x128xf32>
    %add3A = arith.addf %squeeze3A, %squeeze3A_4 : vector<10000x128xf32>
    %get3A_5 = arith.constant 0 : index
    %get3A_6 = arith.constant 0 : index
    %get3A_7 = vector.load %arg1[%get3A_5, %get3A_6] : memref<10240x128xf32, #tpu.memory_space<vmem>>, vector<10000x128xf32>
    %add3A_8 = arith.addf %add3A, %get3A_7 : vector<10000x128xf32>
    %get3A_9 = arith.constant 0 : index
    %get3A_10 = arith.constant 0 : index
    %get3A_11 = vector.load %arg2[%get3A_9, %get3A_10] : memref<10240x1xf32, #tpu.memory_space<vmem>>, vector<10240x1xf32>
    %slice3A_12 = vector.extract_strided_slice %get3A_11 {offsets = [0, 0], sizes = [10000, 1], strides = [1, 1]} : vector<10240x1xf32> to vector<10000x1xf32>
    %mul3A = vector.broadcast %slice3A_12 : vector<10000x1xf32> to vector<10000x128xf32>
    %mul3A_13 = arith.mulf %mul3A, %add3A_8 : vector<10000x128xf32>
    %get3A_14 = arith.constant 0 : index
    %get3A_15 = arith.constant 0 : index
    %get3A_16 = vector.load %arg3[%get3A_14, %get3A_15] : memref<1x128xf32, #tpu.memory_space<vmem>>, vector<1x128xf32>
    %add3A_17 = vector.broadcast %get3A_16 : vector<1x128xf32> to vector<10000x128xf32>
    %add3A_18 = arith.addf %mul3A_13, %add3A_17 : vector<10000x128xf32>
    %reduce_sum3A = arith.constant dense<0.000000e+00> : vector<128xf32>
    %reduce_sum3A_19 = vector.multi_reduction <add>, %add3A_18, %reduce_sum3A [0] : vector<10000x128xf32> to vector<128xf32>
    %broadcast_in_dim3A = vector.shape_cast %reduce_sum3A_19 : vector<128xf32> to vector<1x128xf32>
    %div3A = arith.constant 1.000000e+04 : f32
    %div3A_20 = vector.broadcast %div3A : f32 to vector<1x128xf32>
    %div3A_21 = arith.divf %broadcast_in_dim3A, %div3A_20 : vector<1x128xf32>
    %sub3A = vector.broadcast %div3A_21 : vector<1x128xf32> to vector<10000x128xf32>
    %sub3A_22 = arith.subf %add3A_18, %sub3A : vector<10000x128xf32>
    %mul3A_23 = arith.mulf %sub3A_22, %sub3A_22 : vector<10000x128xf32>
    %reduce_sum3A_24 = arith.constant dense<0.000000e+00> : vector<128xf32>
    %reduce_sum3A_25 = vector.multi_reduction <add>, %mul3A_23, %reduce_sum3A_24 [0] : vector<10000x128xf32> to vector<128xf32>
    %broadcast_in_dim3A_26 = vector.shape_cast %reduce_sum3A_25 : vector<128xf32> to vector<1x128xf32>
    %div3A_27 = arith.constant 1.000000e+04 : f32
    %div3A_28 = vector.broadcast %div3A_27 : f32 to vector<1x128xf32>
    %div3A_29 = arith.divf %broadcast_in_dim3A_26, %div3A_28 : vector<1x128xf32>
    %add3A_30 = arith.constant 9.99999974E-6 : f32
    %add3A_31 = vector.broadcast %add3A_30 : f32 to vector<1x128xf32>
    %add3A_32 = arith.addf %div3A_29, %add3A_31 : vector<1x128xf32>
    %sqrt3A = math.sqrt %add3A_32 : vector<1x128xf32>
    %div3A_33 = vector.broadcast %sqrt3A : vector<1x128xf32> to vector<10000x128xf32>
    %div3A_34 = arith.divf %sub3A_22, %div3A_33 : vector<10000x128xf32>
    %get3A_35 = arith.constant 0 : index
    %get3A_36 = arith.constant 0 : index
    %get3A_37 = vector.load %arg4[%get3A_35, %get3A_36] : memref<1x128xf32, #tpu.memory_space<vmem>>, vector<1x128xf32>
    %mul3A_38 = vector.broadcast %get3A_37 : vector<1x128xf32> to vector<10000x128xf32>
    %mul3A_39 = arith.mulf %div3A_34, %mul3A_38 : vector<10000x128xf32>
    %get3A_40 = arith.constant 0 : index
    %get3A_41 = arith.constant 0 : index
    %get3A_42 = vector.load %arg5[%get3A_40, %get3A_41] : memref<1x128xf32, #tpu.memory_space<vmem>>, vector<1x128xf32>
    %add3A_43 = vector.broadcast %get3A_42 : vector<1x128xf32> to vector<10000x128xf32>
    %add3A_44 = arith.addf %mul3A_39, %add3A_43 : vector<10000x128xf32>
    %max3A = arith.constant 0.000000e+00 : f32
    %max3A_45 = vector.broadcast %max3A : f32 to vector<10000x128xf32>
    %max3A_46 = arith.maximumf %add3A_44, %max3A_45 : vector<10000x128xf32>
    %swap3A = arith.constant 0 : index
    %swap3A_47 = arith.constant 0 : index
    %swap3A_48 = vector.load %arg6[%swap3A, %swap3A_47] : memref<10240x128xf32, #tpu.memory_space<vmem>>, vector<10000x128xf32>
    tpu.vector_store %arg6[%swap3A, %swap3A_47], %max3A_46 {strides = array<i32>} : memref<10240x128xf32, #tpu.memory_space<vmem>>, vector<10000x128xf32>,
    %broadcast_in_dim3A_49 = arith.constant 0.000000e+00 : f32
    %broadcast_in_dim3A_50 = vector.broadcast %broadcast_in_dim3A_49 : f32 to vector<240x128xf32>
    %swap3A_51 = arith.constant 10000 : index
    %swap3A_52 = arith.constant 0 : index
    %swap3A_53 = vector.load %arg6[%swap3A_51, %swap3A_52] : memref<10240x128xf32, #tpu.memory_space<vmem>>, vector<240x128xf32>
    tpu.vector_store %arg6[%swap3A_51, %swap3A_52], %broadcast_in_dim3A_50 {strides = array<i32>} : memref<10240x128xf32, #tpu.memory_space<vmem>>, vector<240x128xf32>,
    return
  }
}

module attributes {stable_mosaic.version = 14 : i64} {
  func.func @body(%arg0: i32, %arg1: memref<2048x128xf32, #tpu.memory_space<vmem>>, %arg2: memref<1x2048xi32, #tpu.memory_space<vmem>>, %arg3: memref<256x128xf32, #tpu.memory_space<vmem>>, %arg4: memref<256x128xf32, #tpu.memory_space<vmem>>) attributes {dimension_semantics = [#tpu.dimension_semantics<arbitrary>], iteration_bounds = array<i64: 5>, scalar_prefetch = 0 : i64, scratch_operands = 0 : i64, tpu.core_type = #tpu.core_type<tc>, window_params = [{transform_indices = @transform_0, window_bounds = array<i64: 2048, 128>}, {transform_indices = @transform_1, window_bounds = array<i64: 1, 2048>}, {pipeline_mode = #tpu.pipeline_mode<synchronous>, transform_indices = @transform_2, window_bounds = array<i64: 256, 128>}, {pipeline_mode = #tpu.pipeline_mode<synchronous>, transform_indices = @transform_3, window_bounds = array<i64: 256, 128>}]} {
    %iota3A = tpu.iota {dimensions = array<i32: 0>} : vector<256x2048xi32>
    %get3A = arith.constant 0 : index
    %get3A_0 = arith.constant 0 : index
    %get3A_1 = vector.load %arg2[%get3A, %get3A_0] : memref<1x2048xi32, #tpu.memory_space<vmem>>, vector<1x2048xi32>
    %eq3A = vector.broadcast %get3A_1 : vector<1x2048xi32> to vector<256x2048xi32>
    %eq3A_2 = arith.cmpi eq, %eq3A, %iota3A : vector<256x2048xi32>
    %convert_element_type3A = arith.extui %eq3A_2 : vector<256x2048xi1> to vector<256x2048xi32>
    %convert_element_type3A_3 = arith.sitofp %convert_element_type3A : vector<256x2048xi32> to vector<256x2048xf32>
    %get3A_4 = arith.constant 0 : index
    %get3A_5 = arith.constant 0 : index
    %get3A_6 = vector.load %arg1[%get3A_4, %get3A_5] : memref<2048x128xf32, #tpu.memory_space<vmem>>, vector<2048x128xf32>
    %dot_general3A = arith.constant dense<0.000000e+00> : vector<256x128xf32>
    %dot_general3A_7 = tpu.matmul %convert_element_type3A_3, %get3A_6, %dot_general3A {dimension_numbers = #tpu.dot_dimension_numbers<[1], [0], [0], [1], [0, 0, 1, 1], [], []>, precision = #tpu.contract_precision<fp32>, transpose_lhs_hint = false} : vector<256x2048xf32>, vector<2048x128xf32>, vector<256x128xf32> -> vector<256x128xf32>
    %reduce_sum3A = arith.constant dense<0.000000e+00> : vector<256xf32>
    %reduce_sum3A_8 = vector.multi_reduction <add>, %convert_element_type3A_3, %reduce_sum3A [1] : vector<256x2048xf32> to vector<256xf32>
    %broadcast_in_dim3A = vector.shape_cast %reduce_sum3A_8 : vector<256xf32> to vector<256x1xf32>
    %broadcast_in_dim3A_9 = vector.shape_cast %broadcast_in_dim3A : vector<256x1xf32> to vector<256x1xf32>
    %broadcast_in_dim3A_10 = vector.broadcast %broadcast_in_dim3A_9 : vector<256x1xf32> to vector<256x128xf32>
    %eq3A_11 = arith.constant 0 : i32
    %eq3A_12 = arith.cmpi eq, %arg0, %eq3A_11 : i32
    %convert_element_type3A_13 = arith.extui %eq3A_12 : i1 to i32
    %cond3A = arith.constant 0 : i32
    %cond3A_14 = arith.cmpi ne, %convert_element_type3A_13, %cond3A : i32
    scf.if %cond3A_14 {
      %swap3A = arith.constant 0 : index
      %swap3A_19 = arith.constant 0 : index
      %swap3A_20 = vector.load %arg3[%swap3A, %swap3A_19] : memref<256x128xf32, #tpu.memory_space<vmem>>, vector<256x128xf32>
      tpu.vector_store %arg3[%swap3A, %swap3A_19], %dot_general3A_7 {strides = array<i32>} : memref<256x128xf32, #tpu.memory_space<vmem>>, vector<256x128xf32>,
      %swap3A_21 = arith.constant 0 : index
      %swap3A_22 = arith.constant 0 : index
      %swap3A_23 = vector.load %arg4[%swap3A_21, %swap3A_22] : memref<256x128xf32, #tpu.memory_space<vmem>>, vector<256x128xf32>
      tpu.vector_store %arg4[%swap3A_21, %swap3A_22], %broadcast_in_dim3A_10 {strides = array<i32>} : memref<256x128xf32, #tpu.memory_space<vmem>>, vector<256x128xf32>,
    } else {
    }
    %gt3A = arith.constant 0 : i32
    %gt3A_15 = arith.cmpi sgt, %arg0, %gt3A : i32
    %convert_element_type3A_16 = arith.extui %gt3A_15 : i1 to i32
    %cond3A_17 = arith.constant 0 : i32
    %cond3A_18 = arith.cmpi ne, %convert_element_type3A_16, %cond3A_17 : i32
    scf.if %cond3A_18 {
      %get3A_19 = arith.constant 0 : index
      %get3A_20 = arith.constant 0 : index
      %get3A_21 = vector.load %arg3[%get3A_19, %get3A_20] : memref<256x128xf32, #tpu.memory_space<vmem>>, vector<256x128xf32>
      %add3A = arith.addf %get3A_21, %dot_general3A_7 : vector<256x128xf32>
      %swap3A = arith.constant 0 : index
      %swap3A_22 = arith.constant 0 : index
      %swap3A_23 = vector.load %arg3[%swap3A, %swap3A_22] : memref<256x128xf32, #tpu.memory_space<vmem>>, vector<256x128xf32>
      tpu.vector_store %arg3[%swap3A, %swap3A_22], %add3A {strides = array<i32>} : memref<256x128xf32, #tpu.memory_space<vmem>>, vector<256x128xf32>,
      %get3A_24 = arith.constant 0 : index
      %get3A_25 = arith.constant 0 : index
      %get3A_26 = vector.load %arg4[%get3A_24, %get3A_25] : memref<256x128xf32, #tpu.memory_space<vmem>>, vector<256x128xf32>
      %add3A_27 = arith.addf %get3A_26, %broadcast_in_dim3A_10 : vector<256x128xf32>
      %swap3A_28 = arith.constant 0 : index
      %swap3A_29 = arith.constant 0 : index
      %swap3A_30 = vector.load %arg4[%swap3A_28, %swap3A_29] : memref<256x128xf32, #tpu.memory_space<vmem>>, vector<256x128xf32>
      tpu.vector_store %arg4[%swap3A_28, %swap3A_29], %add3A_27 {strides = array<i32>} : memref<256x128xf32, #tpu.memory_space<vmem>>, vector<256x128xf32>,
    } else {
    }
    return
  }
  func.func @transform_0(%arg0: i32) -> (i32, i32) {
    %c0_i32 = arith.constant 0 : i32
    %c0_i32_0 = arith.constant 0 : i32
    return %arg0, %c0_i32 : i32, i32
  }
  func.func @transform_1(%arg0: i32) -> (i32, i32) {
    %c0_i32 = arith.constant 0 : i32
    %c0_i32_0 = arith.constant 0 : i32
    return %c0_i32, %arg0 : i32, i32
  }
  func.func @transform_2(%arg0: i32) -> (i32, i32) {
    %c0_i32 = arith.constant 0 : i32
    %c0_i32_0 = arith.constant 0 : i32
    %c0_i32_1 = arith.constant 0 : i32
    return %c0_i32, %c0_i32_0 : i32, i32
  }
  func.func @transform_3(%arg0: i32) -> (i32, i32) {
    %c0_i32 = arith.constant 0 : i32
    %c0_i32_0 = arith.constant 0 : i32
    %c0_i32_1 = arith.constant 0 : i32
    return %c0_i32, %c0_i32_0 : i32, i32
  }
}

module attributes {stable_mosaic.version = 14 : i64} {
  func.func @body(%arg0: i32, %arg1: memref<256xi32, #tpu.memory_space<smem>>, %arg2: memref<256xi32, #tpu.memory_space<smem>>, %arg3: memref<10240x128xf32, #tpu.memory_space<vmem>>, %arg4: memref<1x1x128xf32, #tpu.memory_space<vmem>>) attributes {dimension_semantics = [#tpu.dimension_semantics<arbitrary>], iteration_bounds = array<i64: 256>, scalar_prefetch = 0 : i64, scratch_operands = 0 : i64, tpu.core_type = #tpu.core_type<tc>, window_params = [{transform_indices = @transform_0, window_bounds = array<i64: 256>}, {transform_indices = @transform_1, window_bounds = array<i64: 256>}, {pipeline_mode = #tpu.pipeline_mode<synchronous>, transform_indices = @transform_2, window_bounds = array<i64: 10240, 128>}, {transform_indices = @transform_3, window_bounds = array<i64: 1, 1, 128>}]} {
    %get3A = arith.index_cast %arg0 : i32 to index
    %get3A_0 = memref.load %arg1[%get3A] : memref<256xi32, #tpu.memory_space<smem>>
    %get3A_1 = arith.index_cast %arg0 : i32 to index
    %get3A_2 = memref.load %arg2[%get3A_1] : memref<256xi32, #tpu.memory_space<smem>>
    %div3A = arith.constant 1024 : i32
    %div3A_3 = arith.divsi %get3A_0, %div3A : i32
    %add3A = arith.constant 1023 : i32
    %add3A_4 = arith.addi %get3A_2, %add3A : i32
    %div3A_5 = arith.constant 1024 : i32
    %div3A_6 = arith.divsi %add3A_4, %div3A_5 : i32
    %broadcast_in_dim3A = arith.constant 0.000000e+00 : f32
    %broadcast_in_dim3A_7 = vector.broadcast %broadcast_in_dim3A : f32 to vector<1x128xf32>
    %while3A = arith.subi %div3A_6, %div3A_3 : i32
    %while3A_8 = arith.addi %div3A_3, %while3A : i32
    %while3A_9 = arith.constant 1 : i32
    %while3A_10 = arith.divsi %while3A, %while3A_9 : i32
    %while3A_11 = arith.muli %while3A_10, %while3A_9 : i32
    %while3A_12 = arith.addi %div3A_3, %while3A_11 : i32
    %while3A_13 = arith.constant 1 : i32
    %while3A_14 = scf.for %while3A_20 = %div3A_3 to %while3A_12 step %while3A_13 iter_args(%while3A_21 = %broadcast_in_dim3A_7) -> (vector<1x128xf32>)  : i32 {
      %iota3A = tpu.iota {dimensions = array<i32: 0>} : vector<1024x1xi32>
      %mul3A = arith.constant 1024 : i32
      %mul3A_22 = arith.muli %while3A_20, %mul3A : i32
      %add3A_23 = vector.broadcast %mul3A_22 : i32 to vector<1024x1xi32>
      %add3A_24 = arith.addi %iota3A, %add3A_23 : vector<1024x1xi32>
      %ge3A = vector.broadcast %get3A_0 : i32 to vector<1024x1xi32>
      %ge3A_25 = arith.cmpi sge, %add3A_24, %ge3A : vector<1024x1xi32>
      %lt3A = vector.broadcast %get3A_2 : i32 to vector<1024x1xi32>
      %lt3A_26 = arith.cmpi slt, %add3A_24, %lt3A : vector<1024x1xi32>
      %and3A = arith.andi %ge3A_25, %lt3A_26 : vector<1024x1xi1>
      %mul3A_27 = arith.constant 1024 : i32
      %mul3A_28 = arith.muli %while3A_20, %mul3A_27 : i32
      %get3A_29 = arith.index_cast %mul3A_28 : i32 to index
      %get3A_30 = arith.constant 0 : index
      %get3A_31 = vector.load %arg3[%get3A_29, %get3A_30] : memref<10240x128xf32, #tpu.memory_space<vmem>>, vector<1024x128xf32>
      %jit3A = arith.constant 0.000000e+00 : f32
      %broadcast_in_dim3A_32 = vector.shape_cast %and3A : vector<1024x1xi1> to vector<1024x1xi1>
      %broadcast_in_dim3A_33 = vector.broadcast %broadcast_in_dim3A_32 : vector<1024x1xi1> to vector<1024x128xi1>
      %broadcast_in_dim3A_34 = vector.broadcast %jit3A : f32 to vector<1024x128xf32>
      %select_n3A = arith.select %broadcast_in_dim3A_33, %get3A_31, %broadcast_in_dim3A_34 : vector<1024x128xi1>, vector<1024x128xf32>
      %reduce_max3A = arith.constant dense<0xFF800000> : vector<128xf32>
      %reduce_max3A_35 = vector.multi_reduction <maximumf>, %select_n3A, %reduce_max3A [0] : vector<1024x128xf32> to vector<128xf32>
      %broadcast_in_dim3A_36 = vector.shape_cast %reduce_max3A_35 : vector<128xf32> to vector<1x128xf32>
      %max3A = arith.maximumf %while3A_21, %broadcast_in_dim3A_36 : vector<1x128xf32>
      scf.yield %max3A : vector<1x128xf32>
    }
    %while3A_15 = arith.constant 1 : i32
    %while3A_16 = scf.for %while3A_20 = %while3A_12 to %while3A_8 step %while3A_15 iter_args(%while3A_21 = %while3A_14) -> (vector<1x128xf32>)  : i32 {
      %iota3A = tpu.iota {dimensions = array<i32: 0>} : vector<1024x1xi32>
      %mul3A = arith.constant 1024 : i32
      %mul3A_22 = arith.muli %while3A_20, %mul3A : i32
      %add3A_23 = vector.broadcast %mul3A_22 : i32 to vector<1024x1xi32>
      %add3A_24 = arith.addi %iota3A, %add3A_23 : vector<1024x1xi32>
      %ge3A = vector.broadcast %get3A_0 : i32 to vector<1024x1xi32>
      %ge3A_25 = arith.cmpi sge, %add3A_24, %ge3A : vector<1024x1xi32>
      %lt3A = vector.broadcast %get3A_2 : i32 to vector<1024x1xi32>
      %lt3A_26 = arith.cmpi slt, %add3A_24, %lt3A : vector<1024x1xi32>
      %and3A = arith.andi %ge3A_25, %lt3A_26 : vector<1024x1xi1>
      %mul3A_27 = arith.constant 1024 : i32
      %mul3A_28 = arith.muli %while3A_20, %mul3A_27 : i32
      %get3A_29 = arith.index_cast %mul3A_28 : i32 to index
      %get3A_30 = arith.constant 0 : index
      %get3A_31 = vector.load %arg3[%get3A_29, %get3A_30] : memref<10240x128xf32, #tpu.memory_space<vmem>>, vector<1024x128xf32>
      %jit3A = arith.constant 0.000000e+00 : f32
      %broadcast_in_dim3A_32 = vector.shape_cast %and3A : vector<1024x1xi1> to vector<1024x1xi1>
      %broadcast_in_dim3A_33 = vector.broadcast %broadcast_in_dim3A_32 : vector<1024x1xi1> to vector<1024x128xi1>
      %broadcast_in_dim3A_34 = vector.broadcast %jit3A : f32 to vector<1024x128xf32>
      %select_n3A = arith.select %broadcast_in_dim3A_33, %get3A_31, %broadcast_in_dim3A_34 : vector<1024x128xi1>, vector<1024x128xf32>
      %reduce_max3A = arith.constant dense<0xFF800000> : vector<128xf32>
      %reduce_max3A_35 = vector.multi_reduction <maximumf>, %select_n3A, %reduce_max3A [0] : vector<1024x128xf32> to vector<128xf32>
      %broadcast_in_dim3A_36 = vector.shape_cast %reduce_max3A_35 : vector<128xf32> to vector<1x128xf32>
      %max3A = arith.maximumf %while3A_21, %broadcast_in_dim3A_36 : vector<1x128xf32>
      scf.yield %max3A : vector<1x128xf32>
    }
    %reshape3A = vector.shape_cast %while3A_16 : vector<1x128xf32> to vector<1x1x128xf32>
    %swap3A = arith.constant 0 : index
    %swap3A_17 = arith.constant 0 : index
    %swap3A_18 = arith.constant 0 : index
    %swap3A_19 = vector.load %arg4[%swap3A, %swap3A_17, %swap3A_18] : memref<1x1x128xf32, #tpu.memory_space<vmem>>, vector<1x1x128xf32>
    tpu.vector_store %arg4[%swap3A, %swap3A_17, %swap3A_18], %reshape3A {strides = array<i32>} : memref<1x1x128xf32, #tpu.memory_space<vmem>>, vector<1x1x128xf32>,
    return
  }
  func.func @transform_0(%arg0: i32) -> i32 {
    %c0_i32 = arith.constant 0 : i32
    %c0_i32_0 = arith.constant 0 : i32
    return %c0_i32 : i32
  }
  func.func @transform_1(%arg0: i32) -> i32 {
    %c0_i32 = arith.constant 0 : i32
    %c0_i32_0 = arith.constant 0 : i32
    return %c0_i32 : i32
  }
  func.func @transform_2(%arg0: i32) -> (i32, i32) {
    %c0_i32 = arith.constant 0 : i32
    %c0_i32_0 = arith.constant 0 : i32
    %c0_i32_1 = arith.constant 0 : i32
    return %c0_i32, %c0_i32_0 : i32, i32
  }
  func.func @transform_3(%arg0: i32) -> (i32, i32, i32) {
    %c0_i32 = arith.constant 0 : i32
    %c0_i32_0 = arith.constant 0 : i32
    %c0_i32_1 = arith.constant 0 : i32
    return %arg0, %c0_i32, %c0_i32_0 : i32, i32, i32
  }
}

module attributes {stable_mosaic.version = 14 : i64} {
  func.func @body(%arg0: memref<256x128xf32, #tpu.memory_space<vmem>>, %arg1: memref<256x128xf32, #tpu.memory_space<vmem>>, %arg2: memref<256x1x128xf32, #tpu.memory_space<vmem>>, %arg3: memref<256x128xf32, #tpu.memory_space<vmem>>, %arg4: memref<1x128xf32, #tpu.memory_space<vmem>>, %arg5: memref<128x64xf32, #tpu.memory_space<vmem>>, %arg6: memref<1x64xf32, #tpu.memory_space<vmem>>, %arg7: memref<64x2xf32, #tpu.memory_space<vmem>>, %arg8: memref<1x2xf32, #tpu.memory_space<vmem>>, %arg9: memref<256x2xf32, #tpu.memory_space<vmem>>) attributes {dimension_semantics = [], scalar_prefetch = 0 : i64, scratch_operands = 0 : i64, tpu.core_type = #tpu.core_type<tc>} {
    %get3A = arith.constant 0 : index
    %get3A_0 = arith.constant 0 : index
    %get3A_1 = vector.load %arg1[%get3A, %get3A_0] : memref<256x128xf32, #tpu.memory_space<vmem>>, vector<256x128xf32>
    %slice3A = vector.extract_strided_slice %get3A_1 {offsets = [0, 0], sizes = [256, 1], strides = [1, 1]} : vector<256x128xf32> to vector<256x1xf32>
    %get3A_2 = arith.constant 0 : index
    %get3A_3 = arith.constant 0 : index
    %get3A_4 = vector.load %arg0[%get3A_2, %get3A_3] : memref<256x128xf32, #tpu.memory_space<vmem>>, vector<256x128xf32>
    %max3A = arith.constant 1.000000e+00 : f32
    %max3A_5 = vector.broadcast %max3A : f32 to vector<256x1xf32>
    %max3A_6 = arith.maximumf %slice3A, %max3A_5 : vector<256x1xf32>
    %div3A = vector.broadcast %max3A_6 : vector<256x1xf32> to vector<256x128xf32>
    %div3A_7 = arith.divf %get3A_4, %div3A : vector<256x128xf32>
    %get3A_8 = arith.constant 0 : index
    %get3A_9 = arith.constant 0 : index
    %get3A_10 = arith.constant 0 : index
    %get3A_11 = vector.load %arg2[%get3A_8, %get3A_9, %get3A_10] : memref<256x1x128xf32, #tpu.memory_space<vmem>>, vector<256x1x128xf32>
    %reshape3A = vector.shape_cast %get3A_11 : vector<256x1x128xf32> to vector<256x128xf32>
    %concatenate3A = tpu.concatenate %div3A_7, %reshape3A in 1 : vector<256x128xf32>, vector<256x128xf32> -> vector<256x256xf32>
    %get3A_12 = arith.constant 0 : index
    %get3A_13 = arith.constant 0 : index
    %get3A_14 = vector.load %arg3[%get3A_12, %get3A_13] : memref<256x128xf32, #tpu.memory_space<vmem>>, vector<256x128xf32>
    %dot_general3A = arith.constant dense<0.000000e+00> : vector<256x128xf32>
    %dot_general3A_15 = tpu.matmul %concatenate3A, %get3A_14, %dot_general3A {dimension_numbers = #tpu.dot_dimension_numbers<[1], [0], [0], [1], [0, 0, 1, 1], [], []>, transpose_lhs_hint = false} : vector<256x256xf32>, vector<256x128xf32>, vector<256x128xf32> -> vector<256x128xf32>
    %get3A_16 = arith.constant 0 : index
    %get3A_17 = arith.constant 0 : index
    %get3A_18 = vector.load %arg4[%get3A_16, %get3A_17] : memref<1x128xf32, #tpu.memory_space<vmem>>, vector<1x128xf32>
    %add3A = vector.broadcast %get3A_18 : vector<1x128xf32> to vector<256x128xf32>
    %add3A_19 = arith.addf %dot_general3A_15, %add3A : vector<256x128xf32>
    %max3A_20 = arith.constant 0.000000e+00 : f32
    %max3A_21 = vector.broadcast %max3A_20 : f32 to vector<256x128xf32>
    %max3A_22 = arith.maximumf %add3A_19, %max3A_21 : vector<256x128xf32>
    %get3A_23 = arith.constant 0 : index
    %get3A_24 = arith.constant 0 : index
    %get3A_25 = vector.load %arg5[%get3A_23, %get3A_24] : memref<128x64xf32, #tpu.memory_space<vmem>>, vector<128x64xf32>
    %dot_general3A_26 = arith.constant dense<0.000000e+00> : vector<256x64xf32>
    %dot_general3A_27 = tpu.matmul %max3A_22, %get3A_25, %dot_general3A_26 {dimension_numbers = #tpu.dot_dimension_numbers<[1], [0], [0], [1], [0, 0, 1, 1], [], []>, transpose_lhs_hint = false} : vector<256x128xf32>, vector<128x64xf32>, vector<256x64xf32> -> vector<256x64xf32>
    %get3A_28 = arith.constant 0 : index
    %get3A_29 = arith.constant 0 : index
    %get3A_30 = vector.load %arg6[%get3A_28, %get3A_29] : memref<1x64xf32, #tpu.memory_space<vmem>>, vector<1x64xf32>
    %add3A_31 = vector.broadcast %get3A_30 : vector<1x64xf32> to vector<256x64xf32>
    %add3A_32 = arith.addf %dot_general3A_27, %add3A_31 : vector<256x64xf32>
    %max3A_33 = arith.constant 0.000000e+00 : f32
    %max3A_34 = vector.broadcast %max3A_33 : f32 to vector<256x64xf32>
    %max3A_35 = arith.maximumf %add3A_32, %max3A_34 : vector<256x64xf32>
    %get3A_36 = arith.constant 0 : index
    %get3A_37 = arith.constant 0 : index
    %get3A_38 = vector.load %arg7[%get3A_36, %get3A_37] : memref<64x2xf32, #tpu.memory_space<vmem>>, vector<64x2xf32>
    %dot_general3A_39 = arith.constant dense<0.000000e+00> : vector<256x2xf32>
    %dot_general3A_40 = tpu.matmul %max3A_35, %get3A_38, %dot_general3A_39 {dimension_numbers = #tpu.dot_dimension_numbers<[1], [0], [0], [1], [0, 0, 1, 1], [], []>, transpose_lhs_hint = false} : vector<256x64xf32>, vector<64x2xf32>, vector<256x2xf32> -> vector<256x2xf32>
    %get3A_41 = arith.constant 0 : index
    %get3A_42 = arith.constant 0 : index
    %get3A_43 = vector.load %arg8[%get3A_41, %get3A_42] : memref<1x2xf32, #tpu.memory_space<vmem>>, vector<1x2xf32>
    %add3A_44 = vector.broadcast %get3A_43 : vector<1x2xf32> to vector<256x2xf32>
    %add3A_45 = arith.addf %dot_general3A_40, %add3A_44 : vector<256x2xf32>
    %swap3A = arith.constant 0 : index
    %swap3A_46 = arith.constant 0 : index
    %swap3A_47 = vector.load %arg9[%swap3A, %swap3A_46] : memref<256x2xf32, #tpu.memory_space<vmem>>, vector<256x2xf32>
    tpu.vector_store %arg9[%swap3A, %swap3A_46], %add3A_45 {strides = array<i32>} : memref<256x2xf32, #tpu.memory_space<vmem>>, vector<256x2xf32>,
    return
  }
}

</mosaic_0001>

<sc_bundles>
// kernel: kernel.13.cloned.1.call-start
scs
__scs_entry_jumppad:
0x0: {  	(pc) =	sbr.rel $0x88, $3  }
0x1: {  	(tag) =	ssettag $0x0;
	lr =	simm.s32 $0x1  }
0x2: {  	[smem:$0x3F8C] =	sst lr;
	_ =	strace $0xD0000000  }
0x3: {  	_ = 	snop  }
0x4: {  	_ = 	snop  }
0x5: {  	_ = 	snop  }
0x6: {  	_ = 	snop  }
0x7: {  	_ = 	snop  }
__scs_overlays_trampoline_lowered:
0x8: {  	[smem:$0x3F9B] =	sst s0  }
0x9: {  	[smem:$0x3F9C] =	sst s1  }
0xa: {  	[smem:$0x3F9D] =	sst s2  }
0xb: {  	[smem:$0x3F9E] =	sst s3  }
0xc: {  	[smem:$0x3F9F] =	sst s4  }
0xd: {  	[smem:$0x3FA0] =	sst s5  }
0xe: {  	[smem:$0x3FA1] =	sst s6  }
0xf: {  	[smem:$0x3FA2] =	sst s7  }
0x10: {  	[smem:$0x3FA3] =	sst s8  }
0x11: {  	[smem:$0x3FA4] =	sst s9;
	s0 =	simm.s32 @!p0 $0x0  }
0x12: {  	s1 =	sld [smem:$0x3F8A];
	s0 =	simm.s32 @p0 $0x1  }
0x13: {  	[smem:$0x3FA5] =	sst s0;
	s0 =	simm.s32 @!p1 $0x0  }
0x14: {  	s2 =	sld [smem:$0x3F89];
	s0 =	simm.s32 @p1 $0x1  }
0x15: {  	[smem:$0x3FA6] =	sst s0;
	s0 =	simm.s32 @!p2 $0x0  }
0x16: {  	s3 =	sld [smem:$0x3FDB];
	s0 =	simm.s32 @p2 $0x1  }
0x17: {  	s4 =	simm.s32 $0x1BF5;
	[smem:$0x3FA8] =	sst s0  }
0x18: {  	s0 =	sld [smem:$0x3F8B];
	_ =	swait.ge [sflag:s4], $0x0  }
0x19: {  	s7 =	sld [smem:$0x3F8C]  }
0x1a: {  	s8 =	sadd.s32 $0xFFFFE003, lr  }
0x1b: {  	s9 =	sadd.s32 $0xFFFFFEF7, lr;
	s5 =	simm.s32 $0xFFFFFFFF;
	p2 =	slt.u32 s8, $0xFFFFF086  }
0x1c: {  	p1 =	slt.u32 s9, $0xF7A;
	s5 =	simm.s32 @!p2 $0x0  }
0x1d: {  	s5 =	simm.s32 @p1 $0x1;
	p0 =	seq.s32 s7, s2  }
0x1e: {  	s7 =	smul.u32 @!p0 $0xF7A, s2;
	p2 =	seq.s32 @!p0 s5, $0x0  }
0x1f: {  	s9 =	smul.u32 $0xF7A, s1;
	s8 =	simm.s32 @!p0 $0x1BF5;
	p2 =	por !p2, p0  }
0x20: {  	[sflag:s8] =	ssyncset.s32 @!p0 $0xFFFFF086;
	s6 =	sadd.s32 @!p0 s3, s7;
	s7 =	simm.s32 @!p0 $0x108  }
0x21: {  	s3 =	sadd.s32 s3, s9;
	s6 =	sadd.s32 @!p0 $0x88, s6;
	s7 =	simm.s32 @p2 $0x1082  }
0x22: {  	[simem:s7], [sflag:s8] =	dma.local @!p0 [hbm:s6], $0xF7A  }
0x23: {  	s9 =	sor.u32 $0xD0000000, s2;
	s6 =	simm.s32 $0x108;
	_ =	swait.ge @!p0 [sflag:s8], $0x0  }
0x24: {  	s3 =	sadd.s32 $0x88, s3;
	s6 =	simm.s32 @!p1 $0x1082;
	[sflag:s4] =	ssyncset.s32 $0xFFFFF086  }
0x25: {  	[simem:s6], [sflag:s4] =	dma.local [hbm:s3], $0xF7A  }
0x26: {  	[smem:$0x3F8C] =	sst s1;
	(tag) =	ssettag s2;
	_ =	strace s9  }
0x27: {  	s1 =	sld [smem:$0x3F9C]  }
0x28: {  	s2 =	sld [smem:$0x3F9D]  }
0x29: {  	s4 =	sld [smem:$0x3F9F]  }
0x2a: {  	p0 =	seq.s32 s5, $0x0;
	s5 =	sld [smem:$0x3FA0]  }
0x2b: {  	s6 =	sld [smem:$0x3FA1]  }
0x2c: {  	s7 =	sld [smem:$0x3FA2]  }
0x2d: {  	s3 =	simm.s32 $0x108;
	s8 =	sld [smem:$0x3FA3]  }
0x2e: {  	s3 =	simm.s32 @!p0 $0x1082;
	s9 =	sld [smem:$0x3FA4]  }
0x2f: {  	lr =	sadd.s32 s0, s3;
	s0 =	sld [smem:$0x3F9B]  }
0x30: {  	s3 =	sld [smem:$0x3F9E]  }
0x31: {  	[smem:$0x3FA7] =	sst s10  }
0x32: {  	s10 =	sld [smem:$0x3FA5];
	_ =	sdelay $0x3  }
0x33: {  	p0 =	seq.s32 s10, $0x1;
	s10 =	sld [smem:$0x3FA7];
	_ =	sdelay $0x3  }
0x34: {  	[smem:$0x3FA7] =	sst s10  }
0x35: {  	s10 =	sld [smem:$0x3FA6];
	_ =	sdelay $0x3  }
0x36: {  	p1 =	seq.s32 s10, $0x1;
	s10 =	sld [smem:$0x3FA7];
	_ =	sdelay $0x3  }
0x37: {  	[smem:$0x3FA7] =	sst s10  }
0x38: {  	s10 =	sld [smem:$0x3FA8]  }
0x39: {  	_ = 	snop;
	(pc) =	sbr.ind lr, $3  }
0x3a: {  	_ = 	snop  }
0x3b: {  	_ = 	snop  }
0x3c: {  	p2 =	seq.s32 s10, $0x1;
	s10 =	sld [smem:$0x3FA7]  }
0x3d: {  	_ =	shalt  }
0x3e: {  	_ =	shalt  }
0x3f: {  	_ =	shalt  }
0x40: {  	_ =	shalt  }
0x41: {  	_ =	shalt  }
0x42: {  	_ =	shalt  }
0x43: {  	_ =	shalt  }
0x44: {  	_ =	shalt  }
0x45: {  	_ =	shalt  }
0x46: {  	_ =	shalt  }
0x47: {  	_ =	shalt  }
0x48: {  	_ =	shalt  }
0x49: {  	_ =	shalt  }
0x4a: {  	_ =	shalt  }
0x4b: {  	_ =	shalt  }
0x4c: {  	_ =	shalt  }
0x4d: {  	_ =	shalt  }
0x4e: {  	_ =	shalt  }
0x4f: {  	_ =	shalt  }
0x50: {  	_ =	shalt  }
0x51: {  	_ =	shalt  }
0x52: {  	_ =	shalt  }
0x53: {  	_ =	shalt  }
0x54: {  	_ =	shalt  }
0x55: {  	_ =	shalt  }
0x56: {  	_ =	shalt  }
0x57: {  	_ =	shalt  }
0x58: {  	_ =	shalt  }
0x59: {  	_ =	shalt  }
0x5a: {  	_ =	shalt  }
0x5b: {  	_ =	shalt  }
0x5c: {  	_ =	shalt  }
0x5d: {  	_ =	shalt  }
0x5e: {  	_ =	shalt  }
0x5f: {  	_ =	shalt  }
0x60: {  	_ =	shalt  }
0x61: {  	_ =	shalt  }
0x62: {  	_ =	shalt  }
0x63: {  	_ =	shalt  }
0x64: {  	_ =	shalt  }
0x65: {  	_ =	shalt  }
0x66: {  	_ =	shalt  }
0x67: {  	_ =	shalt  }
0x68: {  	_ =	shalt  }
0x69: {  	_ =	shalt  }
0x6a: {  	_ =	shalt  }
0x6b: {  	_ =	shalt  }
0x6c: {  	_ =	shalt  }
0x6d: {  	_ =	shalt  }
0x6e: {  	_ =	shalt  }
0x6f: {  	_ =	shalt  }
0x70: {  	_ =	shalt  }
0x71: {  	_ =	shalt  }
0x72: {  	_ =	shalt  }
0x73: {  	_ =	shalt  }
0x74: {  	_ =	shalt  }
0x75: {  	_ =	shalt  }
0x76: {  	_ =	shalt  }
0x77: {  	_ =	shalt  }
0x78: {  	_ =	shalt  }
0x79: {  	_ =	shalt  }
0x7a: {  	_ =	shalt  }
0x7b: {  	_ =	shalt  }
0x7c: {  	_ =	shalt  }
0x7d: {  	_ =	shalt  }
0x7e: {  	_ =	shalt  }
0x7f: {  	_ =	shalt  }
0x80: {  	_ =	shalt  }
0x81: {  	_ =	shalt  }
0x82: {  	_ =	shalt  }
0x83: {  	_ =	shalt  }
0x84: {  	_ =	shalt  }
0x85: {  	_ =	shalt  }
0x86: {  	_ =	shalt  }
0x87: {  	_ =	shalt  }
.Lfunc_end0:
.L_simem_size_0:
called_computation_lowered:
.L_overlay_start_0:
0x88: {  	s2 =	sld [smem:$0x3FD9]  }
0x89: {  	s3 =	sld [smem:$0x3FFE];
	_ =	sdelay $0x1  }
0x8a: {  	s1 =	srdreg.scid  }
0x8b: {  	s0 =	sand.u32 $0x1, s1  }
0x8c: {  	s16 =	sshll.u32 s0, $0xA;
	s2 =	sadd.s32 s3, s2  }
0x8d: {  	s2 =	sadd.s32 s2, s16  }
0x8e: {  	[smem:$0x3FB3] =	sst s2  }
0x8f: {  	_ = 	snop  }
0x90: {  	(tm) =	ssettm $0x1  }
0x91: {  	s17 =	sld [smem:$0x3FFB];
	_ =	sdelay $0x3  }
0x92: {  	_ =	strace s17  }
0x93: {  	s2 =	sld [smem:$0x3FFC];
	_ =	sdelay $0x3  }
0x94: {  	_ =	strace s2  }
0x95: {  	s2 =	sld [smem:$0x3FFD];
	_ =	sdelay $0x3  }
0x96: {  	_ =	strace s2  }
0x97: {  	_ =	strace $0x8FFFFFFF  }
0x98: {  	s18 =	sld [smem:$0x3FDB];
	_ =	sdelay $0x1  }
0x99: {  	s19 =	simm.s32 $_scs_section_size  }
0x9a: {  	s4 =	simm.s32 $_size__tile_overlayer_lowered;
	s5 =	simm.s32 $_tile_overlayer_lowered  }
0x9b: {  	s22 =	simm.s32 $0x1BFF;
	s21 =	sshll.u32 s5, $0x1;
	s2 =	sadd.s32 s19, s18  }
0x9c: {  	s6 =	simm.s32 $0x0;
	s20 =	sshll.u32 s4, $0x1;
	s4 =	sadd.s32 s21, s2  }
0x9d: {  	[timem:s6], [sflag:s22] =	dma.local [hbm:s4], s20  }
0x9e: {  	_ =	swait.ge [sflag:s22], s20  }
0x9f: {  	s3 =	ssub.s32 $0x0, s20;
	[sflag:s22] =	ssyncset.done $0x0  }
0xa0: {  	[sflag:s22] =	ssyncadd.s32 s3;
	_ =	sdelay $0x1  }
0xa1: {  	s23 =	simm.s32 $0x1B8B  }
0xa2: {  	_ =	swait.ge [sflag:s23], $0x1  }
0xa3: {  	[sflag:s23] =	ssyncset.done $0x0  }
0xa4: {  	s25 =	simm.s32 $0x1B8E;
	s24 =	sld [smem:$0x3FFE];
	[sflag:s23] =	ssyncadd.s32 $0xFFFFFFFF  }
0xa5: {  	s26 =	simm.s32 $execute0_lowered;
	[smem:$0x3FD2] =	sst s25  }
0xa6: {  	s4 =	sshll.u32 s26, $0x1;
	_ =	strace $0x80000046;
	[dreg:$0x1] =	wrdreg $0xFFFFFFFF  }
0xa7: {  	s28 =	simm.s32 $_size_execute0_lowered;
	s2 =	sadd.s32 s2, s4;
	[dreg:$0x0] =	wrdreg $0x0  }
0xa8: {  	s4 =	sshll.u32 s28, $0x1;
	[dreg:$0x2] =	wrdreg s2  }
0xa9: {  	[dreg:$0x3] =	wrdreg s4  }
0xaa: {  	[dreg:$0x4] =	wrdreg $0xC0  }
0xab: {  	_ =	task [dreg:s6], $0x5FFFF  }
0xac: {  	[dreg:$0x1] =	wrdreg $0xFFFFFFFF  }
0xad: {  	[dreg:$0x0] =	wrdreg $0x60  }
0xae: {  	[dreg:$0x2] =	wrdreg s24  }
0xaf: {  	[dreg:$0x3] =	wrdreg $0x68000  }
0xb0: {  	[dreg:$0x4] =	wrdreg $0x9  }
0xb1: {  	_ =	task.clear_ibuf [dreg:s6], $0x5FFFF;
	_ =	strace $0x90000046  }
0xb2: {  	s29 =	simm.s32 $0x9;
	_ =	strace $0x80000048  }
0xb3: {  	_ =	swait.ge [sflag:s29], $0x1  }
0xb4: {  	[sflag:s29] =	ssyncadd.s32 $0xFFFFFFFF  }
0xb5: {  	_ =	strace $0x90000048  }
0xb6: {  	_ =	sfence  }
0xb7: {  	s30 =	sld [smem:$0x0];
	_ =	sdelay $0x2  }
0xb8: {  	s31 =	sshll.u32 s1, $0xD;
	s1 =	sshrl.u32 s1, $0x2  }
0xb9: {  	s3 =	sand.u32 $0x4000, s31;
	s1 =	sadd.s32 s1, s30  }
0xba: {  	s0 =	sor.u32 s3, s0;
	s1 =	sshll.u32 s1, $0x11  }
0xbb: {  	s0 =	sor.u32 s1, s0  }
0xbc: {  	s0 =	sadd.s32 $0x8F2B, s0  }
0xbd: {  	[sflag:s0] =	ssyncadd.remote.s32 $0x1  }
0xbe: {  	_ =	sfence.sel $0xFFFF  }
0xbf: {  	[dreg:$0x0] =	wrdreg $0xFFFFFFFF;
	(pc) =	sbr.abs _section_cstart, $3  }
0xc0: {  	[dreg:$0x1] =	wrdreg $0xFFFFFFFF  }
0xc1: {  	_ =	task.clear_ibuf [dreg:s6], $0x2FFFF;
	_ =	strace $0x9FFFFFFF  }
0xc2: {  	(tm) =	ssettm $0x7FFFFFFF  }
0xc3: {  	_ =	shalt  }
tec
execute0_lowered:
.L_overlay_start_1:
0x0: {  	(tag) =	ssettag $0x1  }
0x1: {  	s0 =	srdreg.scid;
	s6 =	rddreg [dreg:$0x0]  }
0x2: {  	s2 =	rddreg [dreg:$0x1];
	s5 =	sand.u32 $0x1, s0;
	s0 =	stileid.u32  }
0x3: {  	s3 =	simm.s32 $0x0;
	s14 =	simm.s32 $0x0;
	s7 =	smul.u32 $0x14000, s0  }
0x4: {  	[smem:$0x7FF] =	sst s3;
	s1 =	sshll.u32 s5, $0x4;
	s8 =	smul.u32 $0x140000, s5  }
0x5: {  	s5 =	ssub.s32 $0x2, s5;
	s29 =	smul.u32 $0x50000, s0;
	s31 =	sshll.u32 s0, $0x6  }
0x6: {  	s4 =	sor.u32 s0, s1;
	s1 =	rddreg [dreg:$0x2];
	_ =	strace $0x80000047  }
0x7: {  	s11 =	sshrl.u32 s5, $0x1;
	s4 =	smul.u32 $0x500, s4;
	s10 =	sshrl.u32 s7, $0x3  }
0x8: {  	s7 =	sadd.s32 s7, s8;
	s11 =	ssub.s32 s5, s11;
	s30 =	sshrl.u32 s29, $0x2  }
0x9: {  	s10 =	sadd.s32 s10, s6;
	s7 =	sshrl.u32 s7, $0x3;
	s13 =	sadd.s32 s30, s2  }
0xa: {  	s9 =	sadd.s32 s4, s6;
	s4 =	sadd.s32 $0x3F200, s6;
	s12 =	sadd.s32 s7, s6  }
0xb: {  	s5 =	sadd.s32 $0x17200, s10;
	s6 =	sor.u32 $0x1C01, s31;
	s10 =	sshrl.u32 s13, $0x3  }
0xc: {  	s13 =	simm.s32 $0x80;
	s7 =	sadd.s32 $0x3200, s9;
	s8 =	sadd.s32 $0x3FA00, s12  }
0xd: {  	s9 =	smax.u32 s11, $0x1;
	s11 =	simm.s32 $0x1;
	s12 =	simm.s32 $0x2800  }
.LBB2_1:
0xe: {  	[spmem:s10], [sflag:s6] =	dma.local [hbm:s5], $0x2800  }
0xf: {  	_ =	swait.ge [sflag:s11], $0x2800  }
0x10: {  	[sflag:s11] =	ssyncset.done $0x0  }
0x11: {  	[sflag:s11] =	ssyncadd.s32 $0xFFFFD800  }
0x12: {  	[tilespmem:s3], [sflag:$0x1] =	stream.linear.gather [hbm4b:s7+s3], $0x2800, $0x38;
	[tilespmem:$0x1A800] =	vst v63  }
0x13: {  	_ =	swait.ge [sflag:s11], $0x2800  }
0x14: {  	[sflag:s11] =	ssyncset.done $0x0  }
0x15: {  	[sflag:s11] =	ssyncadd.s32 $0xFFFFD800  }
0x16: {  	[tilespmem:s12], [sflag:$0x1] =	stream.linear.gather [hbm4b:s4+s3], $0x4000, $0x38;
	[tilespmem:$0x1A800] =	vst v63  }
0x17: {  	_ =	swait.ge [sflag:s11], $0x4000  }
0x18: {  	[sflag:s11] =	ssyncset.done $0x0  }
0x19: {  	[sflag:s11] =	ssyncadd.s32 $0xFFFFC000  }
0x1a: {  	s15 =	simm.s32 $0x0;
	[bflag:$0x0] =	sbarrier.arrive $0xFFFF  }
0x1b: {  	[spmem:s2] =	stream.indirect.scatter.add.f32 [tilespmem:s12], [sflag:$0x1], $0x80, s15, s13, $0xb8;
	[tilespmem:$0x1A800] =	vst v63  }
0x1c: {  	_ =	swait.ge [sflag:s11], $0x4000  }
0x1d: {  	s15 =	simm.s32 $0x200;
	[sflag:s11] =	ssyncset.done $0x0  }
.LBB2_2:
0x1e: {  	s16 =	sshra.s32 s15, $0x2;
	[sflag:s11] =	ssyncadd.s32 $0xFFFFC000;
	p0 =	sne.s32 s15, $0x9E00  }
0x1f: {  	[spmem:s2] =	stream.indirect.scatter.add.f32 [tilespmem:s12], [sflag:$0x1], $0x80, s16, s13, $0xb8;
	[tilespmem:$0x1A800] =	vst v63  }
.Ltmp0:
0x20: {  	_ = 	snop;
	(pc) =	sbr.rel @p0 .LBB2_2-.Ltmp0, $4  }
0x21: {  	_ = 	snop  }
0x22: {  	s15 =	sadd.s32 $0x200, s15  }
0x23: {  	_ =	swait.ge [sflag:s11], $0x4000  }
0x24: {  	[sflag:s11] =	ssyncset.done $0x0  }
0x25: {  	s14 =	sadd.s32 $0x1, s14  }
0x26: {  	[sflag:s11] =	ssyncadd.s32 $0xFFFFC000;
	p0 =	sne.s32 s14, s9  }
.Ltmp1:
0x27: {  	[bflag:$0x0] =	sbarrier.arrive $0xFFFF;
	(pc) =	sbr.rel @p0 .LBB2_1-.Ltmp1, $4  }
0x28: {  	[hbm:s8], [sflag:s6] =	dma.local [spmem:s10], $0x2800  }
0x29: {  	_ =	swait.ge [sflag:s11], $0x2800  }
0x2a: {  	[sflag:s11] =	ssyncset.done $0x0  }
0x2b: {  	[sflag:s11] =	ssyncadd.s32 $0xFFFFD800  }
0x2c: {  	_ =	sfence.sel $0x180000  }
0x2d: {  	[bflag:$0x0] =	sbarrier.arrive $0xFFFF  }
0x2e: {  	p0 =	sne.s32 s0, $0x0;
	_ =	strace $0x90000047  }
0x2f: {  	s0 =	sadd.s32 @!p0 $0x100000, s1;
	[bflag:$0x2] =	sbarrier.arrive $0xFFFF  }
0x30: {  	[sflag:s0] =	ssyncadd.tile.s32 @!p0 $0x1;
	_ =	shalt  }
.Lfunc_end2:
_tile_overlayer_lowered:
.L_overlay_start_2:
0x31: {  	(tag) =	ssettag $0x2  }
0x32: {  	s0 =	rddreg [dreg:$0x0];
	s2 =	stileid.u32  }
0x33: {  	s1 =	rddreg [dreg:$0x1];
	p0 =	sne.s32 s2, $0x0  }
0x34: {  	s3 =	rddreg [dreg:$0x2];
	[bflag:$0x3] =	sbarrier.arrive $0xFFFF;
	s2 =	simm.s32 @!p0 $0x1C01  }
0x35: {  	[timem:s3], [sflag:s2] =	dma.local @!p0 [hbm:s0], s1  }
0x36: {  	s0 =	simm.s32 @!p0 $0x1  }
0x37: {  	_ =	swait.ge @!p0 [sflag:s0], s1  }
0x38: {  	s1 =	ssub.s32 @!p0 $0x0, s1;
	[sflag:s0] =	ssyncset.done @!p0 $0x0  }
0x39: {  	[sflag:s0] =	ssyncadd.s32 @!p0 s1  }
0x3a: {  	[bflag:$0x3] =	sbarrier.arrive $0xFFFF  }
0x3b: {  	_ =	shalt  }

// kernel: kernel.16.cloned.1.call-start
scs
__scs_entry_jumppad:
0x0: {  	(pc) =	sbr.rel $0x88, $3  }
0x1: {  	(tag) =	ssettag $0x0;
	lr =	simm.s32 $0x1  }
0x2: {  	[smem:$0x3F8C] =	sst lr;
	_ =	strace $0xD0000000  }
0x3: {  	_ = 	snop  }
0x4: {  	_ = 	snop  }
0x5: {  	_ = 	snop  }
0x6: {  	_ = 	snop  }
0x7: {  	_ = 	snop  }
__scs_overlays_trampoline_lowered:
0x8: {  	[smem:$0x3F9B] =	sst s0  }
0x9: {  	[smem:$0x3F9C] =	sst s1  }
0xa: {  	[smem:$0x3F9D] =	sst s2  }
0xb: {  	[smem:$0x3F9E] =	sst s3  }
0xc: {  	[smem:$0x3F9F] =	sst s4  }
0xd: {  	[smem:$0x3FA0] =	sst s5  }
0xe: {  	[smem:$0x3FA1] =	sst s6  }
0xf: {  	[smem:$0x3FA2] =	sst s7  }
0x10: {  	[smem:$0x3FA3] =	sst s8  }
0x11: {  	[smem:$0x3FA4] =	sst s9;
	s0 =	simm.s32 @!p0 $0x0  }
0x12: {  	s1 =	sld [smem:$0x3F8A];
	s0 =	simm.s32 @p0 $0x1  }
0x13: {  	[smem:$0x3FA5] =	sst s0;
	s0 =	simm.s32 @!p1 $0x0  }
0x14: {  	s2 =	sld [smem:$0x3F89];
	s0 =	simm.s32 @p1 $0x1  }
0x15: {  	[smem:$0x3FA6] =	sst s0;
	s0 =	simm.s32 @!p2 $0x0  }
0x16: {  	s3 =	sld [smem:$0x3FDB];
	s0 =	simm.s32 @p2 $0x1  }
0x17: {  	s4 =	simm.s32 $0x1BF5;
	[smem:$0x3FA8] =	sst s0  }
0x18: {  	s0 =	sld [smem:$0x3F8B];
	_ =	swait.ge [sflag:s4], $0x0  }
0x19: {  	s7 =	sld [smem:$0x3F8C]  }
0x1a: {  	s8 =	sadd.s32 $0xFFFFE003, lr  }
0x1b: {  	s9 =	sadd.s32 $0xFFFFFEF7, lr;
	s5 =	simm.s32 $0xFFFFFFFF;
	p2 =	slt.u32 s8, $0xFFFFF086  }
0x1c: {  	p1 =	slt.u32 s9, $0xF7A;
	s5 =	simm.s32 @!p2 $0x0  }
0x1d: {  	s5 =	simm.s32 @p1 $0x1;
	p0 =	seq.s32 s7, s2  }
0x1e: {  	s7 =	smul.u32 @!p0 $0xF7A, s2;
	p2 =	seq.s32 @!p0 s5, $0x0  }
0x1f: {  	s9 =	smul.u32 $0xF7A, s1;
	s8 =	simm.s32 @!p0 $0x1BF5;
	p2 =	por !p2, p0  }
0x20: {  	[sflag:s8] =	ssyncset.s32 @!p0 $0xFFFFF086;
	s6 =	sadd.s32 @!p0 s3, s7;
	s7 =	simm.s32 @!p0 $0x108  }
0x21: {  	s3 =	sadd.s32 s3, s9;
	s6 =	sadd.s32 @!p0 $0x88, s6;
	s7 =	simm.s32 @p2 $0x1082  }
0x22: {  	[simem:s7], [sflag:s8] =	dma.local @!p0 [hbm:s6], $0xF7A  }
0x23: {  	s9 =	sor.u32 $0xD0000000, s2;
	s6 =	simm.s32 $0x108;
	_ =	swait.ge @!p0 [sflag:s8], $0x0  }
0x24: {  	s3 =	sadd.s32 $0x88, s3;
	s6 =	simm.s32 @!p1 $0x1082;
	[sflag:s4] =	ssyncset.s32 $0xFFFFF086  }
0x25: {  	[simem:s6], [sflag:s4] =	dma.local [hbm:s3], $0xF7A  }
0x26: {  	[smem:$0x3F8C] =	sst s1;
	(tag) =	ssettag s2;
	_ =	strace s9  }
0x27: {  	s1 =	sld [smem:$0x3F9C]  }
0x28: {  	s2 =	sld [smem:$0x3F9D]  }
0x29: {  	s4 =	sld [smem:$0x3F9F]  }
0x2a: {  	p0 =	seq.s32 s5, $0x0;
	s5 =	sld [smem:$0x3FA0]  }
0x2b: {  	s6 =	sld [smem:$0x3FA1]  }
0x2c: {  	s7 =	sld [smem:$0x3FA2]  }
0x2d: {  	s3 =	simm.s32 $0x108;
	s8 =	sld [smem:$0x3FA3]  }
0x2e: {  	s3 =	simm.s32 @!p0 $0x1082;
	s9 =	sld [smem:$0x3FA4]  }
0x2f: {  	lr =	sadd.s32 s0, s3;
	s0 =	sld [smem:$0x3F9B]  }
0x30: {  	s3 =	sld [smem:$0x3F9E]  }
0x31: {  	[smem:$0x3FA7] =	sst s10  }
0x32: {  	s10 =	sld [smem:$0x3FA5];
	_ =	sdelay $0x3  }
0x33: {  	p0 =	seq.s32 s10, $0x1;
	s10 =	sld [smem:$0x3FA7];
	_ =	sdelay $0x3  }
0x34: {  	[smem:$0x3FA7] =	sst s10  }
0x35: {  	s10 =	sld [smem:$0x3FA6];
	_ =	sdelay $0x3  }
0x36: {  	p1 =	seq.s32 s10, $0x1;
	s10 =	sld [smem:$0x3FA7];
	_ =	sdelay $0x3  }
0x37: {  	[smem:$0x3FA7] =	sst s10  }
0x38: {  	s10 =	sld [smem:$0x3FA8]  }
0x39: {  	_ = 	snop;
	(pc) =	sbr.ind lr, $3  }
0x3a: {  	_ = 	snop  }
0x3b: {  	_ = 	snop  }
0x3c: {  	p2 =	seq.s32 s10, $0x1;
	s10 =	sld [smem:$0x3FA7]  }
0x3d: {  	_ =	shalt  }
0x3e: {  	_ =	shalt  }
0x3f: {  	_ =	shalt  }
0x40: {  	_ =	shalt  }
0x41: {  	_ =	shalt  }
0x42: {  	_ =	shalt  }
0x43: {  	_ =	shalt  }
0x44: {  	_ =	shalt  }
0x45: {  	_ =	shalt  }
0x46: {  	_ =	shalt  }
0x47: {  	_ =	shalt  }
0x48: {  	_ =	shalt  }
0x49: {  	_ =	shalt  }
0x4a: {  	_ =	shalt  }
0x4b: {  	_ =	shalt  }
0x4c: {  	_ =	shalt  }
0x4d: {  	_ =	shalt  }
0x4e: {  	_ =	shalt  }
0x4f: {  	_ =	shalt  }
0x50: {  	_ =	shalt  }
0x51: {  	_ =	shalt  }
0x52: {  	_ =	shalt  }
0x53: {  	_ =	shalt  }
0x54: {  	_ =	shalt  }
0x55: {  	_ =	shalt  }
0x56: {  	_ =	shalt  }
0x57: {  	_ =	shalt  }
0x58: {  	_ =	shalt  }
0x59: {  	_ =	shalt  }
0x5a: {  	_ =	shalt  }
0x5b: {  	_ =	shalt  }
0x5c: {  	_ =	shalt  }
0x5d: {  	_ =	shalt  }
0x5e: {  	_ =	shalt  }
0x5f: {  	_ =	shalt  }
0x60: {  	_ =	shalt  }
0x61: {  	_ =	shalt  }
0x62: {  	_ =	shalt  }
0x63: {  	_ =	shalt  }
0x64: {  	_ =	shalt  }
0x65: {  	_ =	shalt  }
0x66: {  	_ =	shalt  }
0x67: {  	_ =	shalt  }
0x68: {  	_ =	shalt  }
0x69: {  	_ =	shalt  }
0x6a: {  	_ =	shalt  }
0x6b: {  	_ =	shalt  }
0x6c: {  	_ =	shalt  }
0x6d: {  	_ =	shalt  }
0x6e: {  	_ =	shalt  }
0x6f: {  	_ =	shalt  }
0x70: {  	_ =	shalt  }
0x71: {  	_ =	shalt  }
0x72: {  	_ =	shalt  }
0x73: {  	_ =	shalt  }
0x74: {  	_ =	shalt  }
0x75: {  	_ =	shalt  }
0x76: {  	_ =	shalt  }
0x77: {  	_ =	shalt  }
0x78: {  	_ =	shalt  }
0x79: {  	_ =	shalt  }
0x7a: {  	_ =	shalt  }
0x7b: {  	_ =	shalt  }
0x7c: {  	_ =	shalt  }
0x7d: {  	_ =	shalt  }
0x7e: {  	_ =	shalt  }
0x7f: {  	_ =	shalt  }
0x80: {  	_ =	shalt  }
0x81: {  	_ =	shalt  }
0x82: {  	_ =	shalt  }
0x83: {  	_ =	shalt  }
0x84: {  	_ =	shalt  }
0x85: {  	_ =	shalt  }
0x86: {  	_ =	shalt  }
0x87: {  	_ =	shalt  }
.Lfunc_end0:
.L_simem_size_0:
called_computation.1_lowered:
.L_overlay_start_0:
0x88: {  	s2 =	sld [smem:$0x3FD9]  }
0x89: {  	s3 =	sld [smem:$0x3FFE];
	_ =	sdelay $0x1  }
0x8a: {  	s1 =	srdreg.scid  }
0x8b: {  	s0 =	sand.u32 $0x1, s1  }
0x8c: {  	s16 =	sshll.u32 s0, $0xA;
	s2 =	sadd.s32 s3, s2  }
0x8d: {  	s2 =	sadd.s32 s2, s16  }
0x8e: {  	[smem:$0x3FB3] =	sst s2  }
0x8f: {  	_ = 	snop  }
0x90: {  	(tm) =	ssettm $0x1  }
0x91: {  	s17 =	sld [smem:$0x3FFB];
	_ =	sdelay $0x3  }
0x92: {  	_ =	strace s17  }
0x93: {  	s2 =	sld [smem:$0x3FFC];
	_ =	sdelay $0x3  }
0x94: {  	_ =	strace s2  }
0x95: {  	s2 =	sld [smem:$0x3FFD];
	_ =	sdelay $0x3  }
0x96: {  	_ =	strace s2  }
0x97: {  	_ =	strace $0x8FFFFFFF  }
0x98: {  	s18 =	sld [smem:$0x3FDB];
	_ =	sdelay $0x1  }
0x99: {  	s19 =	simm.s32 $_scs_section_size  }
0x9a: {  	s4 =	simm.s32 $_size__tile_overlayer_lowered;
	s5 =	simm.s32 $_tile_overlayer_lowered  }
0x9b: {  	s22 =	simm.s32 $0x1BFF;
	s21 =	sshll.u32 s5, $0x1;
	s2 =	sadd.s32 s19, s18  }
0x9c: {  	s6 =	simm.s32 $0x0;
	s20 =	sshll.u32 s4, $0x1;
	s4 =	sadd.s32 s21, s2  }
0x9d: {  	[timem:s6], [sflag:s22] =	dma.local [hbm:s4], s20  }
0x9e: {  	_ =	swait.ge [sflag:s22], s20  }
0x9f: {  	s3 =	ssub.s32 $0x0, s20;
	[sflag:s22] =	ssyncset.done $0x0  }
0xa0: {  	[sflag:s22] =	ssyncadd.s32 s3;
	_ =	sdelay $0x1  }
0xa1: {  	s23 =	simm.s32 $0x1B8B  }
0xa2: {  	_ =	swait.ge [sflag:s23], $0x1  }
0xa3: {  	[sflag:s23] =	ssyncset.done $0x0  }
0xa4: {  	s25 =	simm.s32 $0x1B8E;
	s24 =	sld [smem:$0x3FFE];
	[sflag:s23] =	ssyncadd.s32 $0xFFFFFFFF  }
0xa5: {  	s26 =	simm.s32 $execute0_lowered;
	[smem:$0x3FD2] =	sst s25  }
0xa6: {  	s4 =	sshll.u32 s26, $0x1;
	_ =	strace $0x80000049;
	[dreg:$0x1] =	wrdreg $0xFFFFFFFF  }
0xa7: {  	s28 =	simm.s32 $_size_execute0_lowered;
	s2 =	sadd.s32 s2, s4;
	[dreg:$0x0] =	wrdreg $0x0  }
0xa8: {  	s4 =	sshll.u32 s28, $0x1;
	[dreg:$0x2] =	wrdreg s2  }
0xa9: {  	[dreg:$0x3] =	wrdreg s4  }
0xaa: {  	[dreg:$0x4] =	wrdreg $0xC0  }
0xab: {  	_ =	task [dreg:s6], $0x5FFFF  }
0xac: {  	[dreg:$0x1] =	wrdreg $0xFFFFFFFF  }
0xad: {  	[dreg:$0x0] =	wrdreg $0x60  }
0xae: {  	[dreg:$0x2] =	wrdreg s24  }
0xaf: {  	[dreg:$0x3] =	wrdreg $0xBD000  }
0xb0: {  	[dreg:$0x4] =	wrdreg $0x9  }
0xb1: {  	_ =	task.clear_ibuf [dreg:s6], $0x5FFFF;
	_ =	strace $0x90000049  }
0xb2: {  	s29 =	simm.s32 $0x9;
	_ =	strace $0x8000004B  }
0xb3: {  	_ =	swait.ge [sflag:s29], $0x1  }
0xb4: {  	[sflag:s29] =	ssyncadd.s32 $0xFFFFFFFF  }
0xb5: {  	_ =	strace $0x9000004B  }
0xb6: {  	_ =	sfence  }
0xb7: {  	s30 =	sld [smem:$0x0];
	_ =	sdelay $0x2  }
0xb8: {  	s31 =	sshll.u32 s1, $0xD;
	s1 =	sshrl.u32 s1, $0x2  }
0xb9: {  	s3 =	sand.u32 $0x4000, s31;
	s1 =	sadd.s32 s1, s30  }
0xba: {  	s0 =	sor.u32 s3, s0;
	s1 =	sshll.u32 s1, $0x11  }
0xbb: {  	s0 =	sor.u32 s1, s0  }
0xbc: {  	s0 =	sadd.s32 $0x8F2B, s0  }
0xbd: {  	[sflag:s0] =	ssyncadd.remote.s32 $0x1  }
0xbe: {  	_ =	sfence.sel $0xFFFF  }
0xbf: {  	[dreg:$0x0] =	wrdreg $0xFFFFFFFF;
	(pc) =	sbr.abs _section_cstart, $3  }
0xc0: {  	[dreg:$0x1] =	wrdreg $0xFFFFFFFF  }
0xc1: {  	_ =	task.clear_ibuf [dreg:s6], $0x2FFFF;
	_ =	strace $0x9FFFFFFF  }
0xc2: {  	(tm) =	ssettm $0x7FFFFFFF  }
0xc3: {  	_ =	shalt  }
tec
execute0_lowered:
.L_overlay_start_1:
0x0: {  	(tag) =	ssettag $0x1  }
0x1: {  	s0 =	rddreg [dreg:$0x0]  }
0x2: {  	s2 =	rddreg [dreg:$0x1];
	s9 =	stileid.u32  }
0x3: {  	s3 =	simm.s32 $0x0;
	s1 =	srdreg.scid;
	s16 =	simm.s32 $0x5  }
0x4: {  	s17 =	simm.s32 $0x20;
	s18 =	simm.s32 $0x3D00;
	s4 =	smul.u32 $0x78, s9  }
0x5: {  	s31 =	simm.s32 $0x7D00;
	s28 =	simm.s32 $0x0;
	s5 =	smul.u32 $0x28, s9  }
0x6: {  	[smem:$0x7FF] =	sst s3;
	s1 =	sand.u32 $0x1, s1;
	s7 =	smul.u32 $0x14000, s9  }
0x7: {  	s24 =	smul.u32 $0x50000, s9;
	s26 =	sshll.u32 s9, $0x6;
	p0 =	seq.s32 s1, $0x0  }
0x8: {  	_ =	strace $0x8000004A;
	s22 =	smul.u32 $0x140000, s1;
	s1 =	ssub.s32 $0x2, s1  }
0x9: {  	[dreg:$0x5] =	wrdreg s31;
	s6 =	sadd.s32 $0x280, s4;
	s4 =	sadd.s32 $0x3F200, s0  }
0xa: {  	s8 =	sshrl.u32 s7, $0x3;
	s25 =	sshrl.u32 s1, $0x1;
	s6 =	smov.u32 @p0 s5  }
0xb: {  	s23 =	sadd.s32 s8, s0;
	s5 =	sadd.s32 s7, s22;
	s1 =	ssub.s32 s1, s25  }
0xc: {  	s7 =	sshrl.u32 s24, $0x2;
	s24 =	simm.s32 $0x80;
	s25 =	simm.s32 $0x1  }
0xd: {  	s6 =	sshll.u32 s6, $0x4;
	s5 =	sshrl.u32 s5, $0x3;
	s15 =	sadd.s32 s7, s2  }
0xe: {  	s7 =	sor.u32 $0x1C05, s26;
	s26 =	simm.s32 $0x2;
	s14 =	sadd.s32 s6, s0  }
0xf: {  	s0 =	sadd.s32 s5, s0;
	s5 =	simm.s32 $0x28;
	s6 =	sadd.s32 $0x17200, s23  }
0x10: {  	s15 =	sshrl.u32 s15, $0x3;
	s5 =	simm.s32 @!p0 $0x78;
	[dreg:$0x6] =	wrdreg s6  }
0x11: {  	s29 =	sadd.s32 $0xD200, s14;
	s9 =	sadd.s32 $0x8FA00, s14;
	s10 =	sadd.s32 $0x8FA10, s14  }
0x12: {  	s12 =	sadd.s32 $0x99A00, s0;
	[dreg:$0x7] =	wrdreg s29;
	s13 =	sadd.s32 $0xFFFFFFFE, s5  }
0x13: {  	s14 =	sadd.s32 $0x8FA30, s14;
	s30 =	sadd.s32 $0xFFFFFFFD, s5;
	[dreg:$0x3] =	wrdreg s13  }
0x14: {  	s11 =	sshrl.u32 s5, $0x1;
	s13 =	smax.u32 s1, $0x1;
	[dreg:$0x4] =	wrdreg s30  }
.LBB2_1:
0x15: {  	s0 =	rddreg [dreg:$0x6]  }
0x16: {  	[spmem:s15], [sflag:s7] =	dma.local [hbm:s0], $0x2800  }
0x17: {  	_ =	swait.ge [sflag:s16], $0x2800  }
0x18: {  	[sflag:s16] =	ssyncset.done $0x0  }
0x19: {  	s8 =	simm.s32 $0x100;
	s1 =	rddreg [dreg:$0x7];
	[sflag:s16] =	ssyncadd.s32 $0xFFFFD800  }
0x1a: {  	[tilespmem:s8], [sflag:$0x5] =	stream.linear.gather [hbm4b:s1+s3], $0x3C00, $0x38;
	[tilespmem:$0x1FD00] =	vst v63  }
0x1b: {  	_ =	swait.ge [sflag:s16], $0x3C00  }
0x1c: {  	[sflag:s16] =	ssyncset.done $0x0  }
0x1d: {  	[sflag:s16] =	ssyncadd.s32 $0xFFFFC400  }
0x1e: {  	[tilespmem:s3], [sflag:$0x5] =	stream.linear.gather [hbm4b:s9+s3], $0x80, $0x38;
	[tilespmem:$0x1FD00] =	vst v63  }
0x1f: {  	_ =	swait.ge [sflag:s16], $0x80  }
0x20: {  	[sflag:s16] =	ssyncset.done $0x0  }
0x21: {  	[sflag:s16] =	ssyncadd.s32 $0xFFFFFF80  }
0x22: {  	[bflag:$0x0] =	sbarrier.arrive $0xFFFF  }
0x23: {  	[tilespmem:s18], [sflag:$0x1] =	stream.indirect.gather [hbm4b:s4+s17], $0x80, s3, s17, $0xb8;
	[tilespmem:$0x1FD00] =	vst v63  }
0x24: {  	s19 =	simm.s32 $0x4D00  }
0x25: {  	[tilespmem:s19], [sflag:$0x1] =	stream.indirect.gather [hbm4b:s4+s17], $0x80, s17, s17, $0xb8;
	[tilespmem:$0x1FD00] =	vst v63  }
0x26: {  	s20 =	simm.s32 $0x40;
	s6 =	simm.s32 $0x5D00  }
0x27: {  	[tilespmem:s6], [sflag:$0x1] =	stream.indirect.gather [hbm4b:s4+s17], $0x80, s20, s17, $0xb8;
	[tilespmem:$0x1FD00] =	vst v63  }
0x28: {  	s21 =	simm.s32 $0x60;
	s22 =	simm.s32 $0x6D00  }
0x29: {  	[tilespmem:s22], [sflag:$0x1] =	stream.indirect.gather [hbm4b:s4+s17], $0x80, s21, s17, $0xb8;
	[tilespmem:$0x1FD00] =	vst v63  }
0x2a: {  	_ = 	snop  }
0x2b: {  	[tilespmem:s24], [sflag:$0x4] =	stream.linear.gather [hbm4b:s10+s3], $0x80, $0x38;
	[tilespmem:$0x1FD00] =	vst v63  }
0x2c: {  	_ =	swait.ge [sflag:s25], $0x1000  }
0x2d: {  	[sflag:s25] =	ssyncset.done $0x0  }
0x2e: {  	[sflag:s25] =	ssyncadd.s32 $0xFFFFF000  }
0x2f: {  	_ =	swait.ge [sflag:s25], $0x1000  }
0x30: {  	[sflag:s25] =	ssyncset.done $0x0  }
0x31: {  	[sflag:s25] =	ssyncadd.s32 $0xFFFFF000  }
0x32: {  	_ =	swait.ge [sflag:s25], $0x1000  }
0x33: {  	[sflag:s25] =	ssyncset.done $0x0  }
0x34: {  	[sflag:s25] =	ssyncadd.s32 $0xFFFFF000  }
0x35: {  	_ =	swait.ge [sflag:s25], $0x1000  }
0x36: {  	p1 =	sle.u32 s5, $0x1;
	[sflag:s25] =	ssyncset.done $0x0  }
0x37: {  	s1 =	simm.s32 @!p1 $0x4;
	[sflag:s25] =	ssyncadd.s32 $0xFFFFF000  }
0x38: {  	_ =	swait.ge @!p1 [sflag:s1], $0x80  }
0x39: {  	s19 =	simm.s32 @!p1 $0x7D00;
	[sflag:s1] =	ssyncset.done @!p1 $0x0  }
0x3a: {  	s20 =	simm.s32 @!p1 $0x80;
	[sflag:s1] =	ssyncadd.s32 @!p1 $0xFFFFFF80;
	s1 =	simm.s32 @!p1 $0x20  }
0x3b: {  	[tilespmem:s19], [sflag:$0x2] =	stream.indirect.gather @!p1 [hbm4b:s4+s1], $0x80, s20, s1, $0xb8;
	[tilespmem:$0x1FD00] =	vst v63  }
0x3c: {  	s19 =	simm.s32 @!p1 $0xA0;
	s20 =	simm.s32 @!p1 $0x8D00  }
0x3d: {  	[tilespmem:s20], [sflag:$0x2] =	stream.indirect.gather @!p1 [hbm4b:s4+s1], $0x80, s19, s1, $0xb8;
	[tilespmem:$0x1FD00] =	vst v63  }
0x3e: {  	s29 =	rddreg [dreg:$0x3];
	s19 =	simm.s32 @!p1 $0xC0;
	s20 =	simm.s32 @!p1 $0x9D00  }
0x3f: {  	[tilespmem:s20], [sflag:$0x2] =	stream.indirect.gather @!p1 [hbm4b:s4+s1], $0x80, s19, s1, $0xb8;
	[tilespmem:$0x1FD00] =	vst v63  }
0x40: {  	p0 =	sle.u32 s29, $0x0;
	s19 =	simm.s32 @!p1 $0xAD00;
	s20 =	simm.s32 @!p1 $0xE0  }
0x41: {  	[tilespmem:s19], [sflag:$0x2] =	stream.indirect.gather @!p1 [hbm4b:s4+s1], $0x80, s20, s1, $0xb8;
	[tilespmem:$0x1FD00] =	vst v63  }
0x42: {  	s1 =	sadd.s32 @!p0 $0xFFFFFFF0, s14;
	s19 =	simm.s32 @!p0 $0x0  }
0x43: {  	[tilespmem:s19], [sflag:$0x3] =	stream.linear.gather @!p0 [hbm4b:s1+s19], $0x80, $0x38;
	[tilespmem:$0x1FD00] =	vst v63  }
0x44: {  	_ = 	snop  }
0x45: {  	[spmem:s2] =	stream.indirect.scatter.add.f32 [tilespmem:s18], [sflag:$0x5], $0x80, s8, s24, $0xb8;
	[tilespmem:$0x1FD00] =	vst v63  }
0x46: {  	_ =	swait.ge [sflag:s16], $0x4000  }
0x47: {  	[sflag:s16] =	ssyncset.done $0x0  }
0x48: {  	[sflag:s16] =	ssyncadd.s32 $0xFFFFC000  }
0x49: {  	_ =	swait.ge [sflag:s26], $0x1000  }
0x4a: {  	[sflag:s26] =	ssyncset.done $0x0  }
0x4b: {  	[sflag:s26] =	ssyncadd.s32 $0xFFFFF000  }
0x4c: {  	_ =	swait.ge [sflag:s26], $0x1000  }
0x4d: {  	[sflag:s26] =	ssyncset.done $0x0  }
0x4e: {  	[sflag:s26] =	ssyncadd.s32 $0xFFFFF000  }
0x4f: {  	_ =	swait.ge [sflag:s26], $0x1000  }
0x50: {  	[sflag:s26] =	ssyncset.done $0x0  }
0x51: {  	[sflag:s26] =	ssyncadd.s32 $0xFFFFF000  }
0x52: {  	_ =	swait.ge [sflag:s26], $0x1000  }
0x53: {  	[sflag:s26] =	ssyncset.done $0x0  }
0x54: {  	s0 =	simm.s32 @!p0 $0x3;
	[sflag:s26] =	ssyncadd.s32 $0xFFFFF000  }
0x55: {  	_ =	swait.ge @!p0 [sflag:s0], $0x80  }
0x56: {  	[sflag:s0] =	ssyncset.done @!p0 $0x0  }
0x57: {  	s1 =	simm.s32 @!p0 $0x3D00;
	[sflag:s0] =	ssyncadd.s32 @!p0 $0xFFFFFF80;
	s0 =	simm.s32 @!p0 $0x20  }
0x58: {  	[tilespmem:s1], [sflag:$0x1] =	stream.indirect.gather @!p0 [hbm4b:s4+s0], $0x80, s19, s0, $0xb8;
	[tilespmem:$0x1FD00] =	vst v63  }
0x59: {  	s1 =	simm.s32 @!p0 $0x4D00  }
0x5a: {  	[tilespmem:s1], [sflag:$0x1] =	stream.indirect.gather @!p0 [hbm4b:s4+s0], $0x80, s0, s0, $0xb8;
	[tilespmem:$0x1FD00] =	vst v63  }
0x5b: {  	s20 =	simm.s32 @!p0 $0x5D00;
	s1 =	simm.s32 @!p0 $0x40  }
0x5c: {  	[tilespmem:s20], [sflag:$0x1] =	stream.indirect.gather @!p0 [hbm4b:s4+s0], $0x80, s1, s0, $0xb8;
	[tilespmem:$0x1FD00] =	vst v63  }
0x5d: {  	s29 =	sadd.s32 $0xFFFFFFFF, s11;
	s1 =	simm.s32 @!p0 $0x6D00;
	s20 =	simm.s32 @!p0 $0x60  }
0x5e: {  	[tilespmem:s1], [sflag:$0x1] =	stream.indirect.gather @!p0 [hbm4b:s4+s0], $0x80, s20, s0, $0xb8;
	[tilespmem:$0x1FD00] =	vst v63  }
0x5f: {  	p0 =	sne.s32 s29, $0x0  }
.Ltmp0:
0x60: {  	s23 =	rddreg [dreg:$0x4];
	(pc) =	sbr.rel @!p0 .LBB2_3-.Ltmp0, $4  }
0x61: {  	s31 =	simm.s32 $0x180;
	p1 =	sle.u32 s23, $0x0  }
0x62: {  	s30 =	simm.s32 $0x200;
	s0 =	simm.s32 @!p1 $0x0;
	s1 =	simm.s32 @!p1 $0x80  }
0x63: {  	[tilespmem:s1], [sflag:$0x4] =	stream.linear.gather @!p1 [hbm4b:s14+s0], $0x80, $0x38;
	[tilespmem:$0x1FD00] =	vst v63  }
0x64: {  	s20 =	rddreg [dreg:$0x5];
	s0 =	sadd.s32 $0x20, s14;
	s1 =	simm.s32 $0x0  }
.LBB2_2:
0x65: {  	[spmem:s2] =	stream.indirect.scatter.add.f32 [tilespmem:s20], [sflag:$0x5], $0x80, s31, s24, $0xb8;
	[tilespmem:$0x1FD00] =	vst v63  }
0x66: {  	_ =	swait.ge [sflag:s16], $0x4000  }
0x67: {  	[sflag:s16] =	ssyncset.done $0x0  }
0x68: {  	[sflag:s16] =	ssyncadd.s32 $0xFFFFC000  }
0x69: {  	_ =	swait.ge [sflag:s25], $0x1000  }
0x6a: {  	[sflag:s25] =	ssyncset.done $0x0  }
0x6b: {  	[sflag:s25] =	ssyncadd.s32 $0xFFFFF000  }
0x6c: {  	_ =	swait.ge [sflag:s25], $0x1000  }
0x6d: {  	[sflag:s25] =	ssyncset.done $0x0  }
0x6e: {  	[sflag:s25] =	ssyncadd.s32 $0xFFFFF000  }
0x6f: {  	_ =	swait.ge [sflag:s25], $0x1000  }
0x70: {  	[sflag:s25] =	ssyncset.done $0x0  }
0x71: {  	s1 =	sadd.s32 $0x2, s1;
	[sflag:s25] =	ssyncadd.s32 $0xFFFFF000  }
0x72: {  	s23 =	sadd.s32 $0x1, s1;
	_ =	swait.ge [sflag:s25], $0x1000  }
0x73: {  	p2 =	sge.u32 s23, s5;
	[sflag:s25] =	ssyncset.done $0x0  }
0x74: {  	s20 =	simm.s32 @!p2 $0x4;
	[sflag:s25] =	ssyncadd.s32 $0xFFFFF000  }
0x75: {  	_ =	swait.ge @!p2 [sflag:s20], $0x80  }
0x76: {  	s21 =	simm.s32 @!p2 $0x7D00;
	[sflag:s20] =	ssyncset.done @!p2 $0x0  }
0x77: {  	s22 =	simm.s32 @!p2 $0x80;
	[sflag:s20] =	ssyncadd.s32 @!p2 $0xFFFFFF80;
	s20 =	simm.s32 @!p2 $0x20  }
0x78: {  	[tilespmem:s21], [sflag:$0x2] =	stream.indirect.gather @!p2 [hbm4b:s4+s20], $0x80, s22, s20, $0xb8;
	[tilespmem:$0x1FD00] =	vst v63  }
0x79: {  	s21 =	simm.s32 @!p2 $0xA0;
	s22 =	simm.s32 @!p2 $0x8D00  }
0x7a: {  	[tilespmem:s22], [sflag:$0x2] =	stream.indirect.gather @!p2 [hbm4b:s4+s20], $0x80, s21, s20, $0xb8;
	[tilespmem:$0x1FD00] =	vst v63  }
0x7b: {  	s23 =	rddreg [dreg:$0x3];
	s21 =	simm.s32 @!p2 $0xC0;
	s22 =	simm.s32 @!p2 $0x9D00  }
0x7c: {  	[tilespmem:s22], [sflag:$0x2] =	stream.indirect.gather @!p2 [hbm4b:s4+s20], $0x80, s21, s20, $0xb8;
	[tilespmem:$0x1FD00] =	vst v63  }
0x7d: {  	p1 =	sge.u32 s1, s23;
	s21 =	simm.s32 @!p2 $0xAD00;
	s22 =	simm.s32 @!p2 $0xE0  }
0x7e: {  	[tilespmem:s21], [sflag:$0x2] =	stream.indirect.gather @!p2 [hbm4b:s4+s20], $0x80, s22, s20, $0xb8;
	[tilespmem:$0x1FD00] =	vst v63  }
0x7f: {  	s23 =	sadd.s32 @!p1 $0xFFFFFFF0, s0;
	s6 =	simm.s32 @!p1 $0x0  }
0x80: {  	[tilespmem:s6], [sflag:$0x3] =	stream.linear.gather @!p1 [hbm4b:s23+s6], $0x80, $0x38;
	[tilespmem:$0x1FD00] =	vst v63  }
0x81: {  	_ = 	snop  }
0x82: {  	[spmem:s2] =	stream.indirect.scatter.add.f32 [tilespmem:s18], [sflag:$0x5], $0x80, s30, s24, $0xb8;
	[tilespmem:$0x1FD00] =	vst v63  }
0x83: {  	_ =	swait.ge [sflag:s16], $0x4000  }
0x84: {  	[sflag:s16] =	ssyncset.done $0x0  }
0x85: {  	[sflag:s16] =	ssyncadd.s32 $0xFFFFC000  }
0x86: {  	_ =	swait.ge [sflag:s26], $0x1000  }
0x87: {  	[sflag:s26] =	ssyncset.done $0x0  }
0x88: {  	[sflag:s26] =	ssyncadd.s32 $0xFFFFF000  }
0x89: {  	_ =	swait.ge [sflag:s26], $0x1000  }
0x8a: {  	[sflag:s26] =	ssyncset.done $0x0  }
0x8b: {  	[sflag:s26] =	ssyncadd.s32 $0xFFFFF000  }
0x8c: {  	_ =	swait.ge [sflag:s26], $0x1000  }
0x8d: {  	[sflag:s26] =	ssyncset.done $0x0  }
0x8e: {  	[sflag:s26] =	ssyncadd.s32 $0xFFFFF000  }
0x8f: {  	_ =	swait.ge [sflag:s26], $0x1000  }
0x90: {  	[sflag:s26] =	ssyncset.done $0x0  }
0x91: {  	s20 =	simm.s32 @!p1 $0x3;
	[sflag:s26] =	ssyncadd.s32 $0xFFFFF000  }
0x92: {  	s29 =	sadd.s32 $0xFFFFFFFF, s29;
	_ =	swait.ge @!p1 [sflag:s20], $0x80  }
0x93: {  	s19 =	sadd.s32 $0x80, s30;
	p0 =	sne.s32 s29, $0x0;
	[sflag:s20] =	ssyncset.done @!p1 $0x0  }
0x94: {  	s21 =	simm.s32 @!p1 $0x3D00;
	[sflag:s20] =	ssyncadd.s32 @!p1 $0xFFFFFF80;
	s20 =	simm.s32 @!p1 $0x20  }
0x95: {  	[tilespmem:s21], [sflag:$0x1] =	stream.indirect.gather @!p1 [hbm4b:s4+s20], $0x80, s6, s20, $0xb8;
	[tilespmem:$0x1FD00] =	vst v63  }
0x96: {  	s31 =	smov.u32 s19;
	s19 =	smov.u32 s0;
	s6 =	simm.s32 @!p1 $0x4D00  }
0x97: {  	[tilespmem:s6], [sflag:$0x1] =	stream.indirect.gather @!p1 [hbm4b:s4+s20], $0x80, s20, s20, $0xb8;
	[tilespmem:$0x1FD00] =	vst v63  }
0x98: {  	s8 =	simm.s32 @!p1 $0x60;
	s23 =	simm.s32 @!p1 $0x5D00;
	s6 =	simm.s32 @!p1 $0x40  }
0x99: {  	[tilespmem:s23], [sflag:$0x1] =	stream.indirect.gather @!p1 [hbm4b:s4+s20], $0x80, s6, s20, $0xb8;
	[tilespmem:$0x1FD00] =	vst v63  }
.Ltmp1:
0x9a: {  	s0 =	sadd.s32 $0x20, s0;
	s22 =	rddreg [dreg:$0x4];
	(pc) =	sbr.rel @p0 .LBB2_2-.Ltmp1, $4  }
0x9b: {  	s30 =	sadd.s32 $0x100, s30;
	p2 =	sge.u32 s1, s22;
	s21 =	simm.s32 @!p1 $0x6D00  }
0x9c: {  	[tilespmem:s21], [sflag:$0x1] =	stream.indirect.gather @!p1 [hbm4b:s4+s20], $0x80, s8, s20, $0xb8;
	[tilespmem:$0x1FD00] =	vst v63  }
0x9d: {  	s6 =	simm.s32 @!p2 $0x0;
	s8 =	simm.s32 @!p2 $0x80;
	s20 =	rddreg [dreg:$0x5]  }
0x9e: {  	[tilespmem:s8], [sflag:$0x4] =	stream.linear.gather @!p2 [hbm4b:s19+s6], $0x80, $0x38;
	[tilespmem:$0x1FD00] =	vst v63  }
.LBB2_3:
0x9f: {  	[spmem:s2] =	stream.indirect.scatter.add.f32 [tilespmem:s20], [sflag:$0x5], $0x80, s31, s24, $0xb8;
	[tilespmem:$0x1FD00] =	vst v63  }
0xa0: {  	_ =	swait.ge [sflag:s16], $0x4000  }
0xa1: {  	s28 =	sadd.s32 $0x1, s28;
	[sflag:s16] =	ssyncset.done $0x0  }
0xa2: {  	p0 =	sne.s32 s28, s13;
	[sflag:s16] =	ssyncadd.s32 $0xFFFFC000  }
.Ltmp2:
0xa3: {  	[bflag:$0x0] =	sbarrier.arrive $0xFFFF;
	(pc) =	sbr.rel @p0 .LBB2_1-.Ltmp2, $4  }
0xa4: {  	[hbm:s12], [sflag:s7] =	dma.local [spmem:s15], $0x2800  }
0xa5: {  	_ =	swait.ge [sflag:s16], $0x2800  }
0xa6: {  	[sflag:s16] =	ssyncset.done $0x0  }
0xa7: {  	[sflag:s16] =	ssyncadd.s32 $0xFFFFD800  }
0xa8: {  	_ =	sfence.sel $0x180000  }
0xa9: {  	[bflag:$0x0] =	sbarrier.arrive $0xFFFF  }
0xaa: {  	_ =	strace $0x9000004A  }
0xab: {  	s0 =	stileid.u32;
	[bflag:$0x2] =	sbarrier.arrive $0xFFFF  }
0xac: {  	p0 =	sne.s32 s0, $0x0;
	s0 =	rddreg [dreg:$0x2]  }
0xad: {  	s0 =	sadd.s32 @!p0 $0x100000, s0  }
0xae: {  	[sflag:s0] =	ssyncadd.tile.s32 @!p0 $0x1;
	_ =	shalt  }
.Lfunc_end2:
_tile_overlayer_lowered:
.L_overlay_start_2:
0xaf: {  	(tag) =	ssettag $0x2  }
0xb0: {  	s0 =	rddreg [dreg:$0x0];
	s2 =	stileid.u32  }
0xb1: {  	s1 =	rddreg [dreg:$0x1];
	p0 =	sne.s32 s2, $0x0  }
0xb2: {  	s3 =	rddreg [dreg:$0x2];
	[bflag:$0x3] =	sbarrier.arrive $0xFFFF;
	s2 =	simm.s32 @!p0 $0x1C05  }
0xb3: {  	[timem:s3], [sflag:s2] =	dma.local @!p0 [hbm:s0], s1  }
0xb4: {  	s0 =	simm.s32 @!p0 $0x5  }
0xb5: {  	_ =	swait.ge @!p0 [sflag:s0], s1  }
0xb6: {  	s1 =	ssub.s32 @!p0 $0x0, s1;
	[sflag:s0] =	ssyncset.done @!p0 $0x0  }
0xb7: {  	[sflag:s0] =	ssyncadd.s32 @!p0 s1  }
0xb8: {  	[bflag:$0x3] =	sbarrier.arrive $0xFFFF  }
0xb9: {  	_ =	shalt  }

// kernel: kernel.19.cloned.1.call-start
scs
__scs_entry_jumppad:
0x0: {  	(pc) =	sbr.rel $0x88, $3  }
0x1: {  	(tag) =	ssettag $0x0;
	lr =	simm.s32 $0x1  }
0x2: {  	[smem:$0x3F8C] =	sst lr;
	_ =	strace $0xD0000000  }
0x3: {  	_ = 	snop  }
0x4: {  	_ = 	snop  }
0x5: {  	_ = 	snop  }
0x6: {  	_ = 	snop  }
0x7: {  	_ = 	snop  }
__scs_overlays_trampoline_lowered:
0x8: {  	[smem:$0x3F9B] =	sst s0  }
0x9: {  	[smem:$0x3F9C] =	sst s1  }
0xa: {  	[smem:$0x3F9D] =	sst s2  }
0xb: {  	[smem:$0x3F9E] =	sst s3  }
0xc: {  	[smem:$0x3F9F] =	sst s4  }
0xd: {  	[smem:$0x3FA0] =	sst s5  }
0xe: {  	[smem:$0x3FA1] =	sst s6  }
0xf: {  	[smem:$0x3FA2] =	sst s7  }
0x10: {  	[smem:$0x3FA3] =	sst s8  }
0x11: {  	[smem:$0x3FA4] =	sst s9;
	s0 =	simm.s32 @!p0 $0x0  }
0x12: {  	s1 =	sld [smem:$0x3F8A];
	s0 =	simm.s32 @p0 $0x1  }
0x13: {  	[smem:$0x3FA5] =	sst s0;
	s0 =	simm.s32 @!p1 $0x0  }
0x14: {  	s2 =	sld [smem:$0x3F89];
	s0 =	simm.s32 @p1 $0x1  }
0x15: {  	[smem:$0x3FA6] =	sst s0;
	s0 =	simm.s32 @!p2 $0x0  }
0x16: {  	s3 =	sld [smem:$0x3FDB];
	s0 =	simm.s32 @p2 $0x1  }
0x17: {  	s4 =	simm.s32 $0x1BF5;
	[smem:$0x3FA8] =	sst s0  }
0x18: {  	s0 =	sld [smem:$0x3F8B];
	_ =	swait.ge [sflag:s4], $0x0  }
0x19: {  	s7 =	sld [smem:$0x3F8C]  }
0x1a: {  	s8 =	sadd.s32 $0xFFFFE003, lr  }
0x1b: {  	s9 =	sadd.s32 $0xFFFFFEF7, lr;
	s5 =	simm.s32 $0xFFFFFFFF;
	p2 =	slt.u32 s8, $0xFFFFF086  }
0x1c: {  	p1 =	slt.u32 s9, $0xF7A;
	s5 =	simm.s32 @!p2 $0x0  }
0x1d: {  	s5 =	simm.s32 @p1 $0x1;
	p0 =	seq.s32 s7, s2  }
0x1e: {  	s7 =	smul.u32 @!p0 $0xF7A, s2;
	p2 =	seq.s32 @!p0 s5, $0x0  }
0x1f: {  	s9 =	smul.u32 $0xF7A, s1;
	s8 =	simm.s32 @!p0 $0x1BF5;
	p2 =	por !p2, p0  }
0x20: {  	[sflag:s8] =	ssyncset.s32 @!p0 $0xFFFFF086;
	s6 =	sadd.s32 @!p0 s3, s7;
	s7 =	simm.s32 @!p0 $0x108  }
0x21: {  	s3 =	sadd.s32 s3, s9;
	s6 =	sadd.s32 @!p0 $0x88, s6;
	s7 =	simm.s32 @p2 $0x1082  }
0x22: {  	[simem:s7], [sflag:s8] =	dma.local @!p0 [hbm:s6], $0xF7A  }
0x23: {  	s9 =	sor.u32 $0xD0000000, s2;
	s6 =	simm.s32 $0x108;
	_ =	swait.ge @!p0 [sflag:s8], $0x0  }
0x24: {  	s3 =	sadd.s32 $0x88, s3;
	s6 =	simm.s32 @!p1 $0x1082;
	[sflag:s4] =	ssyncset.s32 $0xFFFFF086  }
0x25: {  	[simem:s6], [sflag:s4] =	dma.local [hbm:s3], $0xF7A  }
0x26: {  	[smem:$0x3F8C] =	sst s1;
	(tag) =	ssettag s2;
	_ =	strace s9  }
0x27: {  	s1 =	sld [smem:$0x3F9C]  }
0x28: {  	s2 =	sld [smem:$0x3F9D]  }
0x29: {  	s4 =	sld [smem:$0x3F9F]  }
0x2a: {  	p0 =	seq.s32 s5, $0x0;
	s5 =	sld [smem:$0x3FA0]  }
0x2b: {  	s6 =	sld [smem:$0x3FA1]  }
0x2c: {  	s7 =	sld [smem:$0x3FA2]  }
0x2d: {  	s3 =	simm.s32 $0x108;
	s8 =	sld [smem:$0x3FA3]  }
0x2e: {  	s3 =	simm.s32 @!p0 $0x1082;
	s9 =	sld [smem:$0x3FA4]  }
0x2f: {  	lr =	sadd.s32 s0, s3;
	s0 =	sld [smem:$0x3F9B]  }
0x30: {  	s3 =	sld [smem:$0x3F9E]  }
0x31: {  	[smem:$0x3FA7] =	sst s10  }
0x32: {  	s10 =	sld [smem:$0x3FA5];
	_ =	sdelay $0x3  }
0x33: {  	p0 =	seq.s32 s10, $0x1;
	s10 =	sld [smem:$0x3FA7];
	_ =	sdelay $0x3  }
0x34: {  	[smem:$0x3FA7] =	sst s10  }
0x35: {  	s10 =	sld [smem:$0x3FA6];
	_ =	sdelay $0x3  }
0x36: {  	p1 =	seq.s32 s10, $0x1;
	s10 =	sld [smem:$0x3FA7];
	_ =	sdelay $0x3  }
0x37: {  	[smem:$0x3FA7] =	sst s10  }
0x38: {  	s10 =	sld [smem:$0x3FA8]  }
0x39: {  	_ = 	snop;
	(pc) =	sbr.ind lr, $3  }
0x3a: {  	_ = 	snop  }
0x3b: {  	_ = 	snop  }
0x3c: {  	p2 =	seq.s32 s10, $0x1;
	s10 =	sld [smem:$0x3FA7]  }
0x3d: {  	_ =	shalt  }
0x3e: {  	_ =	shalt  }
0x3f: {  	_ =	shalt  }
0x40: {  	_ =	shalt  }
0x41: {  	_ =	shalt  }
0x42: {  	_ =	shalt  }
0x43: {  	_ =	shalt  }
0x44: {  	_ =	shalt  }
0x45: {  	_ =	shalt  }
0x46: {  	_ =	shalt  }
0x47: {  	_ =	shalt  }
0x48: {  	_ =	shalt  }
0x49: {  	_ =	shalt  }
0x4a: {  	_ =	shalt  }
0x4b: {  	_ =	shalt  }
0x4c: {  	_ =	shalt  }
0x4d: {  	_ =	shalt  }
0x4e: {  	_ =	shalt  }
0x4f: {  	_ =	shalt  }
0x50: {  	_ =	shalt  }
0x51: {  	_ =	shalt  }
0x52: {  	_ =	shalt  }
0x53: {  	_ =	shalt  }
0x54: {  	_ =	shalt  }
0x55: {  	_ =	shalt  }
0x56: {  	_ =	shalt  }
0x57: {  	_ =	shalt  }
0x58: {  	_ =	shalt  }
0x59: {  	_ =	shalt  }
0x5a: {  	_ =	shalt  }
0x5b: {  	_ =	shalt  }
0x5c: {  	_ =	shalt  }
0x5d: {  	_ =	shalt  }
0x5e: {  	_ =	shalt  }
0x5f: {  	_ =	shalt  }
0x60: {  	_ =	shalt  }
0x61: {  	_ =	shalt  }
0x62: {  	_ =	shalt  }
0x63: {  	_ =	shalt  }
0x64: {  	_ =	shalt  }
0x65: {  	_ =	shalt  }
0x66: {  	_ =	shalt  }
0x67: {  	_ =	shalt  }
0x68: {  	_ =	shalt  }
0x69: {  	_ =	shalt  }
0x6a: {  	_ =	shalt  }
0x6b: {  	_ =	shalt  }
0x6c: {  	_ =	shalt  }
0x6d: {  	_ =	shalt  }
0x6e: {  	_ =	shalt  }
0x6f: {  	_ =	shalt  }
0x70: {  	_ =	shalt  }
0x71: {  	_ =	shalt  }
0x72: {  	_ =	shalt  }
0x73: {  	_ =	shalt  }
0x74: {  	_ =	shalt  }
0x75: {  	_ =	shalt  }
0x76: {  	_ =	shalt  }
0x77: {  	_ =	shalt  }
0x78: {  	_ =	shalt  }
0x79: {  	_ =	shalt  }
0x7a: {  	_ =	shalt  }
0x7b: {  	_ =	shalt  }
0x7c: {  	_ =	shalt  }
0x7d: {  	_ =	shalt  }
0x7e: {  	_ =	shalt  }
0x7f: {  	_ =	shalt  }
0x80: {  	_ =	shalt  }
0x81: {  	_ =	shalt  }
0x82: {  	_ =	shalt  }
0x83: {  	_ =	shalt  }
0x84: {  	_ =	shalt  }
0x85: {  	_ =	shalt  }
0x86: {  	_ =	shalt  }
0x87: {  	_ =	shalt  }
.Lfunc_end0:
.L_simem_size_0:
called_computation.2_lowered:
.L_overlay_start_0:
0x88: {  	s2 =	sld [smem:$0x3FD9]  }
0x89: {  	s3 =	sld [smem:$0x3FFE];
	_ =	sdelay $0x1  }
0x8a: {  	s1 =	srdreg.scid  }
0x8b: {  	s0 =	sand.u32 $0x1, s1  }
0x8c: {  	s16 =	sshll.u32 s0, $0xA;
	s2 =	sadd.s32 s3, s2  }
0x8d: {  	s2 =	sadd.s32 s2, s16  }
0x8e: {  	[smem:$0x3FB3] =	sst s2  }
0x8f: {  	_ = 	snop  }
0x90: {  	(tm) =	ssettm $0x1  }
0x91: {  	s17 =	sld [smem:$0x3FFB];
	_ =	sdelay $0x3  }
0x92: {  	_ =	strace s17  }
0x93: {  	s2 =	sld [smem:$0x3FFC];
	_ =	sdelay $0x3  }
0x94: {  	_ =	strace s2  }
0x95: {  	s2 =	sld [smem:$0x3FFD];
	_ =	sdelay $0x3  }
0x96: {  	_ =	strace s2  }
0x97: {  	_ =	strace $0x8FFFFFFF  }
0x98: {  	s18 =	sld [smem:$0x3FDB];
	_ =	sdelay $0x1  }
0x99: {  	s19 =	simm.s32 $_scs_section_size  }
0x9a: {  	s4 =	simm.s32 $_size__tile_overlayer_lowered;
	s5 =	simm.s32 $_tile_overlayer_lowered  }
0x9b: {  	s22 =	simm.s32 $0x1BFF;
	s21 =	sshll.u32 s5, $0x1;
	s2 =	sadd.s32 s19, s18  }
0x9c: {  	s6 =	simm.s32 $0x0;
	s20 =	sshll.u32 s4, $0x1;
	s4 =	sadd.s32 s21, s2  }
0x9d: {  	[timem:s6], [sflag:s22] =	dma.local [hbm:s4], s20  }
0x9e: {  	_ =	swait.ge [sflag:s22], s20  }
0x9f: {  	s3 =	ssub.s32 $0x0, s20;
	[sflag:s22] =	ssyncset.done $0x0  }
0xa0: {  	[sflag:s22] =	ssyncadd.s32 s3;
	_ =	sdelay $0x1  }
0xa1: {  	s23 =	simm.s32 $0x1B8B  }
0xa2: {  	_ =	swait.ge [sflag:s23], $0x1  }
0xa3: {  	[sflag:s23] =	ssyncset.done $0x0  }
0xa4: {  	s25 =	simm.s32 $0x1B8E;
	s24 =	sld [smem:$0x3FFE];
	[sflag:s23] =	ssyncadd.s32 $0xFFFFFFFF  }
0xa5: {  	s26 =	simm.s32 $execute0_lowered;
	[smem:$0x3FD2] =	sst s25  }
0xa6: {  	s4 =	sshll.u32 s26, $0x1;
	_ =	strace $0x8000004C;
	[dreg:$0x1] =	wrdreg $0xFFFFFFFF  }
0xa7: {  	s28 =	simm.s32 $_size_execute0_lowered;
	s2 =	sadd.s32 s2, s4;
	[dreg:$0x0] =	wrdreg $0x0  }
0xa8: {  	s4 =	sshll.u32 s28, $0x1;
	[dreg:$0x2] =	wrdreg s2  }
0xa9: {  	[dreg:$0x3] =	wrdreg s4  }
0xaa: {  	[dreg:$0x4] =	wrdreg $0xC0  }
0xab: {  	_ =	task [dreg:s6], $0x5FFFF  }
0xac: {  	[dreg:$0x1] =	wrdreg $0xFFFFFFFF  }
0xad: {  	[dreg:$0x0] =	wrdreg $0x60  }
0xae: {  	[dreg:$0x2] =	wrdreg s24  }
0xaf: {  	[dreg:$0x3] =	wrdreg $0xBD000  }
0xb0: {  	[dreg:$0x4] =	wrdreg $0x9  }
0xb1: {  	_ =	task.clear_ibuf [dreg:s6], $0x5FFFF;
	_ =	strace $0x9000004C  }
0xb2: {  	s29 =	simm.s32 $0x9;
	_ =	strace $0x8000004E  }
0xb3: {  	_ =	swait.ge [sflag:s29], $0x1  }
0xb4: {  	[sflag:s29] =	ssyncadd.s32 $0xFFFFFFFF  }
0xb5: {  	_ =	strace $0x9000004E  }
0xb6: {  	_ =	sfence  }
0xb7: {  	s30 =	sld [smem:$0x0];
	_ =	sdelay $0x2  }
0xb8: {  	s31 =	sshll.u32 s1, $0xD;
	s1 =	sshrl.u32 s1, $0x2  }
0xb9: {  	s3 =	sand.u32 $0x4000, s31;
	s1 =	sadd.s32 s1, s30  }
0xba: {  	s0 =	sor.u32 s3, s0;
	s1 =	sshll.u32 s1, $0x11  }
0xbb: {  	s0 =	sor.u32 s1, s0  }
0xbc: {  	s0 =	sadd.s32 $0x8F2B, s0  }
0xbd: {  	[sflag:s0] =	ssyncadd.remote.s32 $0x1  }
0xbe: {  	_ =	sfence.sel $0xFFFF  }
0xbf: {  	[dreg:$0x0] =	wrdreg $0xFFFFFFFF;
	(pc) =	sbr.abs _section_cstart, $3  }
0xc0: {  	[dreg:$0x1] =	wrdreg $0xFFFFFFFF  }
0xc1: {  	_ =	task.clear_ibuf [dreg:s6], $0x2FFFF;
	_ =	strace $0x9FFFFFFF  }
0xc2: {  	(tm) =	ssettm $0x7FFFFFFF  }
0xc3: {  	_ =	shalt  }
tec
execute0_lowered:
.L_overlay_start_1:
0x0: {  	(tag) =	ssettag $0x1  }
0x1: {  	s0 =	rddreg [dreg:$0x0]  }
0x2: {  	s2 =	rddreg [dreg:$0x1];
	s9 =	stileid.u32  }
0x3: {  	s3 =	simm.s32 $0x0;
	s1 =	srdreg.scid;
	s16 =	simm.s32 $0x5  }
0x4: {  	s17 =	simm.s32 $0x20;
	s18 =	simm.s32 $0x3D00;
	s4 =	smul.u32 $0x78, s9  }
0x5: {  	s31 =	simm.s32 $0x7D00;
	s28 =	simm.s32 $0x0;
	s5 =	smul.u32 $0x28, s9  }
0x6: {  	[smem:$0x7FF] =	sst s3;
	s1 =	sand.u32 $0x1, s1;
	s7 =	smul.u32 $0x14000, s9  }
0x7: {  	s24 =	smul.u32 $0x50000, s9;
	s26 =	sshll.u32 s9, $0x6;
	p0 =	seq.s32 s1, $0x0  }
0x8: {  	_ =	strace $0x8000004D;
	s22 =	smul.u32 $0x140000, s1;
	s1 =	ssub.s32 $0x2, s1  }
0x9: {  	[dreg:$0x5] =	wrdreg s31;
	s6 =	sadd.s32 $0x280, s4;
	s4 =	sadd.s32 $0x3F200, s0  }
0xa: {  	s8 =	sshrl.u32 s7, $0x3;
	s25 =	sshrl.u32 s1, $0x1;
	s6 =	smov.u32 @p0 s5  }
0xb: {  	s23 =	sadd.s32 s8, s0;
	s5 =	sadd.s32 s7, s22;
	s1 =	ssub.s32 s1, s25  }
0xc: {  	s7 =	sshrl.u32 s24, $0x2;
	s24 =	simm.s32 $0x80;
	s25 =	simm.s32 $0x1  }
0xd: {  	s6 =	sshll.u32 s6, $0x4;
	s5 =	sshrl.u32 s5, $0x3;
	s15 =	sadd.s32 s7, s2  }
0xe: {  	s7 =	sor.u32 $0x1C05, s26;
	s26 =	simm.s32 $0x2;
	s14 =	sadd.s32 s6, s0  }
0xf: {  	s0 =	sadd.s32 s5, s0;
	s5 =	simm.s32 $0x28;
	s6 =	sadd.s32 $0x17200, s23  }
0x10: {  	s15 =	sshrl.u32 s15, $0x3;
	s5 =	simm.s32 @!p0 $0x78;
	[dreg:$0x6] =	wrdreg s6  }
0x11: {  	s29 =	sadd.s32 $0xD200, s14;
	s9 =	sadd.s32 $0x8FA00, s14;
	s10 =	sadd.s32 $0x8FA10, s14  }
0x12: {  	s12 =	sadd.s32 $0x99A00, s0;
	[dreg:$0x7] =	wrdreg s29;
	s13 =	sadd.s32 $0xFFFFFFFE, s5  }
0x13: {  	s14 =	sadd.s32 $0x8FA30, s14;
	s30 =	sadd.s32 $0xFFFFFFFD, s5;
	[dreg:$0x3] =	wrdreg s13  }
0x14: {  	s11 =	sshrl.u32 s5, $0x1;
	s13 =	smax.u32 s1, $0x1;
	[dreg:$0x4] =	wrdreg s30  }
.LBB2_1:
0x15: {  	s0 =	rddreg [dreg:$0x6]  }
0x16: {  	[spmem:s15], [sflag:s7] =	dma.local [hbm:s0], $0x2800  }
0x17: {  	_ =	swait.ge [sflag:s16], $0x2800  }
0x18: {  	[sflag:s16] =	ssyncset.done $0x0  }
0x19: {  	s8 =	simm.s32 $0x100;
	s1 =	rddreg [dreg:$0x7];
	[sflag:s16] =	ssyncadd.s32 $0xFFFFD800  }
0x1a: {  	[tilespmem:s8], [sflag:$0x5] =	stream.linear.gather [hbm4b:s1+s3], $0x3C00, $0x38;
	[tilespmem:$0x1FD00] =	vst v63  }
0x1b: {  	_ =	swait.ge [sflag:s16], $0x3C00  }
0x1c: {  	[sflag:s16] =	ssyncset.done $0x0  }
0x1d: {  	[sflag:s16] =	ssyncadd.s32 $0xFFFFC400  }
0x1e: {  	[tilespmem:s3], [sflag:$0x5] =	stream.linear.gather [hbm4b:s9+s3], $0x80, $0x38;
	[tilespmem:$0x1FD00] =	vst v63  }
0x1f: {  	_ =	swait.ge [sflag:s16], $0x80  }
0x20: {  	[sflag:s16] =	ssyncset.done $0x0  }
0x21: {  	[sflag:s16] =	ssyncadd.s32 $0xFFFFFF80  }
0x22: {  	[bflag:$0x0] =	sbarrier.arrive $0xFFFF  }
0x23: {  	[tilespmem:s18], [sflag:$0x1] =	stream.indirect.gather [hbm4b:s4+s17], $0x80, s3, s17, $0xb8;
	[tilespmem:$0x1FD00] =	vst v63  }
0x24: {  	s19 =	simm.s32 $0x4D00  }
0x25: {  	[tilespmem:s19], [sflag:$0x1] =	stream.indirect.gather [hbm4b:s4+s17], $0x80, s17, s17, $0xb8;
	[tilespmem:$0x1FD00] =	vst v63  }
0x26: {  	s20 =	simm.s32 $0x40;
	s6 =	simm.s32 $0x5D00  }
0x27: {  	[tilespmem:s6], [sflag:$0x1] =	stream.indirect.gather [hbm4b:s4+s17], $0x80, s20, s17, $0xb8;
	[tilespmem:$0x1FD00] =	vst v63  }
0x28: {  	s21 =	simm.s32 $0x60;
	s22 =	simm.s32 $0x6D00  }
0x29: {  	[tilespmem:s22], [sflag:$0x1] =	stream.indirect.gather [hbm4b:s4+s17], $0x80, s21, s17, $0xb8;
	[tilespmem:$0x1FD00] =	vst v63  }
0x2a: {  	_ = 	snop  }
0x2b: {  	[tilespmem:s24], [sflag:$0x4] =	stream.linear.gather [hbm4b:s10+s3], $0x80, $0x38;
	[tilespmem:$0x1FD00] =	vst v63  }
0x2c: {  	_ =	swait.ge [sflag:s25], $0x1000  }
0x2d: {  	[sflag:s25] =	ssyncset.done $0x0  }
0x2e: {  	[sflag:s25] =	ssyncadd.s32 $0xFFFFF000  }
0x2f: {  	_ =	swait.ge [sflag:s25], $0x1000  }
0x30: {  	[sflag:s25] =	ssyncset.done $0x0  }
0x31: {  	[sflag:s25] =	ssyncadd.s32 $0xFFFFF000  }
0x32: {  	_ =	swait.ge [sflag:s25], $0x1000  }
0x33: {  	[sflag:s25] =	ssyncset.done $0x0  }
0x34: {  	[sflag:s25] =	ssyncadd.s32 $0xFFFFF000  }
0x35: {  	_ =	swait.ge [sflag:s25], $0x1000  }
0x36: {  	p1 =	sle.u32 s5, $0x1;
	[sflag:s25] =	ssyncset.done $0x0  }
0x37: {  	s1 =	simm.s32 @!p1 $0x4;
	[sflag:s25] =	ssyncadd.s32 $0xFFFFF000  }
0x38: {  	_ =	swait.ge @!p1 [sflag:s1], $0x80  }
0x39: {  	s19 =	simm.s32 @!p1 $0x7D00;
	[sflag:s1] =	ssyncset.done @!p1 $0x0  }
0x3a: {  	s20 =	simm.s32 @!p1 $0x80;
	[sflag:s1] =	ssyncadd.s32 @!p1 $0xFFFFFF80;
	s1 =	simm.s32 @!p1 $0x20  }
0x3b: {  	[tilespmem:s19], [sflag:$0x2] =	stream.indirect.gather @!p1 [hbm4b:s4+s1], $0x80, s20, s1, $0xb8;
	[tilespmem:$0x1FD00] =	vst v63  }
0x3c: {  	s19 =	simm.s32 @!p1 $0xA0;
	s20 =	simm.s32 @!p1 $0x8D00  }
0x3d: {  	[tilespmem:s20], [sflag:$0x2] =	stream.indirect.gather @!p1 [hbm4b:s4+s1], $0x80, s19, s1, $0xb8;
	[tilespmem:$0x1FD00] =	vst v63  }
0x3e: {  	s29 =	rddreg [dreg:$0x3];
	s19 =	simm.s32 @!p1 $0xC0;
	s20 =	simm.s32 @!p1 $0x9D00  }
0x3f: {  	[tilespmem:s20], [sflag:$0x2] =	stream.indirect.gather @!p1 [hbm4b:s4+s1], $0x80, s19, s1, $0xb8;
	[tilespmem:$0x1FD00] =	vst v63  }
0x40: {  	p0 =	sle.u32 s29, $0x0;
	s19 =	simm.s32 @!p1 $0xAD00;
	s20 =	simm.s32 @!p1 $0xE0  }
0x41: {  	[tilespmem:s19], [sflag:$0x2] =	stream.indirect.gather @!p1 [hbm4b:s4+s1], $0x80, s20, s1, $0xb8;
	[tilespmem:$0x1FD00] =	vst v63  }
0x42: {  	s1 =	sadd.s32 @!p0 $0xFFFFFFF0, s14;
	s19 =	simm.s32 @!p0 $0x0  }
0x43: {  	[tilespmem:s19], [sflag:$0x3] =	stream.linear.gather @!p0 [hbm4b:s1+s19], $0x80, $0x38;
	[tilespmem:$0x1FD00] =	vst v63  }
0x44: {  	_ = 	snop  }
0x45: {  	[spmem:s2] =	stream.indirect.scatter.add.f32 [tilespmem:s18], [sflag:$0x5], $0x80, s8, s24, $0xb8;
	[tilespmem:$0x1FD00] =	vst v63  }
0x46: {  	_ =	swait.ge [sflag:s16], $0x4000  }
0x47: {  	[sflag:s16] =	ssyncset.done $0x0  }
0x48: {  	[sflag:s16] =	ssyncadd.s32 $0xFFFFC000  }
0x49: {  	_ =	swait.ge [sflag:s26], $0x1000  }
0x4a: {  	[sflag:s26] =	ssyncset.done $0x0  }
0x4b: {  	[sflag:s26] =	ssyncadd.s32 $0xFFFFF000  }
0x4c: {  	_ =	swait.ge [sflag:s26], $0x1000  }
0x4d: {  	[sflag:s26] =	ssyncset.done $0x0  }
0x4e: {  	[sflag:s26] =	ssyncadd.s32 $0xFFFFF000  }
0x4f: {  	_ =	swait.ge [sflag:s26], $0x1000  }
0x50: {  	[sflag:s26] =	ssyncset.done $0x0  }
0x51: {  	[sflag:s26] =	ssyncadd.s32 $0xFFFFF000  }
0x52: {  	_ =	swait.ge [sflag:s26], $0x1000  }
0x53: {  	[sflag:s26] =	ssyncset.done $0x0  }
0x54: {  	s0 =	simm.s32 @!p0 $0x3;
	[sflag:s26] =	ssyncadd.s32 $0xFFFFF000  }
0x55: {  	_ =	swait.ge @!p0 [sflag:s0], $0x80  }
0x56: {  	[sflag:s0] =	ssyncset.done @!p0 $0x0  }
0x57: {  	s1 =	simm.s32 @!p0 $0x3D00;
	[sflag:s0] =	ssyncadd.s32 @!p0 $0xFFFFFF80;
	s0 =	simm.s32 @!p0 $0x20  }
0x58: {  	[tilespmem:s1], [sflag:$0x1] =	stream.indirect.gather @!p0 [hbm4b:s4+s0], $0x80, s19, s0, $0xb8;
	[tilespmem:$0x1FD00] =	vst v63  }
0x59: {  	s1 =	simm.s32 @!p0 $0x4D00  }
0x5a: {  	[tilespmem:s1], [sflag:$0x1] =	stream.indirect.gather @!p0 [hbm4b:s4+s0], $0x80, s0, s0, $0xb8;
	[tilespmem:$0x1FD00] =	vst v63  }
0x5b: {  	s20 =	simm.s32 @!p0 $0x5D00;
	s1 =	simm.s32 @!p0 $0x40  }
0x5c: {  	[tilespmem:s20], [sflag:$0x1] =	stream.indirect.gather @!p0 [hbm4b:s4+s0], $0x80, s1, s0, $0xb8;
	[tilespmem:$0x1FD00] =	vst v63  }
0x5d: {  	s29 =	sadd.s32 $0xFFFFFFFF, s11;
	s1 =	simm.s32 @!p0 $0x6D00;
	s20 =	simm.s32 @!p0 $0x60  }
0x5e: {  	[tilespmem:s1], [sflag:$0x1] =	stream.indirect.gather @!p0 [hbm4b:s4+s0], $0x80, s20, s0, $0xb8;
	[tilespmem:$0x1FD00] =	vst v63  }
0x5f: {  	p0 =	sne.s32 s29, $0x0  }
.Ltmp0:
0x60: {  	s23 =	rddreg [dreg:$0x4];
	(pc) =	sbr.rel @!p0 .LBB2_3-.Ltmp0, $4  }
0x61: {  	s31 =	simm.s32 $0x180;
	p1 =	sle.u32 s23, $0x0  }
0x62: {  	s30 =	simm.s32 $0x200;
	s0 =	simm.s32 @!p1 $0x0;
	s1 =	simm.s32 @!p1 $0x80  }
0x63: {  	[tilespmem:s1], [sflag:$0x4] =	stream.linear.gather @!p1 [hbm4b:s14+s0], $0x80, $0x38;
	[tilespmem:$0x1FD00] =	vst v63  }
0x64: {  	s20 =	rddreg [dreg:$0x5];
	s0 =	sadd.s32 $0x20, s14;
	s1 =	simm.s32 $0x0  }
.LBB2_2:
0x65: {  	[spmem:s2] =	stream.indirect.scatter.add.f32 [tilespmem:s20], [sflag:$0x5], $0x80, s31, s24, $0xb8;
	[tilespmem:$0x1FD00] =	vst v63  }
0x66: {  	_ =	swait.ge [sflag:s16], $0x4000  }
0x67: {  	[sflag:s16] =	ssyncset.done $0x0  }
0x68: {  	[sflag:s16] =	ssyncadd.s32 $0xFFFFC000  }
0x69: {  	_ =	swait.ge [sflag:s25], $0x1000  }
0x6a: {  	[sflag:s25] =	ssyncset.done $0x0  }
0x6b: {  	[sflag:s25] =	ssyncadd.s32 $0xFFFFF000  }
0x6c: {  	_ =	swait.ge [sflag:s25], $0x1000  }
0x6d: {  	[sflag:s25] =	ssyncset.done $0x0  }
0x6e: {  	[sflag:s25] =	ssyncadd.s32 $0xFFFFF000  }
0x6f: {  	_ =	swait.ge [sflag:s25], $0x1000  }
0x70: {  	[sflag:s25] =	ssyncset.done $0x0  }
0x71: {  	s1 =	sadd.s32 $0x2, s1;
	[sflag:s25] =	ssyncadd.s32 $0xFFFFF000  }
0x72: {  	s23 =	sadd.s32 $0x1, s1;
	_ =	swait.ge [sflag:s25], $0x1000  }
0x73: {  	p2 =	sge.u32 s23, s5;
	[sflag:s25] =	ssyncset.done $0x0  }
0x74: {  	s20 =	simm.s32 @!p2 $0x4;
	[sflag:s25] =	ssyncadd.s32 $0xFFFFF000  }
0x75: {  	_ =	swait.ge @!p2 [sflag:s20], $0x80  }
0x76: {  	s21 =	simm.s32 @!p2 $0x7D00;
	[sflag:s20] =	ssyncset.done @!p2 $0x0  }
0x77: {  	s22 =	simm.s32 @!p2 $0x80;
	[sflag:s20] =	ssyncadd.s32 @!p2 $0xFFFFFF80;
	s20 =	simm.s32 @!p2 $0x20  }
0x78: {  	[tilespmem:s21], [sflag:$0x2] =	stream.indirect.gather @!p2 [hbm4b:s4+s20], $0x80, s22, s20, $0xb8;
	[tilespmem:$0x1FD00] =	vst v63  }
0x79: {  	s21 =	simm.s32 @!p2 $0xA0;
	s22 =	simm.s32 @!p2 $0x8D00  }
0x7a: {  	[tilespmem:s22], [sflag:$0x2] =	stream.indirect.gather @!p2 [hbm4b:s4+s20], $0x80, s21, s20, $0xb8;
	[tilespmem:$0x1FD00] =	vst v63  }
0x7b: {  	s23 =	rddreg [dreg:$0x3];
	s21 =	simm.s32 @!p2 $0xC0;
	s22 =	simm.s32 @!p2 $0x9D00  }
0x7c: {  	[tilespmem:s22], [sflag:$0x2] =	stream.indirect.gather @!p2 [hbm4b:s4+s20], $0x80, s21, s20, $0xb8;
	[tilespmem:$0x1FD00] =	vst v63  }
0x7d: {  	p1 =	sge.u32 s1, s23;
	s21 =	simm.s32 @!p2 $0xAD00;
	s22 =	simm.s32 @!p2 $0xE0  }
0x7e: {  	[tilespmem:s21], [sflag:$0x2] =	stream.indirect.gather @!p2 [hbm4b:s4+s20], $0x80, s22, s20, $0xb8;
	[tilespmem:$0x1FD00] =	vst v63  }
0x7f: {  	s23 =	sadd.s32 @!p1 $0xFFFFFFF0, s0;
	s6 =	simm.s32 @!p1 $0x0  }
0x80: {  	[tilespmem:s6], [sflag:$0x3] =	stream.linear.gather @!p1 [hbm4b:s23+s6], $0x80, $0x38;
	[tilespmem:$0x1FD00] =	vst v63  }
0x81: {  	_ = 	snop  }
0x82: {  	[spmem:s2] =	stream.indirect.scatter.add.f32 [tilespmem:s18], [sflag:$0x5], $0x80, s30, s24, $0xb8;
	[tilespmem:$0x1FD00] =	vst v63  }
0x83: {  	_ =	swait.ge [sflag:s16], $0x4000  }
0x84: {  	[sflag:s16] =	ssyncset.done $0x0  }
0x85: {  	[sflag:s16] =	ssyncadd.s32 $0xFFFFC000  }
0x86: {  	_ =	swait.ge [sflag:s26], $0x1000  }
0x87: {  	[sflag:s26] =	ssyncset.done $0x0  }
0x88: {  	[sflag:s26] =	ssyncadd.s32 $0xFFFFF000  }
0x89: {  	_ =	swait.ge [sflag:s26], $0x1000  }
0x8a: {  	[sflag:s26] =	ssyncset.done $0x0  }
0x8b: {  	[sflag:s26] =	ssyncadd.s32 $0xFFFFF000  }
0x8c: {  	_ =	swait.ge [sflag:s26], $0x1000  }
0x8d: {  	[sflag:s26] =	ssyncset.done $0x0  }
0x8e: {  	[sflag:s26] =	ssyncadd.s32 $0xFFFFF000  }
0x8f: {  	_ =	swait.ge [sflag:s26], $0x1000  }
0x90: {  	[sflag:s26] =	ssyncset.done $0x0  }
0x91: {  	s20 =	simm.s32 @!p1 $0x3;
	[sflag:s26] =	ssyncadd.s32 $0xFFFFF000  }
0x92: {  	s29 =	sadd.s32 $0xFFFFFFFF, s29;
	_ =	swait.ge @!p1 [sflag:s20], $0x80  }
0x93: {  	s19 =	sadd.s32 $0x80, s30;
	p0 =	sne.s32 s29, $0x0;
	[sflag:s20] =	ssyncset.done @!p1 $0x0  }
0x94: {  	s21 =	simm.s32 @!p1 $0x3D00;
	[sflag:s20] =	ssyncadd.s32 @!p1 $0xFFFFFF80;
	s20 =	simm.s32 @!p1 $0x20  }
0x95: {  	[tilespmem:s21], [sflag:$0x1] =	stream.indirect.gather @!p1 [hbm4b:s4+s20], $0x80, s6, s20, $0xb8;
	[tilespmem:$0x1FD00] =	vst v63  }
0x96: {  	s31 =	smov.u32 s19;
	s19 =	smov.u32 s0;
	s6 =	simm.s32 @!p1 $0x4D00  }
0x97: {  	[tilespmem:s6], [sflag:$0x1] =	stream.indirect.gather @!p1 [hbm4b:s4+s20], $0x80, s20, s20, $0xb8;
	[tilespmem:$0x1FD00] =	vst v63  }
0x98: {  	s8 =	simm.s32 @!p1 $0x60;
	s23 =	simm.s32 @!p1 $0x5D00;
	s6 =	simm.s32 @!p1 $0x40  }
0x99: {  	[tilespmem:s23], [sflag:$0x1] =	stream.indirect.gather @!p1 [hbm4b:s4+s20], $0x80, s6, s20, $0xb8;
	[tilespmem:$0x1FD00] =	vst v63  }
.Ltmp1:
0x9a: {  	s0 =	sadd.s32 $0x20, s0;
	s22 =	rddreg [dreg:$0x4];
	(pc) =	sbr.rel @p0 .LBB2_2-.Ltmp1, $4  }
0x9b: {  	s30 =	sadd.s32 $0x100, s30;
	p2 =	sge.u32 s1, s22;
	s21 =	simm.s32 @!p1 $0x6D00  }
0x9c: {  	[tilespmem:s21], [sflag:$0x1] =	stream.indirect.gather @!p1 [hbm4b:s4+s20], $0x80, s8, s20, $0xb8;
	[tilespmem:$0x1FD00] =	vst v63  }
0x9d: {  	s6 =	simm.s32 @!p2 $0x0;
	s8 =	simm.s32 @!p2 $0x80;
	s20 =	rddreg [dreg:$0x5]  }
0x9e: {  	[tilespmem:s8], [sflag:$0x4] =	stream.linear.gather @!p2 [hbm4b:s19+s6], $0x80, $0x38;
	[tilespmem:$0x1FD00] =	vst v63  }
.LBB2_3:
0x9f: {  	[spmem:s2] =	stream.indirect.scatter.add.f32 [tilespmem:s20], [sflag:$0x5], $0x80, s31, s24, $0xb8;
	[tilespmem:$0x1FD00] =	vst v63  }
0xa0: {  	_ =	swait.ge [sflag:s16], $0x4000  }
0xa1: {  	s28 =	sadd.s32 $0x1, s28;
	[sflag:s16] =	ssyncset.done $0x0  }
0xa2: {  	p0 =	sne.s32 s28, s13;
	[sflag:s16] =	ssyncadd.s32 $0xFFFFC000  }
.Ltmp2:
0xa3: {  	[bflag:$0x0] =	sbarrier.arrive $0xFFFF;
	(pc) =	sbr.rel @p0 .LBB2_1-.Ltmp2, $4  }
0xa4: {  	[hbm:s12], [sflag:s7] =	dma.local [spmem:s15], $0x2800  }
0xa5: {  	_ =	swait.ge [sflag:s16], $0x2800  }
0xa6: {  	[sflag:s16] =	ssyncset.done $0x0  }
0xa7: {  	[sflag:s16] =	ssyncadd.s32 $0xFFFFD800  }
0xa8: {  	_ =	sfence.sel $0x180000  }
0xa9: {  	[bflag:$0x0] =	sbarrier.arrive $0xFFFF  }
0xaa: {  	_ =	strace $0x9000004D  }
0xab: {  	s0 =	stileid.u32;
	[bflag:$0x2] =	sbarrier.arrive $0xFFFF  }
0xac: {  	p0 =	sne.s32 s0, $0x0;
	s0 =	rddreg [dreg:$0x2]  }
0xad: {  	s0 =	sadd.s32 @!p0 $0x100000, s0  }
0xae: {  	[sflag:s0] =	ssyncadd.tile.s32 @!p0 $0x1;
	_ =	shalt  }
.Lfunc_end2:
_tile_overlayer_lowered:
.L_overlay_start_2:
0xaf: {  	(tag) =	ssettag $0x2  }
0xb0: {  	s0 =	rddreg [dreg:$0x0];
	s2 =	stileid.u32  }
0xb1: {  	s1 =	rddreg [dreg:$0x1];
	p0 =	sne.s32 s2, $0x0  }
0xb2: {  	s3 =	rddreg [dreg:$0x2];
	[bflag:$0x3] =	sbarrier.arrive $0xFFFF;
	s2 =	simm.s32 @!p0 $0x1C05  }
0xb3: {  	[timem:s3], [sflag:s2] =	dma.local @!p0 [hbm:s0], s1  }
0xb4: {  	s0 =	simm.s32 @!p0 $0x5  }
0xb5: {  	_ =	swait.ge @!p0 [sflag:s0], s1  }
0xb6: {  	s1 =	ssub.s32 @!p0 $0x0, s1;
	[sflag:s0] =	ssyncset.done @!p0 $0x0  }
0xb7: {  	[sflag:s0] =	ssyncadd.s32 @!p0 s1  }
0xb8: {  	[bflag:$0x3] =	sbarrier.arrive $0xFFFF  }
0xb9: {  	_ =	shalt  }

// kernel: kernel.22.cloned.1.call-start
scs
__scs_entry_jumppad:
0x0: {  	(pc) =	sbr.rel $0x88, $3  }
0x1: {  	(tag) =	ssettag $0x0;
	lr =	simm.s32 $0x1  }
0x2: {  	[smem:$0x3F8C] =	sst lr;
	_ =	strace $0xD0000000  }
0x3: {  	_ = 	snop  }
0x4: {  	_ = 	snop  }
0x5: {  	_ = 	snop  }
0x6: {  	_ = 	snop  }
0x7: {  	_ = 	snop  }
__scs_overlays_trampoline_lowered:
0x8: {  	[smem:$0x3F9B] =	sst s0  }
0x9: {  	[smem:$0x3F9C] =	sst s1  }
0xa: {  	[smem:$0x3F9D] =	sst s2  }
0xb: {  	[smem:$0x3F9E] =	sst s3  }
0xc: {  	[smem:$0x3F9F] =	sst s4  }
0xd: {  	[smem:$0x3FA0] =	sst s5  }
0xe: {  	[smem:$0x3FA1] =	sst s6  }
0xf: {  	[smem:$0x3FA2] =	sst s7  }
0x10: {  	[smem:$0x3FA3] =	sst s8  }
0x11: {  	[smem:$0x3FA4] =	sst s9;
	s0 =	simm.s32 @!p0 $0x0  }
0x12: {  	s1 =	sld [smem:$0x3F8A];
	s0 =	simm.s32 @p0 $0x1  }
0x13: {  	[smem:$0x3FA5] =	sst s0;
	s0 =	simm.s32 @!p1 $0x0  }
0x14: {  	s2 =	sld [smem:$0x3F89];
	s0 =	simm.s32 @p1 $0x1  }
0x15: {  	[smem:$0x3FA6] =	sst s0;
	s0 =	simm.s32 @!p2 $0x0  }
0x16: {  	s3 =	sld [smem:$0x3FDB];
	s0 =	simm.s32 @p2 $0x1  }
0x17: {  	s4 =	simm.s32 $0x1BF5;
	[smem:$0x3FA8] =	sst s0  }
0x18: {  	s0 =	sld [smem:$0x3F8B];
	_ =	swait.ge [sflag:s4], $0x0  }
0x19: {  	s7 =	sld [smem:$0x3F8C]  }
0x1a: {  	s8 =	sadd.s32 $0xFFFFE003, lr  }
0x1b: {  	s9 =	sadd.s32 $0xFFFFFEF7, lr;
	s5 =	simm.s32 $0xFFFFFFFF;
	p2 =	slt.u32 s8, $0xFFFFF086  }
0x1c: {  	p1 =	slt.u32 s9, $0xF7A;
	s5 =	simm.s32 @!p2 $0x0  }
0x1d: {  	s5 =	simm.s32 @p1 $0x1;
	p0 =	seq.s32 s7, s2  }
0x1e: {  	s7 =	smul.u32 @!p0 $0xF7A, s2;
	p2 =	seq.s32 @!p0 s5, $0x0  }
0x1f: {  	s9 =	smul.u32 $0xF7A, s1;
	s8 =	simm.s32 @!p0 $0x1BF5;
	p2 =	por !p2, p0  }
0x20: {  	[sflag:s8] =	ssyncset.s32 @!p0 $0xFFFFF086;
	s6 =	sadd.s32 @!p0 s3, s7;
	s7 =	simm.s32 @!p0 $0x108  }
0x21: {  	s3 =	sadd.s32 s3, s9;
	s6 =	sadd.s32 @!p0 $0x88, s6;
	s7 =	simm.s32 @p2 $0x1082  }
0x22: {  	[simem:s7], [sflag:s8] =	dma.local @!p0 [hbm:s6], $0xF7A  }
0x23: {  	s9 =	sor.u32 $0xD0000000, s2;
	s6 =	simm.s32 $0x108;
	_ =	swait.ge @!p0 [sflag:s8], $0x0  }
0x24: {  	s3 =	sadd.s32 $0x88, s3;
	s6 =	simm.s32 @!p1 $0x1082;
	[sflag:s4] =	ssyncset.s32 $0xFFFFF086  }
0x25: {  	[simem:s6], [sflag:s4] =	dma.local [hbm:s3], $0xF7A  }
0x26: {  	[smem:$0x3F8C] =	sst s1;
	(tag) =	ssettag s2;
	_ =	strace s9  }
0x27: {  	s1 =	sld [smem:$0x3F9C]  }
0x28: {  	s2 =	sld [smem:$0x3F9D]  }
0x29: {  	s4 =	sld [smem:$0x3F9F]  }
0x2a: {  	p0 =	seq.s32 s5, $0x0;
	s5 =	sld [smem:$0x3FA0]  }
0x2b: {  	s6 =	sld [smem:$0x3FA1]  }
0x2c: {  	s7 =	sld [smem:$0x3FA2]  }
0x2d: {  	s3 =	simm.s32 $0x108;
	s8 =	sld [smem:$0x3FA3]  }
0x2e: {  	s3 =	simm.s32 @!p0 $0x1082;
	s9 =	sld [smem:$0x3FA4]  }
0x2f: {  	lr =	sadd.s32 s0, s3;
	s0 =	sld [smem:$0x3F9B]  }
0x30: {  	s3 =	sld [smem:$0x3F9E]  }
0x31: {  	[smem:$0x3FA7] =	sst s10  }
0x32: {  	s10 =	sld [smem:$0x3FA5];
	_ =	sdelay $0x3  }
0x33: {  	p0 =	seq.s32 s10, $0x1;
	s10 =	sld [smem:$0x3FA7];
	_ =	sdelay $0x3  }
0x34: {  	[smem:$0x3FA7] =	sst s10  }
0x35: {  	s10 =	sld [smem:$0x3FA6];
	_ =	sdelay $0x3  }
0x36: {  	p1 =	seq.s32 s10, $0x1;
	s10 =	sld [smem:$0x3FA7];
	_ =	sdelay $0x3  }
0x37: {  	[smem:$0x3FA7] =	sst s10  }
0x38: {  	s10 =	sld [smem:$0x3FA8]  }
0x39: {  	_ = 	snop;
	(pc) =	sbr.ind lr, $3  }
0x3a: {  	_ = 	snop  }
0x3b: {  	_ = 	snop  }
0x3c: {  	p2 =	seq.s32 s10, $0x1;
	s10 =	sld [smem:$0x3FA7]  }
0x3d: {  	_ =	shalt  }
0x3e: {  	_ =	shalt  }
0x3f: {  	_ =	shalt  }
0x40: {  	_ =	shalt  }
0x41: {  	_ =	shalt  }
0x42: {  	_ =	shalt  }
0x43: {  	_ =	shalt  }
0x44: {  	_ =	shalt  }
0x45: {  	_ =	shalt  }
0x46: {  	_ =	shalt  }
0x47: {  	_ =	shalt  }
0x48: {  	_ =	shalt  }
0x49: {  	_ =	shalt  }
0x4a: {  	_ =	shalt  }
0x4b: {  	_ =	shalt  }
0x4c: {  	_ =	shalt  }
0x4d: {  	_ =	shalt  }
0x4e: {  	_ =	shalt  }
0x4f: {  	_ =	shalt  }
0x50: {  	_ =	shalt  }
0x51: {  	_ =	shalt  }
0x52: {  	_ =	shalt  }
0x53: {  	_ =	shalt  }
0x54: {  	_ =	shalt  }
0x55: {  	_ =	shalt  }
0x56: {  	_ =	shalt  }
0x57: {  	_ =	shalt  }
0x58: {  	_ =	shalt  }
0x59: {  	_ =	shalt  }
0x5a: {  	_ =	shalt  }
0x5b: {  	_ =	shalt  }
0x5c: {  	_ =	shalt  }
0x5d: {  	_ =	shalt  }
0x5e: {  	_ =	shalt  }
0x5f: {  	_ =	shalt  }
0x60: {  	_ =	shalt  }
0x61: {  	_ =	shalt  }
0x62: {  	_ =	shalt  }
0x63: {  	_ =	shalt  }
0x64: {  	_ =	shalt  }
0x65: {  	_ =	shalt  }
0x66: {  	_ =	shalt  }
0x67: {  	_ =	shalt  }
0x68: {  	_ =	shalt  }
0x69: {  	_ =	shalt  }
0x6a: {  	_ =	shalt  }
0x6b: {  	_ =	shalt  }
0x6c: {  	_ =	shalt  }
0x6d: {  	_ =	shalt  }
0x6e: {  	_ =	shalt  }
0x6f: {  	_ =	shalt  }
0x70: {  	_ =	shalt  }
0x71: {  	_ =	shalt  }
0x72: {  	_ =	shalt  }
0x73: {  	_ =	shalt  }
0x74: {  	_ =	shalt  }
0x75: {  	_ =	shalt  }
0x76: {  	_ =	shalt  }
0x77: {  	_ =	shalt  }
0x78: {  	_ =	shalt  }
0x79: {  	_ =	shalt  }
0x7a: {  	_ =	shalt  }
0x7b: {  	_ =	shalt  }
0x7c: {  	_ =	shalt  }
0x7d: {  	_ =	shalt  }
0x7e: {  	_ =	shalt  }
0x7f: {  	_ =	shalt  }
0x80: {  	_ =	shalt  }
0x81: {  	_ =	shalt  }
0x82: {  	_ =	shalt  }
0x83: {  	_ =	shalt  }
0x84: {  	_ =	shalt  }
0x85: {  	_ =	shalt  }
0x86: {  	_ =	shalt  }
0x87: {  	_ =	shalt  }
.Lfunc_end0:
.L_simem_size_0:
called_computation.3_lowered:
.L_overlay_start_0:
0x88: {  	s2 =	sld [smem:$0x3FD9]  }
0x89: {  	s3 =	sld [smem:$0x3FFE];
	_ =	sdelay $0x1  }
0x8a: {  	s1 =	srdreg.scid  }
0x8b: {  	s0 =	sand.u32 $0x1, s1  }
0x8c: {  	s16 =	sshll.u32 s0, $0xA;
	s2 =	sadd.s32 s3, s2  }
0x8d: {  	s2 =	sadd.s32 s2, s16  }
0x8e: {  	[smem:$0x3FB3] =	sst s2  }
0x8f: {  	_ = 	snop  }
0x90: {  	(tm) =	ssettm $0x1  }
0x91: {  	s17 =	sld [smem:$0x3FFB];
	_ =	sdelay $0x3  }
0x92: {  	_ =	strace s17  }
0x93: {  	s2 =	sld [smem:$0x3FFC];
	_ =	sdelay $0x3  }
0x94: {  	_ =	strace s2  }
0x95: {  	s2 =	sld [smem:$0x3FFD];
	_ =	sdelay $0x3  }
0x96: {  	_ =	strace s2  }
0x97: {  	_ =	strace $0x8FFFFFFF  }
0x98: {  	s18 =	sld [smem:$0x3FDB];
	_ =	sdelay $0x1  }
0x99: {  	s19 =	simm.s32 $_scs_section_size  }
0x9a: {  	s4 =	simm.s32 $_size__tile_overlayer_lowered;
	s5 =	simm.s32 $_tile_overlayer_lowered  }
0x9b: {  	s22 =	simm.s32 $0x1BFF;
	s21 =	sshll.u32 s5, $0x1;
	s2 =	sadd.s32 s19, s18  }
0x9c: {  	s6 =	simm.s32 $0x0;
	s20 =	sshll.u32 s4, $0x1;
	s4 =	sadd.s32 s21, s2  }
0x9d: {  	[timem:s6], [sflag:s22] =	dma.local [hbm:s4], s20  }
0x9e: {  	_ =	swait.ge [sflag:s22], s20  }
0x9f: {  	s3 =	ssub.s32 $0x0, s20;
	[sflag:s22] =	ssyncset.done $0x0  }
0xa0: {  	[sflag:s22] =	ssyncadd.s32 s3;
	_ =	sdelay $0x1  }
0xa1: {  	s23 =	simm.s32 $0x1B8B  }
0xa2: {  	_ =	swait.ge [sflag:s23], $0x1  }
0xa3: {  	[sflag:s23] =	ssyncset.done $0x0  }
0xa4: {  	s25 =	simm.s32 $0x1B8E;
	s24 =	sld [smem:$0x3FFE];
	[sflag:s23] =	ssyncadd.s32 $0xFFFFFFFF  }
0xa5: {  	s26 =	simm.s32 $execute0_lowered;
	[smem:$0x3FD2] =	sst s25  }
0xa6: {  	s4 =	sshll.u32 s26, $0x1;
	_ =	strace $0x8000004F;
	[dreg:$0x1] =	wrdreg $0xFFFFFFFF  }
0xa7: {  	s28 =	simm.s32 $_size_execute0_lowered;
	s2 =	sadd.s32 s2, s4;
	[dreg:$0x0] =	wrdreg $0x0  }
0xa8: {  	s4 =	sshll.u32 s28, $0x1;
	[dreg:$0x2] =	wrdreg s2  }
0xa9: {  	[dreg:$0x3] =	wrdreg s4  }
0xaa: {  	[dreg:$0x4] =	wrdreg $0xC0  }
0xab: {  	_ =	task [dreg:s6], $0x5FFFF  }
0xac: {  	[dreg:$0x1] =	wrdreg $0xFFFFFFFF  }
0xad: {  	[dreg:$0x0] =	wrdreg $0x60  }
0xae: {  	[dreg:$0x2] =	wrdreg s24  }
0xaf: {  	[dreg:$0x3] =	wrdreg $0xBD000  }
0xb0: {  	[dreg:$0x4] =	wrdreg $0x9  }
0xb1: {  	_ =	task.clear_ibuf [dreg:s6], $0x5FFFF;
	_ =	strace $0x9000004F  }
0xb2: {  	s29 =	simm.s32 $0x9;
	_ =	strace $0x80000051  }
0xb3: {  	_ =	swait.ge [sflag:s29], $0x1  }
0xb4: {  	[sflag:s29] =	ssyncadd.s32 $0xFFFFFFFF  }
0xb5: {  	_ =	strace $0x90000051  }
0xb6: {  	_ =	sfence  }
0xb7: {  	s30 =	sld [smem:$0x0];
	_ =	sdelay $0x2  }
0xb8: {  	s31 =	sshll.u32 s1, $0xD;
	s1 =	sshrl.u32 s1, $0x2  }
0xb9: {  	s3 =	sand.u32 $0x4000, s31;
	s1 =	sadd.s32 s1, s30  }
0xba: {  	s0 =	sor.u32 s3, s0;
	s1 =	sshll.u32 s1, $0x11  }
0xbb: {  	s0 =	sor.u32 s1, s0  }
0xbc: {  	s0 =	sadd.s32 $0x8F2B, s0  }
0xbd: {  	[sflag:s0] =	ssyncadd.remote.s32 $0x1  }
0xbe: {  	_ =	sfence.sel $0xFFFF  }
0xbf: {  	[dreg:$0x0] =	wrdreg $0xFFFFFFFF;
	(pc) =	sbr.abs _section_cstart, $3  }
0xc0: {  	[dreg:$0x1] =	wrdreg $0xFFFFFFFF  }
0xc1: {  	_ =	task.clear_ibuf [dreg:s6], $0x2FFFF;
	_ =	strace $0x9FFFFFFF  }
0xc2: {  	(tm) =	ssettm $0x7FFFFFFF  }
0xc3: {  	_ =	shalt  }
tec
execute0_lowered:
.L_overlay_start_1:
0x0: {  	(tag) =	ssettag $0x1  }
0x1: {  	s0 =	rddreg [dreg:$0x0]  }
0x2: {  	s2 =	rddreg [dreg:$0x1];
	s9 =	stileid.u32  }
0x3: {  	s3 =	simm.s32 $0x0;
	s1 =	srdreg.scid;
	s16 =	simm.s32 $0x5  }
0x4: {  	s17 =	simm.s32 $0x20;
	s18 =	simm.s32 $0x3D00;
	s4 =	smul.u32 $0x78, s9  }
0x5: {  	s31 =	simm.s32 $0x7D00;
	s28 =	simm.s32 $0x0;
	s5 =	smul.u32 $0x28, s9  }
0x6: {  	[smem:$0x7FF] =	sst s3;
	s1 =	sand.u32 $0x1, s1;
	s7 =	smul.u32 $0x14000, s9  }
0x7: {  	s24 =	smul.u32 $0x50000, s9;
	s26 =	sshll.u32 s9, $0x6;
	p0 =	seq.s32 s1, $0x0  }
0x8: {  	_ =	strace $0x80000050;
	s22 =	smul.u32 $0x140000, s1;
	s1 =	ssub.s32 $0x2, s1  }
0x9: {  	[dreg:$0x5] =	wrdreg s31;
	s6 =	sadd.s32 $0x280, s4;
	s4 =	sadd.s32 $0x3F200, s0  }
0xa: {  	s8 =	sshrl.u32 s7, $0x3;
	s25 =	sshrl.u32 s1, $0x1;
	s6 =	smov.u32 @p0 s5  }
0xb: {  	s23 =	sadd.s32 s8, s0;
	s5 =	sadd.s32 s7, s22;
	s1 =	ssub.s32 s1, s25  }
0xc: {  	s7 =	sshrl.u32 s24, $0x2;
	s24 =	simm.s32 $0x80;
	s25 =	simm.s32 $0x1  }
0xd: {  	s6 =	sshll.u32 s6, $0x4;
	s5 =	sshrl.u32 s5, $0x3;
	s15 =	sadd.s32 s7, s2  }
0xe: {  	s7 =	sor.u32 $0x1C05, s26;
	s26 =	simm.s32 $0x2;
	s14 =	sadd.s32 s6, s0  }
0xf: {  	s0 =	sadd.s32 s5, s0;
	s5 =	simm.s32 $0x28;
	s6 =	sadd.s32 $0x17200, s23  }
0x10: {  	s15 =	sshrl.u32 s15, $0x3;
	s5 =	simm.s32 @!p0 $0x78;
	[dreg:$0x6] =	wrdreg s6  }
0x11: {  	s29 =	sadd.s32 $0xD200, s14;
	s9 =	sadd.s32 $0x8FA00, s14;
	s10 =	sadd.s32 $0x8FA10, s14  }
0x12: {  	s12 =	sadd.s32 $0x99A00, s0;
	[dreg:$0x7] =	wrdreg s29;
	s13 =	sadd.s32 $0xFFFFFFFE, s5  }
0x13: {  	s14 =	sadd.s32 $0x8FA30, s14;
	s30 =	sadd.s32 $0xFFFFFFFD, s5;
	[dreg:$0x3] =	wrdreg s13  }
0x14: {  	s11 =	sshrl.u32 s5, $0x1;
	s13 =	smax.u32 s1, $0x1;
	[dreg:$0x4] =	wrdreg s30  }
.LBB2_1:
0x15: {  	s0 =	rddreg [dreg:$0x6]  }
0x16: {  	[spmem:s15], [sflag:s7] =	dma.local [hbm:s0], $0x2800  }
0x17: {  	_ =	swait.ge [sflag:s16], $0x2800  }
0x18: {  	[sflag:s16] =	ssyncset.done $0x0  }
0x19: {  	s8 =	simm.s32 $0x100;
	s1 =	rddreg [dreg:$0x7];
	[sflag:s16] =	ssyncadd.s32 $0xFFFFD800  }
0x1a: {  	[tilespmem:s8], [sflag:$0x5] =	stream.linear.gather [hbm4b:s1+s3], $0x3C00, $0x38;
	[tilespmem:$0x1FD00] =	vst v63  }
0x1b: {  	_ =	swait.ge [sflag:s16], $0x3C00  }
0x1c: {  	[sflag:s16] =	ssyncset.done $0x0  }
0x1d: {  	[sflag:s16] =	ssyncadd.s32 $0xFFFFC400  }
0x1e: {  	[tilespmem:s3], [sflag:$0x5] =	stream.linear.gather [hbm4b:s9+s3], $0x80, $0x38;
	[tilespmem:$0x1FD00] =	vst v63  }
0x1f: {  	_ =	swait.ge [sflag:s16], $0x80  }
0x20: {  	[sflag:s16] =	ssyncset.done $0x0  }
0x21: {  	[sflag:s16] =	ssyncadd.s32 $0xFFFFFF80  }
0x22: {  	[bflag:$0x0] =	sbarrier.arrive $0xFFFF  }
0x23: {  	[tilespmem:s18], [sflag:$0x1] =	stream.indirect.gather [hbm4b:s4+s17], $0x80, s3, s17, $0xb8;
	[tilespmem:$0x1FD00] =	vst v63  }
0x24: {  	s19 =	simm.s32 $0x4D00  }
0x25: {  	[tilespmem:s19], [sflag:$0x1] =	stream.indirect.gather [hbm4b:s4+s17], $0x80, s17, s17, $0xb8;
	[tilespmem:$0x1FD00] =	vst v63  }
0x26: {  	s20 =	simm.s32 $0x40;
	s6 =	simm.s32 $0x5D00  }
0x27: {  	[tilespmem:s6], [sflag:$0x1] =	stream.indirect.gather [hbm4b:s4+s17], $0x80, s20, s17, $0xb8;
	[tilespmem:$0x1FD00] =	vst v63  }
0x28: {  	s21 =	simm.s32 $0x60;
	s22 =	simm.s32 $0x6D00  }
0x29: {  	[tilespmem:s22], [sflag:$0x1] =	stream.indirect.gather [hbm4b:s4+s17], $0x80, s21, s17, $0xb8;
	[tilespmem:$0x1FD00] =	vst v63  }
0x2a: {  	_ = 	snop  }
0x2b: {  	[tilespmem:s24], [sflag:$0x4] =	stream.linear.gather [hbm4b:s10+s3], $0x80, $0x38;
	[tilespmem:$0x1FD00] =	vst v63  }
0x2c: {  	_ =	swait.ge [sflag:s25], $0x1000  }
0x2d: {  	[sflag:s25] =	ssyncset.done $0x0  }
0x2e: {  	[sflag:s25] =	ssyncadd.s32 $0xFFFFF000  }
0x2f: {  	_ =	swait.ge [sflag:s25], $0x1000  }
0x30: {  	[sflag:s25] =	ssyncset.done $0x0  }
0x31: {  	[sflag:s25] =	ssyncadd.s32 $0xFFFFF000  }
0x32: {  	_ =	swait.ge [sflag:s25], $0x1000  }
0x33: {  	[sflag:s25] =	ssyncset.done $0x0  }
0x34: {  	[sflag:s25] =	ssyncadd.s32 $0xFFFFF000  }
0x35: {  	_ =	swait.ge [sflag:s25], $0x1000  }
0x36: {  	p1 =	sle.u32 s5, $0x1;
	[sflag:s25] =	ssyncset.done $0x0  }
0x37: {  	s1 =	simm.s32 @!p1 $0x4;
	[sflag:s25] =	ssyncadd.s32 $0xFFFFF000  }
0x38: {  	_ =	swait.ge @!p1 [sflag:s1], $0x80  }
0x39: {  	s19 =	simm.s32 @!p1 $0x7D00;
	[sflag:s1] =	ssyncset.done @!p1 $0x0  }
0x3a: {  	s20 =	simm.s32 @!p1 $0x80;
	[sflag:s1] =	ssyncadd.s32 @!p1 $0xFFFFFF80;
	s1 =	simm.s32 @!p1 $0x20  }
0x3b: {  	[tilespmem:s19], [sflag:$0x2] =	stream.indirect.gather @!p1 [hbm4b:s4+s1], $0x80, s20, s1, $0xb8;
	[tilespmem:$0x1FD00] =	vst v63  }
0x3c: {  	s19 =	simm.s32 @!p1 $0xA0;
	s20 =	simm.s32 @!p1 $0x8D00  }
0x3d: {  	[tilespmem:s20], [sflag:$0x2] =	stream.indirect.gather @!p1 [hbm4b:s4+s1], $0x80, s19, s1, $0xb8;
	[tilespmem:$0x1FD00] =	vst v63  }
0x3e: {  	s29 =	rddreg [dreg:$0x3];
	s19 =	simm.s32 @!p1 $0xC0;
	s20 =	simm.s32 @!p1 $0x9D00  }
0x3f: {  	[tilespmem:s20], [sflag:$0x2] =	stream.indirect.gather @!p1 [hbm4b:s4+s1], $0x80, s19, s1, $0xb8;
	[tilespmem:$0x1FD00] =	vst v63  }
0x40: {  	p0 =	sle.u32 s29, $0x0;
	s19 =	simm.s32 @!p1 $0xAD00;
	s20 =	simm.s32 @!p1 $0xE0  }
0x41: {  	[tilespmem:s19], [sflag:$0x2] =	stream.indirect.gather @!p1 [hbm4b:s4+s1], $0x80, s20, s1, $0xb8;
	[tilespmem:$0x1FD00] =	vst v63  }
0x42: {  	s1 =	sadd.s32 @!p0 $0xFFFFFFF0, s14;
	s19 =	simm.s32 @!p0 $0x0  }
0x43: {  	[tilespmem:s19], [sflag:$0x3] =	stream.linear.gather @!p0 [hbm4b:s1+s19], $0x80, $0x38;
	[tilespmem:$0x1FD00] =	vst v63  }
0x44: {  	_ = 	snop  }
0x45: {  	[spmem:s2] =	stream.indirect.scatter.add.f32 [tilespmem:s18], [sflag:$0x5], $0x80, s8, s24, $0xb8;
	[tilespmem:$0x1FD00] =	vst v63  }
0x46: {  	_ =	swait.ge [sflag:s16], $0x4000  }
0x47: {  	[sflag:s16] =	ssyncset.done $0x0  }
0x48: {  	[sflag:s16] =	ssyncadd.s32 $0xFFFFC000  }
0x49: {  	_ =	swait.ge [sflag:s26], $0x1000  }
0x4a: {  	[sflag:s26] =	ssyncset.done $0x0  }
0x4b: {  	[sflag:s26] =	ssyncadd.s32 $0xFFFFF000  }
0x4c: {  	_ =	swait.ge [sflag:s26], $0x1000  }
0x4d: {  	[sflag:s26] =	ssyncset.done $0x0  }
0x4e: {  	[sflag:s26] =	ssyncadd.s32 $0xFFFFF000  }
0x4f: {  	_ =	swait.ge [sflag:s26], $0x1000  }
0x50: {  	[sflag:s26] =	ssyncset.done $0x0  }
0x51: {  	[sflag:s26] =	ssyncadd.s32 $0xFFFFF000  }
0x52: {  	_ =	swait.ge [sflag:s26], $0x1000  }
0x53: {  	[sflag:s26] =	ssyncset.done $0x0  }
0x54: {  	s0 =	simm.s32 @!p0 $0x3;
	[sflag:s26] =	ssyncadd.s32 $0xFFFFF000  }
0x55: {  	_ =	swait.ge @!p0 [sflag:s0], $0x80  }
0x56: {  	[sflag:s0] =	ssyncset.done @!p0 $0x0  }
0x57: {  	s1 =	simm.s32 @!p0 $0x3D00;
	[sflag:s0] =	ssyncadd.s32 @!p0 $0xFFFFFF80;
	s0 =	simm.s32 @!p0 $0x20  }
0x58: {  	[tilespmem:s1], [sflag:$0x1] =	stream.indirect.gather @!p0 [hbm4b:s4+s0], $0x80, s19, s0, $0xb8;
	[tilespmem:$0x1FD00] =	vst v63  }
0x59: {  	s1 =	simm.s32 @!p0 $0x4D00  }
0x5a: {  	[tilespmem:s1], [sflag:$0x1] =	stream.indirect.gather @!p0 [hbm4b:s4+s0], $0x80, s0, s0, $0xb8;
	[tilespmem:$0x1FD00] =	vst v63  }
0x5b: {  	s20 =	simm.s32 @!p0 $0x5D00;
	s1 =	simm.s32 @!p0 $0x40  }
0x5c: {  	[tilespmem:s20], [sflag:$0x1] =	stream.indirect.gather @!p0 [hbm4b:s4+s0], $0x80, s1, s0, $0xb8;
	[tilespmem:$0x1FD00] =	vst v63  }
0x5d: {  	s29 =	sadd.s32 $0xFFFFFFFF, s11;
	s1 =	simm.s32 @!p0 $0x6D00;
	s20 =	simm.s32 @!p0 $0x60  }
0x5e: {  	[tilespmem:s1], [sflag:$0x1] =	stream.indirect.gather @!p0 [hbm4b:s4+s0], $0x80, s20, s0, $0xb8;
	[tilespmem:$0x1FD00] =	vst v63  }
0x5f: {  	p0 =	sne.s32 s29, $0x0  }
.Ltmp0:
0x60: {  	s23 =	rddreg [dreg:$0x4];
	(pc) =	sbr.rel @!p0 .LBB2_3-.Ltmp0, $4  }
0x61: {  	s31 =	simm.s32 $0x180;
	p1 =	sle.u32 s23, $0x0  }
0x62: {  	s30 =	simm.s32 $0x200;
	s0 =	simm.s32 @!p1 $0x0;
	s1 =	simm.s32 @!p1 $0x80  }
0x63: {  	[tilespmem:s1], [sflag:$0x4] =	stream.linear.gather @!p1 [hbm4b:s14+s0], $0x80, $0x38;
	[tilespmem:$0x1FD00] =	vst v63  }
0x64: {  	s20 =	rddreg [dreg:$0x5];
	s0 =	sadd.s32 $0x20, s14;
	s1 =	simm.s32 $0x0  }
.LBB2_2:
0x65: {  	[spmem:s2] =	stream.indirect.scatter.add.f32 [tilespmem:s20], [sflag:$0x5], $0x80, s31, s24, $0xb8;
	[tilespmem:$0x1FD00] =	vst v63  }
0x66: {  	_ =	swait.ge [sflag:s16], $0x4000  }
0x67: {  	[sflag:s16] =	ssyncset.done $0x0  }
0x68: {  	[sflag:s16] =	ssyncadd.s32 $0xFFFFC000  }
0x69: {  	_ =	swait.ge [sflag:s25], $0x1000  }
0x6a: {  	[sflag:s25] =	ssyncset.done $0x0  }
0x6b: {  	[sflag:s25] =	ssyncadd.s32 $0xFFFFF000  }
0x6c: {  	_ =	swait.ge [sflag:s25], $0x1000  }
0x6d: {  	[sflag:s25] =	ssyncset.done $0x0  }
0x6e: {  	[sflag:s25] =	ssyncadd.s32 $0xFFFFF000  }
0x6f: {  	_ =	swait.ge [sflag:s25], $0x1000  }
0x70: {  	[sflag:s25] =	ssyncset.done $0x0  }
0x71: {  	s1 =	sadd.s32 $0x2, s1;
	[sflag:s25] =	ssyncadd.s32 $0xFFFFF000  }
0x72: {  	s23 =	sadd.s32 $0x1, s1;
	_ =	swait.ge [sflag:s25], $0x1000  }
0x73: {  	p2 =	sge.u32 s23, s5;
	[sflag:s25] =	ssyncset.done $0x0  }
0x74: {  	s20 =	simm.s32 @!p2 $0x4;
	[sflag:s25] =	ssyncadd.s32 $0xFFFFF000  }
0x75: {  	_ =	swait.ge @!p2 [sflag:s20], $0x80  }
0x76: {  	s21 =	simm.s32 @!p2 $0x7D00;
	[sflag:s20] =	ssyncset.done @!p2 $0x0  }
0x77: {  	s22 =	simm.s32 @!p2 $0x80;
	[sflag:s20] =	ssyncadd.s32 @!p2 $0xFFFFFF80;
	s20 =	simm.s32 @!p2 $0x20  }
0x78: {  	[tilespmem:s21], [sflag:$0x2] =	stream.indirect.gather @!p2 [hbm4b:s4+s20], $0x80, s22, s20, $0xb8;
	[tilespmem:$0x1FD00] =	vst v63  }
0x79: {  	s21 =	simm.s32 @!p2 $0xA0;
	s22 =	simm.s32 @!p2 $0x8D00  }
0x7a: {  	[tilespmem:s22], [sflag:$0x2] =	stream.indirect.gather @!p2 [hbm4b:s4+s20], $0x80, s21, s20, $0xb8;
	[tilespmem:$0x1FD00] =	vst v63  }
0x7b: {  	s23 =	rddreg [dreg:$0x3];
	s21 =	simm.s32 @!p2 $0xC0;
	s22 =	simm.s32 @!p2 $0x9D00  }
0x7c: {  	[tilespmem:s22], [sflag:$0x2] =	stream.indirect.gather @!p2 [hbm4b:s4+s20], $0x80, s21, s20, $0xb8;
	[tilespmem:$0x1FD00] =	vst v63  }
0x7d: {  	p1 =	sge.u32 s1, s23;
	s21 =	simm.s32 @!p2 $0xAD00;
	s22 =	simm.s32 @!p2 $0xE0  }
0x7e: {  	[tilespmem:s21], [sflag:$0x2] =	stream.indirect.gather @!p2 [hbm4b:s4+s20], $0x80, s22, s20, $0xb8;
	[tilespmem:$0x1FD00] =	vst v63  }
0x7f: {  	s23 =	sadd.s32 @!p1 $0xFFFFFFF0, s0;
	s6 =	simm.s32 @!p1 $0x0  }
0x80: {  	[tilespmem:s6], [sflag:$0x3] =	stream.linear.gather @!p1 [hbm4b:s23+s6], $0x80, $0x38;
	[tilespmem:$0x1FD00] =	vst v63  }
0x81: {  	_ = 	snop  }
0x82: {  	[spmem:s2] =	stream.indirect.scatter.add.f32 [tilespmem:s18], [sflag:$0x5], $0x80, s30, s24, $0xb8;
	[tilespmem:$0x1FD00] =	vst v63  }
0x83: {  	_ =	swait.ge [sflag:s16], $0x4000  }
0x84: {  	[sflag:s16] =	ssyncset.done $0x0  }
0x85: {  	[sflag:s16] =	ssyncadd.s32 $0xFFFFC000  }
0x86: {  	_ =	swait.ge [sflag:s26], $0x1000  }
0x87: {  	[sflag:s26] =	ssyncset.done $0x0  }
0x88: {  	[sflag:s26] =	ssyncadd.s32 $0xFFFFF000  }
0x89: {  	_ =	swait.ge [sflag:s26], $0x1000  }
0x8a: {  	[sflag:s26] =	ssyncset.done $0x0  }
0x8b: {  	[sflag:s26] =	ssyncadd.s32 $0xFFFFF000  }
0x8c: {  	_ =	swait.ge [sflag:s26], $0x1000  }
0x8d: {  	[sflag:s26] =	ssyncset.done $0x0  }
0x8e: {  	[sflag:s26] =	ssyncadd.s32 $0xFFFFF000  }
0x8f: {  	_ =	swait.ge [sflag:s26], $0x1000  }
0x90: {  	[sflag:s26] =	ssyncset.done $0x0  }
0x91: {  	s20 =	simm.s32 @!p1 $0x3;
	[sflag:s26] =	ssyncadd.s32 $0xFFFFF000  }
0x92: {  	s29 =	sadd.s32 $0xFFFFFFFF, s29;
	_ =	swait.ge @!p1 [sflag:s20], $0x80  }
0x93: {  	s19 =	sadd.s32 $0x80, s30;
	p0 =	sne.s32 s29, $0x0;
	[sflag:s20] =	ssyncset.done @!p1 $0x0  }
0x94: {  	s21 =	simm.s32 @!p1 $0x3D00;
	[sflag:s20] =	ssyncadd.s32 @!p1 $0xFFFFFF80;
	s20 =	simm.s32 @!p1 $0x20  }
0x95: {  	[tilespmem:s21], [sflag:$0x1] =	stream.indirect.gather @!p1 [hbm4b:s4+s20], $0x80, s6, s20, $0xb8;
	[tilespmem:$0x1FD00] =	vst v63  }
0x96: {  	s31 =	smov.u32 s19;
	s19 =	smov.u32 s0;
	s6 =	simm.s32 @!p1 $0x4D00  }
0x97: {  	[tilespmem:s6], [sflag:$0x1] =	stream.indirect.gather @!p1 [hbm4b:s4+s20], $0x80, s20, s20, $0xb8;
	[tilespmem:$0x1FD00] =	vst v63  }
0x98: {  	s8 =	simm.s32 @!p1 $0x60;
	s23 =	simm.s32 @!p1 $0x5D00;
	s6 =	simm.s32 @!p1 $0x40  }
0x99: {  	[tilespmem:s23], [sflag:$0x1] =	stream.indirect.gather @!p1 [hbm4b:s4+s20], $0x80, s6, s20, $0xb8;
	[tilespmem:$0x1FD00] =	vst v63  }
.Ltmp1:
0x9a: {  	s0 =	sadd.s32 $0x20, s0;
	s22 =	rddreg [dreg:$0x4];
	(pc) =	sbr.rel @p0 .LBB2_2-.Ltmp1, $4  }
0x9b: {  	s30 =	sadd.s32 $0x100, s30;
	p2 =	sge.u32 s1, s22;
	s21 =	simm.s32 @!p1 $0x6D00  }
0x9c: {  	[tilespmem:s21], [sflag:$0x1] =	stream.indirect.gather @!p1 [hbm4b:s4+s20], $0x80, s8, s20, $0xb8;
	[tilespmem:$0x1FD00] =	vst v63  }
0x9d: {  	s6 =	simm.s32 @!p2 $0x0;
	s8 =	simm.s32 @!p2 $0x80;
	s20 =	rddreg [dreg:$0x5]  }
0x9e: {  	[tilespmem:s8], [sflag:$0x4] =	stream.linear.gather @!p2 [hbm4b:s19+s6], $0x80, $0x38;
	[tilespmem:$0x1FD00] =	vst v63  }
.LBB2_3:
0x9f: {  	[spmem:s2] =	stream.indirect.scatter.add.f32 [tilespmem:s20], [sflag:$0x5], $0x80, s31, s24, $0xb8;
	[tilespmem:$0x1FD00] =	vst v63  }
0xa0: {  	_ =	swait.ge [sflag:s16], $0x4000  }
0xa1: {  	s28 =	sadd.s32 $0x1, s28;
	[sflag:s16] =	ssyncset.done $0x0  }
0xa2: {  	p0 =	sne.s32 s28, s13;
	[sflag:s16] =	ssyncadd.s32 $0xFFFFC000  }
.Ltmp2:
0xa3: {  	[bflag:$0x0] =	sbarrier.arrive $0xFFFF;
	(pc) =	sbr.rel @p0 .LBB2_1-.Ltmp2, $4  }
0xa4: {  	[hbm:s12], [sflag:s7] =	dma.local [spmem:s15], $0x2800  }
0xa5: {  	_ =	swait.ge [sflag:s16], $0x2800  }
0xa6: {  	[sflag:s16] =	ssyncset.done $0x0  }
0xa7: {  	[sflag:s16] =	ssyncadd.s32 $0xFFFFD800  }
0xa8: {  	_ =	sfence.sel $0x180000  }
0xa9: {  	[bflag:$0x0] =	sbarrier.arrive $0xFFFF  }
0xaa: {  	_ =	strace $0x90000050  }
0xab: {  	s0 =	stileid.u32;
	[bflag:$0x2] =	sbarrier.arrive $0xFFFF  }
0xac: {  	p0 =	sne.s32 s0, $0x0;
	s0 =	rddreg [dreg:$0x2]  }
0xad: {  	s0 =	sadd.s32 @!p0 $0x100000, s0  }
0xae: {  	[sflag:s0] =	ssyncadd.tile.s32 @!p0 $0x1;
	_ =	shalt  }
.Lfunc_end2:
_tile_overlayer_lowered:
.L_overlay_start_2:
0xaf: {  	(tag) =	ssettag $0x2  }
0xb0: {  	s0 =	rddreg [dreg:$0x0];
	s2 =	stileid.u32  }
0xb1: {  	s1 =	rddreg [dreg:$0x1];
	p0 =	sne.s32 s2, $0x0  }
0xb2: {  	s3 =	rddreg [dreg:$0x2];
	[bflag:$0x3] =	sbarrier.arrive $0xFFFF;
	s2 =	simm.s32 @!p0 $0x1C05  }
0xb3: {  	[timem:s3], [sflag:s2] =	dma.local @!p0 [hbm:s0], s1  }
0xb4: {  	s0 =	simm.s32 @!p0 $0x5  }
0xb5: {  	_ =	swait.ge @!p0 [sflag:s0], s1  }
0xb6: {  	s1 =	ssub.s32 @!p0 $0x0, s1;
	[sflag:s0] =	ssyncset.done @!p0 $0x0  }
0xb7: {  	[sflag:s0] =	ssyncadd.s32 @!p0 s1  }
0xb8: {  	[bflag:$0x3] =	sbarrier.arrive $0xFFFF  }
0xb9: {  	_ =	shalt  }

</sc_bundles>
